<compile_context>
chip_gen: v7x
topology: tpu7x:2x2x1
jax: 0.10.2.dev20260603
libtpu: 0.0.44.dev20260713+nightly
codegen_flags: <defaults>
</compile_context>

<pallas_src>
import functools

import jax
import jax.numpy as jnp
from jax import lax
from jax.experimental import pallas as pl
from jax.experimental.pallas import tpu as pltpu
from jax.experimental.pallas import tpu_sc as plsc

N = 10000
E = 320000
D_IN = 128
D_HID = 512

NC, NS = 2, 16
NW = NC * NS
CH = 128
EPT = E // NW
CPT = EPT // CH
TL = EPT - CPT * CH
N_ACC = 10240
N_OFF = 10400
RPT = N_ACC // NS
ZC = RPT // CH

_sc_mesh = plsc.VectorSubcoreMesh(core_axis_name="c", subcore_axis_name="s")


def _agg_body(u_hbm, ei_hbm, zeros_hbm, out_hbm,
              idx_v, tidx_v, bufa, bufb, acc_sh,
              sem_ia, sem_ib, sem_ga, sem_gb, sem_sa, sem_sb):
    c = lax.axis_index("c")
    s = lax.axis_index("s")
    tid = c * NS + s
    base = tid * EPT

    bufs = (bufa, bufb)
    isems = (sem_ia, sem_ib)
    gsems = (sem_ga, sem_gb)
    ssems = (sem_sa, sem_sb)

    def idx_start(k, b):
        pltpu.async_copy(ei_hbm.at[pl.ds(base + k * CH, CH)],
                         idx_v.at[b, 0], isems[b])
        pltpu.async_copy(ei_hbm.at[pl.ds(E + base + k * CH, CH)],
                         idx_v.at[b, 1], isems[b])

    def idx_wait(b):
        pltpu.make_async_copy(ei_hbm.at[pl.ds(0, CH)], idx_v.at[b, 0],
                              isems[b]).wait()
        pltpu.make_async_copy(ei_hbm.at[pl.ds(0, CH)], idx_v.at[b, 1],
                              isems[b]).wait()

    def gather_start(b):
        pltpu.async_copy(u_hbm.at[idx_v.at[b, 0]], bufs[b], gsems[b])

    def gather_wait(b):
        pltpu.make_async_copy(u_hbm.at[idx_v.at[b, 0]], bufs[b],
                              gsems[b]).wait()

    def scatter_start(b):
        pltpu.async_copy(bufs[b], acc_sh.at[idx_v.at[b, 1]], ssems[b],
                         add=True)

    def scatter_wait(b):
        pltpu.make_async_copy(bufs[b], acc_sh.at[idx_v.at[b, 1]],
                              ssems[b]).wait()

    idx_start(0, 0)
    idx_start(1, 1)
    idx_wait(0)
    gather_start(0)
    for k in range(ZC):
        pltpu.sync_copy(zeros_hbm, acc_sh.at[pl.ds((s * ZC + k) * CH, CH)])
    plsc.subcore_barrier()

    def half(k, b):
        gather_wait(b)
        idx_wait(1 - b)
        gather_start(1 - b)
        scatter_start(b)
        scatter_wait(b)
        idx_start(k + 2, b)

    def loop_body(i, carry):
        for b in range(2):
            half(i * 2 + b, b)
        return carry

    lax.fori_loop(0, (CPT - 2) // 2, loop_body, 0)

    pltpu.async_copy(ei_hbm.at[pl.ds(base + CPT * CH, TL)],
                     tidx_v.at[0], sem_ia)
    pltpu.async_copy(ei_hbm.at[pl.ds(E + base + CPT * CH, TL)],
                     tidx_v.at[1], sem_ia)
    gather_wait(0)
    idx_wait(1)
    gather_start(1)
    scatter_start(0)
    scatter_wait(0)
    gather_wait(1)
    scatter_start(1)
    scatter_wait(1)
    pltpu.make_async_copy(ei_hbm.at[pl.ds(0, TL)], tidx_v.at[0],
                          sem_ia).wait()
    pltpu.make_async_copy(ei_hbm.at[pl.ds(0, TL)], tidx_v.at[1],
                          sem_ia).wait()
    tbuf = bufa.at[pl.ds(0, TL)]
    pltpu.async_copy(u_hbm.at[tidx_v.at[0]], tbuf, sem_ga)
    pltpu.make_async_copy(u_hbm.at[tidx_v.at[0]], tbuf, sem_ga).wait()
    pltpu.async_copy(tbuf, acc_sh.at[tidx_v.at[1]], sem_sa, add=True)
    pltpu.make_async_copy(tbuf, acc_sh.at[tidx_v.at[1]], sem_sa).wait()

    plsc.subcore_barrier()

    for k in range(ZC):
        row = (s * ZC + k) * CH
        pltpu.sync_copy(acc_sh.at[pl.ds(row, CH)],
                        out_hbm.at[pl.ds(c * N_OFF + row, CH)])


_sc_agg = functools.partial(
    pl.kernel,
    out_type=jax.ShapeDtypeStruct((N_OFF + N_ACC, D_IN), jnp.float32),
    mesh=_sc_mesh,
    scratch_types=[
        pltpu.VMEM((2, 2, CH), jnp.int32),
        pltpu.VMEM((2, TL), jnp.int32),
        pltpu.VMEM((CH, D_IN), jnp.float32),
        pltpu.VMEM((CH, D_IN), jnp.float32),
        pltpu.VMEM_SHARED((N_ACC, D_IN), jnp.float32),
        pltpu.SemaphoreType.DMA,
        pltpu.SemaphoreType.DMA,
        pltpu.SemaphoreType.DMA,
        pltpu.SemaphoreType.DMA,
        pltpu.SemaphoreType.DMA,
        pltpu.SemaphoreType.DMA,
    ],
)(_agg_body)


MB = 400
GRID = N // MB
POFF = N_OFF // MB


def _pre_body(d0_ref, d1_ref, x_ref, u_ref, dv_ref):
    deg = d0_ref[:, :1] + d1_ref[:, :1] + 1.0
    dinv = lax.rsqrt(deg)
    u_ref[...] = x_ref[...] * dinv
    dv_ref[...] = jnp.broadcast_to(dinv, dv_ref.shape)


def _mm_pair_body(dv_ref, p0_ref, p1_ref, u_ref, wa_ref, ba_ref, wb_ref,
                  o_ref):
    dinv = dv_ref[...]
    a = (p0_ref[...] + p1_ref[...] + u_ref[...]) * dinv
    h = jnp.maximum(jnp.dot(a, wa_ref[...]) + ba_ref[...], 0.0)
    o_ref[...] = jnp.dot(h, wb_ref[...]) * dinv


def _z_body(dv_ref, p0_ref, p1_ref, u_ref, b_ref, z_ref, u3_ref):
    dinv = dv_ref[...]
    z = (p0_ref[...] + p1_ref[...] + u_ref[...]) * dinv + b_ref[...]
    z_ref[...] = z
    u3_ref[...] = z * dinv


def _final_body(dv_ref, p0_ref, p1_ref, u_ref, b_ref, o_ref):
    o_ref[...] = ((p0_ref[...] + p1_ref[...] + u_ref[...]) * dv_ref[...]
                  + b_ref[...])


def _row_spec(w):
    return pl.BlockSpec((MB, w), lambda i: (i, 0))


def _off_spec(w):
    return pl.BlockSpec((MB, w), lambda i: (POFF + i, 0))


def _full_spec(r, c):
    return pl.BlockSpec((r, c), lambda i: (0, 0))


def _tc_pre(dparts, x):
    return pl.pallas_call(
        _pre_body,
        grid=(GRID,),
        in_specs=[_row_spec(D_IN), _off_spec(D_IN), _row_spec(D_IN)],
        out_specs=[_row_spec(D_IN), _row_spec(D_IN)],
        out_shape=[jax.ShapeDtypeStruct((N, D_IN), jnp.float32),
                   jax.ShapeDtypeStruct((N, D_IN), jnp.float32)],
    )(dparts, dparts, x)


def _tc_mm_pair(dv, parts, u, wa, ba, wb):
    return pl.pallas_call(
        _mm_pair_body,
        grid=(GRID,),
        in_specs=[_row_spec(D_IN), _row_spec(D_IN), _off_spec(D_IN),
                  _row_spec(D_IN),
                  _full_spec(D_IN, D_HID), _full_spec(1, D_HID),
                  _full_spec(D_HID, D_IN)],
        out_specs=_row_spec(D_IN),
        out_shape=jax.ShapeDtypeStruct((N, D_IN), jnp.float32),
    )(dv, parts, parts, u, wa, ba, wb)


def _tc_z(dv, parts, u, b):
    return pl.pallas_call(
        _z_body,
        grid=(GRID,),
        in_specs=[_row_spec(D_IN), _row_spec(D_IN), _off_spec(D_IN),
                  _row_spec(D_IN), _full_spec(1, D_IN)],
        out_specs=[_row_spec(D_IN), _row_spec(D_IN)],
        out_shape=[jax.ShapeDtypeStruct((N, D_IN), jnp.float32),
                   jax.ShapeDtypeStruct((N, D_IN), jnp.float32)],
    )(dv, parts, parts, u, b)


def _tc_final(dv, parts, u, b):
    return pl.pallas_call(
        _final_body,
        grid=(GRID,),
        in_specs=[_row_spec(D_IN), _row_spec(D_IN), _off_spec(D_IN),
                  _row_spec(D_IN), _full_spec(1, D_IN)],
        out_specs=_row_spec(D_IN),
        out_shape=jax.ShapeDtypeStruct((N, D_IN), jnp.float32),
    )(dv, parts, parts, u, b)


@jax.jit
def kernel(x, edge_index, W1, b1, W2, b2, W3, b3, W4, b4):
    ei = edge_index.reshape(2 * E)
    zeros128 = jnp.zeros((CH, D_IN), jnp.float32)
    b1r = b1.reshape(1, D_HID)
    b2r = b2.reshape(1, D_IN)
    b3r = b3.reshape(1, D_HID)
    b4r = b4.reshape(1, D_IN)

    ones_pad = jnp.ones((N, D_IN), jnp.float32)
    dparts = _sc_agg(ones_pad, ei, zeros128)

    u1, dv = _tc_pre(dparts, x)
    parts = _sc_agg(u1, ei, zeros128)
    u2 = _tc_mm_pair(dv, parts, u1, W1, b1r, W2)

    parts = _sc_agg(u2, ei, zeros128)
    z, u3 = _tc_z(dv, parts, u2, b2r)

    parts = _sc_agg(u3, ei, zeros128)
    u4 = _tc_mm_pair(dv, parts, u3, W3, b3r, W4)

    parts = _sc_agg(u4, ei, zeros128)
    x_recon = _tc_final(dv, parts, u4, b4r)

    return (x_recon, z)

# --- scband reference (transcript-rebuilt; emitter-appended) ---
"""Pipeline reference for scband-ablation-gnnautoencoder-52158082842630 (READ-ONLY COPY).

The authoritative reference and input builder live on the scoring server;
editing this copy changes nothing except your own understanding.
"""

import jax, jax.numpy as jnp
import numpy as np

N_NODES = 10000
N_EDGES = 320000
D_IN = 128
D_HID = 512
D_LAT = 128


def _gcn_norm(edge_index, num_nodes):
    # PyG GCNConv default: add self loops, then symmetric normalization
    src = edge_index[0]
    dst = edge_index[1]
    loop = jnp.arange(num_nodes, dtype=src.dtype)
    src = jnp.concatenate([src, loop])
    dst = jnp.concatenate([dst, loop])
    ones = jnp.ones(src.shape[0], dtype=jnp.float32)
    deg = jax.ops.segment_sum(ones, dst, num_segments=num_nodes)
    deg_inv_sqrt = jnp.where(deg > 0, jax.lax.rsqrt(deg), 0.0)
    norm = deg_inv_sqrt[src] * deg_inv_sqrt[dst]
    return src, dst, norm


def _gcn_conv(x, src, dst, norm, W, b, num_nodes):
    h = x @ W
    msg = jnp.take(h, src, axis=0) * norm[:, None]
    out = jax.ops.segment_sum(msg, dst, num_segments=num_nodes)
    return out + b


def setup_inputs(seed: int = 0):
    key = jax.random.key(seed)
    ks = jax.random.split(key, 12)
    x = jax.random.normal(ks[0], (N_NODES, D_IN), dtype=jnp.float32)
    edge_index = jax.random.randint(ks[1], (2, N_EDGES), 0, N_NODES, dtype=jnp.int32)
    def glorot(k, fan_in, fan_out):
        limit = float(np.sqrt(6.0 / (fan_in + fan_out)))
        return jax.random.uniform(k, (fan_in, fan_out), dtype=jnp.float32, minval=-limit, maxval=limit)
    return {
        "x": x,
        "edge_index": edge_index,
        "W1": glorot(ks[2], D_IN, D_HID),  "b1": jnp.zeros((D_HID,), jnp.float32),
        "W2": glorot(ks[3], D_HID, D_LAT), "b2": jnp.zeros((D_LAT,), jnp.float32),
        "W3": glorot(ks[4], D_LAT, D_HID), "b3": jnp.zeros((D_HID,), jnp.float32),
        "W4": glorot(ks[5], D_HID, D_IN),  "b4": jnp.zeros((D_IN,), jnp.float32),
    }


def reference(x, edge_index, W1, b1, W2, b2, W3, b3, W4, b4):
    num_nodes = x.shape[0]
    src, dst, norm = _gcn_norm(edge_index, num_nodes)
    # encode (dropout is identity in eval mode)
    h = _gcn_conv(x, src, dst, norm, W1, b1, num_nodes)
    h = jax.nn.relu(h)
    z = _gcn_conv(h, src, dst, norm, W2, b2, num_nodes)
    # decode
    d = _gcn_conv(z, src, dst, norm, W3, b3, num_nodes)
    d = jax.nn.relu(d)
    x_recon = _gcn_conv(d, src, dst, norm, W4, b4, num_nodes)
    return (x_recon, z)

if __name__ == "__main__":
    import jax
    _d = setup_inputs()
    print(jax.jit(kernel)(*tuple(_d.values())))

</pallas_src>

<mosaic_0001>
#map = affine_map<(d0, d1) -> (0, 0)>
#map1 = affine_map<(d0, d1) -> (0)>
module attributes {stable_mosaic.version = 14 : i64} {
  func.func @_agg_body(%arg0: i32, %arg1: i32, %arg2: memref<10000x128xf32, #tpu.memory_space<hbm>>, %arg3: memref<640000xi32, #tpu.memory_space<hbm>>, %arg4: memref<128x128xf32, #tpu.memory_space<hbm>>, %arg5: memref<20640x128xf32, #tpu.memory_space<hbm>>, %arg6: memref<2x2x128xi32, #tpu.memory_space<vmem>>, %arg7: memref<2x16xi32, #tpu.memory_space<vmem>>, %arg8: memref<128x128xf32, #tpu.memory_space<vmem>>, %arg9: memref<128x128xf32, #tpu.memory_space<vmem>>, %arg10: memref<10240x128xf32, #tpu.memory_space<vmem_shared>>, %arg11: memref<!tpu.dma_semaphore, #tpu.memory_space<semaphore_mem>>, %arg12: memref<!tpu.dma_semaphore, #tpu.memory_space<semaphore_mem>>, %arg13: memref<!tpu.dma_semaphore, #tpu.memory_space<semaphore_mem>>, %arg14: memref<!tpu.dma_semaphore, #tpu.memory_space<semaphore_mem>>, %arg15: memref<!tpu.dma_semaphore, #tpu.memory_space<semaphore_mem>>, %arg16: memref<!tpu.dma_semaphore, #tpu.memory_space<semaphore_mem>>) attributes {dimension_semantics = [#tpu.dimension_semantics<core_parallel>, #tpu.dimension_semantics<subcore_parallel>], iteration_bounds = array<i64: 2, 16>, scalar_prefetch = 0 : i64, scratch_operands = 11 : i64, tpu.core_type = #tpu.core_type<sc_vector_subcore>, window_params = [{transform_indices = #map}, {transform_indices = #map1}, {transform_indices = #map}, {transform_indices = #map}]} {
    %mul3A = arith.constant 16 : i32
    %mul3A_0 = arith.muli %arg0, %mul3A : i32
    %add3A = arith.addi %mul3A_0, %arg1 : i32
    %mul3A_1 = arith.constant 10000 : i32
    %mul3A_2 = arith.muli %add3A, %mul3A_1 : i32
    %add3A_3 = arith.constant 0 : i32
    %add3A_4 = arith.addi %mul3A_2, %add3A_3 : i32
    %dma_start3A = arith.constant 0 : i32
    %dma_start3A_5 = arith.constant 0 : i32
    %dma_start3A_6 = arith.constant 0 : i32
    %dma_start3A_7 = tpu.memref_slice %arg6[%dma_start3A, %dma_start3A_5, %dma_start3A_6] : memref<2x2x128xi32, #tpu.memory_space<vmem>> -> memref<1x1x128xi32, #tpu.memory_space<vmem>>
    %dma_start3A_8 = tpu.memref_squeeze %dma_start3A_7 : memref<1x1x128xi32, #tpu.memory_space<vmem>> -> memref<128xi32, #tpu.memory_space<vmem>>
    %dma_start3A_9 = tpu.memref_slice %arg3[%add3A_4] : memref<640000xi32, #tpu.memory_space<hbm>> -> memref<128xi32, #tpu.memory_space<hbm>>
    %dma_start3A_10 = arith.constant 0 : i32
    %dma_start3A_11 = tpu.memref_slice %arg6[%dma_start3A, %dma_start3A_5, %dma_start3A_10] : memref<2x2x128xi32, #tpu.memory_space<vmem>> -> memref<1x1x128xi32, #tpu.memory_space<vmem>>
    %dma_start3A_12 = tpu.memref_squeeze %dma_start3A_11 : memref<1x1x128xi32, #tpu.memory_space<vmem>> -> memref<128xi32, #tpu.memory_space<vmem>>
    %dma_start3A_13 = tpu.memref_slice %arg3[%add3A_4] : memref<640000xi32, #tpu.memory_space<hbm>> -> memref<128xi32, #tpu.memory_space<hbm>>
    tpu.enqueue_dma source(%dma_start3A_13 : memref<128xi32, #tpu.memory_space<hbm>>) target(%dma_start3A_12 : memref<128xi32, #tpu.memory_space<vmem>>) target_semaphore(%arg11 : memref<!tpu.dma_semaphore, #tpu.memory_space<semaphore_mem>>)
    %add3A_14 = arith.constant 320000 : i32
    %add3A_15 = arith.addi %add3A_14, %mul3A_2 : i32
    %add3A_16 = arith.constant 0 : i32
    %add3A_17 = arith.addi %add3A_15, %add3A_16 : i32
    %dma_start3A_18 = arith.constant 0 : i32
    %dma_start3A_19 = arith.constant 1 : i32
    %dma_start3A_20 = arith.constant 0 : i32
    %dma_start3A_21 = tpu.memref_slice %arg6[%dma_start3A_18, %dma_start3A_19, %dma_start3A_20] : memref<2x2x128xi32, #tpu.memory_space<vmem>> -> memref<1x1x128xi32, #tpu.memory_space<vmem>>
    %dma_start3A_22 = tpu.memref_squeeze %dma_start3A_21 : memref<1x1x128xi32, #tpu.memory_space<vmem>> -> memref<128xi32, #tpu.memory_space<vmem>>
    %dma_start3A_23 = tpu.memref_slice %arg3[%add3A_17] : memref<640000xi32, #tpu.memory_space<hbm>> -> memref<128xi32, #tpu.memory_space<hbm>>
    %dma_start3A_24 = arith.constant 0 : i32
    %dma_start3A_25 = tpu.memref_slice %arg6[%dma_start3A_18, %dma_start3A_19, %dma_start3A_24] : memref<2x2x128xi32, #tpu.memory_space<vmem>> -> memref<1x1x128xi32, #tpu.memory_space<vmem>>
    %dma_start3A_26 = tpu.memref_squeeze %dma_start3A_25 : memref<1x1x128xi32, #tpu.memory_space<vmem>> -> memref<128xi32, #tpu.memory_space<vmem>>
    %dma_start3A_27 = tpu.memref_slice %arg3[%add3A_17] : memref<640000xi32, #tpu.memory_space<hbm>> -> memref<128xi32, #tpu.memory_space<hbm>>
    tpu.enqueue_dma source(%dma_start3A_27 : memref<128xi32, #tpu.memory_space<hbm>>) target(%dma_start3A_26 : memref<128xi32, #tpu.memory_space<vmem>>) target_semaphore(%arg11 : memref<!tpu.dma_semaphore, #tpu.memory_space<semaphore_mem>>)
    %add3A_28 = arith.constant 128 : i32
    %add3A_29 = arith.addi %mul3A_2, %add3A_28 : i32
    %dma_start3A_30 = arith.constant 1 : i32
    %dma_start3A_31 = arith.constant 0 : i32
    %dma_start3A_32 = arith.constant 0 : i32
    %dma_start3A_33 = tpu.memref_slice %arg6[%dma_start3A_30, %dma_start3A_31, %dma_start3A_32] : memref<2x2x128xi32, #tpu.memory_space<vmem>> -> memref<1x1x128xi32, #tpu.memory_space<vmem>>
    %dma_start3A_34 = tpu.memref_squeeze %dma_start3A_33 : memref<1x1x128xi32, #tpu.memory_space<vmem>> -> memref<128xi32, #tpu.memory_space<vmem>>
    %dma_start3A_35 = tpu.memref_slice %arg3[%add3A_29] : memref<640000xi32, #tpu.memory_space<hbm>> -> memref<128xi32, #tpu.memory_space<hbm>>
    %dma_start3A_36 = arith.constant 0 : i32
    %dma_start3A_37 = tpu.memref_slice %arg6[%dma_start3A_30, %dma_start3A_31, %dma_start3A_36] : memref<2x2x128xi32, #tpu.memory_space<vmem>> -> memref<1x1x128xi32, #tpu.memory_space<vmem>>
    %dma_start3A_38 = tpu.memref_squeeze %dma_start3A_37 : memref<1x1x128xi32, #tpu.memory_space<vmem>> -> memref<128xi32, #tpu.memory_space<vmem>>
    %dma_start3A_39 = tpu.memref_slice %arg3[%add3A_29] : memref<640000xi32, #tpu.memory_space<hbm>> -> memref<128xi32, #tpu.memory_space<hbm>>
    tpu.enqueue_dma source(%dma_start3A_39 : memref<128xi32, #tpu.memory_space<hbm>>) target(%dma_start3A_38 : memref<128xi32, #tpu.memory_space<vmem>>) target_semaphore(%arg12 : memref<!tpu.dma_semaphore, #tpu.memory_space<semaphore_mem>>)
    %add3A_40 = arith.constant 320000 : i32
    %add3A_41 = arith.addi %add3A_40, %mul3A_2 : i32
    %add3A_42 = arith.constant 128 : i32
    %add3A_43 = arith.addi %add3A_41, %add3A_42 : i32
    %dma_start3A_44 = arith.constant 1 : i32
    %dma_start3A_45 = arith.constant 1 : i32
    %dma_start3A_46 = arith.constant 0 : i32
    %dma_start3A_47 = tpu.memref_slice %arg6[%dma_start3A_44, %dma_start3A_45, %dma_start3A_46] : memref<2x2x128xi32, #tpu.memory_space<vmem>> -> memref<1x1x128xi32, #tpu.memory_space<vmem>>
    %dma_start3A_48 = tpu.memref_squeeze %dma_start3A_47 : memref<1x1x128xi32, #tpu.memory_space<vmem>> -> memref<128xi32, #tpu.memory_space<vmem>>
    %dma_start3A_49 = tpu.memref_slice %arg3[%add3A_43] : memref<640000xi32, #tpu.memory_space<hbm>> -> memref<128xi32, #tpu.memory_space<hbm>>
    %dma_start3A_50 = arith.constant 0 : i32
    %dma_start3A_51 = tpu.memref_slice %arg6[%dma_start3A_44, %dma_start3A_45, %dma_start3A_50] : memref<2x2x128xi32, #tpu.memory_space<vmem>> -> memref<1x1x128xi32, #tpu.memory_space<vmem>>
    %dma_start3A_52 = tpu.memref_squeeze %dma_start3A_51 : memref<1x1x128xi32, #tpu.memory_space<vmem>> -> memref<128xi32, #tpu.memory_space<vmem>>
    %dma_start3A_53 = tpu.memref_slice %arg3[%add3A_43] : memref<640000xi32, #tpu.memory_space<hbm>> -> memref<128xi32, #tpu.memory_space<hbm>>
    tpu.enqueue_dma source(%dma_start3A_53 : memref<128xi32, #tpu.memory_space<hbm>>) target(%dma_start3A_52 : memref<128xi32, #tpu.memory_space<vmem>>) target_semaphore(%arg12 : memref<!tpu.dma_semaphore, #tpu.memory_space<semaphore_mem>>)
    %dma_wait3A = arith.constant 0 : i32
    %dma_wait3A_54 = arith.constant 0 : i32
    %dma_wait3A_55 = arith.constant 0 : i32
    %dma_wait3A_56 = tpu.memref_slice %arg6[%dma_wait3A, %dma_wait3A_54, %dma_wait3A_55] : memref<2x2x128xi32, #tpu.memory_space<vmem>> -> memref<1x1x128xi32, #tpu.memory_space<vmem>>
    %dma_wait3A_57 = tpu.memref_squeeze %dma_wait3A_56 : memref<1x1x128xi32, #tpu.memory_space<vmem>> -> memref<128xi32, #tpu.memory_space<vmem>>
    %dma_wait3A_58 = arith.constant 0 : i32
    %dma_wait3A_59 = tpu.memref_slice %arg3[%dma_wait3A_58] : memref<640000xi32, #tpu.memory_space<hbm>> -> memref<128xi32, #tpu.memory_space<hbm>>
    %dma_wait3A_60 = arith.constant 0 : i32
    %dma_wait3A_61 = tpu.memref_slice %arg6[%dma_wait3A, %dma_wait3A_54, %dma_wait3A_60] : memref<2x2x128xi32, #tpu.memory_space<vmem>> -> memref<1x1x128xi32, #tpu.memory_space<vmem>>
    %dma_wait3A_62 = tpu.memref_squeeze %dma_wait3A_61 : memref<1x1x128xi32, #tpu.memory_space<vmem>> -> memref<128xi32, #tpu.memory_space<vmem>>
    %dma_wait3A_63 = arith.constant 0 : i32
    %dma_wait3A_64 = tpu.memref_slice %arg3[%dma_wait3A_63] : memref<640000xi32, #tpu.memory_space<hbm>> -> memref<128xi32, #tpu.memory_space<hbm>>
    tpu.wait_dma2 semaphore(%arg11 : memref<!tpu.dma_semaphore, #tpu.memory_space<semaphore_mem>>) src(%dma_wait3A_64 : memref<128xi32, #tpu.memory_space<hbm>>) dst(%dma_wait3A_62 : memref<128xi32, #tpu.memory_space<vmem>>)
    %dma_wait3A_65 = arith.constant 0 : i32
    %dma_wait3A_66 = arith.constant 1 : i32
    %dma_wait3A_67 = arith.constant 0 : i32
    %dma_wait3A_68 = tpu.memref_slice %arg6[%dma_wait3A_65, %dma_wait3A_66, %dma_wait3A_67] : memref<2x2x128xi32, #tpu.memory_space<vmem>> -> memref<1x1x128xi32, #tpu.memory_space<vmem>>
    %dma_wait3A_69 = tpu.memref_squeeze %dma_wait3A_68 : memref<1x1x128xi32, #tpu.memory_space<vmem>> -> memref<128xi32, #tpu.memory_space<vmem>>
    %dma_wait3A_70 = arith.constant 0 : i32
    %dma_wait3A_71 = tpu.memref_slice %arg3[%dma_wait3A_70] : memref<640000xi32, #tpu.memory_space<hbm>> -> memref<128xi32, #tpu.memory_space<hbm>>
    %dma_wait3A_72 = arith.constant 0 : i32
    %dma_wait3A_73 = tpu.memref_slice %arg6[%dma_wait3A_65, %dma_wait3A_66, %dma_wait3A_72] : memref<2x2x128xi32, #tpu.memory_space<vmem>> -> memref<1x1x128xi32, #tpu.memory_space<vmem>>
    %dma_wait3A_74 = tpu.memref_squeeze %dma_wait3A_73 : memref<1x1x128xi32, #tpu.memory_space<vmem>> -> memref<128xi32, #tpu.memory_space<vmem>>
    %dma_wait3A_75 = arith.constant 0 : i32
    %dma_wait3A_76 = tpu.memref_slice %arg3[%dma_wait3A_75] : memref<640000xi32, #tpu.memory_space<hbm>> -> memref<128xi32, #tpu.memory_space<hbm>>
    tpu.wait_dma2 semaphore(%arg11 : memref<!tpu.dma_semaphore, #tpu.memory_space<semaphore_mem>>) src(%dma_wait3A_76 : memref<128xi32, #tpu.memory_space<hbm>>) dst(%dma_wait3A_74 : memref<128xi32, #tpu.memory_space<vmem>>)
    %dma_start3A_77 = arith.constant 0 : i32
    %dma_start3A_78 = arith.constant 0 : i32
    %dma_start3A_79 = arith.constant 0 : i32
    %dma_start3A_80 = tpu.memref_slice %arg6[%dma_start3A_77, %dma_start3A_78, %dma_start3A_79] : memref<2x2x128xi32, #tpu.memory_space<vmem>> -> memref<1x1x128xi32, #tpu.memory_space<vmem>>
    %dma_start3A_81 = tpu.memref_squeeze %dma_start3A_80 : memref<1x1x128xi32, #tpu.memory_space<vmem>> -> memref<128xi32, #tpu.memory_space<vmem>>
    %dma_start3A_82 = arith.constant 0 : i32
    %dma_start3A_83 = arith.constant 0 : i32
    %dma_start3A_84 = tpu.memref_slice %arg2[%dma_start3A_82, %dma_start3A_83] : memref<10000x128xf32, #tpu.memory_space<hbm>> -> memref<10000x128xf32, #tpu.memory_space<hbm>>
    tpu.enqueue_indirect_dma source(%dma_start3A_84 : memref<10000x128xf32, #tpu.memory_space<hbm>>) target(%arg8 : memref<128x128xf32, #tpu.memory_space<vmem>>) offsets(%dma_start3A_81 : memref<128xi32, #tpu.memory_space<vmem>>) semaphore(%arg13 : memref<!tpu.dma_semaphore, #tpu.memory_space<semaphore_mem>>)
    %mul3A_85 = arith.constant 5 : i32
    %mul3A_86 = arith.muli %arg1, %mul3A_85 : i32
    %add3A_87 = arith.constant 0 : i32
    %add3A_88 = arith.addi %mul3A_86, %add3A_87 : i32
    %mul3A_89 = arith.constant 128 : i32
    %mul3A_90 = arith.muli %add3A_88, %mul3A_89 : i32
    "tpu.region"() ({
      %run_scoped3A = tpu.sem_alloc : memref<!tpu.dma_semaphore, #tpu.memory_space<semaphore_mem>>
      %dma_start3A_332 = arith.constant 0 : i32
      %dma_start3A_333 = tpu.memref_slice %arg10[%mul3A_90, %dma_start3A_332] : memref<10240x128xf32, #tpu.memory_space<vmem_shared>> -> memref<128x128xf32, #tpu.memory_space<vmem_shared>>
      tpu.enqueue_dma source(%arg4 : memref<128x128xf32, #tpu.memory_space<hbm>>) target(%dma_start3A_333 : memref<128x128xf32, #tpu.memory_space<vmem_shared>>) target_semaphore(%run_scoped3A : memref<!tpu.dma_semaphore, #tpu.memory_space<semaphore_mem>>)
      %dma_wait3A_334 = arith.constant 0 : i32
      %dma_wait3A_335 = tpu.memref_slice %arg10[%mul3A_90, %dma_wait3A_334] : memref<10240x128xf32, #tpu.memory_space<vmem_shared>> -> memref<128x128xf32, #tpu.memory_space<vmem_shared>>
      tpu.wait_dma2 semaphore(%run_scoped3A : memref<!tpu.dma_semaphore, #tpu.memory_space<semaphore_mem>>) src(%arg4 : memref<128x128xf32, #tpu.memory_space<hbm>>) dst(%dma_wait3A_335 : memref<128x128xf32, #tpu.memory_space<vmem_shared>>)
      tpu.yield
    }) : () -> ()
    %mul3A_91 = arith.constant 5 : i32
    %mul3A_92 = arith.muli %arg1, %mul3A_91 : i32
    %add3A_93 = arith.constant 1 : i32
    %add3A_94 = arith.addi %mul3A_92, %add3A_93 : i32
    %mul3A_95 = arith.constant 128 : i32
    %mul3A_96 = arith.muli %add3A_94, %mul3A_95 : i32
    "tpu.region"() ({
      %run_scoped3A = tpu.sem_alloc : memref<!tpu.dma_semaphore, #tpu.memory_space<semaphore_mem>>
      %dma_start3A_332 = arith.constant 0 : i32
      %dma_start3A_333 = tpu.memref_slice %arg10[%mul3A_96, %dma_start3A_332] : memref<10240x128xf32, #tpu.memory_space<vmem_shared>> -> memref<128x128xf32, #tpu.memory_space<vmem_shared>>
      tpu.enqueue_dma source(%arg4 : memref<128x128xf32, #tpu.memory_space<hbm>>) target(%dma_start3A_333 : memref<128x128xf32, #tpu.memory_space<vmem_shared>>) target_semaphore(%run_scoped3A : memref<!tpu.dma_semaphore, #tpu.memory_space<semaphore_mem>>)
      %dma_wait3A_334 = arith.constant 0 : i32
      %dma_wait3A_335 = tpu.memref_slice %arg10[%mul3A_96, %dma_wait3A_334] : memref<10240x128xf32, #tpu.memory_space<vmem_shared>> -> memref<128x128xf32, #tpu.memory_space<vmem_shared>>
      tpu.wait_dma2 semaphore(%run_scoped3A : memref<!tpu.dma_semaphore, #tpu.memory_space<semaphore_mem>>) src(%arg4 : memref<128x128xf32, #tpu.memory_space<hbm>>) dst(%dma_wait3A_335 : memref<128x128xf32, #tpu.memory_space<vmem_shared>>)
      tpu.yield
    }) : () -> ()
    %mul3A_97 = arith.constant 5 : i32
    %mul3A_98 = arith.muli %arg1, %mul3A_97 : i32
    %add3A_99 = arith.constant 2 : i32
    %add3A_100 = arith.addi %mul3A_98, %add3A_99 : i32
    %mul3A_101 = arith.constant 128 : i32
    %mul3A_102 = arith.muli %add3A_100, %mul3A_101 : i32
    "tpu.region"() ({
      %run_scoped3A = tpu.sem_alloc : memref<!tpu.dma_semaphore, #tpu.memory_space<semaphore_mem>>
      %dma_start3A_332 = arith.constant 0 : i32
      %dma_start3A_333 = tpu.memref_slice %arg10[%mul3A_102, %dma_start3A_332] : memref<10240x128xf32, #tpu.memory_space<vmem_shared>> -> memref<128x128xf32, #tpu.memory_space<vmem_shared>>
      tpu.enqueue_dma source(%arg4 : memref<128x128xf32, #tpu.memory_space<hbm>>) target(%dma_start3A_333 : memref<128x128xf32, #tpu.memory_space<vmem_shared>>) target_semaphore(%run_scoped3A : memref<!tpu.dma_semaphore, #tpu.memory_space<semaphore_mem>>)
      %dma_wait3A_334 = arith.constant 0 : i32
      %dma_wait3A_335 = tpu.memref_slice %arg10[%mul3A_102, %dma_wait3A_334] : memref<10240x128xf32, #tpu.memory_space<vmem_shared>> -> memref<128x128xf32, #tpu.memory_space<vmem_shared>>
      tpu.wait_dma2 semaphore(%run_scoped3A : memref<!tpu.dma_semaphore, #tpu.memory_space<semaphore_mem>>) src(%arg4 : memref<128x128xf32, #tpu.memory_space<hbm>>) dst(%dma_wait3A_335 : memref<128x128xf32, #tpu.memory_space<vmem_shared>>)
      tpu.yield
    }) : () -> ()
    %mul3A_103 = arith.constant 5 : i32
    %mul3A_104 = arith.muli %arg1, %mul3A_103 : i32
    %add3A_105 = arith.constant 3 : i32
    %add3A_106 = arith.addi %mul3A_104, %add3A_105 : i32
    %mul3A_107 = arith.constant 128 : i32
    %mul3A_108 = arith.muli %add3A_106, %mul3A_107 : i32
    "tpu.region"() ({
      %run_scoped3A = tpu.sem_alloc : memref<!tpu.dma_semaphore, #tpu.memory_space<semaphore_mem>>
      %dma_start3A_332 = arith.constant 0 : i32
      %dma_start3A_333 = tpu.memref_slice %arg10[%mul3A_108, %dma_start3A_332] : memref<10240x128xf32, #tpu.memory_space<vmem_shared>> -> memref<128x128xf32, #tpu.memory_space<vmem_shared>>
      tpu.enqueue_dma source(%arg4 : memref<128x128xf32, #tpu.memory_space<hbm>>) target(%dma_start3A_333 : memref<128x128xf32, #tpu.memory_space<vmem_shared>>) target_semaphore(%run_scoped3A : memref<!tpu.dma_semaphore, #tpu.memory_space<semaphore_mem>>)
      %dma_wait3A_334 = arith.constant 0 : i32
      %dma_wait3A_335 = tpu.memref_slice %arg10[%mul3A_108, %dma_wait3A_334] : memref<10240x128xf32, #tpu.memory_space<vmem_shared>> -> memref<128x128xf32, #tpu.memory_space<vmem_shared>>
      tpu.wait_dma2 semaphore(%run_scoped3A : memref<!tpu.dma_semaphore, #tpu.memory_space<semaphore_mem>>) src(%arg4 : memref<128x128xf32, #tpu.memory_space<hbm>>) dst(%dma_wait3A_335 : memref<128x128xf32, #tpu.memory_space<vmem_shared>>)
      tpu.yield
    }) : () -> ()
    %mul3A_109 = arith.constant 5 : i32
    %mul3A_110 = arith.muli %arg1, %mul3A_109 : i32
    %add3A_111 = arith.constant 4 : i32
    %add3A_112 = arith.addi %mul3A_110, %add3A_111 : i32
    %mul3A_113 = arith.constant 128 : i32
    %mul3A_114 = arith.muli %add3A_112, %mul3A_113 : i32
    "tpu.region"() ({
      %run_scoped3A = tpu.sem_alloc : memref<!tpu.dma_semaphore, #tpu.memory_space<semaphore_mem>>
      %dma_start3A_332 = arith.constant 0 : i32
      %dma_start3A_333 = tpu.memref_slice %arg10[%mul3A_114, %dma_start3A_332] : memref<10240x128xf32, #tpu.memory_space<vmem_shared>> -> memref<128x128xf32, #tpu.memory_space<vmem_shared>>
      tpu.enqueue_dma source(%arg4 : memref<128x128xf32, #tpu.memory_space<hbm>>) target(%dma_start3A_333 : memref<128x128xf32, #tpu.memory_space<vmem_shared>>) target_semaphore(%run_scoped3A : memref<!tpu.dma_semaphore, #tpu.memory_space<semaphore_mem>>)
      %dma_wait3A_334 = arith.constant 0 : i32
      %dma_wait3A_335 = tpu.memref_slice %arg10[%mul3A_114, %dma_wait3A_334] : memref<10240x128xf32, #tpu.memory_space<vmem_shared>> -> memref<128x128xf32, #tpu.memory_space<vmem_shared>>
      tpu.wait_dma2 semaphore(%run_scoped3A : memref<!tpu.dma_semaphore, #tpu.memory_space<semaphore_mem>>) src(%arg4 : memref<128x128xf32, #tpu.memory_space<hbm>>) dst(%dma_wait3A_335 : memref<128x128xf32, #tpu.memory_space<vmem_shared>>)
      tpu.yield
    }) : () -> ()
    %barrier3A = arith.constant 0 : index
    tpu.barrier barrier_id(%barrier3A)
    %scan3A = arith.constant 0 : i32
    %scan3A_115 = arith.constant 0 : i32
    %scan3A_116 = arith.constant 38 : i32
    %scan3A_117 = arith.addi %scan3A_115, %scan3A_116 : i32
    %scan3A_118 = arith.constant 1 : i32
    scf.for %scan3A_332 = %scan3A_115 to %scan3A_117 step %scan3A_118  : i32 {
      %mul3A_333 = arith.constant 2 : i32
      %mul3A_334 = arith.muli %scan3A_332, %mul3A_333 : i32
      %add3A_335 = arith.constant 0 : i32
      %add3A_336 = arith.addi %mul3A_334, %add3A_335 : i32
      %dma_wait3A_337 = arith.constant 0 : i32
      %dma_wait3A_338 = arith.constant 0 : i32
      %dma_wait3A_339 = arith.constant 0 : i32
      %dma_wait3A_340 = tpu.memref_slice %arg6[%dma_wait3A_337, %dma_wait3A_338, %dma_wait3A_339] : memref<2x2x128xi32, #tpu.memory_space<vmem>> -> memref<1x1x128xi32, #tpu.memory_space<vmem>>
      %dma_wait3A_341 = tpu.memref_squeeze %dma_wait3A_340 : memref<1x1x128xi32, #tpu.memory_space<vmem>> -> memref<128xi32, #tpu.memory_space<vmem>>
      %dma_wait3A_342 = arith.constant 0 : i32
      %dma_wait3A_343 = arith.constant 0 : i32
      %dma_wait3A_344 = tpu.memref_slice %arg2[%dma_wait3A_342, %dma_wait3A_343] : memref<10000x128xf32, #tpu.memory_space<hbm>> -> memref<10000x128xf32, #tpu.memory_space<hbm>>
      tpu.wait_indirect_dma semaphore(%arg13 : memref<!tpu.dma_semaphore, #tpu.memory_space<semaphore_mem>>) src(%dma_wait3A_344 : memref<10000x128xf32, #tpu.memory_space<hbm>>) dst(%arg8 : memref<128x128xf32, #tpu.memory_space<vmem>>)
      %dma_wait3A_345 = arith.constant 1 : i32
      %dma_wait3A_346 = arith.constant 0 : i32
      %dma_wait3A_347 = arith.constant 0 : i32
      %dma_wait3A_348 = tpu.memref_slice %arg6[%dma_wait3A_345, %dma_wait3A_346, %dma_wait3A_347] : memref<2x2x128xi32, #tpu.memory_space<vmem>> -> memref<1x1x128xi32, #tpu.memory_space<vmem>>
      %dma_wait3A_349 = tpu.memref_squeeze %dma_wait3A_348 : memref<1x1x128xi32, #tpu.memory_space<vmem>> -> memref<128xi32, #tpu.memory_space<vmem>>
      %dma_wait3A_350 = arith.constant 0 : i32
      %dma_wait3A_351 = tpu.memref_slice %arg3[%dma_wait3A_350] : memref<640000xi32, #tpu.memory_space<hbm>> -> memref<128xi32, #tpu.memory_space<hbm>>
      %dma_wait3A_352 = arith.constant 0 : i32
      %dma_wait3A_353 = tpu.memref_slice %arg6[%dma_wait3A_345, %dma_wait3A_346, %dma_wait3A_352] : memref<2x2x128xi32, #tpu.memory_space<vmem>> -> memref<1x1x128xi32, #tpu.memory_space<vmem>>
      %dma_wait3A_354 = tpu.memref_squeeze %dma_wait3A_353 : memref<1x1x128xi32, #tpu.memory_space<vmem>> -> memref<128xi32, #tpu.memory_space<vmem>>
      %dma_wait3A_355 = arith.constant 0 : i32
      %dma_wait3A_356 = tpu.memref_slice %arg3[%dma_wait3A_355] : memref<640000xi32, #tpu.memory_space<hbm>> -> memref<128xi32, #tpu.memory_space<hbm>>
      tpu.wait_dma2 semaphore(%arg12 : memref<!tpu.dma_semaphore, #tpu.memory_space<semaphore_mem>>) src(%dma_wait3A_356 : memref<128xi32, #tpu.memory_space<hbm>>) dst(%dma_wait3A_354 : memref<128xi32, #tpu.memory_space<vmem>>)
      %dma_wait3A_357 = arith.constant 1 : i32
      %dma_wait3A_358 = arith.constant 1 : i32
      %dma_wait3A_359 = arith.constant 0 : i32
      %dma_wait3A_360 = tpu.memref_slice %arg6[%dma_wait3A_357, %dma_wait3A_358, %dma_wait3A_359] : memref<2x2x128xi32, #tpu.memory_space<vmem>> -> memref<1x1x128xi32, #tpu.memory_space<vmem>>
      %dma_wait3A_361 = tpu.memref_squeeze %dma_wait3A_360 : memref<1x1x128xi32, #tpu.memory_space<vmem>> -> memref<128xi32, #tpu.memory_space<vmem>>
      %dma_wait3A_362 = arith.constant 0 : i32
      %dma_wait3A_363 = tpu.memref_slice %arg3[%dma_wait3A_362] : memref<640000xi32, #tpu.memory_space<hbm>> -> memref<128xi32, #tpu.memory_space<hbm>>
      %dma_wait3A_364 = arith.constant 0 : i32
      %dma_wait3A_365 = tpu.memref_slice %arg6[%dma_wait3A_357, %dma_wait3A_358, %dma_wait3A_364] : memref<2x2x128xi32, #tpu.memory_space<vmem>> -> memref<1x1x128xi32, #tpu.memory_space<vmem>>
      %dma_wait3A_366 = tpu.memref_squeeze %dma_wait3A_365 : memref<1x1x128xi32, #tpu.memory_space<vmem>> -> memref<128xi32, #tpu.memory_space<vmem>>
      %dma_wait3A_367 = arith.constant 0 : i32
      %dma_wait3A_368 = tpu.memref_slice %arg3[%dma_wait3A_367] : memref<640000xi32, #tpu.memory_space<hbm>> -> memref<128xi32, #tpu.memory_space<hbm>>
      tpu.wait_dma2 semaphore(%arg12 : memref<!tpu.dma_semaphore, #tpu.memory_space<semaphore_mem>>) src(%dma_wait3A_368 : memref<128xi32, #tpu.memory_space<hbm>>) dst(%dma_wait3A_366 : memref<128xi32, #tpu.memory_space<vmem>>)
      %dma_start3A_369 = arith.constant 1 : i32
      %dma_start3A_370 = arith.constant 0 : i32
      %dma_start3A_371 = arith.constant 0 : i32
      %dma_start3A_372 = tpu.memref_slice %arg6[%dma_start3A_369, %dma_start3A_370, %dma_start3A_371] : memref<2x2x128xi32, #tpu.memory_space<vmem>> -> memref<1x1x128xi32, #tpu.memory_space<vmem>>
      %dma_start3A_373 = tpu.memref_squeeze %dma_start3A_372 : memref<1x1x128xi32, #tpu.memory_space<vmem>> -> memref<128xi32, #tpu.memory_space<vmem>>
      %dma_start3A_374 = arith.constant 0 : i32
      %dma_start3A_375 = arith.constant 0 : i32
      %dma_start3A_376 = tpu.memref_slice %arg2[%dma_start3A_374, %dma_start3A_375] : memref<10000x128xf32, #tpu.memory_space<hbm>> -> memref<10000x128xf32, #tpu.memory_space<hbm>>
      tpu.enqueue_indirect_dma source(%dma_start3A_376 : memref<10000x128xf32, #tpu.memory_space<hbm>>) target(%arg9 : memref<128x128xf32, #tpu.memory_space<vmem>>) offsets(%dma_start3A_373 : memref<128xi32, #tpu.memory_space<vmem>>) semaphore(%arg14 : memref<!tpu.dma_semaphore, #tpu.memory_space<semaphore_mem>>)
      %dma_start3A_377 = arith.constant 0 : i32
      %dma_start3A_378 = arith.constant 1 : i32
      %dma_start3A_379 = arith.constant 0 : i32
      %dma_start3A_380 = tpu.memref_slice %arg6[%dma_start3A_377, %dma_start3A_378, %dma_start3A_379] : memref<2x2x128xi32, #tpu.memory_space<vmem>> -> memref<1x1x128xi32, #tpu.memory_space<vmem>>
      %dma_start3A_381 = tpu.memref_squeeze %dma_start3A_380 : memref<1x1x128xi32, #tpu.memory_space<vmem>> -> memref<128xi32, #tpu.memory_space<vmem>>
      %dma_start3A_382 = arith.constant 0 : i32
      %dma_start3A_383 = arith.constant 0 : i32
      %dma_start3A_384 = tpu.memref_slice %arg10[%dma_start3A_382, %dma_start3A_383] : memref<10240x128xf32, #tpu.memory_space<vmem_shared>> -> memref<10240x128xf32, #tpu.memory_space<vmem_shared>>
      tpu.enqueue_indirect_dma source(%arg8 : memref<128x128xf32, #tpu.memory_space<vmem>>) target(%dma_start3A_384 : memref<10240x128xf32, #tpu.memory_space<vmem_shared>>) offsets(%dma_start3A_381 : memref<128xi32, #tpu.memory_space<vmem>>) semaphore(%arg15 : memref<!tpu.dma_semaphore, #tpu.memory_space<semaphore_mem>>) {add = true}
      %dma_wait3A_385 = arith.constant 0 : i32
      %dma_wait3A_386 = arith.constant 1 : i32
      %dma_wait3A_387 = arith.constant 0 : i32
      %dma_wait3A_388 = tpu.memref_slice %arg6[%dma_wait3A_385, %dma_wait3A_386, %dma_wait3A_387] : memref<2x2x128xi32, #tpu.memory_space<vmem>> -> memref<1x1x128xi32, #tpu.memory_space<vmem>>
      %dma_wait3A_389 = tpu.memref_squeeze %dma_wait3A_388 : memref<1x1x128xi32, #tpu.memory_space<vmem>> -> memref<128xi32, #tpu.memory_space<vmem>>
      %dma_wait3A_390 = arith.constant 0 : i32
      %dma_wait3A_391 = arith.constant 0 : i32
      %dma_wait3A_392 = tpu.memref_slice %arg10[%dma_wait3A_390, %dma_wait3A_391] : memref<10240x128xf32, #tpu.memory_space<vmem_shared>> -> memref<10240x128xf32, #tpu.memory_space<vmem_shared>>
      tpu.wait_indirect_dma semaphore(%arg15 : memref<!tpu.dma_semaphore, #tpu.memory_space<semaphore_mem>>) src(%arg8 : memref<128x128xf32, #tpu.memory_space<vmem>>) dst(%dma_wait3A_392 : memref<10240x128xf32, #tpu.memory_space<vmem_shared>>)
      %add3A_393 = arith.constant 2 : i32
      %add3A_394 = arith.addi %add3A_336, %add3A_393 : i32
      %mul3A_395 = arith.constant 128 : i32
      %mul3A_396 = arith.muli %add3A_394, %mul3A_395 : i32
      %add3A_397 = arith.addi %mul3A_2, %mul3A_396 : i32
      %dma_start3A_398 = arith.constant 0 : i32
      %dma_start3A_399 = arith.constant 0 : i32
      %dma_start3A_400 = arith.constant 0 : i32
      %dma_start3A_401 = tpu.memref_slice %arg6[%dma_start3A_398, %dma_start3A_399, %dma_start3A_400] : memref<2x2x128xi32, #tpu.memory_space<vmem>> -> memref<1x1x128xi32, #tpu.memory_space<vmem>>
      %dma_start3A_402 = tpu.memref_squeeze %dma_start3A_401 : memref<1x1x128xi32, #tpu.memory_space<vmem>> -> memref<128xi32, #tpu.memory_space<vmem>>
      %dma_start3A_403 = tpu.memref_slice %arg3[%add3A_397] : memref<640000xi32, #tpu.memory_space<hbm>> -> memref<128xi32, #tpu.memory_space<hbm>>
      %dma_start3A_404 = arith.constant 0 : i32
      %dma_start3A_405 = tpu.memref_slice %arg6[%dma_start3A_398, %dma_start3A_399, %dma_start3A_404] : memref<2x2x128xi32, #tpu.memory_space<vmem>> -> memref<1x1x128xi32, #tpu.memory_space<vmem>>
      %dma_start3A_406 = tpu.memref_squeeze %dma_start3A_405 : memref<1x1x128xi32, #tpu.memory_space<vmem>> -> memref<128xi32, #tpu.memory_space<vmem>>
      %dma_start3A_407 = tpu.memref_slice %arg3[%add3A_397] : memref<640000xi32, #tpu.memory_space<hbm>> -> memref<128xi32, #tpu.memory_space<hbm>>
      tpu.enqueue_dma source(%dma_start3A_407 : memref<128xi32, #tpu.memory_space<hbm>>) target(%dma_start3A_406 : memref<128xi32, #tpu.memory_space<vmem>>) target_semaphore(%arg11 : memref<!tpu.dma_semaphore, #tpu.memory_space<semaphore_mem>>)
      %add3A_408 = arith.constant 320000 : i32
      %add3A_409 = arith.addi %add3A_408, %mul3A_2 : i32
      %mul3A_410 = arith.constant 128 : i32
      %mul3A_411 = arith.muli %add3A_394, %mul3A_410 : i32
      %add3A_412 = arith.addi %add3A_409, %mul3A_411 : i32
      %dma_start3A_413 = arith.constant 0 : i32
      %dma_start3A_414 = arith.constant 1 : i32
      %dma_start3A_415 = arith.constant 0 : i32
      %dma_start3A_416 = tpu.memref_slice %arg6[%dma_start3A_413, %dma_start3A_414, %dma_start3A_415] : memref<2x2x128xi32, #tpu.memory_space<vmem>> -> memref<1x1x128xi32, #tpu.memory_space<vmem>>
      %dma_start3A_417 = tpu.memref_squeeze %dma_start3A_416 : memref<1x1x128xi32, #tpu.memory_space<vmem>> -> memref<128xi32, #tpu.memory_space<vmem>>
      %dma_start3A_418 = tpu.memref_slice %arg3[%add3A_412] : memref<640000xi32, #tpu.memory_space<hbm>> -> memref<128xi32, #tpu.memory_space<hbm>>
      %dma_start3A_419 = arith.constant 0 : i32
      %dma_start3A_420 = tpu.memref_slice %arg6[%dma_start3A_413, %dma_start3A_414, %dma_start3A_419] : memref<2x2x128xi32, #tpu.memory_space<vmem>> -> memref<1x1x128xi32, #tpu.memory_space<vmem>>
      %dma_start3A_421 = tpu.memref_squeeze %dma_start3A_420 : memref<1x1x128xi32, #tpu.memory_space<vmem>> -> memref<128xi32, #tpu.memory_space<vmem>>
      %dma_start3A_422 = tpu.memref_slice %arg3[%add3A_412] : memref<640000xi32, #tpu.memory_space<hbm>> -> memref<128xi32, #tpu.memory_space<hbm>>
      tpu.enqueue_dma source(%dma_start3A_422 : memref<128xi32, #tpu.memory_space<hbm>>) target(%dma_start3A_421 : memref<128xi32, #tpu.memory_space<vmem>>) target_semaphore(%arg11 : memref<!tpu.dma_semaphore, #tpu.memory_space<semaphore_mem>>)
      %mul3A_423 = arith.constant 2 : i32
      %mul3A_424 = arith.muli %scan3A_332, %mul3A_423 : i32
      %add3A_425 = arith.constant 1 : i32
      %add3A_426 = arith.addi %mul3A_424, %add3A_425 : i32
      %dma_wait3A_427 = arith.constant 1 : i32
      %dma_wait3A_428 = arith.constant 0 : i32
      %dma_wait3A_429 = arith.constant 0 : i32
      %dma_wait3A_430 = tpu.memref_slice %arg6[%dma_wait3A_427, %dma_wait3A_428, %dma_wait3A_429] : memref<2x2x128xi32, #tpu.memory_space<vmem>> -> memref<1x1x128xi32, #tpu.memory_space<vmem>>
      %dma_wait3A_431 = tpu.memref_squeeze %dma_wait3A_430 : memref<1x1x128xi32, #tpu.memory_space<vmem>> -> memref<128xi32, #tpu.memory_space<vmem>>
      %dma_wait3A_432 = arith.constant 0 : i32
      %dma_wait3A_433 = arith.constant 0 : i32
      %dma_wait3A_434 = tpu.memref_slice %arg2[%dma_wait3A_432, %dma_wait3A_433] : memref<10000x128xf32, #tpu.memory_space<hbm>> -> memref<10000x128xf32, #tpu.memory_space<hbm>>
      tpu.wait_indirect_dma semaphore(%arg14 : memref<!tpu.dma_semaphore, #tpu.memory_space<semaphore_mem>>) src(%dma_wait3A_434 : memref<10000x128xf32, #tpu.memory_space<hbm>>) dst(%arg9 : memref<128x128xf32, #tpu.memory_space<vmem>>)
      %dma_wait3A_435 = arith.constant 0 : i32
      %dma_wait3A_436 = arith.constant 0 : i32
      %dma_wait3A_437 = arith.constant 0 : i32
      %dma_wait3A_438 = tpu.memref_slice %arg6[%dma_wait3A_435, %dma_wait3A_436, %dma_wait3A_437] : memref<2x2x128xi32, #tpu.memory_space<vmem>> -> memref<1x1x128xi32, #tpu.memory_space<vmem>>
      %dma_wait3A_439 = tpu.memref_squeeze %dma_wait3A_438 : memref<1x1x128xi32, #tpu.memory_space<vmem>> -> memref<128xi32, #tpu.memory_space<vmem>>
      %dma_wait3A_440 = arith.constant 0 : i32
      %dma_wait3A_441 = tpu.memref_slice %arg3[%dma_wait3A_440] : memref<640000xi32, #tpu.memory_space<hbm>> -> memref<128xi32, #tpu.memory_space<hbm>>
      %dma_wait3A_442 = arith.constant 0 : i32
      %dma_wait3A_443 = tpu.memref_slice %arg6[%dma_wait3A_435, %dma_wait3A_436, %dma_wait3A_442] : memref<2x2x128xi32, #tpu.memory_space<vmem>> -> memref<1x1x128xi32, #tpu.memory_space<vmem>>
      %dma_wait3A_444 = tpu.memref_squeeze %dma_wait3A_443 : memref<1x1x128xi32, #tpu.memory_space<vmem>> -> memref<128xi32, #tpu.memory_space<vmem>>
      %dma_wait3A_445 = arith.constant 0 : i32
      %dma_wait3A_446 = tpu.memref_slice %arg3[%dma_wait3A_445] : memref<640000xi32, #tpu.memory_space<hbm>> -> memref<128xi32, #tpu.memory_space<hbm>>
      tpu.wait_dma2 semaphore(%arg11 : memref<!tpu.dma_semaphore, #tpu.memory_space<semaphore_mem>>) src(%dma_wait3A_446 : memref<128xi32, #tpu.memory_space<hbm>>) dst(%dma_wait3A_444 : memref<128xi32, #tpu.memory_space<vmem>>)
      %dma_wait3A_447 = arith.constant 0 : i32
      %dma_wait3A_448 = arith.constant 1 : i32
      %dma_wait3A_449 = arith.constant 0 : i32
      %dma_wait3A_450 = tpu.memref_slice %arg6[%dma_wait3A_447, %dma_wait3A_448, %dma_wait3A_449] : memref<2x2x128xi32, #tpu.memory_space<vmem>> -> memref<1x1x128xi32, #tpu.memory_space<vmem>>
      %dma_wait3A_451 = tpu.memref_squeeze %dma_wait3A_450 : memref<1x1x128xi32, #tpu.memory_space<vmem>> -> memref<128xi32, #tpu.memory_space<vmem>>
      %dma_wait3A_452 = arith.constant 0 : i32
      %dma_wait3A_453 = tpu.memref_slice %arg3[%dma_wait3A_452] : memref<640000xi32, #tpu.memory_space<hbm>> -> memref<128xi32, #tpu.memory_space<hbm>>
      %dma_wait3A_454 = arith.constant 0 : i32
      %dma_wait3A_455 = tpu.memref_slice %arg6[%dma_wait3A_447, %dma_wait3A_448, %dma_wait3A_454] : memref<2x2x128xi32, #tpu.memory_space<vmem>> -> memref<1x1x128xi32, #tpu.memory_space<vmem>>
      %dma_wait3A_456 = tpu.memref_squeeze %dma_wait3A_455 : memref<1x1x128xi32, #tpu.memory_space<vmem>> -> memref<128xi32, #tpu.memory_space<vmem>>
      %dma_wait3A_457 = arith.constant 0 : i32
      %dma_wait3A_458 = tpu.memref_slice %arg3[%dma_wait3A_457] : memref<640000xi32, #tpu.memory_space<hbm>> -> memref<128xi32, #tpu.memory_space<hbm>>
      tpu.wait_dma2 semaphore(%arg11 : memref<!tpu.dma_semaphore, #tpu.memory_space<semaphore_mem>>) src(%dma_wait3A_458 : memref<128xi32, #tpu.memory_space<hbm>>) dst(%dma_wait3A_456 : memref<128xi32, #tpu.memory_space<vmem>>)
      %dma_start3A_459 = arith.constant 0 : i32
      %dma_start3A_460 = arith.constant 0 : i32
      %dma_start3A_461 = arith.constant 0 : i32
      %dma_start3A_462 = tpu.memref_slice %arg6[%dma_start3A_459, %dma_start3A_460, %dma_start3A_461] : memref<2x2x128xi32, #tpu.memory_space<vmem>> -> memref<1x1x128xi32, #tpu.memory_space<vmem>>
      %dma_start3A_463 = tpu.memref_squeeze %dma_start3A_462 : memref<1x1x128xi32, #tpu.memory_space<vmem>> -> memref<128xi32, #tpu.memory_space<vmem>>
      %dma_start3A_464 = arith.constant 0 : i32
      %dma_start3A_465 = arith.constant 0 : i32
      %dma_start3A_466 = tpu.memref_slice %arg2[%dma_start3A_464, %dma_start3A_465] : memref<10000x128xf32, #tpu.memory_space<hbm>> -> memref<10000x128xf32, #tpu.memory_space<hbm>>
      tpu.enqueue_indirect_dma source(%dma_start3A_466 : memref<10000x128xf32, #tpu.memory_space<hbm>>) target(%arg8 : memref<128x128xf32, #tpu.memory_space<vmem>>) offsets(%dma_start3A_463 : memref<128xi32, #tpu.memory_space<vmem>>) semaphore(%arg13 : memref<!tpu.dma_semaphore, #tpu.memory_space<semaphore_mem>>)
      %dma_start3A_467 = arith.constant 1 : i32
      %dma_start3A_468 = arith.constant 1 : i32
      %dma_start3A_469 = arith.constant 0 : i32
      %dma_start3A_470 = tpu.memref_slice %arg6[%dma_start3A_467, %dma_start3A_468, %dma_start3A_469] : memref<2x2x128xi32, #tpu.memory_space<vmem>> -> memref<1x1x128xi32, #tpu.memory_space<vmem>>
      %dma_start3A_471 = tpu.memref_squeeze %dma_start3A_470 : memref<1x1x128xi32, #tpu.memory_space<vmem>> -> memref<128xi32, #tpu.memory_space<vmem>>
      %dma_start3A_472 = arith.constant 0 : i32
      %dma_start3A_473 = arith.constant 0 : i32
      %dma_start3A_474 = tpu.memref_slice %arg10[%dma_start3A_472, %dma_start3A_473] : memref<10240x128xf32, #tpu.memory_space<vmem_shared>> -> memref<10240x128xf32, #tpu.memory_space<vmem_shared>>
      tpu.enqueue_indirect_dma source(%arg9 : memref<128x128xf32, #tpu.memory_space<vmem>>) target(%dma_start3A_474 : memref<10240x128xf32, #tpu.memory_space<vmem_shared>>) offsets(%dma_start3A_471 : memref<128xi32, #tpu.memory_space<vmem>>) semaphore(%arg16 : memref<!tpu.dma_semaphore, #tpu.memory_space<semaphore_mem>>) {add = true}
      %dma_wait3A_475 = arith.constant 1 : i32
      %dma_wait3A_476 = arith.constant 1 : i32
      %dma_wait3A_477 = arith.constant 0 : i32
      %dma_wait3A_478 = tpu.memref_slice %arg6[%dma_wait3A_475, %dma_wait3A_476, %dma_wait3A_477] : memref<2x2x128xi32, #tpu.memory_space<vmem>> -> memref<1x1x128xi32, #tpu.memory_space<vmem>>
      %dma_wait3A_479 = tpu.memref_squeeze %dma_wait3A_478 : memref<1x1x128xi32, #tpu.memory_space<vmem>> -> memref<128xi32, #tpu.memory_space<vmem>>
      %dma_wait3A_480 = arith.constant 0 : i32
      %dma_wait3A_481 = arith.constant 0 : i32
      %dma_wait3A_482 = tpu.memref_slice %arg10[%dma_wait3A_480, %dma_wait3A_481] : memref<10240x128xf32, #tpu.memory_space<vmem_shared>> -> memref<10240x128xf32, #tpu.memory_space<vmem_shared>>
      tpu.wait_indirect_dma semaphore(%arg16 : memref<!tpu.dma_semaphore, #tpu.memory_space<semaphore_mem>>) src(%arg9 : memref<128x128xf32, #tpu.memory_space<vmem>>) dst(%dma_wait3A_482 : memref<10240x128xf32, #tpu.memory_space<vmem_shared>>)
      %add3A_483 = arith.constant 2 : i32
      %add3A_484 = arith.addi %add3A_426, %add3A_483 : i32
      %mul3A_485 = arith.constant 128 : i32
      %mul3A_486 = arith.muli %add3A_484, %mul3A_485 : i32
      %add3A_487 = arith.addi %mul3A_2, %mul3A_486 : i32
      %dma_start3A_488 = arith.constant 1 : i32
      %dma_start3A_489 = arith.constant 0 : i32
      %dma_start3A_490 = arith.constant 0 : i32
      %dma_start3A_491 = tpu.memref_slice %arg6[%dma_start3A_488, %dma_start3A_489, %dma_start3A_490] : memref<2x2x128xi32, #tpu.memory_space<vmem>> -> memref<1x1x128xi32, #tpu.memory_space<vmem>>
      %dma_start3A_492 = tpu.memref_squeeze %dma_start3A_491 : memref<1x1x128xi32, #tpu.memory_space<vmem>> -> memref<128xi32, #tpu.memory_space<vmem>>
      %dma_start3A_493 = tpu.memref_slice %arg3[%add3A_487] : memref<640000xi32, #tpu.memory_space<hbm>> -> memref<128xi32, #tpu.memory_space<hbm>>
      %dma_start3A_494 = arith.constant 0 : i32
      %dma_start3A_495 = tpu.memref_slice %arg6[%dma_start3A_488, %dma_start3A_489, %dma_start3A_494] : memref<2x2x128xi32, #tpu.memory_space<vmem>> -> memref<1x1x128xi32, #tpu.memory_space<vmem>>
      %dma_start3A_496 = tpu.memref_squeeze %dma_start3A_495 : memref<1x1x128xi32, #tpu.memory_space<vmem>> -> memref<128xi32, #tpu.memory_space<vmem>>
      %dma_start3A_497 = tpu.memref_slice %arg3[%add3A_487] : memref<640000xi32, #tpu.memory_space<hbm>> -> memref<128xi32, #tpu.memory_space<hbm>>
      tpu.enqueue_dma source(%dma_start3A_497 : memref<128xi32, #tpu.memory_space<hbm>>) target(%dma_start3A_496 : memref<128xi32, #tpu.memory_space<vmem>>) target_semaphore(%arg12 : memref<!tpu.dma_semaphore, #tpu.memory_space<semaphore_mem>>)
      %add3A_498 = arith.constant 320000 : i32
      %add3A_499 = arith.addi %add3A_498, %mul3A_2 : i32
      %mul3A_500 = arith.constant 128 : i32
      %mul3A_501 = arith.muli %add3A_484, %mul3A_500 : i32
      %add3A_502 = arith.addi %add3A_499, %mul3A_501 : i32
      %dma_start3A_503 = arith.constant 1 : i32
      %dma_start3A_504 = arith.constant 1 : i32
      %dma_start3A_505 = arith.constant 0 : i32
      %dma_start3A_506 = tpu.memref_slice %arg6[%dma_start3A_503, %dma_start3A_504, %dma_start3A_505] : memref<2x2x128xi32, #tpu.memory_space<vmem>> -> memref<1x1x128xi32, #tpu.memory_space<vmem>>
      %dma_start3A_507 = tpu.memref_squeeze %dma_start3A_506 : memref<1x1x128xi32, #tpu.memory_space<vmem>> -> memref<128xi32, #tpu.memory_space<vmem>>
      %dma_start3A_508 = tpu.memref_slice %arg3[%add3A_502] : memref<640000xi32, #tpu.memory_space<hbm>> -> memref<128xi32, #tpu.memory_space<hbm>>
      %dma_start3A_509 = arith.constant 0 : i32
      %dma_start3A_510 = tpu.memref_slice %arg6[%dma_start3A_503, %dma_start3A_504, %dma_start3A_509] : memref<2x2x128xi32, #tpu.memory_space<vmem>> -> memref<1x1x128xi32, #tpu.memory_space<vmem>>
      %dma_start3A_511 = tpu.memref_squeeze %dma_start3A_510 : memref<1x1x128xi32, #tpu.memory_space<vmem>> -> memref<128xi32, #tpu.memory_space<vmem>>
      %dma_start3A_512 = tpu.memref_slice %arg3[%add3A_502] : memref<640000xi32, #tpu.memory_space<hbm>> -> memref<128xi32, #tpu.memory_space<hbm>>
      tpu.enqueue_dma source(%dma_start3A_512 : memref<128xi32, #tpu.memory_space<hbm>>) target(%dma_start3A_511 : memref<128xi32, #tpu.memory_space<vmem>>) target_semaphore(%arg12 : memref<!tpu.dma_semaphore, #tpu.memory_space<semaphore_mem>>)
    }
    %scan3A_119 = arith.constant 38 : i32
    %add3A_120 = arith.constant 9984 : i32
    %add3A_121 = arith.addi %mul3A_2, %add3A_120 : i32
    %dma_start3A_122 = arith.constant 0 : i32
    %dma_start3A_123 = arith.constant 0 : i32
    %dma_start3A_124 = tpu.memref_slice %arg7[%dma_start3A_122, %dma_start3A_123] : memref<2x16xi32, #tpu.memory_space<vmem>> -> memref<1x16xi32, #tpu.memory_space<vmem>>
    %dma_start3A_125 = tpu.memref_squeeze %dma_start3A_124 : memref<1x16xi32, #tpu.memory_space<vmem>> -> memref<16xi32, #tpu.memory_space<vmem>>
    %dma_start3A_126 = tpu.memref_slice %arg3[%add3A_121] : memref<640000xi32, #tpu.memory_space<hbm>> -> memref<16xi32, #tpu.memory_space<hbm>>
    %dma_start3A_127 = arith.constant 0 : i32
    %dma_start3A_128 = tpu.memref_slice %arg7[%dma_start3A_122, %dma_start3A_127] : memref<2x16xi32, #tpu.memory_space<vmem>> -> memref<1x16xi32, #tpu.memory_space<vmem>>
    %dma_start3A_129 = tpu.memref_squeeze %dma_start3A_128 : memref<1x16xi32, #tpu.memory_space<vmem>> -> memref<16xi32, #tpu.memory_space<vmem>>
    %dma_start3A_130 = tpu.memref_slice %arg3[%add3A_121] : memref<640000xi32, #tpu.memory_space<hbm>> -> memref<16xi32, #tpu.memory_space<hbm>>
    tpu.enqueue_dma source(%dma_start3A_130 : memref<16xi32, #tpu.memory_space<hbm>>) target(%dma_start3A_129 : memref<16xi32, #tpu.memory_space<vmem>>) target_semaphore(%arg11 : memref<!tpu.dma_semaphore, #tpu.memory_space<semaphore_mem>>)
    %add3A_131 = arith.constant 320000 : i32
    %add3A_132 = arith.addi %add3A_131, %mul3A_2 : i32
    %add3A_133 = arith.constant 9984 : i32
    %add3A_134 = arith.addi %add3A_132, %add3A_133 : i32
    %dma_start3A_135 = arith.constant 1 : i32
    %dma_start3A_136 = arith.constant 0 : i32
    %dma_start3A_137 = tpu.memref_slice %arg7[%dma_start3A_135, %dma_start3A_136] : memref<2x16xi32, #tpu.memory_space<vmem>> -> memref<1x16xi32, #tpu.memory_space<vmem>>
    %dma_start3A_138 = tpu.memref_squeeze %dma_start3A_137 : memref<1x16xi32, #tpu.memory_space<vmem>> -> memref<16xi32, #tpu.memory_space<vmem>>
    %dma_start3A_139 = tpu.memref_slice %arg3[%add3A_134] : memref<640000xi32, #tpu.memory_space<hbm>> -> memref<16xi32, #tpu.memory_space<hbm>>
    %dma_start3A_140 = arith.constant 0 : i32
    %dma_start3A_141 = tpu.memref_slice %arg7[%dma_start3A_135, %dma_start3A_140] : memref<2x16xi32, #tpu.memory_space<vmem>> -> memref<1x16xi32, #tpu.memory_space<vmem>>
    %dma_start3A_142 = tpu.memref_squeeze %dma_start3A_141 : memref<1x16xi32, #tpu.memory_space<vmem>> -> memref<16xi32, #tpu.memory_space<vmem>>
    %dma_start3A_143 = tpu.memref_slice %arg3[%add3A_134] : memref<640000xi32, #tpu.memory_space<hbm>> -> memref<16xi32, #tpu.memory_space<hbm>>
    tpu.enqueue_dma source(%dma_start3A_143 : memref<16xi32, #tpu.memory_space<hbm>>) target(%dma_start3A_142 : memref<16xi32, #tpu.memory_space<vmem>>) target_semaphore(%arg11 : memref<!tpu.dma_semaphore, #tpu.memory_space<semaphore_mem>>)
    %dma_wait3A_144 = arith.constant 0 : i32
    %dma_wait3A_145 = arith.constant 0 : i32
    %dma_wait3A_146 = arith.constant 0 : i32
    %dma_wait3A_147 = tpu.memref_slice %arg6[%dma_wait3A_144, %dma_wait3A_145, %dma_wait3A_146] : memref<2x2x128xi32, #tpu.memory_space<vmem>> -> memref<1x1x128xi32, #tpu.memory_space<vmem>>
    %dma_wait3A_148 = tpu.memref_squeeze %dma_wait3A_147 : memref<1x1x128xi32, #tpu.memory_space<vmem>> -> memref<128xi32, #tpu.memory_space<vmem>>
    %dma_wait3A_149 = arith.constant 0 : i32
    %dma_wait3A_150 = arith.constant 0 : i32
    %dma_wait3A_151 = tpu.memref_slice %arg2[%dma_wait3A_149, %dma_wait3A_150] : memref<10000x128xf32, #tpu.memory_space<hbm>> -> memref<10000x128xf32, #tpu.memory_space<hbm>>
    tpu.wait_indirect_dma semaphore(%arg13 : memref<!tpu.dma_semaphore, #tpu.memory_space<semaphore_mem>>) src(%dma_wait3A_151 : memref<10000x128xf32, #tpu.memory_space<hbm>>) dst(%arg8 : memref<128x128xf32, #tpu.memory_space<vmem>>)
    %dma_wait3A_152 = arith.constant 1 : i32
    %dma_wait3A_153 = arith.constant 0 : i32
    %dma_wait3A_154 = arith.constant 0 : i32
    %dma_wait3A_155 = tpu.memref_slice %arg6[%dma_wait3A_152, %dma_wait3A_153, %dma_wait3A_154] : memref<2x2x128xi32, #tpu.memory_space<vmem>> -> memref<1x1x128xi32, #tpu.memory_space<vmem>>
    %dma_wait3A_156 = tpu.memref_squeeze %dma_wait3A_155 : memref<1x1x128xi32, #tpu.memory_space<vmem>> -> memref<128xi32, #tpu.memory_space<vmem>>
    %dma_wait3A_157 = arith.constant 0 : i32
    %dma_wait3A_158 = tpu.memref_slice %arg3[%dma_wait3A_157] : memref<640000xi32, #tpu.memory_space<hbm>> -> memref<128xi32, #tpu.memory_space<hbm>>
    %dma_wait3A_159 = arith.constant 0 : i32
    %dma_wait3A_160 = tpu.memref_slice %arg6[%dma_wait3A_152, %dma_wait3A_153, %dma_wait3A_159] : memref<2x2x128xi32, #tpu.memory_space<vmem>> -> memref<1x1x128xi32, #tpu.memory_space<vmem>>
    %dma_wait3A_161 = tpu.memref_squeeze %dma_wait3A_160 : memref<1x1x128xi32, #tpu.memory_space<vmem>> -> memref<128xi32, #tpu.memory_space<vmem>>
    %dma_wait3A_162 = arith.constant 0 : i32
    %dma_wait3A_163 = tpu.memref_slice %arg3[%dma_wait3A_162] : memref<640000xi32, #tpu.memory_space<hbm>> -> memref<128xi32, #tpu.memory_space<hbm>>
    tpu.wait_dma2 semaphore(%arg12 : memref<!tpu.dma_semaphore, #tpu.memory_space<semaphore_mem>>) src(%dma_wait3A_163 : memref<128xi32, #tpu.memory_space<hbm>>) dst(%dma_wait3A_161 : memref<128xi32, #tpu.memory_space<vmem>>)
    %dma_wait3A_164 = arith.constant 1 : i32
    %dma_wait3A_165 = arith.constant 1 : i32
    %dma_wait3A_166 = arith.constant 0 : i32
    %dma_wait3A_167 = tpu.memref_slice %arg6[%dma_wait3A_164, %dma_wait3A_165, %dma_wait3A_166] : memref<2x2x128xi32, #tpu.memory_space<vmem>> -> memref<1x1x128xi32, #tpu.memory_space<vmem>>
    %dma_wait3A_168 = tpu.memref_squeeze %dma_wait3A_167 : memref<1x1x128xi32, #tpu.memory_space<vmem>> -> memref<128xi32, #tpu.memory_space<vmem>>
    %dma_wait3A_169 = arith.constant 0 : i32
    %dma_wait3A_170 = tpu.memref_slice %arg3[%dma_wait3A_169] : memref<640000xi32, #tpu.memory_space<hbm>> -> memref<128xi32, #tpu.memory_space<hbm>>
    %dma_wait3A_171 = arith.constant 0 : i32
    %dma_wait3A_172 = tpu.memref_slice %arg6[%dma_wait3A_164, %dma_wait3A_165, %dma_wait3A_171] : memref<2x2x128xi32, #tpu.memory_space<vmem>> -> memref<1x1x128xi32, #tpu.memory_space<vmem>>
    %dma_wait3A_173 = tpu.memref_squeeze %dma_wait3A_172 : memref<1x1x128xi32, #tpu.memory_space<vmem>> -> memref<128xi32, #tpu.memory_space<vmem>>
    %dma_wait3A_174 = arith.constant 0 : i32
    %dma_wait3A_175 = tpu.memref_slice %arg3[%dma_wait3A_174] : memref<640000xi32, #tpu.memory_space<hbm>> -> memref<128xi32, #tpu.memory_space<hbm>>
    tpu.wait_dma2 semaphore(%arg12 : memref<!tpu.dma_semaphore, #tpu.memory_space<semaphore_mem>>) src(%dma_wait3A_175 : memref<128xi32, #tpu.memory_space<hbm>>) dst(%dma_wait3A_173 : memref<128xi32, #tpu.memory_space<vmem>>)
    %dma_start3A_176 = arith.constant 1 : i32
    %dma_start3A_177 = arith.constant 0 : i32
    %dma_start3A_178 = arith.constant 0 : i32
    %dma_start3A_179 = tpu.memref_slice %arg6[%dma_start3A_176, %dma_start3A_177, %dma_start3A_178] : memref<2x2x128xi32, #tpu.memory_space<vmem>> -> memref<1x1x128xi32, #tpu.memory_space<vmem>>
    %dma_start3A_180 = tpu.memref_squeeze %dma_start3A_179 : memref<1x1x128xi32, #tpu.memory_space<vmem>> -> memref<128xi32, #tpu.memory_space<vmem>>
    %dma_start3A_181 = arith.constant 0 : i32
    %dma_start3A_182 = arith.constant 0 : i32
    %dma_start3A_183 = tpu.memref_slice %arg2[%dma_start3A_181, %dma_start3A_182] : memref<10000x128xf32, #tpu.memory_space<hbm>> -> memref<10000x128xf32, #tpu.memory_space<hbm>>
    tpu.enqueue_indirect_dma source(%dma_start3A_183 : memref<10000x128xf32, #tpu.memory_space<hbm>>) target(%arg9 : memref<128x128xf32, #tpu.memory_space<vmem>>) offsets(%dma_start3A_180 : memref<128xi32, #tpu.memory_space<vmem>>) semaphore(%arg14 : memref<!tpu.dma_semaphore, #tpu.memory_space<semaphore_mem>>)
    %dma_start3A_184 = arith.constant 0 : i32
    %dma_start3A_185 = arith.constant 1 : i32
    %dma_start3A_186 = arith.constant 0 : i32
    %dma_start3A_187 = tpu.memref_slice %arg6[%dma_start3A_184, %dma_start3A_185, %dma_start3A_186] : memref<2x2x128xi32, #tpu.memory_space<vmem>> -> memref<1x1x128xi32, #tpu.memory_space<vmem>>
    %dma_start3A_188 = tpu.memref_squeeze %dma_start3A_187 : memref<1x1x128xi32, #tpu.memory_space<vmem>> -> memref<128xi32, #tpu.memory_space<vmem>>
    %dma_start3A_189 = arith.constant 0 : i32
    %dma_start3A_190 = arith.constant 0 : i32
    %dma_start3A_191 = tpu.memref_slice %arg10[%dma_start3A_189, %dma_start3A_190] : memref<10240x128xf32, #tpu.memory_space<vmem_shared>> -> memref<10240x128xf32, #tpu.memory_space<vmem_shared>>
    tpu.enqueue_indirect_dma source(%arg8 : memref<128x128xf32, #tpu.memory_space<vmem>>) target(%dma_start3A_191 : memref<10240x128xf32, #tpu.memory_space<vmem_shared>>) offsets(%dma_start3A_188 : memref<128xi32, #tpu.memory_space<vmem>>) semaphore(%arg15 : memref<!tpu.dma_semaphore, #tpu.memory_space<semaphore_mem>>) {add = true}
    %dma_wait3A_192 = arith.constant 0 : i32
    %dma_wait3A_193 = arith.constant 1 : i32
    %dma_wait3A_194 = arith.constant 0 : i32
    %dma_wait3A_195 = tpu.memref_slice %arg6[%dma_wait3A_192, %dma_wait3A_193, %dma_wait3A_194] : memref<2x2x128xi32, #tpu.memory_space<vmem>> -> memref<1x1x128xi32, #tpu.memory_space<vmem>>
    %dma_wait3A_196 = tpu.memref_squeeze %dma_wait3A_195 : memref<1x1x128xi32, #tpu.memory_space<vmem>> -> memref<128xi32, #tpu.memory_space<vmem>>
    %dma_wait3A_197 = arith.constant 0 : i32
    %dma_wait3A_198 = arith.constant 0 : i32
    %dma_wait3A_199 = tpu.memref_slice %arg10[%dma_wait3A_197, %dma_wait3A_198] : memref<10240x128xf32, #tpu.memory_space<vmem_shared>> -> memref<10240x128xf32, #tpu.memory_space<vmem_shared>>
    tpu.wait_indirect_dma semaphore(%arg15 : memref<!tpu.dma_semaphore, #tpu.memory_space<semaphore_mem>>) src(%arg8 : memref<128x128xf32, #tpu.memory_space<vmem>>) dst(%dma_wait3A_199 : memref<10240x128xf32, #tpu.memory_space<vmem_shared>>)
    %dma_wait3A_200 = arith.constant 1 : i32
    %dma_wait3A_201 = arith.constant 0 : i32
    %dma_wait3A_202 = arith.constant 0 : i32
    %dma_wait3A_203 = tpu.memref_slice %arg6[%dma_wait3A_200, %dma_wait3A_201, %dma_wait3A_202] : memref<2x2x128xi32, #tpu.memory_space<vmem>> -> memref<1x1x128xi32, #tpu.memory_space<vmem>>
    %dma_wait3A_204 = tpu.memref_squeeze %dma_wait3A_203 : memref<1x1x128xi32, #tpu.memory_space<vmem>> -> memref<128xi32, #tpu.memory_space<vmem>>
    %dma_wait3A_205 = arith.constant 0 : i32
    %dma_wait3A_206 = arith.constant 0 : i32
    %dma_wait3A_207 = tpu.memref_slice %arg2[%dma_wait3A_205, %dma_wait3A_206] : memref<10000x128xf32, #tpu.memory_space<hbm>> -> memref<10000x128xf32, #tpu.memory_space<hbm>>
    tpu.wait_indirect_dma semaphore(%arg14 : memref<!tpu.dma_semaphore, #tpu.memory_space<semaphore_mem>>) src(%dma_wait3A_207 : memref<10000x128xf32, #tpu.memory_space<hbm>>) dst(%arg9 : memref<128x128xf32, #tpu.memory_space<vmem>>)
    %dma_start3A_208 = arith.constant 1 : i32
    %dma_start3A_209 = arith.constant 1 : i32
    %dma_start3A_210 = arith.constant 0 : i32
    %dma_start3A_211 = tpu.memref_slice %arg6[%dma_start3A_208, %dma_start3A_209, %dma_start3A_210] : memref<2x2x128xi32, #tpu.memory_space<vmem>> -> memref<1x1x128xi32, #tpu.memory_space<vmem>>
    %dma_start3A_212 = tpu.memref_squeeze %dma_start3A_211 : memref<1x1x128xi32, #tpu.memory_space<vmem>> -> memref<128xi32, #tpu.memory_space<vmem>>
    %dma_start3A_213 = arith.constant 0 : i32
    %dma_start3A_214 = arith.constant 0 : i32
    %dma_start3A_215 = tpu.memref_slice %arg10[%dma_start3A_213, %dma_start3A_214] : memref<10240x128xf32, #tpu.memory_space<vmem_shared>> -> memref<10240x128xf32, #tpu.memory_space<vmem_shared>>
    tpu.enqueue_indirect_dma source(%arg9 : memref<128x128xf32, #tpu.memory_space<vmem>>) target(%dma_start3A_215 : memref<10240x128xf32, #tpu.memory_space<vmem_shared>>) offsets(%dma_start3A_212 : memref<128xi32, #tpu.memory_space<vmem>>) semaphore(%arg16 : memref<!tpu.dma_semaphore, #tpu.memory_space<semaphore_mem>>) {add = true}
    %dma_wait3A_216 = arith.constant 1 : i32
    %dma_wait3A_217 = arith.constant 1 : i32
    %dma_wait3A_218 = arith.constant 0 : i32
    %dma_wait3A_219 = tpu.memref_slice %arg6[%dma_wait3A_216, %dma_wait3A_217, %dma_wait3A_218] : memref<2x2x128xi32, #tpu.memory_space<vmem>> -> memref<1x1x128xi32, #tpu.memory_space<vmem>>
    %dma_wait3A_220 = tpu.memref_squeeze %dma_wait3A_219 : memref<1x1x128xi32, #tpu.memory_space<vmem>> -> memref<128xi32, #tpu.memory_space<vmem>>
    %dma_wait3A_221 = arith.constant 0 : i32
    %dma_wait3A_222 = arith.constant 0 : i32
    %dma_wait3A_223 = tpu.memref_slice %arg10[%dma_wait3A_221, %dma_wait3A_222] : memref<10240x128xf32, #tpu.memory_space<vmem_shared>> -> memref<10240x128xf32, #tpu.memory_space<vmem_shared>>
    tpu.wait_indirect_dma semaphore(%arg16 : memref<!tpu.dma_semaphore, #tpu.memory_space<semaphore_mem>>) src(%arg9 : memref<128x128xf32, #tpu.memory_space<vmem>>) dst(%dma_wait3A_223 : memref<10240x128xf32, #tpu.memory_space<vmem_shared>>)
    %dma_wait3A_224 = arith.constant 0 : i32
    %dma_wait3A_225 = arith.constant 0 : i32
    %dma_wait3A_226 = tpu.memref_slice %arg7[%dma_wait3A_224, %dma_wait3A_225] : memref<2x16xi32, #tpu.memory_space<vmem>> -> memref<1x16xi32, #tpu.memory_space<vmem>>
    %dma_wait3A_227 = tpu.memref_squeeze %dma_wait3A_226 : memref<1x16xi32, #tpu.memory_space<vmem>> -> memref<16xi32, #tpu.memory_space<vmem>>
    %dma_wait3A_228 = arith.constant 0 : i32
    %dma_wait3A_229 = tpu.memref_slice %arg3[%dma_wait3A_228] : memref<640000xi32, #tpu.memory_space<hbm>> -> memref<16xi32, #tpu.memory_space<hbm>>
    %dma_wait3A_230 = arith.constant 0 : i32
    %dma_wait3A_231 = tpu.memref_slice %arg7[%dma_wait3A_224, %dma_wait3A_230] : memref<2x16xi32, #tpu.memory_space<vmem>> -> memref<1x16xi32, #tpu.memory_space<vmem>>
    %dma_wait3A_232 = tpu.memref_squeeze %dma_wait3A_231 : memref<1x16xi32, #tpu.memory_space<vmem>> -> memref<16xi32, #tpu.memory_space<vmem>>
    %dma_wait3A_233 = arith.constant 0 : i32
    %dma_wait3A_234 = tpu.memref_slice %arg3[%dma_wait3A_233] : memref<640000xi32, #tpu.memory_space<hbm>> -> memref<16xi32, #tpu.memory_space<hbm>>
    tpu.wait_dma2 semaphore(%arg11 : memref<!tpu.dma_semaphore, #tpu.memory_space<semaphore_mem>>) src(%dma_wait3A_234 : memref<16xi32, #tpu.memory_space<hbm>>) dst(%dma_wait3A_232 : memref<16xi32, #tpu.memory_space<vmem>>)
    %dma_wait3A_235 = arith.constant 1 : i32
    %dma_wait3A_236 = arith.constant 0 : i32
    %dma_wait3A_237 = tpu.memref_slice %arg7[%dma_wait3A_235, %dma_wait3A_236] : memref<2x16xi32, #tpu.memory_space<vmem>> -> memref<1x16xi32, #tpu.memory_space<vmem>>
    %dma_wait3A_238 = tpu.memref_squeeze %dma_wait3A_237 : memref<1x16xi32, #tpu.memory_space<vmem>> -> memref<16xi32, #tpu.memory_space<vmem>>
    %dma_wait3A_239 = arith.constant 0 : i32
    %dma_wait3A_240 = tpu.memref_slice %arg3[%dma_wait3A_239] : memref<640000xi32, #tpu.memory_space<hbm>> -> memref<16xi32, #tpu.memory_space<hbm>>
    %dma_wait3A_241 = arith.constant 0 : i32
    %dma_wait3A_242 = tpu.memref_slice %arg7[%dma_wait3A_235, %dma_wait3A_241] : memref<2x16xi32, #tpu.memory_space<vmem>> -> memref<1x16xi32, #tpu.memory_space<vmem>>
    %dma_wait3A_243 = tpu.memref_squeeze %dma_wait3A_242 : memref<1x16xi32, #tpu.memory_space<vmem>> -> memref<16xi32, #tpu.memory_space<vmem>>
    %dma_wait3A_244 = arith.constant 0 : i32
    %dma_wait3A_245 = tpu.memref_slice %arg3[%dma_wait3A_244] : memref<640000xi32, #tpu.memory_space<hbm>> -> memref<16xi32, #tpu.memory_space<hbm>>
    tpu.wait_dma2 semaphore(%arg11 : memref<!tpu.dma_semaphore, #tpu.memory_space<semaphore_mem>>) src(%dma_wait3A_245 : memref<16xi32, #tpu.memory_space<hbm>>) dst(%dma_wait3A_243 : memref<16xi32, #tpu.memory_space<vmem>>)
    %dma_start3A_246 = arith.constant 0 : i32
    %dma_start3A_247 = arith.constant 0 : i32
    %dma_start3A_248 = arith.constant 0 : i32
    %dma_start3A_249 = tpu.memref_slice %arg8[%dma_start3A_247, %dma_start3A_248] : memref<128x128xf32, #tpu.memory_space<vmem>> -> memref<16x128xf32, #tpu.memory_space<vmem>>
    %dma_start3A_250 = arith.constant 0 : i32
    %dma_start3A_251 = tpu.memref_slice %arg7[%dma_start3A_246, %dma_start3A_250] : memref<2x16xi32, #tpu.memory_space<vmem>> -> memref<1x16xi32, #tpu.memory_space<vmem>>
    %dma_start3A_252 = tpu.memref_squeeze %dma_start3A_251 : memref<1x16xi32, #tpu.memory_space<vmem>> -> memref<16xi32, #tpu.memory_space<vmem>>
    %dma_start3A_253 = arith.constant 0 : i32
    %dma_start3A_254 = arith.constant 0 : i32
    %dma_start3A_255 = tpu.memref_slice %arg2[%dma_start3A_253, %dma_start3A_254] : memref<10000x128xf32, #tpu.memory_space<hbm>> -> memref<10000x128xf32, #tpu.memory_space<hbm>>
    tpu.enqueue_indirect_dma source(%dma_start3A_255 : memref<10000x128xf32, #tpu.memory_space<hbm>>) target(%dma_start3A_249 : memref<16x128xf32, #tpu.memory_space<vmem>>) offsets(%dma_start3A_252 : memref<16xi32, #tpu.memory_space<vmem>>) semaphore(%arg13 : memref<!tpu.dma_semaphore, #tpu.memory_space<semaphore_mem>>)
    %dma_wait3A_256 = arith.constant 0 : i32
    %dma_wait3A_257 = arith.constant 0 : i32
    %dma_wait3A_258 = arith.constant 0 : i32
    %dma_wait3A_259 = tpu.memref_slice %arg8[%dma_wait3A_257, %dma_wait3A_258] : memref<128x128xf32, #tpu.memory_space<vmem>> -> memref<16x128xf32, #tpu.memory_space<vmem>>
    %dma_wait3A_260 = arith.constant 0 : i32
    %dma_wait3A_261 = tpu.memref_slice %arg7[%dma_wait3A_256, %dma_wait3A_260] : memref<2x16xi32, #tpu.memory_space<vmem>> -> memref<1x16xi32, #tpu.memory_space<vmem>>
    %dma_wait3A_262 = tpu.memref_squeeze %dma_wait3A_261 : memref<1x16xi32, #tpu.memory_space<vmem>> -> memref<16xi32, #tpu.memory_space<vmem>>
    %dma_wait3A_263 = arith.constant 0 : i32
    %dma_wait3A_264 = arith.constant 0 : i32
    %dma_wait3A_265 = tpu.memref_slice %arg2[%dma_wait3A_263, %dma_wait3A_264] : memref<10000x128xf32, #tpu.memory_space<hbm>> -> memref<10000x128xf32, #tpu.memory_space<hbm>>
    tpu.wait_indirect_dma semaphore(%arg13 : memref<!tpu.dma_semaphore, #tpu.memory_space<semaphore_mem>>) src(%dma_wait3A_265 : memref<10000x128xf32, #tpu.memory_space<hbm>>) dst(%dma_wait3A_259 : memref<16x128xf32, #tpu.memory_space<vmem>>)
    %dma_start3A_266 = arith.constant 1 : i32
    %dma_start3A_267 = arith.constant 0 : i32
    %dma_start3A_268 = arith.constant 0 : i32
    %dma_start3A_269 = tpu.memref_slice %arg8[%dma_start3A_267, %dma_start3A_268] : memref<128x128xf32, #tpu.memory_space<vmem>> -> memref<16x128xf32, #tpu.memory_space<vmem>>
    %dma_start3A_270 = arith.constant 0 : i32
    %dma_start3A_271 = tpu.memref_slice %arg7[%dma_start3A_266, %dma_start3A_270] : memref<2x16xi32, #tpu.memory_space<vmem>> -> memref<1x16xi32, #tpu.memory_space<vmem>>
    %dma_start3A_272 = tpu.memref_squeeze %dma_start3A_271 : memref<1x16xi32, #tpu.memory_space<vmem>> -> memref<16xi32, #tpu.memory_space<vmem>>
    %dma_start3A_273 = arith.constant 0 : i32
    %dma_start3A_274 = arith.constant 0 : i32
    %dma_start3A_275 = tpu.memref_slice %arg10[%dma_start3A_273, %dma_start3A_274] : memref<10240x128xf32, #tpu.memory_space<vmem_shared>> -> memref<10240x128xf32, #tpu.memory_space<vmem_shared>>
    tpu.enqueue_indirect_dma source(%dma_start3A_269 : memref<16x128xf32, #tpu.memory_space<vmem>>) target(%dma_start3A_275 : memref<10240x128xf32, #tpu.memory_space<vmem_shared>>) offsets(%dma_start3A_272 : memref<16xi32, #tpu.memory_space<vmem>>) semaphore(%arg15 : memref<!tpu.dma_semaphore, #tpu.memory_space<semaphore_mem>>) {add = true}
    %dma_wait3A_276 = arith.constant 1 : i32
    %dma_wait3A_277 = arith.constant 0 : i32
    %dma_wait3A_278 = arith.constant 0 : i32
    %dma_wait3A_279 = tpu.memref_slice %arg8[%dma_wait3A_277, %dma_wait3A_278] : memref<128x128xf32, #tpu.memory_space<vmem>> -> memref<16x128xf32, #tpu.memory_space<vmem>>
    %dma_wait3A_280 = arith.constant 0 : i32
    %dma_wait3A_281 = tpu.memref_slice %arg7[%dma_wait3A_276, %dma_wait3A_280] : memref<2x16xi32, #tpu.memory_space<vmem>> -> memref<1x16xi32, #tpu.memory_space<vmem>>
    %dma_wait3A_282 = tpu.memref_squeeze %dma_wait3A_281 : memref<1x16xi32, #tpu.memory_space<vmem>> -> memref<16xi32, #tpu.memory_space<vmem>>
    %dma_wait3A_283 = arith.constant 0 : i32
    %dma_wait3A_284 = arith.constant 0 : i32
    %dma_wait3A_285 = tpu.memref_slice %arg10[%dma_wait3A_283, %dma_wait3A_284] : memref<10240x128xf32, #tpu.memory_space<vmem_shared>> -> memref<10240x128xf32, #tpu.memory_space<vmem_shared>>
    tpu.wait_indirect_dma semaphore(%arg15 : memref<!tpu.dma_semaphore, #tpu.memory_space<semaphore_mem>>) src(%dma_wait3A_279 : memref<16x128xf32, #tpu.memory_space<vmem>>) dst(%dma_wait3A_285 : memref<10240x128xf32, #tpu.memory_space<vmem_shared>>)
    %barrier3A_286 = arith.constant 0 : index
    tpu.barrier barrier_id(%barrier3A_286)
    %mul3A_287 = arith.constant 5 : i32
    %mul3A_288 = arith.muli %arg1, %mul3A_287 : i32
    %add3A_289 = arith.constant 0 : i32
    %add3A_290 = arith.addi %mul3A_288, %add3A_289 : i32
    %mul3A_291 = arith.constant 128 : i32
    %mul3A_292 = arith.muli %add3A_290, %mul3A_291 : i32
    %mul3A_293 = arith.constant 10400 : i32
    %mul3A_294 = arith.muli %arg0, %mul3A_293 : i32
    %add3A_295 = arith.addi %mul3A_294, %mul3A_292 : i32
    "tpu.region"() ({
      %run_scoped3A = tpu.sem_alloc : memref<!tpu.dma_semaphore, #tpu.memory_space<semaphore_mem>>
      %dma_start3A_332 = arith.constant 0 : i32
      %dma_start3A_333 = tpu.memref_slice %arg5[%add3A_295, %dma_start3A_332] : memref<20640x128xf32, #tpu.memory_space<hbm>> -> memref<128x128xf32, #tpu.memory_space<hbm>>
      %dma_start3A_334 = arith.constant 0 : i32
      %dma_start3A_335 = tpu.memref_slice %arg10[%mul3A_292, %dma_start3A_334] : memref<10240x128xf32, #tpu.memory_space<vmem_shared>> -> memref<128x128xf32, #tpu.memory_space<vmem_shared>>
      tpu.enqueue_dma source(%dma_start3A_335 : memref<128x128xf32, #tpu.memory_space<vmem_shared>>) target(%dma_start3A_333 : memref<128x128xf32, #tpu.memory_space<hbm>>) target_semaphore(%run_scoped3A : memref<!tpu.dma_semaphore, #tpu.memory_space<semaphore_mem>>)
      %dma_wait3A_336 = arith.constant 0 : i32
      %dma_wait3A_337 = tpu.memref_slice %arg5[%add3A_295, %dma_wait3A_336] : memref<20640x128xf32, #tpu.memory_space<hbm>> -> memref<128x128xf32, #tpu.memory_space<hbm>>
      %dma_wait3A_338 = arith.constant 0 : i32
      %dma_wait3A_339 = tpu.memref_slice %arg10[%mul3A_292, %dma_wait3A_338] : memref<10240x128xf32, #tpu.memory_space<vmem_shared>> -> memref<128x128xf32, #tpu.memory_space<vmem_shared>>
      tpu.wait_dma2 semaphore(%run_scoped3A : memref<!tpu.dma_semaphore, #tpu.memory_space<semaphore_mem>>) src(%dma_wait3A_339 : memref<128x128xf32, #tpu.memory_space<vmem_shared>>) dst(%dma_wait3A_337 : memref<128x128xf32, #tpu.memory_space<hbm>>)
      tpu.yield
    }) : () -> ()
    %mul3A_296 = arith.constant 5 : i32
    %mul3A_297 = arith.muli %arg1, %mul3A_296 : i32
    %add3A_298 = arith.constant 1 : i32
    %add3A_299 = arith.addi %mul3A_297, %add3A_298 : i32
    %mul3A_300 = arith.constant 128 : i32
    %mul3A_301 = arith.muli %add3A_299, %mul3A_300 : i32
    %mul3A_302 = arith.constant 10400 : i32
    %mul3A_303 = arith.muli %arg0, %mul3A_302 : i32
    %add3A_304 = arith.addi %mul3A_303, %mul3A_301 : i32
    "tpu.region"() ({
      %run_scoped3A = tpu.sem_alloc : memref<!tpu.dma_semaphore, #tpu.memory_space<semaphore_mem>>
      %dma_start3A_332 = arith.constant 0 : i32
      %dma_start3A_333 = tpu.memref_slice %arg5[%add3A_304, %dma_start3A_332] : memref<20640x128xf32, #tpu.memory_space<hbm>> -> memref<128x128xf32, #tpu.memory_space<hbm>>
      %dma_start3A_334 = arith.constant 0 : i32
      %dma_start3A_335 = tpu.memref_slice %arg10[%mul3A_301, %dma_start3A_334] : memref<10240x128xf32, #tpu.memory_space<vmem_shared>> -> memref<128x128xf32, #tpu.memory_space<vmem_shared>>
      tpu.enqueue_dma source(%dma_start3A_335 : memref<128x128xf32, #tpu.memory_space<vmem_shared>>) target(%dma_start3A_333 : memref<128x128xf32, #tpu.memory_space<hbm>>) target_semaphore(%run_scoped3A : memref<!tpu.dma_semaphore, #tpu.memory_space<semaphore_mem>>)
      %dma_wait3A_336 = arith.constant 0 : i32
      %dma_wait3A_337 = tpu.memref_slice %arg5[%add3A_304, %dma_wait3A_336] : memref<20640x128xf32, #tpu.memory_space<hbm>> -> memref<128x128xf32, #tpu.memory_space<hbm>>
      %dma_wait3A_338 = arith.constant 0 : i32
      %dma_wait3A_339 = tpu.memref_slice %arg10[%mul3A_301, %dma_wait3A_338] : memref<10240x128xf32, #tpu.memory_space<vmem_shared>> -> memref<128x128xf32, #tpu.memory_space<vmem_shared>>
      tpu.wait_dma2 semaphore(%run_scoped3A : memref<!tpu.dma_semaphore, #tpu.memory_space<semaphore_mem>>) src(%dma_wait3A_339 : memref<128x128xf32, #tpu.memory_space<vmem_shared>>) dst(%dma_wait3A_337 : memref<128x128xf32, #tpu.memory_space<hbm>>)
      tpu.yield
    }) : () -> ()
    %mul3A_305 = arith.constant 5 : i32
    %mul3A_306 = arith.muli %arg1, %mul3A_305 : i32
    %add3A_307 = arith.constant 2 : i32
    %add3A_308 = arith.addi %mul3A_306, %add3A_307 : i32
    %mul3A_309 = arith.constant 128 : i32
    %mul3A_310 = arith.muli %add3A_308, %mul3A_309 : i32
    %mul3A_311 = arith.constant 10400 : i32
    %mul3A_312 = arith.muli %arg0, %mul3A_311 : i32
    %add3A_313 = arith.addi %mul3A_312, %mul3A_310 : i32
    "tpu.region"() ({
      %run_scoped3A = tpu.sem_alloc : memref<!tpu.dma_semaphore, #tpu.memory_space<semaphore_mem>>
      %dma_start3A_332 = arith.constant 0 : i32
      %dma_start3A_333 = tpu.memref_slice %arg5[%add3A_313, %dma_start3A_332] : memref<20640x128xf32, #tpu.memory_space<hbm>> -> memref<128x128xf32, #tpu.memory_space<hbm>>
      %dma_start3A_334 = arith.constant 0 : i32
      %dma_start3A_335 = tpu.memref_slice %arg10[%mul3A_310, %dma_start3A_334] : memref<10240x128xf32, #tpu.memory_space<vmem_shared>> -> memref<128x128xf32, #tpu.memory_space<vmem_shared>>
      tpu.enqueue_dma source(%dma_start3A_335 : memref<128x128xf32, #tpu.memory_space<vmem_shared>>) target(%dma_start3A_333 : memref<128x128xf32, #tpu.memory_space<hbm>>) target_semaphore(%run_scoped3A : memref<!tpu.dma_semaphore, #tpu.memory_space<semaphore_mem>>)
      %dma_wait3A_336 = arith.constant 0 : i32
      %dma_wait3A_337 = tpu.memref_slice %arg5[%add3A_313, %dma_wait3A_336] : memref<20640x128xf32, #tpu.memory_space<hbm>> -> memref<128x128xf32, #tpu.memory_space<hbm>>
      %dma_wait3A_338 = arith.constant 0 : i32
      %dma_wait3A_339 = tpu.memref_slice %arg10[%mul3A_310, %dma_wait3A_338] : memref<10240x128xf32, #tpu.memory_space<vmem_shared>> -> memref<128x128xf32, #tpu.memory_space<vmem_shared>>
      tpu.wait_dma2 semaphore(%run_scoped3A : memref<!tpu.dma_semaphore, #tpu.memory_space<semaphore_mem>>) src(%dma_wait3A_339 : memref<128x128xf32, #tpu.memory_space<vmem_shared>>) dst(%dma_wait3A_337 : memref<128x128xf32, #tpu.memory_space<hbm>>)
      tpu.yield
    }) : () -> ()
    %mul3A_314 = arith.constant 5 : i32
    %mul3A_315 = arith.muli %arg1, %mul3A_314 : i32
    %add3A_316 = arith.constant 3 : i32
    %add3A_317 = arith.addi %mul3A_315, %add3A_316 : i32
    %mul3A_318 = arith.constant 128 : i32
    %mul3A_319 = arith.muli %add3A_317, %mul3A_318 : i32
    %mul3A_320 = arith.constant 10400 : i32
    %mul3A_321 = arith.muli %arg0, %mul3A_320 : i32
    %add3A_322 = arith.addi %mul3A_321, %mul3A_319 : i32
    "tpu.region"() ({
      %run_scoped3A = tpu.sem_alloc : memref<!tpu.dma_semaphore, #tpu.memory_space<semaphore_mem>>
      %dma_start3A_332 = arith.constant 0 : i32
      %dma_start3A_333 = tpu.memref_slice %arg5[%add3A_322, %dma_start3A_332] : memref<20640x128xf32, #tpu.memory_space<hbm>> -> memref<128x128xf32, #tpu.memory_space<hbm>>
      %dma_start3A_334 = arith.constant 0 : i32
      %dma_start3A_335 = tpu.memref_slice %arg10[%mul3A_319, %dma_start3A_334] : memref<10240x128xf32, #tpu.memory_space<vmem_shared>> -> memref<128x128xf32, #tpu.memory_space<vmem_shared>>
      tpu.enqueue_dma source(%dma_start3A_335 : memref<128x128xf32, #tpu.memory_space<vmem_shared>>) target(%dma_start3A_333 : memref<128x128xf32, #tpu.memory_space<hbm>>) target_semaphore(%run_scoped3A : memref<!tpu.dma_semaphore, #tpu.memory_space<semaphore_mem>>)
      %dma_wait3A_336 = arith.constant 0 : i32
      %dma_wait3A_337 = tpu.memref_slice %arg5[%add3A_322, %dma_wait3A_336] : memref<20640x128xf32, #tpu.memory_space<hbm>> -> memref<128x128xf32, #tpu.memory_space<hbm>>
      %dma_wait3A_338 = arith.constant 0 : i32
      %dma_wait3A_339 = tpu.memref_slice %arg10[%mul3A_319, %dma_wait3A_338] : memref<10240x128xf32, #tpu.memory_space<vmem_shared>> -> memref<128x128xf32, #tpu.memory_space<vmem_shared>>
      tpu.wait_dma2 semaphore(%run_scoped3A : memref<!tpu.dma_semaphore, #tpu.memory_space<semaphore_mem>>) src(%dma_wait3A_339 : memref<128x128xf32, #tpu.memory_space<vmem_shared>>) dst(%dma_wait3A_337 : memref<128x128xf32, #tpu.memory_space<hbm>>)
      tpu.yield
    }) : () -> ()
    %mul3A_323 = arith.constant 5 : i32
    %mul3A_324 = arith.muli %arg1, %mul3A_323 : i32
    %add3A_325 = arith.constant 4 : i32
    %add3A_326 = arith.addi %mul3A_324, %add3A_325 : i32
    %mul3A_327 = arith.constant 128 : i32
    %mul3A_328 = arith.muli %add3A_326, %mul3A_327 : i32
    %mul3A_329 = arith.constant 10400 : i32
    %mul3A_330 = arith.muli %arg0, %mul3A_329 : i32
    %add3A_331 = arith.addi %mul3A_330, %mul3A_328 : i32
    "tpu.region"() ({
      %run_scoped3A = tpu.sem_alloc : memref<!tpu.dma_semaphore, #tpu.memory_space<semaphore_mem>>
      %dma_start3A_332 = arith.constant 0 : i32
      %dma_start3A_333 = tpu.memref_slice %arg5[%add3A_331, %dma_start3A_332] : memref<20640x128xf32, #tpu.memory_space<hbm>> -> memref<128x128xf32, #tpu.memory_space<hbm>>
      %dma_start3A_334 = arith.constant 0 : i32
      %dma_start3A_335 = tpu.memref_slice %arg10[%mul3A_328, %dma_start3A_334] : memref<10240x128xf32, #tpu.memory_space<vmem_shared>> -> memref<128x128xf32, #tpu.memory_space<vmem_shared>>
      tpu.enqueue_dma source(%dma_start3A_335 : memref<128x128xf32, #tpu.memory_space<vmem_shared>>) target(%dma_start3A_333 : memref<128x128xf32, #tpu.memory_space<hbm>>) target_semaphore(%run_scoped3A : memref<!tpu.dma_semaphore, #tpu.memory_space<semaphore_mem>>)
      %dma_wait3A_336 = arith.constant 0 : i32
      %dma_wait3A_337 = tpu.memref_slice %arg5[%add3A_331, %dma_wait3A_336] : memref<20640x128xf32, #tpu.memory_space<hbm>> -> memref<128x128xf32, #tpu.memory_space<hbm>>
      %dma_wait3A_338 = arith.constant 0 : i32
      %dma_wait3A_339 = tpu.memref_slice %arg10[%mul3A_328, %dma_wait3A_338] : memref<10240x128xf32, #tpu.memory_space<vmem_shared>> -> memref<128x128xf32, #tpu.memory_space<vmem_shared>>
      tpu.wait_dma2 semaphore(%run_scoped3A : memref<!tpu.dma_semaphore, #tpu.memory_space<semaphore_mem>>) src(%dma_wait3A_339 : memref<128x128xf32, #tpu.memory_space<vmem_shared>>) dst(%dma_wait3A_337 : memref<128x128xf32, #tpu.memory_space<hbm>>)
      tpu.yield
    }) : () -> ()
    return
  }
}

#map = affine_map<(d0, d1) -> (0, 0)>
#map1 = affine_map<(d0, d1) -> (0)>
module attributes {stable_mosaic.version = 14 : i64} {
  func.func @_agg_body(%arg0: i32, %arg1: i32, %arg2: memref<10000x128xf32, #tpu.memory_space<hbm>>, %arg3: memref<640000xi32, #tpu.memory_space<hbm>>, %arg4: memref<128x128xf32, #tpu.memory_space<hbm>>, %arg5: memref<20640x128xf32, #tpu.memory_space<hbm>>, %arg6: memref<2x2x128xi32, #tpu.memory_space<vmem>>, %arg7: memref<2x16xi32, #tpu.memory_space<vmem>>, %arg8: memref<128x128xf32, #tpu.memory_space<vmem>>, %arg9: memref<128x128xf32, #tpu.memory_space<vmem>>, %arg10: memref<10240x128xf32, #tpu.memory_space<vmem_shared>>, %arg11: memref<!tpu.dma_semaphore, #tpu.memory_space<semaphore_mem>>, %arg12: memref<!tpu.dma_semaphore, #tpu.memory_space<semaphore_mem>>, %arg13: memref<!tpu.dma_semaphore, #tpu.memory_space<semaphore_mem>>, %arg14: memref<!tpu.dma_semaphore, #tpu.memory_space<semaphore_mem>>, %arg15: memref<!tpu.dma_semaphore, #tpu.memory_space<semaphore_mem>>, %arg16: memref<!tpu.dma_semaphore, #tpu.memory_space<semaphore_mem>>) attributes {dimension_semantics = [#tpu.dimension_semantics<core_parallel>, #tpu.dimension_semantics<subcore_parallel>], iteration_bounds = array<i64: 2, 16>, scalar_prefetch = 0 : i64, scratch_operands = 11 : i64, tpu.core_type = #tpu.core_type<sc_vector_subcore>, window_params = [{transform_indices = #map}, {transform_indices = #map1}, {transform_indices = #map}, {transform_indices = #map}]} {
    %mul3A = arith.constant 16 : i32
    %mul3A_0 = arith.muli %arg0, %mul3A : i32
    %add3A = arith.addi %mul3A_0, %arg1 : i32
    %mul3A_1 = arith.constant 10000 : i32
    %mul3A_2 = arith.muli %add3A, %mul3A_1 : i32
    %add3A_3 = arith.constant 0 : i32
    %add3A_4 = arith.addi %mul3A_2, %add3A_3 : i32
    %dma_start3A = arith.constant 0 : i32
    %dma_start3A_5 = arith.constant 0 : i32
    %dma_start3A_6 = arith.constant 0 : i32
    %dma_start3A_7 = tpu.memref_slice %arg6[%dma_start3A, %dma_start3A_5, %dma_start3A_6] : memref<2x2x128xi32, #tpu.memory_space<vmem>> -> memref<1x1x128xi32, #tpu.memory_space<vmem>>
    %dma_start3A_8 = tpu.memref_squeeze %dma_start3A_7 : memref<1x1x128xi32, #tpu.memory_space<vmem>> -> memref<128xi32, #tpu.memory_space<vmem>>
    %dma_start3A_9 = tpu.memref_slice %arg3[%add3A_4] : memref<640000xi32, #tpu.memory_space<hbm>> -> memref<128xi32, #tpu.memory_space<hbm>>
    %dma_start3A_10 = arith.constant 0 : i32
    %dma_start3A_11 = tpu.memref_slice %arg6[%dma_start3A, %dma_start3A_5, %dma_start3A_10] : memref<2x2x128xi32, #tpu.memory_space<vmem>> -> memref<1x1x128xi32, #tpu.memory_space<vmem>>
    %dma_start3A_12 = tpu.memref_squeeze %dma_start3A_11 : memref<1x1x128xi32, #tpu.memory_space<vmem>> -> memref<128xi32, #tpu.memory_space<vmem>>
    %dma_start3A_13 = tpu.memref_slice %arg3[%add3A_4] : memref<640000xi32, #tpu.memory_space<hbm>> -> memref<128xi32, #tpu.memory_space<hbm>>
    tpu.enqueue_dma source(%dma_start3A_13 : memref<128xi32, #tpu.memory_space<hbm>>) target(%dma_start3A_12 : memref<128xi32, #tpu.memory_space<vmem>>) target_semaphore(%arg11 : memref<!tpu.dma_semaphore, #tpu.memory_space<semaphore_mem>>)
    %add3A_14 = arith.constant 320000 : i32
    %add3A_15 = arith.addi %add3A_14, %mul3A_2 : i32
    %add3A_16 = arith.constant 0 : i32
    %add3A_17 = arith.addi %add3A_15, %add3A_16 : i32
    %dma_start3A_18 = arith.constant 0 : i32
    %dma_start3A_19 = arith.constant 1 : i32
    %dma_start3A_20 = arith.constant 0 : i32
    %dma_start3A_21 = tpu.memref_slice %arg6[%dma_start3A_18, %dma_start3A_19, %dma_start3A_20] : memref<2x2x128xi32, #tpu.memory_space<vmem>> -> memref<1x1x128xi32, #tpu.memory_space<vmem>>
    %dma_start3A_22 = tpu.memref_squeeze %dma_start3A_21 : memref<1x1x128xi32, #tpu.memory_space<vmem>> -> memref<128xi32, #tpu.memory_space<vmem>>
    %dma_start3A_23 = tpu.memref_slice %arg3[%add3A_17] : memref<640000xi32, #tpu.memory_space<hbm>> -> memref<128xi32, #tpu.memory_space<hbm>>
    %dma_start3A_24 = arith.constant 0 : i32
    %dma_start3A_25 = tpu.memref_slice %arg6[%dma_start3A_18, %dma_start3A_19, %dma_start3A_24] : memref<2x2x128xi32, #tpu.memory_space<vmem>> -> memref<1x1x128xi32, #tpu.memory_space<vmem>>
    %dma_start3A_26 = tpu.memref_squeeze %dma_start3A_25 : memref<1x1x128xi32, #tpu.memory_space<vmem>> -> memref<128xi32, #tpu.memory_space<vmem>>
    %dma_start3A_27 = tpu.memref_slice %arg3[%add3A_17] : memref<640000xi32, #tpu.memory_space<hbm>> -> memref<128xi32, #tpu.memory_space<hbm>>
    tpu.enqueue_dma source(%dma_start3A_27 : memref<128xi32, #tpu.memory_space<hbm>>) target(%dma_start3A_26 : memref<128xi32, #tpu.memory_space<vmem>>) target_semaphore(%arg11 : memref<!tpu.dma_semaphore, #tpu.memory_space<semaphore_mem>>)
    %add3A_28 = arith.constant 128 : i32
    %add3A_29 = arith.addi %mul3A_2, %add3A_28 : i32
    %dma_start3A_30 = arith.constant 1 : i32
    %dma_start3A_31 = arith.constant 0 : i32
    %dma_start3A_32 = arith.constant 0 : i32
    %dma_start3A_33 = tpu.memref_slice %arg6[%dma_start3A_30, %dma_start3A_31, %dma_start3A_32] : memref<2x2x128xi32, #tpu.memory_space<vmem>> -> memref<1x1x128xi32, #tpu.memory_space<vmem>>
    %dma_start3A_34 = tpu.memref_squeeze %dma_start3A_33 : memref<1x1x128xi32, #tpu.memory_space<vmem>> -> memref<128xi32, #tpu.memory_space<vmem>>
    %dma_start3A_35 = tpu.memref_slice %arg3[%add3A_29] : memref<640000xi32, #tpu.memory_space<hbm>> -> memref<128xi32, #tpu.memory_space<hbm>>
    %dma_start3A_36 = arith.constant 0 : i32
    %dma_start3A_37 = tpu.memref_slice %arg6[%dma_start3A_30, %dma_start3A_31, %dma_start3A_36] : memref<2x2x128xi32, #tpu.memory_space<vmem>> -> memref<1x1x128xi32, #tpu.memory_space<vmem>>
    %dma_start3A_38 = tpu.memref_squeeze %dma_start3A_37 : memref<1x1x128xi32, #tpu.memory_space<vmem>> -> memref<128xi32, #tpu.memory_space<vmem>>
    %dma_start3A_39 = tpu.memref_slice %arg3[%add3A_29] : memref<640000xi32, #tpu.memory_space<hbm>> -> memref<128xi32, #tpu.memory_space<hbm>>
    tpu.enqueue_dma source(%dma_start3A_39 : memref<128xi32, #tpu.memory_space<hbm>>) target(%dma_start3A_38 : memref<128xi32, #tpu.memory_space<vmem>>) target_semaphore(%arg12 : memref<!tpu.dma_semaphore, #tpu.memory_space<semaphore_mem>>)
    %add3A_40 = arith.constant 320000 : i32
    %add3A_41 = arith.addi %add3A_40, %mul3A_2 : i32
    %add3A_42 = arith.constant 128 : i32
    %add3A_43 = arith.addi %add3A_41, %add3A_42 : i32
    %dma_start3A_44 = arith.constant 1 : i32
    %dma_start3A_45 = arith.constant 1 : i32
    %dma_start3A_46 = arith.constant 0 : i32
    %dma_start3A_47 = tpu.memref_slice %arg6[%dma_start3A_44, %dma_start3A_45, %dma_start3A_46] : memref<2x2x128xi32, #tpu.memory_space<vmem>> -> memref<1x1x128xi32, #tpu.memory_space<vmem>>
    %dma_start3A_48 = tpu.memref_squeeze %dma_start3A_47 : memref<1x1x128xi32, #tpu.memory_space<vmem>> -> memref<128xi32, #tpu.memory_space<vmem>>
    %dma_start3A_49 = tpu.memref_slice %arg3[%add3A_43] : memref<640000xi32, #tpu.memory_space<hbm>> -> memref<128xi32, #tpu.memory_space<hbm>>
    %dma_start3A_50 = arith.constant 0 : i32
    %dma_start3A_51 = tpu.memref_slice %arg6[%dma_start3A_44, %dma_start3A_45, %dma_start3A_50] : memref<2x2x128xi32, #tpu.memory_space<vmem>> -> memref<1x1x128xi32, #tpu.memory_space<vmem>>
    %dma_start3A_52 = tpu.memref_squeeze %dma_start3A_51 : memref<1x1x128xi32, #tpu.memory_space<vmem>> -> memref<128xi32, #tpu.memory_space<vmem>>
    %dma_start3A_53 = tpu.memref_slice %arg3[%add3A_43] : memref<640000xi32, #tpu.memory_space<hbm>> -> memref<128xi32, #tpu.memory_space<hbm>>
    tpu.enqueue_dma source(%dma_start3A_53 : memref<128xi32, #tpu.memory_space<hbm>>) target(%dma_start3A_52 : memref<128xi32, #tpu.memory_space<vmem>>) target_semaphore(%arg12 : memref<!tpu.dma_semaphore, #tpu.memory_space<semaphore_mem>>)
    %dma_wait3A = arith.constant 0 : i32
    %dma_wait3A_54 = arith.constant 0 : i32
    %dma_wait3A_55 = arith.constant 0 : i32
    %dma_wait3A_56 = tpu.memref_slice %arg6[%dma_wait3A, %dma_wait3A_54, %dma_wait3A_55] : memref<2x2x128xi32, #tpu.memory_space<vmem>> -> memref<1x1x128xi32, #tpu.memory_space<vmem>>
    %dma_wait3A_57 = tpu.memref_squeeze %dma_wait3A_56 : memref<1x1x128xi32, #tpu.memory_space<vmem>> -> memref<128xi32, #tpu.memory_space<vmem>>
    %dma_wait3A_58 = arith.constant 0 : i32
    %dma_wait3A_59 = tpu.memref_slice %arg3[%dma_wait3A_58] : memref<640000xi32, #tpu.memory_space<hbm>> -> memref<128xi32, #tpu.memory_space<hbm>>
    %dma_wait3A_60 = arith.constant 0 : i32
    %dma_wait3A_61 = tpu.memref_slice %arg6[%dma_wait3A, %dma_wait3A_54, %dma_wait3A_60] : memref<2x2x128xi32, #tpu.memory_space<vmem>> -> memref<1x1x128xi32, #tpu.memory_space<vmem>>
    %dma_wait3A_62 = tpu.memref_squeeze %dma_wait3A_61 : memref<1x1x128xi32, #tpu.memory_space<vmem>> -> memref<128xi32, #tpu.memory_space<vmem>>
    %dma_wait3A_63 = arith.constant 0 : i32
    %dma_wait3A_64 = tpu.memref_slice %arg3[%dma_wait3A_63] : memref<640000xi32, #tpu.memory_space<hbm>> -> memref<128xi32, #tpu.memory_space<hbm>>
    tpu.wait_dma2 semaphore(%arg11 : memref<!tpu.dma_semaphore, #tpu.memory_space<semaphore_mem>>) src(%dma_wait3A_64 : memref<128xi32, #tpu.memory_space<hbm>>) dst(%dma_wait3A_62 : memref<128xi32, #tpu.memory_space<vmem>>)
    %dma_wait3A_65 = arith.constant 0 : i32
    %dma_wait3A_66 = arith.constant 1 : i32
    %dma_wait3A_67 = arith.constant 0 : i32
    %dma_wait3A_68 = tpu.memref_slice %arg6[%dma_wait3A_65, %dma_wait3A_66, %dma_wait3A_67] : memref<2x2x128xi32, #tpu.memory_space<vmem>> -> memref<1x1x128xi32, #tpu.memory_space<vmem>>
    %dma_wait3A_69 = tpu.memref_squeeze %dma_wait3A_68 : memref<1x1x128xi32, #tpu.memory_space<vmem>> -> memref<128xi32, #tpu.memory_space<vmem>>
    %dma_wait3A_70 = arith.constant 0 : i32
    %dma_wait3A_71 = tpu.memref_slice %arg3[%dma_wait3A_70] : memref<640000xi32, #tpu.memory_space<hbm>> -> memref<128xi32, #tpu.memory_space<hbm>>
    %dma_wait3A_72 = arith.constant 0 : i32
    %dma_wait3A_73 = tpu.memref_slice %arg6[%dma_wait3A_65, %dma_wait3A_66, %dma_wait3A_72] : memref<2x2x128xi32, #tpu.memory_space<vmem>> -> memref<1x1x128xi32, #tpu.memory_space<vmem>>
    %dma_wait3A_74 = tpu.memref_squeeze %dma_wait3A_73 : memref<1x1x128xi32, #tpu.memory_space<vmem>> -> memref<128xi32, #tpu.memory_space<vmem>>
    %dma_wait3A_75 = arith.constant 0 : i32
    %dma_wait3A_76 = tpu.memref_slice %arg3[%dma_wait3A_75] : memref<640000xi32, #tpu.memory_space<hbm>> -> memref<128xi32, #tpu.memory_space<hbm>>
    tpu.wait_dma2 semaphore(%arg11 : memref<!tpu.dma_semaphore, #tpu.memory_space<semaphore_mem>>) src(%dma_wait3A_76 : memref<128xi32, #tpu.memory_space<hbm>>) dst(%dma_wait3A_74 : memref<128xi32, #tpu.memory_space<vmem>>)
    %dma_start3A_77 = arith.constant 0 : i32
    %dma_start3A_78 = arith.constant 0 : i32
    %dma_start3A_79 = arith.constant 0 : i32
    %dma_start3A_80 = tpu.memref_slice %arg6[%dma_start3A_77, %dma_start3A_78, %dma_start3A_79] : memref<2x2x128xi32, #tpu.memory_space<vmem>> -> memref<1x1x128xi32, #tpu.memory_space<vmem>>
    %dma_start3A_81 = tpu.memref_squeeze %dma_start3A_80 : memref<1x1x128xi32, #tpu.memory_space<vmem>> -> memref<128xi32, #tpu.memory_space<vmem>>
    %dma_start3A_82 = arith.constant 0 : i32
    %dma_start3A_83 = arith.constant 0 : i32
    %dma_start3A_84 = tpu.memref_slice %arg2[%dma_start3A_82, %dma_start3A_83] : memref<10000x128xf32, #tpu.memory_space<hbm>> -> memref<10000x128xf32, #tpu.memory_space<hbm>>
    tpu.enqueue_indirect_dma source(%dma_start3A_84 : memref<10000x128xf32, #tpu.memory_space<hbm>>) target(%arg8 : memref<128x128xf32, #tpu.memory_space<vmem>>) offsets(%dma_start3A_81 : memref<128xi32, #tpu.memory_space<vmem>>) semaphore(%arg13 : memref<!tpu.dma_semaphore, #tpu.memory_space<semaphore_mem>>)
    %mul3A_85 = arith.constant 5 : i32
    %mul3A_86 = arith.muli %arg1, %mul3A_85 : i32
    %add3A_87 = arith.constant 0 : i32
    %add3A_88 = arith.addi %mul3A_86, %add3A_87 : i32
    %mul3A_89 = arith.constant 128 : i32
    %mul3A_90 = arith.muli %add3A_88, %mul3A_89 : i32
    "tpu.region"() ({
      %run_scoped3A = tpu.sem_alloc : memref<!tpu.dma_semaphore, #tpu.memory_space<semaphore_mem>>
      %dma_start3A_332 = arith.constant 0 : i32
      %dma_start3A_333 = tpu.memref_slice %arg10[%mul3A_90, %dma_start3A_332] : memref<10240x128xf32, #tpu.memory_space<vmem_shared>> -> memref<128x128xf32, #tpu.memory_space<vmem_shared>>
      tpu.enqueue_dma source(%arg4 : memref<128x128xf32, #tpu.memory_space<hbm>>) target(%dma_start3A_333 : memref<128x128xf32, #tpu.memory_space<vmem_shared>>) target_semaphore(%run_scoped3A : memref<!tpu.dma_semaphore, #tpu.memory_space<semaphore_mem>>)
      %dma_wait3A_334 = arith.constant 0 : i32
      %dma_wait3A_335 = tpu.memref_slice %arg10[%mul3A_90, %dma_wait3A_334] : memref<10240x128xf32, #tpu.memory_space<vmem_shared>> -> memref<128x128xf32, #tpu.memory_space<vmem_shared>>
      tpu.wait_dma2 semaphore(%run_scoped3A : memref<!tpu.dma_semaphore, #tpu.memory_space<semaphore_mem>>) src(%arg4 : memref<128x128xf32, #tpu.memory_space<hbm>>) dst(%dma_wait3A_335 : memref<128x128xf32, #tpu.memory_space<vmem_shared>>)
      tpu.yield
    }) : () -> ()
    %mul3A_91 = arith.constant 5 : i32
    %mul3A_92 = arith.muli %arg1, %mul3A_91 : i32
    %add3A_93 = arith.constant 1 : i32
    %add3A_94 = arith.addi %mul3A_92, %add3A_93 : i32
    %mul3A_95 = arith.constant 128 : i32
    %mul3A_96 = arith.muli %add3A_94, %mul3A_95 : i32
    "tpu.region"() ({
      %run_scoped3A = tpu.sem_alloc : memref<!tpu.dma_semaphore, #tpu.memory_space<semaphore_mem>>
      %dma_start3A_332 = arith.constant 0 : i32
      %dma_start3A_333 = tpu.memref_slice %arg10[%mul3A_96, %dma_start3A_332] : memref<10240x128xf32, #tpu.memory_space<vmem_shared>> -> memref<128x128xf32, #tpu.memory_space<vmem_shared>>
      tpu.enqueue_dma source(%arg4 : memref<128x128xf32, #tpu.memory_space<hbm>>) target(%dma_start3A_333 : memref<128x128xf32, #tpu.memory_space<vmem_shared>>) target_semaphore(%run_scoped3A : memref<!tpu.dma_semaphore, #tpu.memory_space<semaphore_mem>>)
      %dma_wait3A_334 = arith.constant 0 : i32
      %dma_wait3A_335 = tpu.memref_slice %arg10[%mul3A_96, %dma_wait3A_334] : memref<10240x128xf32, #tpu.memory_space<vmem_shared>> -> memref<128x128xf32, #tpu.memory_space<vmem_shared>>
      tpu.wait_dma2 semaphore(%run_scoped3A : memref<!tpu.dma_semaphore, #tpu.memory_space<semaphore_mem>>) src(%arg4 : memref<128x128xf32, #tpu.memory_space<hbm>>) dst(%dma_wait3A_335 : memref<128x128xf32, #tpu.memory_space<vmem_shared>>)
      tpu.yield
    }) : () -> ()
    %mul3A_97 = arith.constant 5 : i32
    %mul3A_98 = arith.muli %arg1, %mul3A_97 : i32
    %add3A_99 = arith.constant 2 : i32
    %add3A_100 = arith.addi %mul3A_98, %add3A_99 : i32
    %mul3A_101 = arith.constant 128 : i32
    %mul3A_102 = arith.muli %add3A_100, %mul3A_101 : i32
    "tpu.region"() ({
      %run_scoped3A = tpu.sem_alloc : memref<!tpu.dma_semaphore, #tpu.memory_space<semaphore_mem>>
      %dma_start3A_332 = arith.constant 0 : i32
      %dma_start3A_333 = tpu.memref_slice %arg10[%mul3A_102, %dma_start3A_332] : memref<10240x128xf32, #tpu.memory_space<vmem_shared>> -> memref<128x128xf32, #tpu.memory_space<vmem_shared>>
      tpu.enqueue_dma source(%arg4 : memref<128x128xf32, #tpu.memory_space<hbm>>) target(%dma_start3A_333 : memref<128x128xf32, #tpu.memory_space<vmem_shared>>) target_semaphore(%run_scoped3A : memref<!tpu.dma_semaphore, #tpu.memory_space<semaphore_mem>>)
      %dma_wait3A_334 = arith.constant 0 : i32
      %dma_wait3A_335 = tpu.memref_slice %arg10[%mul3A_102, %dma_wait3A_334] : memref<10240x128xf32, #tpu.memory_space<vmem_shared>> -> memref<128x128xf32, #tpu.memory_space<vmem_shared>>
      tpu.wait_dma2 semaphore(%run_scoped3A : memref<!tpu.dma_semaphore, #tpu.memory_space<semaphore_mem>>) src(%arg4 : memref<128x128xf32, #tpu.memory_space<hbm>>) dst(%dma_wait3A_335 : memref<128x128xf32, #tpu.memory_space<vmem_shared>>)
      tpu.yield
    }) : () -> ()
    %mul3A_103 = arith.constant 5 : i32
    %mul3A_104 = arith.muli %arg1, %mul3A_103 : i32
    %add3A_105 = arith.constant 3 : i32
    %add3A_106 = arith.addi %mul3A_104, %add3A_105 : i32
    %mul3A_107 = arith.constant 128 : i32
    %mul3A_108 = arith.muli %add3A_106, %mul3A_107 : i32
    "tpu.region"() ({
      %run_scoped3A = tpu.sem_alloc : memref<!tpu.dma_semaphore, #tpu.memory_space<semaphore_mem>>
      %dma_start3A_332 = arith.constant 0 : i32
      %dma_start3A_333 = tpu.memref_slice %arg10[%mul3A_108, %dma_start3A_332] : memref<10240x128xf32, #tpu.memory_space<vmem_shared>> -> memref<128x128xf32, #tpu.memory_space<vmem_shared>>
      tpu.enqueue_dma source(%arg4 : memref<128x128xf32, #tpu.memory_space<hbm>>) target(%dma_start3A_333 : memref<128x128xf32, #tpu.memory_space<vmem_shared>>) target_semaphore(%run_scoped3A : memref<!tpu.dma_semaphore, #tpu.memory_space<semaphore_mem>>)
      %dma_wait3A_334 = arith.constant 0 : i32
      %dma_wait3A_335 = tpu.memref_slice %arg10[%mul3A_108, %dma_wait3A_334] : memref<10240x128xf32, #tpu.memory_space<vmem_shared>> -> memref<128x128xf32, #tpu.memory_space<vmem_shared>>
      tpu.wait_dma2 semaphore(%run_scoped3A : memref<!tpu.dma_semaphore, #tpu.memory_space<semaphore_mem>>) src(%arg4 : memref<128x128xf32, #tpu.memory_space<hbm>>) dst(%dma_wait3A_335 : memref<128x128xf32, #tpu.memory_space<vmem_shared>>)
      tpu.yield
    }) : () -> ()
    %mul3A_109 = arith.constant 5 : i32
    %mul3A_110 = arith.muli %arg1, %mul3A_109 : i32
    %add3A_111 = arith.constant 4 : i32
    %add3A_112 = arith.addi %mul3A_110, %add3A_111 : i32
    %mul3A_113 = arith.constant 128 : i32
    %mul3A_114 = arith.muli %add3A_112, %mul3A_113 : i32
    "tpu.region"() ({
      %run_scoped3A = tpu.sem_alloc : memref<!tpu.dma_semaphore, #tpu.memory_space<semaphore_mem>>
      %dma_start3A_332 = arith.constant 0 : i32
      %dma_start3A_333 = tpu.memref_slice %arg10[%mul3A_114, %dma_start3A_332] : memref<10240x128xf32, #tpu.memory_space<vmem_shared>> -> memref<128x128xf32, #tpu.memory_space<vmem_shared>>
      tpu.enqueue_dma source(%arg4 : memref<128x128xf32, #tpu.memory_space<hbm>>) target(%dma_start3A_333 : memref<128x128xf32, #tpu.memory_space<vmem_shared>>) target_semaphore(%run_scoped3A : memref<!tpu.dma_semaphore, #tpu.memory_space<semaphore_mem>>)
      %dma_wait3A_334 = arith.constant 0 : i32
      %dma_wait3A_335 = tpu.memref_slice %arg10[%mul3A_114, %dma_wait3A_334] : memref<10240x128xf32, #tpu.memory_space<vmem_shared>> -> memref<128x128xf32, #tpu.memory_space<vmem_shared>>
      tpu.wait_dma2 semaphore(%run_scoped3A : memref<!tpu.dma_semaphore, #tpu.memory_space<semaphore_mem>>) src(%arg4 : memref<128x128xf32, #tpu.memory_space<hbm>>) dst(%dma_wait3A_335 : memref<128x128xf32, #tpu.memory_space<vmem_shared>>)
      tpu.yield
    }) : () -> ()
    %barrier3A = arith.constant 0 : index
    tpu.barrier barrier_id(%barrier3A)
    %scan3A = arith.constant 0 : i32
    %scan3A_115 = arith.constant 0 : i32
    %scan3A_116 = arith.constant 38 : i32
    %scan3A_117 = arith.addi %scan3A_115, %scan3A_116 : i32
    %scan3A_118 = arith.constant 1 : i32
    scf.for %scan3A_332 = %scan3A_115 to %scan3A_117 step %scan3A_118  : i32 {
      %mul3A_333 = arith.constant 2 : i32
      %mul3A_334 = arith.muli %scan3A_332, %mul3A_333 : i32
      %add3A_335 = arith.constant 0 : i32
      %add3A_336 = arith.addi %mul3A_334, %add3A_335 : i32
      %dma_wait3A_337 = arith.constant 0 : i32
      %dma_wait3A_338 = arith.constant 0 : i32
      %dma_wait3A_339 = arith.constant 0 : i32
      %dma_wait3A_340 = tpu.memref_slice %arg6[%dma_wait3A_337, %dma_wait3A_338, %dma_wait3A_339] : memref<2x2x128xi32, #tpu.memory_space<vmem>> -> memref<1x1x128xi32, #tpu.memory_space<vmem>>
      %dma_wait3A_341 = tpu.memref_squeeze %dma_wait3A_340 : memref<1x1x128xi32, #tpu.memory_space<vmem>> -> memref<128xi32, #tpu.memory_space<vmem>>
      %dma_wait3A_342 = arith.constant 0 : i32
      %dma_wait3A_343 = arith.constant 0 : i32
      %dma_wait3A_344 = tpu.memref_slice %arg2[%dma_wait3A_342, %dma_wait3A_343] : memref<10000x128xf32, #tpu.memory_space<hbm>> -> memref<10000x128xf32, #tpu.memory_space<hbm>>
      tpu.wait_indirect_dma semaphore(%arg13 : memref<!tpu.dma_semaphore, #tpu.memory_space<semaphore_mem>>) src(%dma_wait3A_344 : memref<10000x128xf32, #tpu.memory_space<hbm>>) dst(%arg8 : memref<128x128xf32, #tpu.memory_space<vmem>>)
      %dma_wait3A_345 = arith.constant 1 : i32
      %dma_wait3A_346 = arith.constant 0 : i32
      %dma_wait3A_347 = arith.constant 0 : i32
      %dma_wait3A_348 = tpu.memref_slice %arg6[%dma_wait3A_345, %dma_wait3A_346, %dma_wait3A_347] : memref<2x2x128xi32, #tpu.memory_space<vmem>> -> memref<1x1x128xi32, #tpu.memory_space<vmem>>
      %dma_wait3A_349 = tpu.memref_squeeze %dma_wait3A_348 : memref<1x1x128xi32, #tpu.memory_space<vmem>> -> memref<128xi32, #tpu.memory_space<vmem>>
      %dma_wait3A_350 = arith.constant 0 : i32
      %dma_wait3A_351 = tpu.memref_slice %arg3[%dma_wait3A_350] : memref<640000xi32, #tpu.memory_space<hbm>> -> memref<128xi32, #tpu.memory_space<hbm>>
      %dma_wait3A_352 = arith.constant 0 : i32
      %dma_wait3A_353 = tpu.memref_slice %arg6[%dma_wait3A_345, %dma_wait3A_346, %dma_wait3A_352] : memref<2x2x128xi32, #tpu.memory_space<vmem>> -> memref<1x1x128xi32, #tpu.memory_space<vmem>>
      %dma_wait3A_354 = tpu.memref_squeeze %dma_wait3A_353 : memref<1x1x128xi32, #tpu.memory_space<vmem>> -> memref<128xi32, #tpu.memory_space<vmem>>
      %dma_wait3A_355 = arith.constant 0 : i32
      %dma_wait3A_356 = tpu.memref_slice %arg3[%dma_wait3A_355] : memref<640000xi32, #tpu.memory_space<hbm>> -> memref<128xi32, #tpu.memory_space<hbm>>
      tpu.wait_dma2 semaphore(%arg12 : memref<!tpu.dma_semaphore, #tpu.memory_space<semaphore_mem>>) src(%dma_wait3A_356 : memref<128xi32, #tpu.memory_space<hbm>>) dst(%dma_wait3A_354 : memref<128xi32, #tpu.memory_space<vmem>>)
      %dma_wait3A_357 = arith.constant 1 : i32
      %dma_wait3A_358 = arith.constant 1 : i32
      %dma_wait3A_359 = arith.constant 0 : i32
      %dma_wait3A_360 = tpu.memref_slice %arg6[%dma_wait3A_357, %dma_wait3A_358, %dma_wait3A_359] : memref<2x2x128xi32, #tpu.memory_space<vmem>> -> memref<1x1x128xi32, #tpu.memory_space<vmem>>
      %dma_wait3A_361 = tpu.memref_squeeze %dma_wait3A_360 : memref<1x1x128xi32, #tpu.memory_space<vmem>> -> memref<128xi32, #tpu.memory_space<vmem>>
      %dma_wait3A_362 = arith.constant 0 : i32
      %dma_wait3A_363 = tpu.memref_slice %arg3[%dma_wait3A_362] : memref<640000xi32, #tpu.memory_space<hbm>> -> memref<128xi32, #tpu.memory_space<hbm>>
      %dma_wait3A_364 = arith.constant 0 : i32
      %dma_wait3A_365 = tpu.memref_slice %arg6[%dma_wait3A_357, %dma_wait3A_358, %dma_wait3A_364] : memref<2x2x128xi32, #tpu.memory_space<vmem>> -> memref<1x1x128xi32, #tpu.memory_space<vmem>>
      %dma_wait3A_366 = tpu.memref_squeeze %dma_wait3A_365 : memref<1x1x128xi32, #tpu.memory_space<vmem>> -> memref<128xi32, #tpu.memory_space<vmem>>
      %dma_wait3A_367 = arith.constant 0 : i32
      %dma_wait3A_368 = tpu.memref_slice %arg3[%dma_wait3A_367] : memref<640000xi32, #tpu.memory_space<hbm>> -> memref<128xi32, #tpu.memory_space<hbm>>
      tpu.wait_dma2 semaphore(%arg12 : memref<!tpu.dma_semaphore, #tpu.memory_space<semaphore_mem>>) src(%dma_wait3A_368 : memref<128xi32, #tpu.memory_space<hbm>>) dst(%dma_wait3A_366 : memref<128xi32, #tpu.memory_space<vmem>>)
      %dma_start3A_369 = arith.constant 1 : i32
      %dma_start3A_370 = arith.constant 0 : i32
      %dma_start3A_371 = arith.constant 0 : i32
      %dma_start3A_372 = tpu.memref_slice %arg6[%dma_start3A_369, %dma_start3A_370, %dma_start3A_371] : memref<2x2x128xi32, #tpu.memory_space<vmem>> -> memref<1x1x128xi32, #tpu.memory_space<vmem>>
      %dma_start3A_373 = tpu.memref_squeeze %dma_start3A_372 : memref<1x1x128xi32, #tpu.memory_space<vmem>> -> memref<128xi32, #tpu.memory_space<vmem>>
      %dma_start3A_374 = arith.constant 0 : i32
      %dma_start3A_375 = arith.constant 0 : i32
      %dma_start3A_376 = tpu.memref_slice %arg2[%dma_start3A_374, %dma_start3A_375] : memref<10000x128xf32, #tpu.memory_space<hbm>> -> memref<10000x128xf32, #tpu.memory_space<hbm>>
      tpu.enqueue_indirect_dma source(%dma_start3A_376 : memref<10000x128xf32, #tpu.memory_space<hbm>>) target(%arg9 : memref<128x128xf32, #tpu.memory_space<vmem>>) offsets(%dma_start3A_373 : memref<128xi32, #tpu.memory_space<vmem>>) semaphore(%arg14 : memref<!tpu.dma_semaphore, #tpu.memory_space<semaphore_mem>>)
      %dma_start3A_377 = arith.constant 0 : i32
      %dma_start3A_378 = arith.constant 1 : i32
      %dma_start3A_379 = arith.constant 0 : i32
      %dma_start3A_380 = tpu.memref_slice %arg6[%dma_start3A_377, %dma_start3A_378, %dma_start3A_379] : memref<2x2x128xi32, #tpu.memory_space<vmem>> -> memref<1x1x128xi32, #tpu.memory_space<vmem>>
      %dma_start3A_381 = tpu.memref_squeeze %dma_start3A_380 : memref<1x1x128xi32, #tpu.memory_space<vmem>> -> memref<128xi32, #tpu.memory_space<vmem>>
      %dma_start3A_382 = arith.constant 0 : i32
      %dma_start3A_383 = arith.constant 0 : i32
      %dma_start3A_384 = tpu.memref_slice %arg10[%dma_start3A_382, %dma_start3A_383] : memref<10240x128xf32, #tpu.memory_space<vmem_shared>> -> memref<10240x128xf32, #tpu.memory_space<vmem_shared>>
      tpu.enqueue_indirect_dma source(%arg8 : memref<128x128xf32, #tpu.memory_space<vmem>>) target(%dma_start3A_384 : memref<10240x128xf32, #tpu.memory_space<vmem_shared>>) offsets(%dma_start3A_381 : memref<128xi32, #tpu.memory_space<vmem>>) semaphore(%arg15 : memref<!tpu.dma_semaphore, #tpu.memory_space<semaphore_mem>>) {add = true}
      %dma_wait3A_385 = arith.constant 0 : i32
      %dma_wait3A_386 = arith.constant 1 : i32
      %dma_wait3A_387 = arith.constant 0 : i32
      %dma_wait3A_388 = tpu.memref_slice %arg6[%dma_wait3A_385, %dma_wait3A_386, %dma_wait3A_387] : memref<2x2x128xi32, #tpu.memory_space<vmem>> -> memref<1x1x128xi32, #tpu.memory_space<vmem>>
      %dma_wait3A_389 = tpu.memref_squeeze %dma_wait3A_388 : memref<1x1x128xi32, #tpu.memory_space<vmem>> -> memref<128xi32, #tpu.memory_space<vmem>>
      %dma_wait3A_390 = arith.constant 0 : i32
      %dma_wait3A_391 = arith.constant 0 : i32
      %dma_wait3A_392 = tpu.memref_slice %arg10[%dma_wait3A_390, %dma_wait3A_391] : memref<10240x128xf32, #tpu.memory_space<vmem_shared>> -> memref<10240x128xf32, #tpu.memory_space<vmem_shared>>
      tpu.wait_indirect_dma semaphore(%arg15 : memref<!tpu.dma_semaphore, #tpu.memory_space<semaphore_mem>>) src(%arg8 : memref<128x128xf32, #tpu.memory_space<vmem>>) dst(%dma_wait3A_392 : memref<10240x128xf32, #tpu.memory_space<vmem_shared>>)
      %add3A_393 = arith.constant 2 : i32
      %add3A_394 = arith.addi %add3A_336, %add3A_393 : i32
      %mul3A_395 = arith.constant 128 : i32
      %mul3A_396 = arith.muli %add3A_394, %mul3A_395 : i32
      %add3A_397 = arith.addi %mul3A_2, %mul3A_396 : i32
      %dma_start3A_398 = arith.constant 0 : i32
      %dma_start3A_399 = arith.constant 0 : i32
      %dma_start3A_400 = arith.constant 0 : i32
      %dma_start3A_401 = tpu.memref_slice %arg6[%dma_start3A_398, %dma_start3A_399, %dma_start3A_400] : memref<2x2x128xi32, #tpu.memory_space<vmem>> -> memref<1x1x128xi32, #tpu.memory_space<vmem>>
      %dma_start3A_402 = tpu.memref_squeeze %dma_start3A_401 : memref<1x1x128xi32, #tpu.memory_space<vmem>> -> memref<128xi32, #tpu.memory_space<vmem>>
      %dma_start3A_403 = tpu.memref_slice %arg3[%add3A_397] : memref<640000xi32, #tpu.memory_space<hbm>> -> memref<128xi32, #tpu.memory_space<hbm>>
      %dma_start3A_404 = arith.constant 0 : i32
      %dma_start3A_405 = tpu.memref_slice %arg6[%dma_start3A_398, %dma_start3A_399, %dma_start3A_404] : memref<2x2x128xi32, #tpu.memory_space<vmem>> -> memref<1x1x128xi32, #tpu.memory_space<vmem>>
      %dma_start3A_406 = tpu.memref_squeeze %dma_start3A_405 : memref<1x1x128xi32, #tpu.memory_space<vmem>> -> memref<128xi32, #tpu.memory_space<vmem>>
      %dma_start3A_407 = tpu.memref_slice %arg3[%add3A_397] : memref<640000xi32, #tpu.memory_space<hbm>> -> memref<128xi32, #tpu.memory_space<hbm>>
      tpu.enqueue_dma source(%dma_start3A_407 : memref<128xi32, #tpu.memory_space<hbm>>) target(%dma_start3A_406 : memref<128xi32, #tpu.memory_space<vmem>>) target_semaphore(%arg11 : memref<!tpu.dma_semaphore, #tpu.memory_space<semaphore_mem>>)
      %add3A_408 = arith.constant 320000 : i32
      %add3A_409 = arith.addi %add3A_408, %mul3A_2 : i32
      %mul3A_410 = arith.constant 128 : i32
      %mul3A_411 = arith.muli %add3A_394, %mul3A_410 : i32
      %add3A_412 = arith.addi %add3A_409, %mul3A_411 : i32
      %dma_start3A_413 = arith.constant 0 : i32
      %dma_start3A_414 = arith.constant 1 : i32
      %dma_start3A_415 = arith.constant 0 : i32
      %dma_start3A_416 = tpu.memref_slice %arg6[%dma_start3A_413, %dma_start3A_414, %dma_start3A_415] : memref<2x2x128xi32, #tpu.memory_space<vmem>> -> memref<1x1x128xi32, #tpu.memory_space<vmem>>
      %dma_start3A_417 = tpu.memref_squeeze %dma_start3A_416 : memref<1x1x128xi32, #tpu.memory_space<vmem>> -> memref<128xi32, #tpu.memory_space<vmem>>
      %dma_start3A_418 = tpu.memref_slice %arg3[%add3A_412] : memref<640000xi32, #tpu.memory_space<hbm>> -> memref<128xi32, #tpu.memory_space<hbm>>
      %dma_start3A_419 = arith.constant 0 : i32
      %dma_start3A_420 = tpu.memref_slice %arg6[%dma_start3A_413, %dma_start3A_414, %dma_start3A_419] : memref<2x2x128xi32, #tpu.memory_space<vmem>> -> memref<1x1x128xi32, #tpu.memory_space<vmem>>
      %dma_start3A_421 = tpu.memref_squeeze %dma_start3A_420 : memref<1x1x128xi32, #tpu.memory_space<vmem>> -> memref<128xi32, #tpu.memory_space<vmem>>
      %dma_start3A_422 = tpu.memref_slice %arg3[%add3A_412] : memref<640000xi32, #tpu.memory_space<hbm>> -> memref<128xi32, #tpu.memory_space<hbm>>
      tpu.enqueue_dma source(%dma_start3A_422 : memref<128xi32, #tpu.memory_space<hbm>>) target(%dma_start3A_421 : memref<128xi32, #tpu.memory_space<vmem>>) target_semaphore(%arg11 : memref<!tpu.dma_semaphore, #tpu.memory_space<semaphore_mem>>)
      %mul3A_423 = arith.constant 2 : i32
      %mul3A_424 = arith.muli %scan3A_332, %mul3A_423 : i32
      %add3A_425 = arith.constant 1 : i32
      %add3A_426 = arith.addi %mul3A_424, %add3A_425 : i32
      %dma_wait3A_427 = arith.constant 1 : i32
      %dma_wait3A_428 = arith.constant 0 : i32
      %dma_wait3A_429 = arith.constant 0 : i32
      %dma_wait3A_430 = tpu.memref_slice %arg6[%dma_wait3A_427, %dma_wait3A_428, %dma_wait3A_429] : memref<2x2x128xi32, #tpu.memory_space<vmem>> -> memref<1x1x128xi32, #tpu.memory_space<vmem>>
      %dma_wait3A_431 = tpu.memref_squeeze %dma_wait3A_430 : memref<1x1x128xi32, #tpu.memory_space<vmem>> -> memref<128xi32, #tpu.memory_space<vmem>>
      %dma_wait3A_432 = arith.constant 0 : i32
      %dma_wait3A_433 = arith.constant 0 : i32
      %dma_wait3A_434 = tpu.memref_slice %arg2[%dma_wait3A_432, %dma_wait3A_433] : memref<10000x128xf32, #tpu.memory_space<hbm>> -> memref<10000x128xf32, #tpu.memory_space<hbm>>
      tpu.wait_indirect_dma semaphore(%arg14 : memref<!tpu.dma_semaphore, #tpu.memory_space<semaphore_mem>>) src(%dma_wait3A_434 : memref<10000x128xf32, #tpu.memory_space<hbm>>) dst(%arg9 : memref<128x128xf32, #tpu.memory_space<vmem>>)
      %dma_wait3A_435 = arith.constant 0 : i32
      %dma_wait3A_436 = arith.constant 0 : i32
      %dma_wait3A_437 = arith.constant 0 : i32
      %dma_wait3A_438 = tpu.memref_slice %arg6[%dma_wait3A_435, %dma_wait3A_436, %dma_wait3A_437] : memref<2x2x128xi32, #tpu.memory_space<vmem>> -> memref<1x1x128xi32, #tpu.memory_space<vmem>>
      %dma_wait3A_439 = tpu.memref_squeeze %dma_wait3A_438 : memref<1x1x128xi32, #tpu.memory_space<vmem>> -> memref<128xi32, #tpu.memory_space<vmem>>
      %dma_wait3A_440 = arith.constant 0 : i32
      %dma_wait3A_441 = tpu.memref_slice %arg3[%dma_wait3A_440] : memref<640000xi32, #tpu.memory_space<hbm>> -> memref<128xi32, #tpu.memory_space<hbm>>
      %dma_wait3A_442 = arith.constant 0 : i32
      %dma_wait3A_443 = tpu.memref_slice %arg6[%dma_wait3A_435, %dma_wait3A_436, %dma_wait3A_442] : memref<2x2x128xi32, #tpu.memory_space<vmem>> -> memref<1x1x128xi32, #tpu.memory_space<vmem>>
      %dma_wait3A_444 = tpu.memref_squeeze %dma_wait3A_443 : memref<1x1x128xi32, #tpu.memory_space<vmem>> -> memref<128xi32, #tpu.memory_space<vmem>>
      %dma_wait3A_445 = arith.constant 0 : i32
      %dma_wait3A_446 = tpu.memref_slice %arg3[%dma_wait3A_445] : memref<640000xi32, #tpu.memory_space<hbm>> -> memref<128xi32, #tpu.memory_space<hbm>>
      tpu.wait_dma2 semaphore(%arg11 : memref<!tpu.dma_semaphore, #tpu.memory_space<semaphore_mem>>) src(%dma_wait3A_446 : memref<128xi32, #tpu.memory_space<hbm>>) dst(%dma_wait3A_444 : memref<128xi32, #tpu.memory_space<vmem>>)
      %dma_wait3A_447 = arith.constant 0 : i32
      %dma_wait3A_448 = arith.constant 1 : i32
      %dma_wait3A_449 = arith.constant 0 : i32
      %dma_wait3A_450 = tpu.memref_slice %arg6[%dma_wait3A_447, %dma_wait3A_448, %dma_wait3A_449] : memref<2x2x128xi32, #tpu.memory_space<vmem>> -> memref<1x1x128xi32, #tpu.memory_space<vmem>>
      %dma_wait3A_451 = tpu.memref_squeeze %dma_wait3A_450 : memref<1x1x128xi32, #tpu.memory_space<vmem>> -> memref<128xi32, #tpu.memory_space<vmem>>
      %dma_wait3A_452 = arith.constant 0 : i32
      %dma_wait3A_453 = tpu.memref_slice %arg3[%dma_wait3A_452] : memref<640000xi32, #tpu.memory_space<hbm>> -> memref<128xi32, #tpu.memory_space<hbm>>
      %dma_wait3A_454 = arith.constant 0 : i32
      %dma_wait3A_455 = tpu.memref_slice %arg6[%dma_wait3A_447, %dma_wait3A_448, %dma_wait3A_454] : memref<2x2x128xi32, #tpu.memory_space<vmem>> -> memref<1x1x128xi32, #tpu.memory_space<vmem>>
      %dma_wait3A_456 = tpu.memref_squeeze %dma_wait3A_455 : memref<1x1x128xi32, #tpu.memory_space<vmem>> -> memref<128xi32, #tpu.memory_space<vmem>>
      %dma_wait3A_457 = arith.constant 0 : i32
      %dma_wait3A_458 = tpu.memref_slice %arg3[%dma_wait3A_457] : memref<640000xi32, #tpu.memory_space<hbm>> -> memref<128xi32, #tpu.memory_space<hbm>>
      tpu.wait_dma2 semaphore(%arg11 : memref<!tpu.dma_semaphore, #tpu.memory_space<semaphore_mem>>) src(%dma_wait3A_458 : memref<128xi32, #tpu.memory_space<hbm>>) dst(%dma_wait3A_456 : memref<128xi32, #tpu.memory_space<vmem>>)
      %dma_start3A_459 = arith.constant 0 : i32
      %dma_start3A_460 = arith.constant 0 : i32
      %dma_start3A_461 = arith.constant 0 : i32
      %dma_start3A_462 = tpu.memref_slice %arg6[%dma_start3A_459, %dma_start3A_460, %dma_start3A_461] : memref<2x2x128xi32, #tpu.memory_space<vmem>> -> memref<1x1x128xi32, #tpu.memory_space<vmem>>
      %dma_start3A_463 = tpu.memref_squeeze %dma_start3A_462 : memref<1x1x128xi32, #tpu.memory_space<vmem>> -> memref<128xi32, #tpu.memory_space<vmem>>
      %dma_start3A_464 = arith.constant 0 : i32
      %dma_start3A_465 = arith.constant 0 : i32
      %dma_start3A_466 = tpu.memref_slice %arg2[%dma_start3A_464, %dma_start3A_465] : memref<10000x128xf32, #tpu.memory_space<hbm>> -> memref<10000x128xf32, #tpu.memory_space<hbm>>
      tpu.enqueue_indirect_dma source(%dma_start3A_466 : memref<10000x128xf32, #tpu.memory_space<hbm>>) target(%arg8 : memref<128x128xf32, #tpu.memory_space<vmem>>) offsets(%dma_start3A_463 : memref<128xi32, #tpu.memory_space<vmem>>) semaphore(%arg13 : memref<!tpu.dma_semaphore, #tpu.memory_space<semaphore_mem>>)
      %dma_start3A_467 = arith.constant 1 : i32
      %dma_start3A_468 = arith.constant 1 : i32
      %dma_start3A_469 = arith.constant 0 : i32
      %dma_start3A_470 = tpu.memref_slice %arg6[%dma_start3A_467, %dma_start3A_468, %dma_start3A_469] : memref<2x2x128xi32, #tpu.memory_space<vmem>> -> memref<1x1x128xi32, #tpu.memory_space<vmem>>
      %dma_start3A_471 = tpu.memref_squeeze %dma_start3A_470 : memref<1x1x128xi32, #tpu.memory_space<vmem>> -> memref<128xi32, #tpu.memory_space<vmem>>
      %dma_start3A_472 = arith.constant 0 : i32
      %dma_start3A_473 = arith.constant 0 : i32
      %dma_start3A_474 = tpu.memref_slice %arg10[%dma_start3A_472, %dma_start3A_473] : memref<10240x128xf32, #tpu.memory_space<vmem_shared>> -> memref<10240x128xf32, #tpu.memory_space<vmem_shared>>
      tpu.enqueue_indirect_dma source(%arg9 : memref<128x128xf32, #tpu.memory_space<vmem>>) target(%dma_start3A_474 : memref<10240x128xf32, #tpu.memory_space<vmem_shared>>) offsets(%dma_start3A_471 : memref<128xi32, #tpu.memory_space<vmem>>) semaphore(%arg16 : memref<!tpu.dma_semaphore, #tpu.memory_space<semaphore_mem>>) {add = true}
      %dma_wait3A_475 = arith.constant 1 : i32
      %dma_wait3A_476 = arith.constant 1 : i32
      %dma_wait3A_477 = arith.constant 0 : i32
      %dma_wait3A_478 = tpu.memref_slice %arg6[%dma_wait3A_475, %dma_wait3A_476, %dma_wait3A_477] : memref<2x2x128xi32, #tpu.memory_space<vmem>> -> memref<1x1x128xi32, #tpu.memory_space<vmem>>
      %dma_wait3A_479 = tpu.memref_squeeze %dma_wait3A_478 : memref<1x1x128xi32, #tpu.memory_space<vmem>> -> memref<128xi32, #tpu.memory_space<vmem>>
      %dma_wait3A_480 = arith.constant 0 : i32
      %dma_wait3A_481 = arith.constant 0 : i32
      %dma_wait3A_482 = tpu.memref_slice %arg10[%dma_wait3A_480, %dma_wait3A_481] : memref<10240x128xf32, #tpu.memory_space<vmem_shared>> -> memref<10240x128xf32, #tpu.memory_space<vmem_shared>>
      tpu.wait_indirect_dma semaphore(%arg16 : memref<!tpu.dma_semaphore, #tpu.memory_space<semaphore_mem>>) src(%arg9 : memref<128x128xf32, #tpu.memory_space<vmem>>) dst(%dma_wait3A_482 : memref<10240x128xf32, #tpu.memory_space<vmem_shared>>)
      %add3A_483 = arith.constant 2 : i32
      %add3A_484 = arith.addi %add3A_426, %add3A_483 : i32
      %mul3A_485 = arith.constant 128 : i32
      %mul3A_486 = arith.muli %add3A_484, %mul3A_485 : i32
      %add3A_487 = arith.addi %mul3A_2, %mul3A_486 : i32
      %dma_start3A_488 = arith.constant 1 : i32
      %dma_start3A_489 = arith.constant 0 : i32
      %dma_start3A_490 = arith.constant 0 : i32
      %dma_start3A_491 = tpu.memref_slice %arg6[%dma_start3A_488, %dma_start3A_489, %dma_start3A_490] : memref<2x2x128xi32, #tpu.memory_space<vmem>> -> memref<1x1x128xi32, #tpu.memory_space<vmem>>
      %dma_start3A_492 = tpu.memref_squeeze %dma_start3A_491 : memref<1x1x128xi32, #tpu.memory_space<vmem>> -> memref<128xi32, #tpu.memory_space<vmem>>
      %dma_start3A_493 = tpu.memref_slice %arg3[%add3A_487] : memref<640000xi32, #tpu.memory_space<hbm>> -> memref<128xi32, #tpu.memory_space<hbm>>
      %dma_start3A_494 = arith.constant 0 : i32
      %dma_start3A_495 = tpu.memref_slice %arg6[%dma_start3A_488, %dma_start3A_489, %dma_start3A_494] : memref<2x2x128xi32, #tpu.memory_space<vmem>> -> memref<1x1x128xi32, #tpu.memory_space<vmem>>
      %dma_start3A_496 = tpu.memref_squeeze %dma_start3A_495 : memref<1x1x128xi32, #tpu.memory_space<vmem>> -> memref<128xi32, #tpu.memory_space<vmem>>
      %dma_start3A_497 = tpu.memref_slice %arg3[%add3A_487] : memref<640000xi32, #tpu.memory_space<hbm>> -> memref<128xi32, #tpu.memory_space<hbm>>
      tpu.enqueue_dma source(%dma_start3A_497 : memref<128xi32, #tpu.memory_space<hbm>>) target(%dma_start3A_496 : memref<128xi32, #tpu.memory_space<vmem>>) target_semaphore(%arg12 : memref<!tpu.dma_semaphore, #tpu.memory_space<semaphore_mem>>)
      %add3A_498 = arith.constant 320000 : i32
      %add3A_499 = arith.addi %add3A_498, %mul3A_2 : i32
      %mul3A_500 = arith.constant 128 : i32
      %mul3A_501 = arith.muli %add3A_484, %mul3A_500 : i32
      %add3A_502 = arith.addi %add3A_499, %mul3A_501 : i32
      %dma_start3A_503 = arith.constant 1 : i32
      %dma_start3A_504 = arith.constant 1 : i32
      %dma_start3A_505 = arith.constant 0 : i32
      %dma_start3A_506 = tpu.memref_slice %arg6[%dma_start3A_503, %dma_start3A_504, %dma_start3A_505] : memref<2x2x128xi32, #tpu.memory_space<vmem>> -> memref<1x1x128xi32, #tpu.memory_space<vmem>>
      %dma_start3A_507 = tpu.memref_squeeze %dma_start3A_506 : memref<1x1x128xi32, #tpu.memory_space<vmem>> -> memref<128xi32, #tpu.memory_space<vmem>>
      %dma_start3A_508 = tpu.memref_slice %arg3[%add3A_502] : memref<640000xi32, #tpu.memory_space<hbm>> -> memref<128xi32, #tpu.memory_space<hbm>>
      %dma_start3A_509 = arith.constant 0 : i32
      %dma_start3A_510 = tpu.memref_slice %arg6[%dma_start3A_503, %dma_start3A_504, %dma_start3A_509] : memref<2x2x128xi32, #tpu.memory_space<vmem>> -> memref<1x1x128xi32, #tpu.memory_space<vmem>>
      %dma_start3A_511 = tpu.memref_squeeze %dma_start3A_510 : memref<1x1x128xi32, #tpu.memory_space<vmem>> -> memref<128xi32, #tpu.memory_space<vmem>>
      %dma_start3A_512 = tpu.memref_slice %arg3[%add3A_502] : memref<640000xi32, #tpu.memory_space<hbm>> -> memref<128xi32, #tpu.memory_space<hbm>>
      tpu.enqueue_dma source(%dma_start3A_512 : memref<128xi32, #tpu.memory_space<hbm>>) target(%dma_start3A_511 : memref<128xi32, #tpu.memory_space<vmem>>) target_semaphore(%arg12 : memref<!tpu.dma_semaphore, #tpu.memory_space<semaphore_mem>>)
    }
    %scan3A_119 = arith.constant 38 : i32
    %add3A_120 = arith.constant 9984 : i32
    %add3A_121 = arith.addi %mul3A_2, %add3A_120 : i32
    %dma_start3A_122 = arith.constant 0 : i32
    %dma_start3A_123 = arith.constant 0 : i32
    %dma_start3A_124 = tpu.memref_slice %arg7[%dma_start3A_122, %dma_start3A_123] : memref<2x16xi32, #tpu.memory_space<vmem>> -> memref<1x16xi32, #tpu.memory_space<vmem>>
    %dma_start3A_125 = tpu.memref_squeeze %dma_start3A_124 : memref<1x16xi32, #tpu.memory_space<vmem>> -> memref<16xi32, #tpu.memory_space<vmem>>
    %dma_start3A_126 = tpu.memref_slice %arg3[%add3A_121] : memref<640000xi32, #tpu.memory_space<hbm>> -> memref<16xi32, #tpu.memory_space<hbm>>
    %dma_start3A_127 = arith.constant 0 : i32
    %dma_start3A_128 = tpu.memref_slice %arg7[%dma_start3A_122, %dma_start3A_127] : memref<2x16xi32, #tpu.memory_space<vmem>> -> memref<1x16xi32, #tpu.memory_space<vmem>>
    %dma_start3A_129 = tpu.memref_squeeze %dma_start3A_128 : memref<1x16xi32, #tpu.memory_space<vmem>> -> memref<16xi32, #tpu.memory_space<vmem>>
    %dma_start3A_130 = tpu.memref_slice %arg3[%add3A_121] : memref<640000xi32, #tpu.memory_space<hbm>> -> memref<16xi32, #tpu.memory_space<hbm>>
    tpu.enqueue_dma source(%dma_start3A_130 : memref<16xi32, #tpu.memory_space<hbm>>) target(%dma_start3A_129 : memref<16xi32, #tpu.memory_space<vmem>>) target_semaphore(%arg11 : memref<!tpu.dma_semaphore, #tpu.memory_space<semaphore_mem>>)
    %add3A_131 = arith.constant 320000 : i32
    %add3A_132 = arith.addi %add3A_131, %mul3A_2 : i32
    %add3A_133 = arith.constant 9984 : i32
    %add3A_134 = arith.addi %add3A_132, %add3A_133 : i32
    %dma_start3A_135 = arith.constant 1 : i32
    %dma_start3A_136 = arith.constant 0 : i32
    %dma_start3A_137 = tpu.memref_slice %arg7[%dma_start3A_135, %dma_start3A_136] : memref<2x16xi32, #tpu.memory_space<vmem>> -> memref<1x16xi32, #tpu.memory_space<vmem>>
    %dma_start3A_138 = tpu.memref_squeeze %dma_start3A_137 : memref<1x16xi32, #tpu.memory_space<vmem>> -> memref<16xi32, #tpu.memory_space<vmem>>
    %dma_start3A_139 = tpu.memref_slice %arg3[%add3A_134] : memref<640000xi32, #tpu.memory_space<hbm>> -> memref<16xi32, #tpu.memory_space<hbm>>
    %dma_start3A_140 = arith.constant 0 : i32
    %dma_start3A_141 = tpu.memref_slice %arg7[%dma_start3A_135, %dma_start3A_140] : memref<2x16xi32, #tpu.memory_space<vmem>> -> memref<1x16xi32, #tpu.memory_space<vmem>>
    %dma_start3A_142 = tpu.memref_squeeze %dma_start3A_141 : memref<1x16xi32, #tpu.memory_space<vmem>> -> memref<16xi32, #tpu.memory_space<vmem>>
    %dma_start3A_143 = tpu.memref_slice %arg3[%add3A_134] : memref<640000xi32, #tpu.memory_space<hbm>> -> memref<16xi32, #tpu.memory_space<hbm>>
    tpu.enqueue_dma source(%dma_start3A_143 : memref<16xi32, #tpu.memory_space<hbm>>) target(%dma_start3A_142 : memref<16xi32, #tpu.memory_space<vmem>>) target_semaphore(%arg11 : memref<!tpu.dma_semaphore, #tpu.memory_space<semaphore_mem>>)
    %dma_wait3A_144 = arith.constant 0 : i32
    %dma_wait3A_145 = arith.constant 0 : i32
    %dma_wait3A_146 = arith.constant 0 : i32
    %dma_wait3A_147 = tpu.memref_slice %arg6[%dma_wait3A_144, %dma_wait3A_145, %dma_wait3A_146] : memref<2x2x128xi32, #tpu.memory_space<vmem>> -> memref<1x1x128xi32, #tpu.memory_space<vmem>>
    %dma_wait3A_148 = tpu.memref_squeeze %dma_wait3A_147 : memref<1x1x128xi32, #tpu.memory_space<vmem>> -> memref<128xi32, #tpu.memory_space<vmem>>
    %dma_wait3A_149 = arith.constant 0 : i32
    %dma_wait3A_150 = arith.constant 0 : i32
    %dma_wait3A_151 = tpu.memref_slice %arg2[%dma_wait3A_149, %dma_wait3A_150] : memref<10000x128xf32, #tpu.memory_space<hbm>> -> memref<10000x128xf32, #tpu.memory_space<hbm>>
    tpu.wait_indirect_dma semaphore(%arg13 : memref<!tpu.dma_semaphore, #tpu.memory_space<semaphore_mem>>) src(%dma_wait3A_151 : memref<10000x128xf32, #tpu.memory_space<hbm>>) dst(%arg8 : memref<128x128xf32, #tpu.memory_space<vmem>>)
    %dma_wait3A_152 = arith.constant 1 : i32
    %dma_wait3A_153 = arith.constant 0 : i32
    %dma_wait3A_154 = arith.constant 0 : i32
    %dma_wait3A_155 = tpu.memref_slice %arg6[%dma_wait3A_152, %dma_wait3A_153, %dma_wait3A_154] : memref<2x2x128xi32, #tpu.memory_space<vmem>> -> memref<1x1x128xi32, #tpu.memory_space<vmem>>
    %dma_wait3A_156 = tpu.memref_squeeze %dma_wait3A_155 : memref<1x1x128xi32, #tpu.memory_space<vmem>> -> memref<128xi32, #tpu.memory_space<vmem>>
    %dma_wait3A_157 = arith.constant 0 : i32
    %dma_wait3A_158 = tpu.memref_slice %arg3[%dma_wait3A_157] : memref<640000xi32, #tpu.memory_space<hbm>> -> memref<128xi32, #tpu.memory_space<hbm>>
    %dma_wait3A_159 = arith.constant 0 : i32
    %dma_wait3A_160 = tpu.memref_slice %arg6[%dma_wait3A_152, %dma_wait3A_153, %dma_wait3A_159] : memref<2x2x128xi32, #tpu.memory_space<vmem>> -> memref<1x1x128xi32, #tpu.memory_space<vmem>>
    %dma_wait3A_161 = tpu.memref_squeeze %dma_wait3A_160 : memref<1x1x128xi32, #tpu.memory_space<vmem>> -> memref<128xi32, #tpu.memory_space<vmem>>
    %dma_wait3A_162 = arith.constant 0 : i32
    %dma_wait3A_163 = tpu.memref_slice %arg3[%dma_wait3A_162] : memref<640000xi32, #tpu.memory_space<hbm>> -> memref<128xi32, #tpu.memory_space<hbm>>
    tpu.wait_dma2 semaphore(%arg12 : memref<!tpu.dma_semaphore, #tpu.memory_space<semaphore_mem>>) src(%dma_wait3A_163 : memref<128xi32, #tpu.memory_space<hbm>>) dst(%dma_wait3A_161 : memref<128xi32, #tpu.memory_space<vmem>>)
    %dma_wait3A_164 = arith.constant 1 : i32
    %dma_wait3A_165 = arith.constant 1 : i32
    %dma_wait3A_166 = arith.constant 0 : i32
    %dma_wait3A_167 = tpu.memref_slice %arg6[%dma_wait3A_164, %dma_wait3A_165, %dma_wait3A_166] : memref<2x2x128xi32, #tpu.memory_space<vmem>> -> memref<1x1x128xi32, #tpu.memory_space<vmem>>
    %dma_wait3A_168 = tpu.memref_squeeze %dma_wait3A_167 : memref<1x1x128xi32, #tpu.memory_space<vmem>> -> memref<128xi32, #tpu.memory_space<vmem>>
    %dma_wait3A_169 = arith.constant 0 : i32
    %dma_wait3A_170 = tpu.memref_slice %arg3[%dma_wait3A_169] : memref<640000xi32, #tpu.memory_space<hbm>> -> memref<128xi32, #tpu.memory_space<hbm>>
    %dma_wait3A_171 = arith.constant 0 : i32
    %dma_wait3A_172 = tpu.memref_slice %arg6[%dma_wait3A_164, %dma_wait3A_165, %dma_wait3A_171] : memref<2x2x128xi32, #tpu.memory_space<vmem>> -> memref<1x1x128xi32, #tpu.memory_space<vmem>>
    %dma_wait3A_173 = tpu.memref_squeeze %dma_wait3A_172 : memref<1x1x128xi32, #tpu.memory_space<vmem>> -> memref<128xi32, #tpu.memory_space<vmem>>
    %dma_wait3A_174 = arith.constant 0 : i32
    %dma_wait3A_175 = tpu.memref_slice %arg3[%dma_wait3A_174] : memref<640000xi32, #tpu.memory_space<hbm>> -> memref<128xi32, #tpu.memory_space<hbm>>
    tpu.wait_dma2 semaphore(%arg12 : memref<!tpu.dma_semaphore, #tpu.memory_space<semaphore_mem>>) src(%dma_wait3A_175 : memref<128xi32, #tpu.memory_space<hbm>>) dst(%dma_wait3A_173 : memref<128xi32, #tpu.memory_space<vmem>>)
    %dma_start3A_176 = arith.constant 1 : i32
    %dma_start3A_177 = arith.constant 0 : i32
    %dma_start3A_178 = arith.constant 0 : i32
    %dma_start3A_179 = tpu.memref_slice %arg6[%dma_start3A_176, %dma_start3A_177, %dma_start3A_178] : memref<2x2x128xi32, #tpu.memory_space<vmem>> -> memref<1x1x128xi32, #tpu.memory_space<vmem>>
    %dma_start3A_180 = tpu.memref_squeeze %dma_start3A_179 : memref<1x1x128xi32, #tpu.memory_space<vmem>> -> memref<128xi32, #tpu.memory_space<vmem>>
    %dma_start3A_181 = arith.constant 0 : i32
    %dma_start3A_182 = arith.constant 0 : i32
    %dma_start3A_183 = tpu.memref_slice %arg2[%dma_start3A_181, %dma_start3A_182] : memref<10000x128xf32, #tpu.memory_space<hbm>> -> memref<10000x128xf32, #tpu.memory_space<hbm>>
    tpu.enqueue_indirect_dma source(%dma_start3A_183 : memref<10000x128xf32, #tpu.memory_space<hbm>>) target(%arg9 : memref<128x128xf32, #tpu.memory_space<vmem>>) offsets(%dma_start3A_180 : memref<128xi32, #tpu.memory_space<vmem>>) semaphore(%arg14 : memref<!tpu.dma_semaphore, #tpu.memory_space<semaphore_mem>>)
    %dma_start3A_184 = arith.constant 0 : i32
    %dma_start3A_185 = arith.constant 1 : i32
    %dma_start3A_186 = arith.constant 0 : i32
    %dma_start3A_187 = tpu.memref_slice %arg6[%dma_start3A_184, %dma_start3A_185, %dma_start3A_186] : memref<2x2x128xi32, #tpu.memory_space<vmem>> -> memref<1x1x128xi32, #tpu.memory_space<vmem>>
    %dma_start3A_188 = tpu.memref_squeeze %dma_start3A_187 : memref<1x1x128xi32, #tpu.memory_space<vmem>> -> memref<128xi32, #tpu.memory_space<vmem>>
    %dma_start3A_189 = arith.constant 0 : i32
    %dma_start3A_190 = arith.constant 0 : i32
    %dma_start3A_191 = tpu.memref_slice %arg10[%dma_start3A_189, %dma_start3A_190] : memref<10240x128xf32, #tpu.memory_space<vmem_shared>> -> memref<10240x128xf32, #tpu.memory_space<vmem_shared>>
    tpu.enqueue_indirect_dma source(%arg8 : memref<128x128xf32, #tpu.memory_space<vmem>>) target(%dma_start3A_191 : memref<10240x128xf32, #tpu.memory_space<vmem_shared>>) offsets(%dma_start3A_188 : memref<128xi32, #tpu.memory_space<vmem>>) semaphore(%arg15 : memref<!tpu.dma_semaphore, #tpu.memory_space<semaphore_mem>>) {add = true}
    %dma_wait3A_192 = arith.constant 0 : i32
    %dma_wait3A_193 = arith.constant 1 : i32
    %dma_wait3A_194 = arith.constant 0 : i32
    %dma_wait3A_195 = tpu.memref_slice %arg6[%dma_wait3A_192, %dma_wait3A_193, %dma_wait3A_194] : memref<2x2x128xi32, #tpu.memory_space<vmem>> -> memref<1x1x128xi32, #tpu.memory_space<vmem>>
    %dma_wait3A_196 = tpu.memref_squeeze %dma_wait3A_195 : memref<1x1x128xi32, #tpu.memory_space<vmem>> -> memref<128xi32, #tpu.memory_space<vmem>>
    %dma_wait3A_197 = arith.constant 0 : i32
    %dma_wait3A_198 = arith.constant 0 : i32
    %dma_wait3A_199 = tpu.memref_slice %arg10[%dma_wait3A_197, %dma_wait3A_198] : memref<10240x128xf32, #tpu.memory_space<vmem_shared>> -> memref<10240x128xf32, #tpu.memory_space<vmem_shared>>
    tpu.wait_indirect_dma semaphore(%arg15 : memref<!tpu.dma_semaphore, #tpu.memory_space<semaphore_mem>>) src(%arg8 : memref<128x128xf32, #tpu.memory_space<vmem>>) dst(%dma_wait3A_199 : memref<10240x128xf32, #tpu.memory_space<vmem_shared>>)
    %dma_wait3A_200 = arith.constant 1 : i32
    %dma_wait3A_201 = arith.constant 0 : i32
    %dma_wait3A_202 = arith.constant 0 : i32
    %dma_wait3A_203 = tpu.memref_slice %arg6[%dma_wait3A_200, %dma_wait3A_201, %dma_wait3A_202] : memref<2x2x128xi32, #tpu.memory_space<vmem>> -> memref<1x1x128xi32, #tpu.memory_space<vmem>>
    %dma_wait3A_204 = tpu.memref_squeeze %dma_wait3A_203 : memref<1x1x128xi32, #tpu.memory_space<vmem>> -> memref<128xi32, #tpu.memory_space<vmem>>
    %dma_wait3A_205 = arith.constant 0 : i32
    %dma_wait3A_206 = arith.constant 0 : i32
    %dma_wait3A_207 = tpu.memref_slice %arg2[%dma_wait3A_205, %dma_wait3A_206] : memref<10000x128xf32, #tpu.memory_space<hbm>> -> memref<10000x128xf32, #tpu.memory_space<hbm>>
    tpu.wait_indirect_dma semaphore(%arg14 : memref<!tpu.dma_semaphore, #tpu.memory_space<semaphore_mem>>) src(%dma_wait3A_207 : memref<10000x128xf32, #tpu.memory_space<hbm>>) dst(%arg9 : memref<128x128xf32, #tpu.memory_space<vmem>>)
    %dma_start3A_208 = arith.constant 1 : i32
    %dma_start3A_209 = arith.constant 1 : i32
    %dma_start3A_210 = arith.constant 0 : i32
    %dma_start3A_211 = tpu.memref_slice %arg6[%dma_start3A_208, %dma_start3A_209, %dma_start3A_210] : memref<2x2x128xi32, #tpu.memory_space<vmem>> -> memref<1x1x128xi32, #tpu.memory_space<vmem>>
    %dma_start3A_212 = tpu.memref_squeeze %dma_start3A_211 : memref<1x1x128xi32, #tpu.memory_space<vmem>> -> memref<128xi32, #tpu.memory_space<vmem>>
    %dma_start3A_213 = arith.constant 0 : i32
    %dma_start3A_214 = arith.constant 0 : i32
    %dma_start3A_215 = tpu.memref_slice %arg10[%dma_start3A_213, %dma_start3A_214] : memref<10240x128xf32, #tpu.memory_space<vmem_shared>> -> memref<10240x128xf32, #tpu.memory_space<vmem_shared>>
    tpu.enqueue_indirect_dma source(%arg9 : memref<128x128xf32, #tpu.memory_space<vmem>>) target(%dma_start3A_215 : memref<10240x128xf32, #tpu.memory_space<vmem_shared>>) offsets(%dma_start3A_212 : memref<128xi32, #tpu.memory_space<vmem>>) semaphore(%arg16 : memref<!tpu.dma_semaphore, #tpu.memory_space<semaphore_mem>>) {add = true}
    %dma_wait3A_216 = arith.constant 1 : i32
    %dma_wait3A_217 = arith.constant 1 : i32
    %dma_wait3A_218 = arith.constant 0 : i32
    %dma_wait3A_219 = tpu.memref_slice %arg6[%dma_wait3A_216, %dma_wait3A_217, %dma_wait3A_218] : memref<2x2x128xi32, #tpu.memory_space<vmem>> -> memref<1x1x128xi32, #tpu.memory_space<vmem>>
    %dma_wait3A_220 = tpu.memref_squeeze %dma_wait3A_219 : memref<1x1x128xi32, #tpu.memory_space<vmem>> -> memref<128xi32, #tpu.memory_space<vmem>>
    %dma_wait3A_221 = arith.constant 0 : i32
    %dma_wait3A_222 = arith.constant 0 : i32
    %dma_wait3A_223 = tpu.memref_slice %arg10[%dma_wait3A_221, %dma_wait3A_222] : memref<10240x128xf32, #tpu.memory_space<vmem_shared>> -> memref<10240x128xf32, #tpu.memory_space<vmem_shared>>
    tpu.wait_indirect_dma semaphore(%arg16 : memref<!tpu.dma_semaphore, #tpu.memory_space<semaphore_mem>>) src(%arg9 : memref<128x128xf32, #tpu.memory_space<vmem>>) dst(%dma_wait3A_223 : memref<10240x128xf32, #tpu.memory_space<vmem_shared>>)
    %dma_wait3A_224 = arith.constant 0 : i32
    %dma_wait3A_225 = arith.constant 0 : i32
    %dma_wait3A_226 = tpu.memref_slice %arg7[%dma_wait3A_224, %dma_wait3A_225] : memref<2x16xi32, #tpu.memory_space<vmem>> -> memref<1x16xi32, #tpu.memory_space<vmem>>
    %dma_wait3A_227 = tpu.memref_squeeze %dma_wait3A_226 : memref<1x16xi32, #tpu.memory_space<vmem>> -> memref<16xi32, #tpu.memory_space<vmem>>
    %dma_wait3A_228 = arith.constant 0 : i32
    %dma_wait3A_229 = tpu.memref_slice %arg3[%dma_wait3A_228] : memref<640000xi32, #tpu.memory_space<hbm>> -> memref<16xi32, #tpu.memory_space<hbm>>
    %dma_wait3A_230 = arith.constant 0 : i32
    %dma_wait3A_231 = tpu.memref_slice %arg7[%dma_wait3A_224, %dma_wait3A_230] : memref<2x16xi32, #tpu.memory_space<vmem>> -> memref<1x16xi32, #tpu.memory_space<vmem>>
    %dma_wait3A_232 = tpu.memref_squeeze %dma_wait3A_231 : memref<1x16xi32, #tpu.memory_space<vmem>> -> memref<16xi32, #tpu.memory_space<vmem>>
    %dma_wait3A_233 = arith.constant 0 : i32
    %dma_wait3A_234 = tpu.memref_slice %arg3[%dma_wait3A_233] : memref<640000xi32, #tpu.memory_space<hbm>> -> memref<16xi32, #tpu.memory_space<hbm>>
    tpu.wait_dma2 semaphore(%arg11 : memref<!tpu.dma_semaphore, #tpu.memory_space<semaphore_mem>>) src(%dma_wait3A_234 : memref<16xi32, #tpu.memory_space<hbm>>) dst(%dma_wait3A_232 : memref<16xi32, #tpu.memory_space<vmem>>)
    %dma_wait3A_235 = arith.constant 1 : i32
    %dma_wait3A_236 = arith.constant 0 : i32
    %dma_wait3A_237 = tpu.memref_slice %arg7[%dma_wait3A_235, %dma_wait3A_236] : memref<2x16xi32, #tpu.memory_space<vmem>> -> memref<1x16xi32, #tpu.memory_space<vmem>>
    %dma_wait3A_238 = tpu.memref_squeeze %dma_wait3A_237 : memref<1x16xi32, #tpu.memory_space<vmem>> -> memref<16xi32, #tpu.memory_space<vmem>>
    %dma_wait3A_239 = arith.constant 0 : i32
    %dma_wait3A_240 = tpu.memref_slice %arg3[%dma_wait3A_239] : memref<640000xi32, #tpu.memory_space<hbm>> -> memref<16xi32, #tpu.memory_space<hbm>>
    %dma_wait3A_241 = arith.constant 0 : i32
    %dma_wait3A_242 = tpu.memref_slice %arg7[%dma_wait3A_235, %dma_wait3A_241] : memref<2x16xi32, #tpu.memory_space<vmem>> -> memref<1x16xi32, #tpu.memory_space<vmem>>
    %dma_wait3A_243 = tpu.memref_squeeze %dma_wait3A_242 : memref<1x16xi32, #tpu.memory_space<vmem>> -> memref<16xi32, #tpu.memory_space<vmem>>
    %dma_wait3A_244 = arith.constant 0 : i32
    %dma_wait3A_245 = tpu.memref_slice %arg3[%dma_wait3A_244] : memref<640000xi32, #tpu.memory_space<hbm>> -> memref<16xi32, #tpu.memory_space<hbm>>
    tpu.wait_dma2 semaphore(%arg11 : memref<!tpu.dma_semaphore, #tpu.memory_space<semaphore_mem>>) src(%dma_wait3A_245 : memref<16xi32, #tpu.memory_space<hbm>>) dst(%dma_wait3A_243 : memref<16xi32, #tpu.memory_space<vmem>>)
    %dma_start3A_246 = arith.constant 0 : i32
    %dma_start3A_247 = arith.constant 0 : i32
    %dma_start3A_248 = arith.constant 0 : i32
    %dma_start3A_249 = tpu.memref_slice %arg8[%dma_start3A_247, %dma_start3A_248] : memref<128x128xf32, #tpu.memory_space<vmem>> -> memref<16x128xf32, #tpu.memory_space<vmem>>
    %dma_start3A_250 = arith.constant 0 : i32
    %dma_start3A_251 = tpu.memref_slice %arg7[%dma_start3A_246, %dma_start3A_250] : memref<2x16xi32, #tpu.memory_space<vmem>> -> memref<1x16xi32, #tpu.memory_space<vmem>>
    %dma_start3A_252 = tpu.memref_squeeze %dma_start3A_251 : memref<1x16xi32, #tpu.memory_space<vmem>> -> memref<16xi32, #tpu.memory_space<vmem>>
    %dma_start3A_253 = arith.constant 0 : i32
    %dma_start3A_254 = arith.constant 0 : i32
    %dma_start3A_255 = tpu.memref_slice %arg2[%dma_start3A_253, %dma_start3A_254] : memref<10000x128xf32, #tpu.memory_space<hbm>> -> memref<10000x128xf32, #tpu.memory_space<hbm>>
    tpu.enqueue_indirect_dma source(%dma_start3A_255 : memref<10000x128xf32, #tpu.memory_space<hbm>>) target(%dma_start3A_249 : memref<16x128xf32, #tpu.memory_space<vmem>>) offsets(%dma_start3A_252 : memref<16xi32, #tpu.memory_space<vmem>>) semaphore(%arg13 : memref<!tpu.dma_semaphore, #tpu.memory_space<semaphore_mem>>)
    %dma_wait3A_256 = arith.constant 0 : i32
    %dma_wait3A_257 = arith.constant 0 : i32
    %dma_wait3A_258 = arith.constant 0 : i32
    %dma_wait3A_259 = tpu.memref_slice %arg8[%dma_wait3A_257, %dma_wait3A_258] : memref<128x128xf32, #tpu.memory_space<vmem>> -> memref<16x128xf32, #tpu.memory_space<vmem>>
    %dma_wait3A_260 = arith.constant 0 : i32
    %dma_wait3A_261 = tpu.memref_slice %arg7[%dma_wait3A_256, %dma_wait3A_260] : memref<2x16xi32, #tpu.memory_space<vmem>> -> memref<1x16xi32, #tpu.memory_space<vmem>>
    %dma_wait3A_262 = tpu.memref_squeeze %dma_wait3A_261 : memref<1x16xi32, #tpu.memory_space<vmem>> -> memref<16xi32, #tpu.memory_space<vmem>>
    %dma_wait3A_263 = arith.constant 0 : i32
    %dma_wait3A_264 = arith.constant 0 : i32
    %dma_wait3A_265 = tpu.memref_slice %arg2[%dma_wait3A_263, %dma_wait3A_264] : memref<10000x128xf32, #tpu.memory_space<hbm>> -> memref<10000x128xf32, #tpu.memory_space<hbm>>
    tpu.wait_indirect_dma semaphore(%arg13 : memref<!tpu.dma_semaphore, #tpu.memory_space<semaphore_mem>>) src(%dma_wait3A_265 : memref<10000x128xf32, #tpu.memory_space<hbm>>) dst(%dma_wait3A_259 : memref<16x128xf32, #tpu.memory_space<vmem>>)
    %dma_start3A_266 = arith.constant 1 : i32
    %dma_start3A_267 = arith.constant 0 : i32
    %dma_start3A_268 = arith.constant 0 : i32
    %dma_start3A_269 = tpu.memref_slice %arg8[%dma_start3A_267, %dma_start3A_268] : memref<128x128xf32, #tpu.memory_space<vmem>> -> memref<16x128xf32, #tpu.memory_space<vmem>>
    %dma_start3A_270 = arith.constant 0 : i32
    %dma_start3A_271 = tpu.memref_slice %arg7[%dma_start3A_266, %dma_start3A_270] : memref<2x16xi32, #tpu.memory_space<vmem>> -> memref<1x16xi32, #tpu.memory_space<vmem>>
    %dma_start3A_272 = tpu.memref_squeeze %dma_start3A_271 : memref<1x16xi32, #tpu.memory_space<vmem>> -> memref<16xi32, #tpu.memory_space<vmem>>
    %dma_start3A_273 = arith.constant 0 : i32
    %dma_start3A_274 = arith.constant 0 : i32
    %dma_start3A_275 = tpu.memref_slice %arg10[%dma_start3A_273, %dma_start3A_274] : memref<10240x128xf32, #tpu.memory_space<vmem_shared>> -> memref<10240x128xf32, #tpu.memory_space<vmem_shared>>
    tpu.enqueue_indirect_dma source(%dma_start3A_269 : memref<16x128xf32, #tpu.memory_space<vmem>>) target(%dma_start3A_275 : memref<10240x128xf32, #tpu.memory_space<vmem_shared>>) offsets(%dma_start3A_272 : memref<16xi32, #tpu.memory_space<vmem>>) semaphore(%arg15 : memref<!tpu.dma_semaphore, #tpu.memory_space<semaphore_mem>>) {add = true}
    %dma_wait3A_276 = arith.constant 1 : i32
    %dma_wait3A_277 = arith.constant 0 : i32
    %dma_wait3A_278 = arith.constant 0 : i32
    %dma_wait3A_279 = tpu.memref_slice %arg8[%dma_wait3A_277, %dma_wait3A_278] : memref<128x128xf32, #tpu.memory_space<vmem>> -> memref<16x128xf32, #tpu.memory_space<vmem>>
    %dma_wait3A_280 = arith.constant 0 : i32
    %dma_wait3A_281 = tpu.memref_slice %arg7[%dma_wait3A_276, %dma_wait3A_280] : memref<2x16xi32, #tpu.memory_space<vmem>> -> memref<1x16xi32, #tpu.memory_space<vmem>>
    %dma_wait3A_282 = tpu.memref_squeeze %dma_wait3A_281 : memref<1x16xi32, #tpu.memory_space<vmem>> -> memref<16xi32, #tpu.memory_space<vmem>>
    %dma_wait3A_283 = arith.constant 0 : i32
    %dma_wait3A_284 = arith.constant 0 : i32
    %dma_wait3A_285 = tpu.memref_slice %arg10[%dma_wait3A_283, %dma_wait3A_284] : memref<10240x128xf32, #tpu.memory_space<vmem_shared>> -> memref<10240x128xf32, #tpu.memory_space<vmem_shared>>
    tpu.wait_indirect_dma semaphore(%arg15 : memref<!tpu.dma_semaphore, #tpu.memory_space<semaphore_mem>>) src(%dma_wait3A_279 : memref<16x128xf32, #tpu.memory_space<vmem>>) dst(%dma_wait3A_285 : memref<10240x128xf32, #tpu.memory_space<vmem_shared>>)
    %barrier3A_286 = arith.constant 0 : index
    tpu.barrier barrier_id(%barrier3A_286)
    %mul3A_287 = arith.constant 5 : i32
    %mul3A_288 = arith.muli %arg1, %mul3A_287 : i32
    %add3A_289 = arith.constant 0 : i32
    %add3A_290 = arith.addi %mul3A_288, %add3A_289 : i32
    %mul3A_291 = arith.constant 128 : i32
    %mul3A_292 = arith.muli %add3A_290, %mul3A_291 : i32
    %mul3A_293 = arith.constant 10400 : i32
    %mul3A_294 = arith.muli %arg0, %mul3A_293 : i32
    %add3A_295 = arith.addi %mul3A_294, %mul3A_292 : i32
    "tpu.region"() ({
      %run_scoped3A = tpu.sem_alloc : memref<!tpu.dma_semaphore, #tpu.memory_space<semaphore_mem>>
      %dma_start3A_332 = arith.constant 0 : i32
      %dma_start3A_333 = tpu.memref_slice %arg5[%add3A_295, %dma_start3A_332] : memref<20640x128xf32, #tpu.memory_space<hbm>> -> memref<128x128xf32, #tpu.memory_space<hbm>>
      %dma_start3A_334 = arith.constant 0 : i32
      %dma_start3A_335 = tpu.memref_slice %arg10[%mul3A_292, %dma_start3A_334] : memref<10240x128xf32, #tpu.memory_space<vmem_shared>> -> memref<128x128xf32, #tpu.memory_space<vmem_shared>>
      tpu.enqueue_dma source(%dma_start3A_335 : memref<128x128xf32, #tpu.memory_space<vmem_shared>>) target(%dma_start3A_333 : memref<128x128xf32, #tpu.memory_space<hbm>>) target_semaphore(%run_scoped3A : memref<!tpu.dma_semaphore, #tpu.memory_space<semaphore_mem>>)
      %dma_wait3A_336 = arith.constant 0 : i32
      %dma_wait3A_337 = tpu.memref_slice %arg5[%add3A_295, %dma_wait3A_336] : memref<20640x128xf32, #tpu.memory_space<hbm>> -> memref<128x128xf32, #tpu.memory_space<hbm>>
      %dma_wait3A_338 = arith.constant 0 : i32
      %dma_wait3A_339 = tpu.memref_slice %arg10[%mul3A_292, %dma_wait3A_338] : memref<10240x128xf32, #tpu.memory_space<vmem_shared>> -> memref<128x128xf32, #tpu.memory_space<vmem_shared>>
      tpu.wait_dma2 semaphore(%run_scoped3A : memref<!tpu.dma_semaphore, #tpu.memory_space<semaphore_mem>>) src(%dma_wait3A_339 : memref<128x128xf32, #tpu.memory_space<vmem_shared>>) dst(%dma_wait3A_337 : memref<128x128xf32, #tpu.memory_space<hbm>>)
      tpu.yield
    }) : () -> ()
    %mul3A_296 = arith.constant 5 : i32
    %mul3A_297 = arith.muli %arg1, %mul3A_296 : i32
    %add3A_298 = arith.constant 1 : i32
    %add3A_299 = arith.addi %mul3A_297, %add3A_298 : i32
    %mul3A_300 = arith.constant 128 : i32
    %mul3A_301 = arith.muli %add3A_299, %mul3A_300 : i32
    %mul3A_302 = arith.constant 10400 : i32
    %mul3A_303 = arith.muli %arg0, %mul3A_302 : i32
    %add3A_304 = arith.addi %mul3A_303, %mul3A_301 : i32
    "tpu.region"() ({
      %run_scoped3A = tpu.sem_alloc : memref<!tpu.dma_semaphore, #tpu.memory_space<semaphore_mem>>
      %dma_start3A_332 = arith.constant 0 : i32
      %dma_start3A_333 = tpu.memref_slice %arg5[%add3A_304, %dma_start3A_332] : memref<20640x128xf32, #tpu.memory_space<hbm>> -> memref<128x128xf32, #tpu.memory_space<hbm>>
      %dma_start3A_334 = arith.constant 0 : i32
      %dma_start3A_335 = tpu.memref_slice %arg10[%mul3A_301, %dma_start3A_334] : memref<10240x128xf32, #tpu.memory_space<vmem_shared>> -> memref<128x128xf32, #tpu.memory_space<vmem_shared>>
      tpu.enqueue_dma source(%dma_start3A_335 : memref<128x128xf32, #tpu.memory_space<vmem_shared>>) target(%dma_start3A_333 : memref<128x128xf32, #tpu.memory_space<hbm>>) target_semaphore(%run_scoped3A : memref<!tpu.dma_semaphore, #tpu.memory_space<semaphore_mem>>)
      %dma_wait3A_336 = arith.constant 0 : i32
      %dma_wait3A_337 = tpu.memref_slice %arg5[%add3A_304, %dma_wait3A_336] : memref<20640x128xf32, #tpu.memory_space<hbm>> -> memref<128x128xf32, #tpu.memory_space<hbm>>
      %dma_wait3A_338 = arith.constant 0 : i32
      %dma_wait3A_339 = tpu.memref_slice %arg10[%mul3A_301, %dma_wait3A_338] : memref<10240x128xf32, #tpu.memory_space<vmem_shared>> -> memref<128x128xf32, #tpu.memory_space<vmem_shared>>
      tpu.wait_dma2 semaphore(%run_scoped3A : memref<!tpu.dma_semaphore, #tpu.memory_space<semaphore_mem>>) src(%dma_wait3A_339 : memref<128x128xf32, #tpu.memory_space<vmem_shared>>) dst(%dma_wait3A_337 : memref<128x128xf32, #tpu.memory_space<hbm>>)
      tpu.yield
    }) : () -> ()
    %mul3A_305 = arith.constant 5 : i32
    %mul3A_306 = arith.muli %arg1, %mul3A_305 : i32
    %add3A_307 = arith.constant 2 : i32
    %add3A_308 = arith.addi %mul3A_306, %add3A_307 : i32
    %mul3A_309 = arith.constant 128 : i32
    %mul3A_310 = arith.muli %add3A_308, %mul3A_309 : i32
    %mul3A_311 = arith.constant 10400 : i32
    %mul3A_312 = arith.muli %arg0, %mul3A_311 : i32
    %add3A_313 = arith.addi %mul3A_312, %mul3A_310 : i32
    "tpu.region"() ({
      %run_scoped3A = tpu.sem_alloc : memref<!tpu.dma_semaphore, #tpu.memory_space<semaphore_mem>>
      %dma_start3A_332 = arith.constant 0 : i32
      %dma_start3A_333 = tpu.memref_slice %arg5[%add3A_313, %dma_start3A_332] : memref<20640x128xf32, #tpu.memory_space<hbm>> -> memref<128x128xf32, #tpu.memory_space<hbm>>
      %dma_start3A_334 = arith.constant 0 : i32
      %dma_start3A_335 = tpu.memref_slice %arg10[%mul3A_310, %dma_start3A_334] : memref<10240x128xf32, #tpu.memory_space<vmem_shared>> -> memref<128x128xf32, #tpu.memory_space<vmem_shared>>
      tpu.enqueue_dma source(%dma_start3A_335 : memref<128x128xf32, #tpu.memory_space<vmem_shared>>) target(%dma_start3A_333 : memref<128x128xf32, #tpu.memory_space<hbm>>) target_semaphore(%run_scoped3A : memref<!tpu.dma_semaphore, #tpu.memory_space<semaphore_mem>>)
      %dma_wait3A_336 = arith.constant 0 : i32
      %dma_wait3A_337 = tpu.memref_slice %arg5[%add3A_313, %dma_wait3A_336] : memref<20640x128xf32, #tpu.memory_space<hbm>> -> memref<128x128xf32, #tpu.memory_space<hbm>>
      %dma_wait3A_338 = arith.constant 0 : i32
      %dma_wait3A_339 = tpu.memref_slice %arg10[%mul3A_310, %dma_wait3A_338] : memref<10240x128xf32, #tpu.memory_space<vmem_shared>> -> memref<128x128xf32, #tpu.memory_space<vmem_shared>>
      tpu.wait_dma2 semaphore(%run_scoped3A : memref<!tpu.dma_semaphore, #tpu.memory_space<semaphore_mem>>) src(%dma_wait3A_339 : memref<128x128xf32, #tpu.memory_space<vmem_shared>>) dst(%dma_wait3A_337 : memref<128x128xf32, #tpu.memory_space<hbm>>)
      tpu.yield
    }) : () -> ()
    %mul3A_314 = arith.constant 5 : i32
    %mul3A_315 = arith.muli %arg1, %mul3A_314 : i32
    %add3A_316 = arith.constant 3 : i32
    %add3A_317 = arith.addi %mul3A_315, %add3A_316 : i32
    %mul3A_318 = arith.constant 128 : i32
    %mul3A_319 = arith.muli %add3A_317, %mul3A_318 : i32
    %mul3A_320 = arith.constant 10400 : i32
    %mul3A_321 = arith.muli %arg0, %mul3A_320 : i32
    %add3A_322 = arith.addi %mul3A_321, %mul3A_319 : i32
    "tpu.region"() ({
      %run_scoped3A = tpu.sem_alloc : memref<!tpu.dma_semaphore, #tpu.memory_space<semaphore_mem>>
      %dma_start3A_332 = arith.constant 0 : i32
      %dma_start3A_333 = tpu.memref_slice %arg5[%add3A_322, %dma_start3A_332] : memref<20640x128xf32, #tpu.memory_space<hbm>> -> memref<128x128xf32, #tpu.memory_space<hbm>>
      %dma_start3A_334 = arith.constant 0 : i32
      %dma_start3A_335 = tpu.memref_slice %arg10[%mul3A_319, %dma_start3A_334] : memref<10240x128xf32, #tpu.memory_space<vmem_shared>> -> memref<128x128xf32, #tpu.memory_space<vmem_shared>>
      tpu.enqueue_dma source(%dma_start3A_335 : memref<128x128xf32, #tpu.memory_space<vmem_shared>>) target(%dma_start3A_333 : memref<128x128xf32, #tpu.memory_space<hbm>>) target_semaphore(%run_scoped3A : memref<!tpu.dma_semaphore, #tpu.memory_space<semaphore_mem>>)
      %dma_wait3A_336 = arith.constant 0 : i32
      %dma_wait3A_337 = tpu.memref_slice %arg5[%add3A_322, %dma_wait3A_336] : memref<20640x128xf32, #tpu.memory_space<hbm>> -> memref<128x128xf32, #tpu.memory_space<hbm>>
      %dma_wait3A_338 = arith.constant 0 : i32
      %dma_wait3A_339 = tpu.memref_slice %arg10[%mul3A_319, %dma_wait3A_338] : memref<10240x128xf32, #tpu.memory_space<vmem_shared>> -> memref<128x128xf32, #tpu.memory_space<vmem_shared>>
      tpu.wait_dma2 semaphore(%run_scoped3A : memref<!tpu.dma_semaphore, #tpu.memory_space<semaphore_mem>>) src(%dma_wait3A_339 : memref<128x128xf32, #tpu.memory_space<vmem_shared>>) dst(%dma_wait3A_337 : memref<128x128xf32, #tpu.memory_space<hbm>>)
      tpu.yield
    }) : () -> ()
    %mul3A_323 = arith.constant 5 : i32
    %mul3A_324 = arith.muli %arg1, %mul3A_323 : i32
    %add3A_325 = arith.constant 4 : i32
    %add3A_326 = arith.addi %mul3A_324, %add3A_325 : i32
    %mul3A_327 = arith.constant 128 : i32
    %mul3A_328 = arith.muli %add3A_326, %mul3A_327 : i32
    %mul3A_329 = arith.constant 10400 : i32
    %mul3A_330 = arith.muli %arg0, %mul3A_329 : i32
    %add3A_331 = arith.addi %mul3A_330, %mul3A_328 : i32
    "tpu.region"() ({
      %run_scoped3A = tpu.sem_alloc : memref<!tpu.dma_semaphore, #tpu.memory_space<semaphore_mem>>
      %dma_start3A_332 = arith.constant 0 : i32
      %dma_start3A_333 = tpu.memref_slice %arg5[%add3A_331, %dma_start3A_332] : memref<20640x128xf32, #tpu.memory_space<hbm>> -> memref<128x128xf32, #tpu.memory_space<hbm>>
      %dma_start3A_334 = arith.constant 0 : i32
      %dma_start3A_335 = tpu.memref_slice %arg10[%mul3A_328, %dma_start3A_334] : memref<10240x128xf32, #tpu.memory_space<vmem_shared>> -> memref<128x128xf32, #tpu.memory_space<vmem_shared>>
      tpu.enqueue_dma source(%dma_start3A_335 : memref<128x128xf32, #tpu.memory_space<vmem_shared>>) target(%dma_start3A_333 : memref<128x128xf32, #tpu.memory_space<hbm>>) target_semaphore(%run_scoped3A : memref<!tpu.dma_semaphore, #tpu.memory_space<semaphore_mem>>)
      %dma_wait3A_336 = arith.constant 0 : i32
      %dma_wait3A_337 = tpu.memref_slice %arg5[%add3A_331, %dma_wait3A_336] : memref<20640x128xf32, #tpu.memory_space<hbm>> -> memref<128x128xf32, #tpu.memory_space<hbm>>
      %dma_wait3A_338 = arith.constant 0 : i32
      %dma_wait3A_339 = tpu.memref_slice %arg10[%mul3A_328, %dma_wait3A_338] : memref<10240x128xf32, #tpu.memory_space<vmem_shared>> -> memref<128x128xf32, #tpu.memory_space<vmem_shared>>
      tpu.wait_dma2 semaphore(%run_scoped3A : memref<!tpu.dma_semaphore, #tpu.memory_space<semaphore_mem>>) src(%dma_wait3A_339 : memref<128x128xf32, #tpu.memory_space<vmem_shared>>) dst(%dma_wait3A_337 : memref<128x128xf32, #tpu.memory_space<hbm>>)
      tpu.yield
    }) : () -> ()
    return
  }
}

#map = affine_map<(d0, d1) -> (0, 0)>
#map1 = affine_map<(d0, d1) -> (0)>
module attributes {stable_mosaic.version = 14 : i64} {
  func.func @_agg_body(%arg0: i32, %arg1: i32, %arg2: memref<10000x128xf32, #tpu.memory_space<hbm>>, %arg3: memref<640000xi32, #tpu.memory_space<hbm>>, %arg4: memref<128x128xf32, #tpu.memory_space<hbm>>, %arg5: memref<20640x128xf32, #tpu.memory_space<hbm>>, %arg6: memref<2x2x128xi32, #tpu.memory_space<vmem>>, %arg7: memref<2x16xi32, #tpu.memory_space<vmem>>, %arg8: memref<128x128xf32, #tpu.memory_space<vmem>>, %arg9: memref<128x128xf32, #tpu.memory_space<vmem>>, %arg10: memref<10240x128xf32, #tpu.memory_space<vmem_shared>>, %arg11: memref<!tpu.dma_semaphore, #tpu.memory_space<semaphore_mem>>, %arg12: memref<!tpu.dma_semaphore, #tpu.memory_space<semaphore_mem>>, %arg13: memref<!tpu.dma_semaphore, #tpu.memory_space<semaphore_mem>>, %arg14: memref<!tpu.dma_semaphore, #tpu.memory_space<semaphore_mem>>, %arg15: memref<!tpu.dma_semaphore, #tpu.memory_space<semaphore_mem>>, %arg16: memref<!tpu.dma_semaphore, #tpu.memory_space<semaphore_mem>>) attributes {dimension_semantics = [#tpu.dimension_semantics<core_parallel>, #tpu.dimension_semantics<subcore_parallel>], iteration_bounds = array<i64: 2, 16>, scalar_prefetch = 0 : i64, scratch_operands = 11 : i64, tpu.core_type = #tpu.core_type<sc_vector_subcore>, window_params = [{transform_indices = #map}, {transform_indices = #map1}, {transform_indices = #map}, {transform_indices = #map}]} {
    %mul3A = arith.constant 16 : i32
    %mul3A_0 = arith.muli %arg0, %mul3A : i32
    %add3A = arith.addi %mul3A_0, %arg1 : i32
    %mul3A_1 = arith.constant 10000 : i32
    %mul3A_2 = arith.muli %add3A, %mul3A_1 : i32
    %add3A_3 = arith.constant 0 : i32
    %add3A_4 = arith.addi %mul3A_2, %add3A_3 : i32
    %dma_start3A = arith.constant 0 : i32
    %dma_start3A_5 = arith.constant 0 : i32
    %dma_start3A_6 = arith.constant 0 : i32
    %dma_start3A_7 = tpu.memref_slice %arg6[%dma_start3A, %dma_start3A_5, %dma_start3A_6] : memref<2x2x128xi32, #tpu.memory_space<vmem>> -> memref<1x1x128xi32, #tpu.memory_space<vmem>>
    %dma_start3A_8 = tpu.memref_squeeze %dma_start3A_7 : memref<1x1x128xi32, #tpu.memory_space<vmem>> -> memref<128xi32, #tpu.memory_space<vmem>>
    %dma_start3A_9 = tpu.memref_slice %arg3[%add3A_4] : memref<640000xi32, #tpu.memory_space<hbm>> -> memref<128xi32, #tpu.memory_space<hbm>>
    %dma_start3A_10 = arith.constant 0 : i32
    %dma_start3A_11 = tpu.memref_slice %arg6[%dma_start3A, %dma_start3A_5, %dma_start3A_10] : memref<2x2x128xi32, #tpu.memory_space<vmem>> -> memref<1x1x128xi32, #tpu.memory_space<vmem>>
    %dma_start3A_12 = tpu.memref_squeeze %dma_start3A_11 : memref<1x1x128xi32, #tpu.memory_space<vmem>> -> memref<128xi32, #tpu.memory_space<vmem>>
    %dma_start3A_13 = tpu.memref_slice %arg3[%add3A_4] : memref<640000xi32, #tpu.memory_space<hbm>> -> memref<128xi32, #tpu.memory_space<hbm>>
    tpu.enqueue_dma source(%dma_start3A_13 : memref<128xi32, #tpu.memory_space<hbm>>) target(%dma_start3A_12 : memref<128xi32, #tpu.memory_space<vmem>>) target_semaphore(%arg11 : memref<!tpu.dma_semaphore, #tpu.memory_space<semaphore_mem>>)
    %add3A_14 = arith.constant 320000 : i32
    %add3A_15 = arith.addi %add3A_14, %mul3A_2 : i32
    %add3A_16 = arith.constant 0 : i32
    %add3A_17 = arith.addi %add3A_15, %add3A_16 : i32
    %dma_start3A_18 = arith.constant 0 : i32
    %dma_start3A_19 = arith.constant 1 : i32
    %dma_start3A_20 = arith.constant 0 : i32
    %dma_start3A_21 = tpu.memref_slice %arg6[%dma_start3A_18, %dma_start3A_19, %dma_start3A_20] : memref<2x2x128xi32, #tpu.memory_space<vmem>> -> memref<1x1x128xi32, #tpu.memory_space<vmem>>
    %dma_start3A_22 = tpu.memref_squeeze %dma_start3A_21 : memref<1x1x128xi32, #tpu.memory_space<vmem>> -> memref<128xi32, #tpu.memory_space<vmem>>
    %dma_start3A_23 = tpu.memref_slice %arg3[%add3A_17] : memref<640000xi32, #tpu.memory_space<hbm>> -> memref<128xi32, #tpu.memory_space<hbm>>
    %dma_start3A_24 = arith.constant 0 : i32
    %dma_start3A_25 = tpu.memref_slice %arg6[%dma_start3A_18, %dma_start3A_19, %dma_start3A_24] : memref<2x2x128xi32, #tpu.memory_space<vmem>> -> memref<1x1x128xi32, #tpu.memory_space<vmem>>
    %dma_start3A_26 = tpu.memref_squeeze %dma_start3A_25 : memref<1x1x128xi32, #tpu.memory_space<vmem>> -> memref<128xi32, #tpu.memory_space<vmem>>
    %dma_start3A_27 = tpu.memref_slice %arg3[%add3A_17] : memref<640000xi32, #tpu.memory_space<hbm>> -> memref<128xi32, #tpu.memory_space<hbm>>
    tpu.enqueue_dma source(%dma_start3A_27 : memref<128xi32, #tpu.memory_space<hbm>>) target(%dma_start3A_26 : memref<128xi32, #tpu.memory_space<vmem>>) target_semaphore(%arg11 : memref<!tpu.dma_semaphore, #tpu.memory_space<semaphore_mem>>)
    %add3A_28 = arith.constant 128 : i32
    %add3A_29 = arith.addi %mul3A_2, %add3A_28 : i32
    %dma_start3A_30 = arith.constant 1 : i32
    %dma_start3A_31 = arith.constant 0 : i32
    %dma_start3A_32 = arith.constant 0 : i32
    %dma_start3A_33 = tpu.memref_slice %arg6[%dma_start3A_30, %dma_start3A_31, %dma_start3A_32] : memref<2x2x128xi32, #tpu.memory_space<vmem>> -> memref<1x1x128xi32, #tpu.memory_space<vmem>>
    %dma_start3A_34 = tpu.memref_squeeze %dma_start3A_33 : memref<1x1x128xi32, #tpu.memory_space<vmem>> -> memref<128xi32, #tpu.memory_space<vmem>>
    %dma_start3A_35 = tpu.memref_slice %arg3[%add3A_29] : memref<640000xi32, #tpu.memory_space<hbm>> -> memref<128xi32, #tpu.memory_space<hbm>>
    %dma_start3A_36 = arith.constant 0 : i32
    %dma_start3A_37 = tpu.memref_slice %arg6[%dma_start3A_30, %dma_start3A_31, %dma_start3A_36] : memref<2x2x128xi32, #tpu.memory_space<vmem>> -> memref<1x1x128xi32, #tpu.memory_space<vmem>>
    %dma_start3A_38 = tpu.memref_squeeze %dma_start3A_37 : memref<1x1x128xi32, #tpu.memory_space<vmem>> -> memref<128xi32, #tpu.memory_space<vmem>>
    %dma_start3A_39 = tpu.memref_slice %arg3[%add3A_29] : memref<640000xi32, #tpu.memory_space<hbm>> -> memref<128xi32, #tpu.memory_space<hbm>>
    tpu.enqueue_dma source(%dma_start3A_39 : memref<128xi32, #tpu.memory_space<hbm>>) target(%dma_start3A_38 : memref<128xi32, #tpu.memory_space<vmem>>) target_semaphore(%arg12 : memref<!tpu.dma_semaphore, #tpu.memory_space<semaphore_mem>>)
    %add3A_40 = arith.constant 320000 : i32
    %add3A_41 = arith.addi %add3A_40, %mul3A_2 : i32
    %add3A_42 = arith.constant 128 : i32
    %add3A_43 = arith.addi %add3A_41, %add3A_42 : i32
    %dma_start3A_44 = arith.constant 1 : i32
    %dma_start3A_45 = arith.constant 1 : i32
    %dma_start3A_46 = arith.constant 0 : i32
    %dma_start3A_47 = tpu.memref_slice %arg6[%dma_start3A_44, %dma_start3A_45, %dma_start3A_46] : memref<2x2x128xi32, #tpu.memory_space<vmem>> -> memref<1x1x128xi32, #tpu.memory_space<vmem>>
    %dma_start3A_48 = tpu.memref_squeeze %dma_start3A_47 : memref<1x1x128xi32, #tpu.memory_space<vmem>> -> memref<128xi32, #tpu.memory_space<vmem>>
    %dma_start3A_49 = tpu.memref_slice %arg3[%add3A_43] : memref<640000xi32, #tpu.memory_space<hbm>> -> memref<128xi32, #tpu.memory_space<hbm>>
    %dma_start3A_50 = arith.constant 0 : i32
    %dma_start3A_51 = tpu.memref_slice %arg6[%dma_start3A_44, %dma_start3A_45, %dma_start3A_50] : memref<2x2x128xi32, #tpu.memory_space<vmem>> -> memref<1x1x128xi32, #tpu.memory_space<vmem>>
    %dma_start3A_52 = tpu.memref_squeeze %dma_start3A_51 : memref<1x1x128xi32, #tpu.memory_space<vmem>> -> memref<128xi32, #tpu.memory_space<vmem>>
    %dma_start3A_53 = tpu.memref_slice %arg3[%add3A_43] : memref<640000xi32, #tpu.memory_space<hbm>> -> memref<128xi32, #tpu.memory_space<hbm>>
    tpu.enqueue_dma source(%dma_start3A_53 : memref<128xi32, #tpu.memory_space<hbm>>) target(%dma_start3A_52 : memref<128xi32, #tpu.memory_space<vmem>>) target_semaphore(%arg12 : memref<!tpu.dma_semaphore, #tpu.memory_space<semaphore_mem>>)
    %dma_wait3A = arith.constant 0 : i32
    %dma_wait3A_54 = arith.constant 0 : i32
    %dma_wait3A_55 = arith.constant 0 : i32
    %dma_wait3A_56 = tpu.memref_slice %arg6[%dma_wait3A, %dma_wait3A_54, %dma_wait3A_55] : memref<2x2x128xi32, #tpu.memory_space<vmem>> -> memref<1x1x128xi32, #tpu.memory_space<vmem>>
    %dma_wait3A_57 = tpu.memref_squeeze %dma_wait3A_56 : memref<1x1x128xi32, #tpu.memory_space<vmem>> -> memref<128xi32, #tpu.memory_space<vmem>>
    %dma_wait3A_58 = arith.constant 0 : i32
    %dma_wait3A_59 = tpu.memref_slice %arg3[%dma_wait3A_58] : memref<640000xi32, #tpu.memory_space<hbm>> -> memref<128xi32, #tpu.memory_space<hbm>>
    %dma_wait3A_60 = arith.constant 0 : i32
    %dma_wait3A_61 = tpu.memref_slice %arg6[%dma_wait3A, %dma_wait3A_54, %dma_wait3A_60] : memref<2x2x128xi32, #tpu.memory_space<vmem>> -> memref<1x1x128xi32, #tpu.memory_space<vmem>>
    %dma_wait3A_62 = tpu.memref_squeeze %dma_wait3A_61 : memref<1x1x128xi32, #tpu.memory_space<vmem>> -> memref<128xi32, #tpu.memory_space<vmem>>
    %dma_wait3A_63 = arith.constant 0 : i32
    %dma_wait3A_64 = tpu.memref_slice %arg3[%dma_wait3A_63] : memref<640000xi32, #tpu.memory_space<hbm>> -> memref<128xi32, #tpu.memory_space<hbm>>
    tpu.wait_dma2 semaphore(%arg11 : memref<!tpu.dma_semaphore, #tpu.memory_space<semaphore_mem>>) src(%dma_wait3A_64 : memref<128xi32, #tpu.memory_space<hbm>>) dst(%dma_wait3A_62 : memref<128xi32, #tpu.memory_space<vmem>>)
    %dma_wait3A_65 = arith.constant 0 : i32
    %dma_wait3A_66 = arith.constant 1 : i32
    %dma_wait3A_67 = arith.constant 0 : i32
    %dma_wait3A_68 = tpu.memref_slice %arg6[%dma_wait3A_65, %dma_wait3A_66, %dma_wait3A_67] : memref<2x2x128xi32, #tpu.memory_space<vmem>> -> memref<1x1x128xi32, #tpu.memory_space<vmem>>
    %dma_wait3A_69 = tpu.memref_squeeze %dma_wait3A_68 : memref<1x1x128xi32, #tpu.memory_space<vmem>> -> memref<128xi32, #tpu.memory_space<vmem>>
    %dma_wait3A_70 = arith.constant 0 : i32
    %dma_wait3A_71 = tpu.memref_slice %arg3[%dma_wait3A_70] : memref<640000xi32, #tpu.memory_space<hbm>> -> memref<128xi32, #tpu.memory_space<hbm>>
    %dma_wait3A_72 = arith.constant 0 : i32
    %dma_wait3A_73 = tpu.memref_slice %arg6[%dma_wait3A_65, %dma_wait3A_66, %dma_wait3A_72] : memref<2x2x128xi32, #tpu.memory_space<vmem>> -> memref<1x1x128xi32, #tpu.memory_space<vmem>>
    %dma_wait3A_74 = tpu.memref_squeeze %dma_wait3A_73 : memref<1x1x128xi32, #tpu.memory_space<vmem>> -> memref<128xi32, #tpu.memory_space<vmem>>
    %dma_wait3A_75 = arith.constant 0 : i32
    %dma_wait3A_76 = tpu.memref_slice %arg3[%dma_wait3A_75] : memref<640000xi32, #tpu.memory_space<hbm>> -> memref<128xi32, #tpu.memory_space<hbm>>
    tpu.wait_dma2 semaphore(%arg11 : memref<!tpu.dma_semaphore, #tpu.memory_space<semaphore_mem>>) src(%dma_wait3A_76 : memref<128xi32, #tpu.memory_space<hbm>>) dst(%dma_wait3A_74 : memref<128xi32, #tpu.memory_space<vmem>>)
    %dma_start3A_77 = arith.constant 0 : i32
    %dma_start3A_78 = arith.constant 0 : i32
    %dma_start3A_79 = arith.constant 0 : i32
    %dma_start3A_80 = tpu.memref_slice %arg6[%dma_start3A_77, %dma_start3A_78, %dma_start3A_79] : memref<2x2x128xi32, #tpu.memory_space<vmem>> -> memref<1x1x128xi32, #tpu.memory_space<vmem>>
    %dma_start3A_81 = tpu.memref_squeeze %dma_start3A_80 : memref<1x1x128xi32, #tpu.memory_space<vmem>> -> memref<128xi32, #tpu.memory_space<vmem>>
    %dma_start3A_82 = arith.constant 0 : i32
    %dma_start3A_83 = arith.constant 0 : i32
    %dma_start3A_84 = tpu.memref_slice %arg2[%dma_start3A_82, %dma_start3A_83] : memref<10000x128xf32, #tpu.memory_space<hbm>> -> memref<10000x128xf32, #tpu.memory_space<hbm>>
    tpu.enqueue_indirect_dma source(%dma_start3A_84 : memref<10000x128xf32, #tpu.memory_space<hbm>>) target(%arg8 : memref<128x128xf32, #tpu.memory_space<vmem>>) offsets(%dma_start3A_81 : memref<128xi32, #tpu.memory_space<vmem>>) semaphore(%arg13 : memref<!tpu.dma_semaphore, #tpu.memory_space<semaphore_mem>>)
    %mul3A_85 = arith.constant 5 : i32
    %mul3A_86 = arith.muli %arg1, %mul3A_85 : i32
    %add3A_87 = arith.constant 0 : i32
    %add3A_88 = arith.addi %mul3A_86, %add3A_87 : i32
    %mul3A_89 = arith.constant 128 : i32
    %mul3A_90 = arith.muli %add3A_88, %mul3A_89 : i32
    "tpu.region"() ({
      %run_scoped3A = tpu.sem_alloc : memref<!tpu.dma_semaphore, #tpu.memory_space<semaphore_mem>>
      %dma_start3A_332 = arith.constant 0 : i32
      %dma_start3A_333 = tpu.memref_slice %arg10[%mul3A_90, %dma_start3A_332] : memref<10240x128xf32, #tpu.memory_space<vmem_shared>> -> memref<128x128xf32, #tpu.memory_space<vmem_shared>>
      tpu.enqueue_dma source(%arg4 : memref<128x128xf32, #tpu.memory_space<hbm>>) target(%dma_start3A_333 : memref<128x128xf32, #tpu.memory_space<vmem_shared>>) target_semaphore(%run_scoped3A : memref<!tpu.dma_semaphore, #tpu.memory_space<semaphore_mem>>)
      %dma_wait3A_334 = arith.constant 0 : i32
      %dma_wait3A_335 = tpu.memref_slice %arg10[%mul3A_90, %dma_wait3A_334] : memref<10240x128xf32, #tpu.memory_space<vmem_shared>> -> memref<128x128xf32, #tpu.memory_space<vmem_shared>>
      tpu.wait_dma2 semaphore(%run_scoped3A : memref<!tpu.dma_semaphore, #tpu.memory_space<semaphore_mem>>) src(%arg4 : memref<128x128xf32, #tpu.memory_space<hbm>>) dst(%dma_wait3A_335 : memref<128x128xf32, #tpu.memory_space<vmem_shared>>)
      tpu.yield
    }) : () -> ()
    %mul3A_91 = arith.constant 5 : i32
    %mul3A_92 = arith.muli %arg1, %mul3A_91 : i32
    %add3A_93 = arith.constant 1 : i32
    %add3A_94 = arith.addi %mul3A_92, %add3A_93 : i32
    %mul3A_95 = arith.constant 128 : i32
    %mul3A_96 = arith.muli %add3A_94, %mul3A_95 : i32
    "tpu.region"() ({
      %run_scoped3A = tpu.sem_alloc : memref<!tpu.dma_semaphore, #tpu.memory_space<semaphore_mem>>
      %dma_start3A_332 = arith.constant 0 : i32
      %dma_start3A_333 = tpu.memref_slice %arg10[%mul3A_96, %dma_start3A_332] : memref<10240x128xf32, #tpu.memory_space<vmem_shared>> -> memref<128x128xf32, #tpu.memory_space<vmem_shared>>
      tpu.enqueue_dma source(%arg4 : memref<128x128xf32, #tpu.memory_space<hbm>>) target(%dma_start3A_333 : memref<128x128xf32, #tpu.memory_space<vmem_shared>>) target_semaphore(%run_scoped3A : memref<!tpu.dma_semaphore, #tpu.memory_space<semaphore_mem>>)
      %dma_wait3A_334 = arith.constant 0 : i32
      %dma_wait3A_335 = tpu.memref_slice %arg10[%mul3A_96, %dma_wait3A_334] : memref<10240x128xf32, #tpu.memory_space<vmem_shared>> -> memref<128x128xf32, #tpu.memory_space<vmem_shared>>
      tpu.wait_dma2 semaphore(%run_scoped3A : memref<!tpu.dma_semaphore, #tpu.memory_space<semaphore_mem>>) src(%arg4 : memref<128x128xf32, #tpu.memory_space<hbm>>) dst(%dma_wait3A_335 : memref<128x128xf32, #tpu.memory_space<vmem_shared>>)
      tpu.yield
    }) : () -> ()
    %mul3A_97 = arith.constant 5 : i32
    %mul3A_98 = arith.muli %arg1, %mul3A_97 : i32
    %add3A_99 = arith.constant 2 : i32
    %add3A_100 = arith.addi %mul3A_98, %add3A_99 : i32
    %mul3A_101 = arith.constant 128 : i32
    %mul3A_102 = arith.muli %add3A_100, %mul3A_101 : i32
    "tpu.region"() ({
      %run_scoped3A = tpu.sem_alloc : memref<!tpu.dma_semaphore, #tpu.memory_space<semaphore_mem>>
      %dma_start3A_332 = arith.constant 0 : i32
      %dma_start3A_333 = tpu.memref_slice %arg10[%mul3A_102, %dma_start3A_332] : memref<10240x128xf32, #tpu.memory_space<vmem_shared>> -> memref<128x128xf32, #tpu.memory_space<vmem_shared>>
      tpu.enqueue_dma source(%arg4 : memref<128x128xf32, #tpu.memory_space<hbm>>) target(%dma_start3A_333 : memref<128x128xf32, #tpu.memory_space<vmem_shared>>) target_semaphore(%run_scoped3A : memref<!tpu.dma_semaphore, #tpu.memory_space<semaphore_mem>>)
      %dma_wait3A_334 = arith.constant 0 : i32
      %dma_wait3A_335 = tpu.memref_slice %arg10[%mul3A_102, %dma_wait3A_334] : memref<10240x128xf32, #tpu.memory_space<vmem_shared>> -> memref<128x128xf32, #tpu.memory_space<vmem_shared>>
      tpu.wait_dma2 semaphore(%run_scoped3A : memref<!tpu.dma_semaphore, #tpu.memory_space<semaphore_mem>>) src(%arg4 : memref<128x128xf32, #tpu.memory_space<hbm>>) dst(%dma_wait3A_335 : memref<128x128xf32, #tpu.memory_space<vmem_shared>>)
      tpu.yield
    }) : () -> ()
    %mul3A_103 = arith.constant 5 : i32
    %mul3A_104 = arith.muli %arg1, %mul3A_103 : i32
    %add3A_105 = arith.constant 3 : i32
    %add3A_106 = arith.addi %mul3A_104, %add3A_105 : i32
    %mul3A_107 = arith.constant 128 : i32
    %mul3A_108 = arith.muli %add3A_106, %mul3A_107 : i32
    "tpu.region"() ({
      %run_scoped3A = tpu.sem_alloc : memref<!tpu.dma_semaphore, #tpu.memory_space<semaphore_mem>>
      %dma_start3A_332 = arith.constant 0 : i32
      %dma_start3A_333 = tpu.memref_slice %arg10[%mul3A_108, %dma_start3A_332] : memref<10240x128xf32, #tpu.memory_space<vmem_shared>> -> memref<128x128xf32, #tpu.memory_space<vmem_shared>>
      tpu.enqueue_dma source(%arg4 : memref<128x128xf32, #tpu.memory_space<hbm>>) target(%dma_start3A_333 : memref<128x128xf32, #tpu.memory_space<vmem_shared>>) target_semaphore(%run_scoped3A : memref<!tpu.dma_semaphore, #tpu.memory_space<semaphore_mem>>)
      %dma_wait3A_334 = arith.constant 0 : i32
      %dma_wait3A_335 = tpu.memref_slice %arg10[%mul3A_108, %dma_wait3A_334] : memref<10240x128xf32, #tpu.memory_space<vmem_shared>> -> memref<128x128xf32, #tpu.memory_space<vmem_shared>>
      tpu.wait_dma2 semaphore(%run_scoped3A : memref<!tpu.dma_semaphore, #tpu.memory_space<semaphore_mem>>) src(%arg4 : memref<128x128xf32, #tpu.memory_space<hbm>>) dst(%dma_wait3A_335 : memref<128x128xf32, #tpu.memory_space<vmem_shared>>)
      tpu.yield
    }) : () -> ()
    %mul3A_109 = arith.constant 5 : i32
    %mul3A_110 = arith.muli %arg1, %mul3A_109 : i32
    %add3A_111 = arith.constant 4 : i32
    %add3A_112 = arith.addi %mul3A_110, %add3A_111 : i32
    %mul3A_113 = arith.constant 128 : i32
    %mul3A_114 = arith.muli %add3A_112, %mul3A_113 : i32
    "tpu.region"() ({
      %run_scoped3A = tpu.sem_alloc : memref<!tpu.dma_semaphore, #tpu.memory_space<semaphore_mem>>
      %dma_start3A_332 = arith.constant 0 : i32
      %dma_start3A_333 = tpu.memref_slice %arg10[%mul3A_114, %dma_start3A_332] : memref<10240x128xf32, #tpu.memory_space<vmem_shared>> -> memref<128x128xf32, #tpu.memory_space<vmem_shared>>
      tpu.enqueue_dma source(%arg4 : memref<128x128xf32, #tpu.memory_space<hbm>>) target(%dma_start3A_333 : memref<128x128xf32, #tpu.memory_space<vmem_shared>>) target_semaphore(%run_scoped3A : memref<!tpu.dma_semaphore, #tpu.memory_space<semaphore_mem>>)
      %dma_wait3A_334 = arith.constant 0 : i32
      %dma_wait3A_335 = tpu.memref_slice %arg10[%mul3A_114, %dma_wait3A_334] : memref<10240x128xf32, #tpu.memory_space<vmem_shared>> -> memref<128x128xf32, #tpu.memory_space<vmem_shared>>
      tpu.wait_dma2 semaphore(%run_scoped3A : memref<!tpu.dma_semaphore, #tpu.memory_space<semaphore_mem>>) src(%arg4 : memref<128x128xf32, #tpu.memory_space<hbm>>) dst(%dma_wait3A_335 : memref<128x128xf32, #tpu.memory_space<vmem_shared>>)
      tpu.yield
    }) : () -> ()
    %barrier3A = arith.constant 0 : index
    tpu.barrier barrier_id(%barrier3A)
    %scan3A = arith.constant 0 : i32
    %scan3A_115 = arith.constant 0 : i32
    %scan3A_116 = arith.constant 38 : i32
    %scan3A_117 = arith.addi %scan3A_115, %scan3A_116 : i32
    %scan3A_118 = arith.constant 1 : i32
    scf.for %scan3A_332 = %scan3A_115 to %scan3A_117 step %scan3A_118  : i32 {
      %mul3A_333 = arith.constant 2 : i32
      %mul3A_334 = arith.muli %scan3A_332, %mul3A_333 : i32
      %add3A_335 = arith.constant 0 : i32
      %add3A_336 = arith.addi %mul3A_334, %add3A_335 : i32
      %dma_wait3A_337 = arith.constant 0 : i32
      %dma_wait3A_338 = arith.constant 0 : i32
      %dma_wait3A_339 = arith.constant 0 : i32
      %dma_wait3A_340 = tpu.memref_slice %arg6[%dma_wait3A_337, %dma_wait3A_338, %dma_wait3A_339] : memref<2x2x128xi32, #tpu.memory_space<vmem>> -> memref<1x1x128xi32, #tpu.memory_space<vmem>>
      %dma_wait3A_341 = tpu.memref_squeeze %dma_wait3A_340 : memref<1x1x128xi32, #tpu.memory_space<vmem>> -> memref<128xi32, #tpu.memory_space<vmem>>
      %dma_wait3A_342 = arith.constant 0 : i32
      %dma_wait3A_343 = arith.constant 0 : i32
      %dma_wait3A_344 = tpu.memref_slice %arg2[%dma_wait3A_342, %dma_wait3A_343] : memref<10000x128xf32, #tpu.memory_space<hbm>> -> memref<10000x128xf32, #tpu.memory_space<hbm>>
      tpu.wait_indirect_dma semaphore(%arg13 : memref<!tpu.dma_semaphore, #tpu.memory_space<semaphore_mem>>) src(%dma_wait3A_344 : memref<10000x128xf32, #tpu.memory_space<hbm>>) dst(%arg8 : memref<128x128xf32, #tpu.memory_space<vmem>>)
      %dma_wait3A_345 = arith.constant 1 : i32
      %dma_wait3A_346 = arith.constant 0 : i32
      %dma_wait3A_347 = arith.constant 0 : i32
      %dma_wait3A_348 = tpu.memref_slice %arg6[%dma_wait3A_345, %dma_wait3A_346, %dma_wait3A_347] : memref<2x2x128xi32, #tpu.memory_space<vmem>> -> memref<1x1x128xi32, #tpu.memory_space<vmem>>
      %dma_wait3A_349 = tpu.memref_squeeze %dma_wait3A_348 : memref<1x1x128xi32, #tpu.memory_space<vmem>> -> memref<128xi32, #tpu.memory_space<vmem>>
      %dma_wait3A_350 = arith.constant 0 : i32
      %dma_wait3A_351 = tpu.memref_slice %arg3[%dma_wait3A_350] : memref<640000xi32, #tpu.memory_space<hbm>> -> memref<128xi32, #tpu.memory_space<hbm>>
      %dma_wait3A_352 = arith.constant 0 : i32
      %dma_wait3A_353 = tpu.memref_slice %arg6[%dma_wait3A_345, %dma_wait3A_346, %dma_wait3A_352] : memref<2x2x128xi32, #tpu.memory_space<vmem>> -> memref<1x1x128xi32, #tpu.memory_space<vmem>>
      %dma_wait3A_354 = tpu.memref_squeeze %dma_wait3A_353 : memref<1x1x128xi32, #tpu.memory_space<vmem>> -> memref<128xi32, #tpu.memory_space<vmem>>
      %dma_wait3A_355 = arith.constant 0 : i32
      %dma_wait3A_356 = tpu.memref_slice %arg3[%dma_wait3A_355] : memref<640000xi32, #tpu.memory_space<hbm>> -> memref<128xi32, #tpu.memory_space<hbm>>
      tpu.wait_dma2 semaphore(%arg12 : memref<!tpu.dma_semaphore, #tpu.memory_space<semaphore_mem>>) src(%dma_wait3A_356 : memref<128xi32, #tpu.memory_space<hbm>>) dst(%dma_wait3A_354 : memref<128xi32, #tpu.memory_space<vmem>>)
      %dma_wait3A_357 = arith.constant 1 : i32
      %dma_wait3A_358 = arith.constant 1 : i32
      %dma_wait3A_359 = arith.constant 0 : i32
      %dma_wait3A_360 = tpu.memref_slice %arg6[%dma_wait3A_357, %dma_wait3A_358, %dma_wait3A_359] : memref<2x2x128xi32, #tpu.memory_space<vmem>> -> memref<1x1x128xi32, #tpu.memory_space<vmem>>
      %dma_wait3A_361 = tpu.memref_squeeze %dma_wait3A_360 : memref<1x1x128xi32, #tpu.memory_space<vmem>> -> memref<128xi32, #tpu.memory_space<vmem>>
      %dma_wait3A_362 = arith.constant 0 : i32
      %dma_wait3A_363 = tpu.memref_slice %arg3[%dma_wait3A_362] : memref<640000xi32, #tpu.memory_space<hbm>> -> memref<128xi32, #tpu.memory_space<hbm>>
      %dma_wait3A_364 = arith.constant 0 : i32
      %dma_wait3A_365 = tpu.memref_slice %arg6[%dma_wait3A_357, %dma_wait3A_358, %dma_wait3A_364] : memref<2x2x128xi32, #tpu.memory_space<vmem>> -> memref<1x1x128xi32, #tpu.memory_space<vmem>>
      %dma_wait3A_366 = tpu.memref_squeeze %dma_wait3A_365 : memref<1x1x128xi32, #tpu.memory_space<vmem>> -> memref<128xi32, #tpu.memory_space<vmem>>
      %dma_wait3A_367 = arith.constant 0 : i32
      %dma_wait3A_368 = tpu.memref_slice %arg3[%dma_wait3A_367] : memref<640000xi32, #tpu.memory_space<hbm>> -> memref<128xi32, #tpu.memory_space<hbm>>
      tpu.wait_dma2 semaphore(%arg12 : memref<!tpu.dma_semaphore, #tpu.memory_space<semaphore_mem>>) src(%dma_wait3A_368 : memref<128xi32, #tpu.memory_space<hbm>>) dst(%dma_wait3A_366 : memref<128xi32, #tpu.memory_space<vmem>>)
      %dma_start3A_369 = arith.constant 1 : i32
      %dma_start3A_370 = arith.constant 0 : i32
      %dma_start3A_371 = arith.constant 0 : i32
      %dma_start3A_372 = tpu.memref_slice %arg6[%dma_start3A_369, %dma_start3A_370, %dma_start3A_371] : memref<2x2x128xi32, #tpu.memory_space<vmem>> -> memref<1x1x128xi32, #tpu.memory_space<vmem>>
      %dma_start3A_373 = tpu.memref_squeeze %dma_start3A_372 : memref<1x1x128xi32, #tpu.memory_space<vmem>> -> memref<128xi32, #tpu.memory_space<vmem>>
      %dma_start3A_374 = arith.constant 0 : i32
      %dma_start3A_375 = arith.constant 0 : i32
      %dma_start3A_376 = tpu.memref_slice %arg2[%dma_start3A_374, %dma_start3A_375] : memref<10000x128xf32, #tpu.memory_space<hbm>> -> memref<10000x128xf32, #tpu.memory_space<hbm>>
      tpu.enqueue_indirect_dma source(%dma_start3A_376 : memref<10000x128xf32, #tpu.memory_space<hbm>>) target(%arg9 : memref<128x128xf32, #tpu.memory_space<vmem>>) offsets(%dma_start3A_373 : memref<128xi32, #tpu.memory_space<vmem>>) semaphore(%arg14 : memref<!tpu.dma_semaphore, #tpu.memory_space<semaphore_mem>>)
      %dma_start3A_377 = arith.constant 0 : i32
      %dma_start3A_378 = arith.constant 1 : i32
      %dma_start3A_379 = arith.constant 0 : i32
      %dma_start3A_380 = tpu.memref_slice %arg6[%dma_start3A_377, %dma_start3A_378, %dma_start3A_379] : memref<2x2x128xi32, #tpu.memory_space<vmem>> -> memref<1x1x128xi32, #tpu.memory_space<vmem>>
      %dma_start3A_381 = tpu.memref_squeeze %dma_start3A_380 : memref<1x1x128xi32, #tpu.memory_space<vmem>> -> memref<128xi32, #tpu.memory_space<vmem>>
      %dma_start3A_382 = arith.constant 0 : i32
      %dma_start3A_383 = arith.constant 0 : i32
      %dma_start3A_384 = tpu.memref_slice %arg10[%dma_start3A_382, %dma_start3A_383] : memref<10240x128xf32, #tpu.memory_space<vmem_shared>> -> memref<10240x128xf32, #tpu.memory_space<vmem_shared>>
      tpu.enqueue_indirect_dma source(%arg8 : memref<128x128xf32, #tpu.memory_space<vmem>>) target(%dma_start3A_384 : memref<10240x128xf32, #tpu.memory_space<vmem_shared>>) offsets(%dma_start3A_381 : memref<128xi32, #tpu.memory_space<vmem>>) semaphore(%arg15 : memref<!tpu.dma_semaphore, #tpu.memory_space<semaphore_mem>>) {add = true}
      %dma_wait3A_385 = arith.constant 0 : i32
      %dma_wait3A_386 = arith.constant 1 : i32
      %dma_wait3A_387 = arith.constant 0 : i32
      %dma_wait3A_388 = tpu.memref_slice %arg6[%dma_wait3A_385, %dma_wait3A_386, %dma_wait3A_387] : memref<2x2x128xi32, #tpu.memory_space<vmem>> -> memref<1x1x128xi32, #tpu.memory_space<vmem>>
      %dma_wait3A_389 = tpu.memref_squeeze %dma_wait3A_388 : memref<1x1x128xi32, #tpu.memory_space<vmem>> -> memref<128xi32, #tpu.memory_space<vmem>>
      %dma_wait3A_390 = arith.constant 0 : i32
      %dma_wait3A_391 = arith.constant 0 : i32
      %dma_wait3A_392 = tpu.memref_slice %arg10[%dma_wait3A_390, %dma_wait3A_391] : memref<10240x128xf32, #tpu.memory_space<vmem_shared>> -> memref<10240x128xf32, #tpu.memory_space<vmem_shared>>
      tpu.wait_indirect_dma semaphore(%arg15 : memref<!tpu.dma_semaphore, #tpu.memory_space<semaphore_mem>>) src(%arg8 : memref<128x128xf32, #tpu.memory_space<vmem>>) dst(%dma_wait3A_392 : memref<10240x128xf32, #tpu.memory_space<vmem_shared>>)
      %add3A_393 = arith.constant 2 : i32
      %add3A_394 = arith.addi %add3A_336, %add3A_393 : i32
      %mul3A_395 = arith.constant 128 : i32
      %mul3A_396 = arith.muli %add3A_394, %mul3A_395 : i32
      %add3A_397 = arith.addi %mul3A_2, %mul3A_396 : i32
      %dma_start3A_398 = arith.constant 0 : i32
      %dma_start3A_399 = arith.constant 0 : i32
      %dma_start3A_400 = arith.constant 0 : i32
      %dma_start3A_401 = tpu.memref_slice %arg6[%dma_start3A_398, %dma_start3A_399, %dma_start3A_400] : memref<2x2x128xi32, #tpu.memory_space<vmem>> -> memref<1x1x128xi32, #tpu.memory_space<vmem>>
      %dma_start3A_402 = tpu.memref_squeeze %dma_start3A_401 : memref<1x1x128xi32, #tpu.memory_space<vmem>> -> memref<128xi32, #tpu.memory_space<vmem>>
      %dma_start3A_403 = tpu.memref_slice %arg3[%add3A_397] : memref<640000xi32, #tpu.memory_space<hbm>> -> memref<128xi32, #tpu.memory_space<hbm>>
      %dma_start3A_404 = arith.constant 0 : i32
      %dma_start3A_405 = tpu.memref_slice %arg6[%dma_start3A_398, %dma_start3A_399, %dma_start3A_404] : memref<2x2x128xi32, #tpu.memory_space<vmem>> -> memref<1x1x128xi32, #tpu.memory_space<vmem>>
      %dma_start3A_406 = tpu.memref_squeeze %dma_start3A_405 : memref<1x1x128xi32, #tpu.memory_space<vmem>> -> memref<128xi32, #tpu.memory_space<vmem>>
      %dma_start3A_407 = tpu.memref_slice %arg3[%add3A_397] : memref<640000xi32, #tpu.memory_space<hbm>> -> memref<128xi32, #tpu.memory_space<hbm>>
      tpu.enqueue_dma source(%dma_start3A_407 : memref<128xi32, #tpu.memory_space<hbm>>) target(%dma_start3A_406 : memref<128xi32, #tpu.memory_space<vmem>>) target_semaphore(%arg11 : memref<!tpu.dma_semaphore, #tpu.memory_space<semaphore_mem>>)
      %add3A_408 = arith.constant 320000 : i32
      %add3A_409 = arith.addi %add3A_408, %mul3A_2 : i32
      %mul3A_410 = arith.constant 128 : i32
      %mul3A_411 = arith.muli %add3A_394, %mul3A_410 : i32
      %add3A_412 = arith.addi %add3A_409, %mul3A_411 : i32
      %dma_start3A_413 = arith.constant 0 : i32
      %dma_start3A_414 = arith.constant 1 : i32
      %dma_start3A_415 = arith.constant 0 : i32
      %dma_start3A_416 = tpu.memref_slice %arg6[%dma_start3A_413, %dma_start3A_414, %dma_start3A_415] : memref<2x2x128xi32, #tpu.memory_space<vmem>> -> memref<1x1x128xi32, #tpu.memory_space<vmem>>
      %dma_start3A_417 = tpu.memref_squeeze %dma_start3A_416 : memref<1x1x128xi32, #tpu.memory_space<vmem>> -> memref<128xi32, #tpu.memory_space<vmem>>
      %dma_start3A_418 = tpu.memref_slice %arg3[%add3A_412] : memref<640000xi32, #tpu.memory_space<hbm>> -> memref<128xi32, #tpu.memory_space<hbm>>
      %dma_start3A_419 = arith.constant 0 : i32
      %dma_start3A_420 = tpu.memref_slice %arg6[%dma_start3A_413, %dma_start3A_414, %dma_start3A_419] : memref<2x2x128xi32, #tpu.memory_space<vmem>> -> memref<1x1x128xi32, #tpu.memory_space<vmem>>
      %dma_start3A_421 = tpu.memref_squeeze %dma_start3A_420 : memref<1x1x128xi32, #tpu.memory_space<vmem>> -> memref<128xi32, #tpu.memory_space<vmem>>
      %dma_start3A_422 = tpu.memref_slice %arg3[%add3A_412] : memref<640000xi32, #tpu.memory_space<hbm>> -> memref<128xi32, #tpu.memory_space<hbm>>
      tpu.enqueue_dma source(%dma_start3A_422 : memref<128xi32, #tpu.memory_space<hbm>>) target(%dma_start3A_421 : memref<128xi32, #tpu.memory_space<vmem>>) target_semaphore(%arg11 : memref<!tpu.dma_semaphore, #tpu.memory_space<semaphore_mem>>)
      %mul3A_423 = arith.constant 2 : i32
      %mul3A_424 = arith.muli %scan3A_332, %mul3A_423 : i32
      %add3A_425 = arith.constant 1 : i32
      %add3A_426 = arith.addi %mul3A_424, %add3A_425 : i32
      %dma_wait3A_427 = arith.constant 1 : i32
      %dma_wait3A_428 = arith.constant 0 : i32
      %dma_wait3A_429 = arith.constant 0 : i32
      %dma_wait3A_430 = tpu.memref_slice %arg6[%dma_wait3A_427, %dma_wait3A_428, %dma_wait3A_429] : memref<2x2x128xi32, #tpu.memory_space<vmem>> -> memref<1x1x128xi32, #tpu.memory_space<vmem>>
      %dma_wait3A_431 = tpu.memref_squeeze %dma_wait3A_430 : memref<1x1x128xi32, #tpu.memory_space<vmem>> -> memref<128xi32, #tpu.memory_space<vmem>>
      %dma_wait3A_432 = arith.constant 0 : i32
      %dma_wait3A_433 = arith.constant 0 : i32
      %dma_wait3A_434 = tpu.memref_slice %arg2[%dma_wait3A_432, %dma_wait3A_433] : memref<10000x128xf32, #tpu.memory_space<hbm>> -> memref<10000x128xf32, #tpu.memory_space<hbm>>
      tpu.wait_indirect_dma semaphore(%arg14 : memref<!tpu.dma_semaphore, #tpu.memory_space<semaphore_mem>>) src(%dma_wait3A_434 : memref<10000x128xf32, #tpu.memory_space<hbm>>) dst(%arg9 : memref<128x128xf32, #tpu.memory_space<vmem>>)
      %dma_wait3A_435 = arith.constant 0 : i32
      %dma_wait3A_436 = arith.constant 0 : i32
      %dma_wait3A_437 = arith.constant 0 : i32
      %dma_wait3A_438 = tpu.memref_slice %arg6[%dma_wait3A_435, %dma_wait3A_436, %dma_wait3A_437] : memref<2x2x128xi32, #tpu.memory_space<vmem>> -> memref<1x1x128xi32, #tpu.memory_space<vmem>>
      %dma_wait3A_439 = tpu.memref_squeeze %dma_wait3A_438 : memref<1x1x128xi32, #tpu.memory_space<vmem>> -> memref<128xi32, #tpu.memory_space<vmem>>
      %dma_wait3A_440 = arith.constant 0 : i32
      %dma_wait3A_441 = tpu.memref_slice %arg3[%dma_wait3A_440] : memref<640000xi32, #tpu.memory_space<hbm>> -> memref<128xi32, #tpu.memory_space<hbm>>
      %dma_wait3A_442 = arith.constant 0 : i32
      %dma_wait3A_443 = tpu.memref_slice %arg6[%dma_wait3A_435, %dma_wait3A_436, %dma_wait3A_442] : memref<2x2x128xi32, #tpu.memory_space<vmem>> -> memref<1x1x128xi32, #tpu.memory_space<vmem>>
      %dma_wait3A_444 = tpu.memref_squeeze %dma_wait3A_443 : memref<1x1x128xi32, #tpu.memory_space<vmem>> -> memref<128xi32, #tpu.memory_space<vmem>>
      %dma_wait3A_445 = arith.constant 0 : i32
      %dma_wait3A_446 = tpu.memref_slice %arg3[%dma_wait3A_445] : memref<640000xi32, #tpu.memory_space<hbm>> -> memref<128xi32, #tpu.memory_space<hbm>>
      tpu.wait_dma2 semaphore(%arg11 : memref<!tpu.dma_semaphore, #tpu.memory_space<semaphore_mem>>) src(%dma_wait3A_446 : memref<128xi32, #tpu.memory_space<hbm>>) dst(%dma_wait3A_444 : memref<128xi32, #tpu.memory_space<vmem>>)
      %dma_wait3A_447 = arith.constant 0 : i32
      %dma_wait3A_448 = arith.constant 1 : i32
      %dma_wait3A_449 = arith.constant 0 : i32
      %dma_wait3A_450 = tpu.memref_slice %arg6[%dma_wait3A_447, %dma_wait3A_448, %dma_wait3A_449] : memref<2x2x128xi32, #tpu.memory_space<vmem>> -> memref<1x1x128xi32, #tpu.memory_space<vmem>>
      %dma_wait3A_451 = tpu.memref_squeeze %dma_wait3A_450 : memref<1x1x128xi32, #tpu.memory_space<vmem>> -> memref<128xi32, #tpu.memory_space<vmem>>
      %dma_wait3A_452 = arith.constant 0 : i32
      %dma_wait3A_453 = tpu.memref_slice %arg3[%dma_wait3A_452] : memref<640000xi32, #tpu.memory_space<hbm>> -> memref<128xi32, #tpu.memory_space<hbm>>
      %dma_wait3A_454 = arith.constant 0 : i32
      %dma_wait3A_455 = tpu.memref_slice %arg6[%dma_wait3A_447, %dma_wait3A_448, %dma_wait3A_454] : memref<2x2x128xi32, #tpu.memory_space<vmem>> -> memref<1x1x128xi32, #tpu.memory_space<vmem>>
      %dma_wait3A_456 = tpu.memref_squeeze %dma_wait3A_455 : memref<1x1x128xi32, #tpu.memory_space<vmem>> -> memref<128xi32, #tpu.memory_space<vmem>>
      %dma_wait3A_457 = arith.constant 0 : i32
      %dma_wait3A_458 = tpu.memref_slice %arg3[%dma_wait3A_457] : memref<640000xi32, #tpu.memory_space<hbm>> -> memref<128xi32, #tpu.memory_space<hbm>>
      tpu.wait_dma2 semaphore(%arg11 : memref<!tpu.dma_semaphore, #tpu.memory_space<semaphore_mem>>) src(%dma_wait3A_458 : memref<128xi32, #tpu.memory_space<hbm>>) dst(%dma_wait3A_456 : memref<128xi32, #tpu.memory_space<vmem>>)
      %dma_start3A_459 = arith.constant 0 : i32
      %dma_start3A_460 = arith.constant 0 : i32
      %dma_start3A_461 = arith.constant 0 : i32
      %dma_start3A_462 = tpu.memref_slice %arg6[%dma_start3A_459, %dma_start3A_460, %dma_start3A_461] : memref<2x2x128xi32, #tpu.memory_space<vmem>> -> memref<1x1x128xi32, #tpu.memory_space<vmem>>
      %dma_start3A_463 = tpu.memref_squeeze %dma_start3A_462 : memref<1x1x128xi32, #tpu.memory_space<vmem>> -> memref<128xi32, #tpu.memory_space<vmem>>
      %dma_start3A_464 = arith.constant 0 : i32
      %dma_start3A_465 = arith.constant 0 : i32
      %dma_start3A_466 = tpu.memref_slice %arg2[%dma_start3A_464, %dma_start3A_465] : memref<10000x128xf32, #tpu.memory_space<hbm>> -> memref<10000x128xf32, #tpu.memory_space<hbm>>
      tpu.enqueue_indirect_dma source(%dma_start3A_466 : memref<10000x128xf32, #tpu.memory_space<hbm>>) target(%arg8 : memref<128x128xf32, #tpu.memory_space<vmem>>) offsets(%dma_start3A_463 : memref<128xi32, #tpu.memory_space<vmem>>) semaphore(%arg13 : memref<!tpu.dma_semaphore, #tpu.memory_space<semaphore_mem>>)
      %dma_start3A_467 = arith.constant 1 : i32
      %dma_start3A_468 = arith.constant 1 : i32
      %dma_start3A_469 = arith.constant 0 : i32
      %dma_start3A_470 = tpu.memref_slice %arg6[%dma_start3A_467, %dma_start3A_468, %dma_start3A_469] : memref<2x2x128xi32, #tpu.memory_space<vmem>> -> memref<1x1x128xi32, #tpu.memory_space<vmem>>
      %dma_start3A_471 = tpu.memref_squeeze %dma_start3A_470 : memref<1x1x128xi32, #tpu.memory_space<vmem>> -> memref<128xi32, #tpu.memory_space<vmem>>
      %dma_start3A_472 = arith.constant 0 : i32
      %dma_start3A_473 = arith.constant 0 : i32
      %dma_start3A_474 = tpu.memref_slice %arg10[%dma_start3A_472, %dma_start3A_473] : memref<10240x128xf32, #tpu.memory_space<vmem_shared>> -> memref<10240x128xf32, #tpu.memory_space<vmem_shared>>
      tpu.enqueue_indirect_dma source(%arg9 : memref<128x128xf32, #tpu.memory_space<vmem>>) target(%dma_start3A_474 : memref<10240x128xf32, #tpu.memory_space<vmem_shared>>) offsets(%dma_start3A_471 : memref<128xi32, #tpu.memory_space<vmem>>) semaphore(%arg16 : memref<!tpu.dma_semaphore, #tpu.memory_space<semaphore_mem>>) {add = true}
      %dma_wait3A_475 = arith.constant 1 : i32
      %dma_wait3A_476 = arith.constant 1 : i32
      %dma_wait3A_477 = arith.constant 0 : i32
      %dma_wait3A_478 = tpu.memref_slice %arg6[%dma_wait3A_475, %dma_wait3A_476, %dma_wait3A_477] : memref<2x2x128xi32, #tpu.memory_space<vmem>> -> memref<1x1x128xi32, #tpu.memory_space<vmem>>
      %dma_wait3A_479 = tpu.memref_squeeze %dma_wait3A_478 : memref<1x1x128xi32, #tpu.memory_space<vmem>> -> memref<128xi32, #tpu.memory_space<vmem>>
      %dma_wait3A_480 = arith.constant 0 : i32
      %dma_wait3A_481 = arith.constant 0 : i32
      %dma_wait3A_482 = tpu.memref_slice %arg10[%dma_wait3A_480, %dma_wait3A_481] : memref<10240x128xf32, #tpu.memory_space<vmem_shared>> -> memref<10240x128xf32, #tpu.memory_space<vmem_shared>>
      tpu.wait_indirect_dma semaphore(%arg16 : memref<!tpu.dma_semaphore, #tpu.memory_space<semaphore_mem>>) src(%arg9 : memref<128x128xf32, #tpu.memory_space<vmem>>) dst(%dma_wait3A_482 : memref<10240x128xf32, #tpu.memory_space<vmem_shared>>)
      %add3A_483 = arith.constant 2 : i32
      %add3A_484 = arith.addi %add3A_426, %add3A_483 : i32
      %mul3A_485 = arith.constant 128 : i32
      %mul3A_486 = arith.muli %add3A_484, %mul3A_485 : i32
      %add3A_487 = arith.addi %mul3A_2, %mul3A_486 : i32
      %dma_start3A_488 = arith.constant 1 : i32
      %dma_start3A_489 = arith.constant 0 : i32
      %dma_start3A_490 = arith.constant 0 : i32
      %dma_start3A_491 = tpu.memref_slice %arg6[%dma_start3A_488, %dma_start3A_489, %dma_start3A_490] : memref<2x2x128xi32, #tpu.memory_space<vmem>> -> memref<1x1x128xi32, #tpu.memory_space<vmem>>
      %dma_start3A_492 = tpu.memref_squeeze %dma_start3A_491 : memref<1x1x128xi32, #tpu.memory_space<vmem>> -> memref<128xi32, #tpu.memory_space<vmem>>
      %dma_start3A_493 = tpu.memref_slice %arg3[%add3A_487] : memref<640000xi32, #tpu.memory_space<hbm>> -> memref<128xi32, #tpu.memory_space<hbm>>
      %dma_start3A_494 = arith.constant 0 : i32
      %dma_start3A_495 = tpu.memref_slice %arg6[%dma_start3A_488, %dma_start3A_489, %dma_start3A_494] : memref<2x2x128xi32, #tpu.memory_space<vmem>> -> memref<1x1x128xi32, #tpu.memory_space<vmem>>
      %dma_start3A_496 = tpu.memref_squeeze %dma_start3A_495 : memref<1x1x128xi32, #tpu.memory_space<vmem>> -> memref<128xi32, #tpu.memory_space<vmem>>
      %dma_start3A_497 = tpu.memref_slice %arg3[%add3A_487] : memref<640000xi32, #tpu.memory_space<hbm>> -> memref<128xi32, #tpu.memory_space<hbm>>
      tpu.enqueue_dma source(%dma_start3A_497 : memref<128xi32, #tpu.memory_space<hbm>>) target(%dma_start3A_496 : memref<128xi32, #tpu.memory_space<vmem>>) target_semaphore(%arg12 : memref<!tpu.dma_semaphore, #tpu.memory_space<semaphore_mem>>)
      %add3A_498 = arith.constant 320000 : i32
      %add3A_499 = arith.addi %add3A_498, %mul3A_2 : i32
      %mul3A_500 = arith.constant 128 : i32
      %mul3A_501 = arith.muli %add3A_484, %mul3A_500 : i32
      %add3A_502 = arith.addi %add3A_499, %mul3A_501 : i32
      %dma_start3A_503 = arith.constant 1 : i32
      %dma_start3A_504 = arith.constant 1 : i32
      %dma_start3A_505 = arith.constant 0 : i32
      %dma_start3A_506 = tpu.memref_slice %arg6[%dma_start3A_503, %dma_start3A_504, %dma_start3A_505] : memref<2x2x128xi32, #tpu.memory_space<vmem>> -> memref<1x1x128xi32, #tpu.memory_space<vmem>>
      %dma_start3A_507 = tpu.memref_squeeze %dma_start3A_506 : memref<1x1x128xi32, #tpu.memory_space<vmem>> -> memref<128xi32, #tpu.memory_space<vmem>>
      %dma_start3A_508 = tpu.memref_slice %arg3[%add3A_502] : memref<640000xi32, #tpu.memory_space<hbm>> -> memref<128xi32, #tpu.memory_space<hbm>>
      %dma_start3A_509 = arith.constant 0 : i32
      %dma_start3A_510 = tpu.memref_slice %arg6[%dma_start3A_503, %dma_start3A_504, %dma_start3A_509] : memref<2x2x128xi32, #tpu.memory_space<vmem>> -> memref<1x1x128xi32, #tpu.memory_space<vmem>>
      %dma_start3A_511 = tpu.memref_squeeze %dma_start3A_510 : memref<1x1x128xi32, #tpu.memory_space<vmem>> -> memref<128xi32, #tpu.memory_space<vmem>>
      %dma_start3A_512 = tpu.memref_slice %arg3[%add3A_502] : memref<640000xi32, #tpu.memory_space<hbm>> -> memref<128xi32, #tpu.memory_space<hbm>>
      tpu.enqueue_dma source(%dma_start3A_512 : memref<128xi32, #tpu.memory_space<hbm>>) target(%dma_start3A_511 : memref<128xi32, #tpu.memory_space<vmem>>) target_semaphore(%arg12 : memref<!tpu.dma_semaphore, #tpu.memory_space<semaphore_mem>>)
    }
    %scan3A_119 = arith.constant 38 : i32
    %add3A_120 = arith.constant 9984 : i32
    %add3A_121 = arith.addi %mul3A_2, %add3A_120 : i32
    %dma_start3A_122 = arith.constant 0 : i32
    %dma_start3A_123 = arith.constant 0 : i32
    %dma_start3A_124 = tpu.memref_slice %arg7[%dma_start3A_122, %dma_start3A_123] : memref<2x16xi32, #tpu.memory_space<vmem>> -> memref<1x16xi32, #tpu.memory_space<vmem>>
    %dma_start3A_125 = tpu.memref_squeeze %dma_start3A_124 : memref<1x16xi32, #tpu.memory_space<vmem>> -> memref<16xi32, #tpu.memory_space<vmem>>
    %dma_start3A_126 = tpu.memref_slice %arg3[%add3A_121] : memref<640000xi32, #tpu.memory_space<hbm>> -> memref<16xi32, #tpu.memory_space<hbm>>
    %dma_start3A_127 = arith.constant 0 : i32
    %dma_start3A_128 = tpu.memref_slice %arg7[%dma_start3A_122, %dma_start3A_127] : memref<2x16xi32, #tpu.memory_space<vmem>> -> memref<1x16xi32, #tpu.memory_space<vmem>>
    %dma_start3A_129 = tpu.memref_squeeze %dma_start3A_128 : memref<1x16xi32, #tpu.memory_space<vmem>> -> memref<16xi32, #tpu.memory_space<vmem>>
    %dma_start3A_130 = tpu.memref_slice %arg3[%add3A_121] : memref<640000xi32, #tpu.memory_space<hbm>> -> memref<16xi32, #tpu.memory_space<hbm>>
    tpu.enqueue_dma source(%dma_start3A_130 : memref<16xi32, #tpu.memory_space<hbm>>) target(%dma_start3A_129 : memref<16xi32, #tpu.memory_space<vmem>>) target_semaphore(%arg11 : memref<!tpu.dma_semaphore, #tpu.memory_space<semaphore_mem>>)
    %add3A_131 = arith.constant 320000 : i32
    %add3A_132 = arith.addi %add3A_131, %mul3A_2 : i32
    %add3A_133 = arith.constant 9984 : i32
    %add3A_134 = arith.addi %add3A_132, %add3A_133 : i32
    %dma_start3A_135 = arith.constant 1 : i32
    %dma_start3A_136 = arith.constant 0 : i32
    %dma_start3A_137 = tpu.memref_slice %arg7[%dma_start3A_135, %dma_start3A_136] : memref<2x16xi32, #tpu.memory_space<vmem>> -> memref<1x16xi32, #tpu.memory_space<vmem>>
    %dma_start3A_138 = tpu.memref_squeeze %dma_start3A_137 : memref<1x16xi32, #tpu.memory_space<vmem>> -> memref<16xi32, #tpu.memory_space<vmem>>
    %dma_start3A_139 = tpu.memref_slice %arg3[%add3A_134] : memref<640000xi32, #tpu.memory_space<hbm>> -> memref<16xi32, #tpu.memory_space<hbm>>
    %dma_start3A_140 = arith.constant 0 : i32
    %dma_start3A_141 = tpu.memref_slice %arg7[%dma_start3A_135, %dma_start3A_140] : memref<2x16xi32, #tpu.memory_space<vmem>> -> memref<1x16xi32, #tpu.memory_space<vmem>>
    %dma_start3A_142 = tpu.memref_squeeze %dma_start3A_141 : memref<1x16xi32, #tpu.memory_space<vmem>> -> memref<16xi32, #tpu.memory_space<vmem>>
    %dma_start3A_143 = tpu.memref_slice %arg3[%add3A_134] : memref<640000xi32, #tpu.memory_space<hbm>> -> memref<16xi32, #tpu.memory_space<hbm>>
    tpu.enqueue_dma source(%dma_start3A_143 : memref<16xi32, #tpu.memory_space<hbm>>) target(%dma_start3A_142 : memref<16xi32, #tpu.memory_space<vmem>>) target_semaphore(%arg11 : memref<!tpu.dma_semaphore, #tpu.memory_space<semaphore_mem>>)
    %dma_wait3A_144 = arith.constant 0 : i32
    %dma_wait3A_145 = arith.constant 0 : i32
    %dma_wait3A_146 = arith.constant 0 : i32
    %dma_wait3A_147 = tpu.memref_slice %arg6[%dma_wait3A_144, %dma_wait3A_145, %dma_wait3A_146] : memref<2x2x128xi32, #tpu.memory_space<vmem>> -> memref<1x1x128xi32, #tpu.memory_space<vmem>>
    %dma_wait3A_148 = tpu.memref_squeeze %dma_wait3A_147 : memref<1x1x128xi32, #tpu.memory_space<vmem>> -> memref<128xi32, #tpu.memory_space<vmem>>
    %dma_wait3A_149 = arith.constant 0 : i32
    %dma_wait3A_150 = arith.constant 0 : i32
    %dma_wait3A_151 = tpu.memref_slice %arg2[%dma_wait3A_149, %dma_wait3A_150] : memref<10000x128xf32, #tpu.memory_space<hbm>> -> memref<10000x128xf32, #tpu.memory_space<hbm>>
    tpu.wait_indirect_dma semaphore(%arg13 : memref<!tpu.dma_semaphore, #tpu.memory_space<semaphore_mem>>) src(%dma_wait3A_151 : memref<10000x128xf32, #tpu.memory_space<hbm>>) dst(%arg8 : memref<128x128xf32, #tpu.memory_space<vmem>>)
    %dma_wait3A_152 = arith.constant 1 : i32
    %dma_wait3A_153 = arith.constant 0 : i32
    %dma_wait3A_154 = arith.constant 0 : i32
    %dma_wait3A_155 = tpu.memref_slice %arg6[%dma_wait3A_152, %dma_wait3A_153, %dma_wait3A_154] : memref<2x2x128xi32, #tpu.memory_space<vmem>> -> memref<1x1x128xi32, #tpu.memory_space<vmem>>
    %dma_wait3A_156 = tpu.memref_squeeze %dma_wait3A_155 : memref<1x1x128xi32, #tpu.memory_space<vmem>> -> memref<128xi32, #tpu.memory_space<vmem>>
    %dma_wait3A_157 = arith.constant 0 : i32
    %dma_wait3A_158 = tpu.memref_slice %arg3[%dma_wait3A_157] : memref<640000xi32, #tpu.memory_space<hbm>> -> memref<128xi32, #tpu.memory_space<hbm>>
    %dma_wait3A_159 = arith.constant 0 : i32
    %dma_wait3A_160 = tpu.memref_slice %arg6[%dma_wait3A_152, %dma_wait3A_153, %dma_wait3A_159] : memref<2x2x128xi32, #tpu.memory_space<vmem>> -> memref<1x1x128xi32, #tpu.memory_space<vmem>>
    %dma_wait3A_161 = tpu.memref_squeeze %dma_wait3A_160 : memref<1x1x128xi32, #tpu.memory_space<vmem>> -> memref<128xi32, #tpu.memory_space<vmem>>
    %dma_wait3A_162 = arith.constant 0 : i32
    %dma_wait3A_163 = tpu.memref_slice %arg3[%dma_wait3A_162] : memref<640000xi32, #tpu.memory_space<hbm>> -> memref<128xi32, #tpu.memory_space<hbm>>
    tpu.wait_dma2 semaphore(%arg12 : memref<!tpu.dma_semaphore, #tpu.memory_space<semaphore_mem>>) src(%dma_wait3A_163 : memref<128xi32, #tpu.memory_space<hbm>>) dst(%dma_wait3A_161 : memref<128xi32, #tpu.memory_space<vmem>>)
    %dma_wait3A_164 = arith.constant 1 : i32
    %dma_wait3A_165 = arith.constant 1 : i32
    %dma_wait3A_166 = arith.constant 0 : i32
    %dma_wait3A_167 = tpu.memref_slice %arg6[%dma_wait3A_164, %dma_wait3A_165, %dma_wait3A_166] : memref<2x2x128xi32, #tpu.memory_space<vmem>> -> memref<1x1x128xi32, #tpu.memory_space<vmem>>
    %dma_wait3A_168 = tpu.memref_squeeze %dma_wait3A_167 : memref<1x1x128xi32, #tpu.memory_space<vmem>> -> memref<128xi32, #tpu.memory_space<vmem>>
    %dma_wait3A_169 = arith.constant 0 : i32
    %dma_wait3A_170 = tpu.memref_slice %arg3[%dma_wait3A_169] : memref<640000xi32, #tpu.memory_space<hbm>> -> memref<128xi32, #tpu.memory_space<hbm>>
    %dma_wait3A_171 = arith.constant 0 : i32
    %dma_wait3A_172 = tpu.memref_slice %arg6[%dma_wait3A_164, %dma_wait3A_165, %dma_wait3A_171] : memref<2x2x128xi32, #tpu.memory_space<vmem>> -> memref<1x1x128xi32, #tpu.memory_space<vmem>>
    %dma_wait3A_173 = tpu.memref_squeeze %dma_wait3A_172 : memref<1x1x128xi32, #tpu.memory_space<vmem>> -> memref<128xi32, #tpu.memory_space<vmem>>
    %dma_wait3A_174 = arith.constant 0 : i32
    %dma_wait3A_175 = tpu.memref_slice %arg3[%dma_wait3A_174] : memref<640000xi32, #tpu.memory_space<hbm>> -> memref<128xi32, #tpu.memory_space<hbm>>
    tpu.wait_dma2 semaphore(%arg12 : memref<!tpu.dma_semaphore, #tpu.memory_space<semaphore_mem>>) src(%dma_wait3A_175 : memref<128xi32, #tpu.memory_space<hbm>>) dst(%dma_wait3A_173 : memref<128xi32, #tpu.memory_space<vmem>>)
    %dma_start3A_176 = arith.constant 1 : i32
    %dma_start3A_177 = arith.constant 0 : i32
    %dma_start3A_178 = arith.constant 0 : i32
    %dma_start3A_179 = tpu.memref_slice %arg6[%dma_start3A_176, %dma_start3A_177, %dma_start3A_178] : memref<2x2x128xi32, #tpu.memory_space<vmem>> -> memref<1x1x128xi32, #tpu.memory_space<vmem>>
    %dma_start3A_180 = tpu.memref_squeeze %dma_start3A_179 : memref<1x1x128xi32, #tpu.memory_space<vmem>> -> memref<128xi32, #tpu.memory_space<vmem>>
    %dma_start3A_181 = arith.constant 0 : i32
    %dma_start3A_182 = arith.constant 0 : i32
    %dma_start3A_183 = tpu.memref_slice %arg2[%dma_start3A_181, %dma_start3A_182] : memref<10000x128xf32, #tpu.memory_space<hbm>> -> memref<10000x128xf32, #tpu.memory_space<hbm>>
    tpu.enqueue_indirect_dma source(%dma_start3A_183 : memref<10000x128xf32, #tpu.memory_space<hbm>>) target(%arg9 : memref<128x128xf32, #tpu.memory_space<vmem>>) offsets(%dma_start3A_180 : memref<128xi32, #tpu.memory_space<vmem>>) semaphore(%arg14 : memref<!tpu.dma_semaphore, #tpu.memory_space<semaphore_mem>>)
    %dma_start3A_184 = arith.constant 0 : i32
    %dma_start3A_185 = arith.constant 1 : i32
    %dma_start3A_186 = arith.constant 0 : i32
    %dma_start3A_187 = tpu.memref_slice %arg6[%dma_start3A_184, %dma_start3A_185, %dma_start3A_186] : memref<2x2x128xi32, #tpu.memory_space<vmem>> -> memref<1x1x128xi32, #tpu.memory_space<vmem>>
    %dma_start3A_188 = tpu.memref_squeeze %dma_start3A_187 : memref<1x1x128xi32, #tpu.memory_space<vmem>> -> memref<128xi32, #tpu.memory_space<vmem>>
    %dma_start3A_189 = arith.constant 0 : i32
    %dma_start3A_190 = arith.constant 0 : i32
    %dma_start3A_191 = tpu.memref_slice %arg10[%dma_start3A_189, %dma_start3A_190] : memref<10240x128xf32, #tpu.memory_space<vmem_shared>> -> memref<10240x128xf32, #tpu.memory_space<vmem_shared>>
    tpu.enqueue_indirect_dma source(%arg8 : memref<128x128xf32, #tpu.memory_space<vmem>>) target(%dma_start3A_191 : memref<10240x128xf32, #tpu.memory_space<vmem_shared>>) offsets(%dma_start3A_188 : memref<128xi32, #tpu.memory_space<vmem>>) semaphore(%arg15 : memref<!tpu.dma_semaphore, #tpu.memory_space<semaphore_mem>>) {add = true}
    %dma_wait3A_192 = arith.constant 0 : i32
    %dma_wait3A_193 = arith.constant 1 : i32
    %dma_wait3A_194 = arith.constant 0 : i32
    %dma_wait3A_195 = tpu.memref_slice %arg6[%dma_wait3A_192, %dma_wait3A_193, %dma_wait3A_194] : memref<2x2x128xi32, #tpu.memory_space<vmem>> -> memref<1x1x128xi32, #tpu.memory_space<vmem>>
    %dma_wait3A_196 = tpu.memref_squeeze %dma_wait3A_195 : memref<1x1x128xi32, #tpu.memory_space<vmem>> -> memref<128xi32, #tpu.memory_space<vmem>>
    %dma_wait3A_197 = arith.constant 0 : i32
    %dma_wait3A_198 = arith.constant 0 : i32
    %dma_wait3A_199 = tpu.memref_slice %arg10[%dma_wait3A_197, %dma_wait3A_198] : memref<10240x128xf32, #tpu.memory_space<vmem_shared>> -> memref<10240x128xf32, #tpu.memory_space<vmem_shared>>
    tpu.wait_indirect_dma semaphore(%arg15 : memref<!tpu.dma_semaphore, #tpu.memory_space<semaphore_mem>>) src(%arg8 : memref<128x128xf32, #tpu.memory_space<vmem>>) dst(%dma_wait3A_199 : memref<10240x128xf32, #tpu.memory_space<vmem_shared>>)
    %dma_wait3A_200 = arith.constant 1 : i32
    %dma_wait3A_201 = arith.constant 0 : i32
    %dma_wait3A_202 = arith.constant 0 : i32
    %dma_wait3A_203 = tpu.memref_slice %arg6[%dma_wait3A_200, %dma_wait3A_201, %dma_wait3A_202] : memref<2x2x128xi32, #tpu.memory_space<vmem>> -> memref<1x1x128xi32, #tpu.memory_space<vmem>>
    %dma_wait3A_204 = tpu.memref_squeeze %dma_wait3A_203 : memref<1x1x128xi32, #tpu.memory_space<vmem>> -> memref<128xi32, #tpu.memory_space<vmem>>
    %dma_wait3A_205 = arith.constant 0 : i32
    %dma_wait3A_206 = arith.constant 0 : i32
    %dma_wait3A_207 = tpu.memref_slice %arg2[%dma_wait3A_205, %dma_wait3A_206] : memref<10000x128xf32, #tpu.memory_space<hbm>> -> memref<10000x128xf32, #tpu.memory_space<hbm>>
    tpu.wait_indirect_dma semaphore(%arg14 : memref<!tpu.dma_semaphore, #tpu.memory_space<semaphore_mem>>) src(%dma_wait3A_207 : memref<10000x128xf32, #tpu.memory_space<hbm>>) dst(%arg9 : memref<128x128xf32, #tpu.memory_space<vmem>>)
    %dma_start3A_208 = arith.constant 1 : i32
    %dma_start3A_209 = arith.constant 1 : i32
    %dma_start3A_210 = arith.constant 0 : i32
    %dma_start3A_211 = tpu.memref_slice %arg6[%dma_start3A_208, %dma_start3A_209, %dma_start3A_210] : memref<2x2x128xi32, #tpu.memory_space<vmem>> -> memref<1x1x128xi32, #tpu.memory_space<vmem>>
    %dma_start3A_212 = tpu.memref_squeeze %dma_start3A_211 : memref<1x1x128xi32, #tpu.memory_space<vmem>> -> memref<128xi32, #tpu.memory_space<vmem>>
    %dma_start3A_213 = arith.constant 0 : i32
    %dma_start3A_214 = arith.constant 0 : i32
    %dma_start3A_215 = tpu.memref_slice %arg10[%dma_start3A_213, %dma_start3A_214] : memref<10240x128xf32, #tpu.memory_space<vmem_shared>> -> memref<10240x128xf32, #tpu.memory_space<vmem_shared>>
    tpu.enqueue_indirect_dma source(%arg9 : memref<128x128xf32, #tpu.memory_space<vmem>>) target(%dma_start3A_215 : memref<10240x128xf32, #tpu.memory_space<vmem_shared>>) offsets(%dma_start3A_212 : memref<128xi32, #tpu.memory_space<vmem>>) semaphore(%arg16 : memref<!tpu.dma_semaphore, #tpu.memory_space<semaphore_mem>>) {add = true}
    %dma_wait3A_216 = arith.constant 1 : i32
    %dma_wait3A_217 = arith.constant 1 : i32
    %dma_wait3A_218 = arith.constant 0 : i32
    %dma_wait3A_219 = tpu.memref_slice %arg6[%dma_wait3A_216, %dma_wait3A_217, %dma_wait3A_218] : memref<2x2x128xi32, #tpu.memory_space<vmem>> -> memref<1x1x128xi32, #tpu.memory_space<vmem>>
    %dma_wait3A_220 = tpu.memref_squeeze %dma_wait3A_219 : memref<1x1x128xi32, #tpu.memory_space<vmem>> -> memref<128xi32, #tpu.memory_space<vmem>>
    %dma_wait3A_221 = arith.constant 0 : i32
    %dma_wait3A_222 = arith.constant 0 : i32
    %dma_wait3A_223 = tpu.memref_slice %arg10[%dma_wait3A_221, %dma_wait3A_222] : memref<10240x128xf32, #tpu.memory_space<vmem_shared>> -> memref<10240x128xf32, #tpu.memory_space<vmem_shared>>
    tpu.wait_indirect_dma semaphore(%arg16 : memref<!tpu.dma_semaphore, #tpu.memory_space<semaphore_mem>>) src(%arg9 : memref<128x128xf32, #tpu.memory_space<vmem>>) dst(%dma_wait3A_223 : memref<10240x128xf32, #tpu.memory_space<vmem_shared>>)
    %dma_wait3A_224 = arith.constant 0 : i32
    %dma_wait3A_225 = arith.constant 0 : i32
    %dma_wait3A_226 = tpu.memref_slice %arg7[%dma_wait3A_224, %dma_wait3A_225] : memref<2x16xi32, #tpu.memory_space<vmem>> -> memref<1x16xi32, #tpu.memory_space<vmem>>
    %dma_wait3A_227 = tpu.memref_squeeze %dma_wait3A_226 : memref<1x16xi32, #tpu.memory_space<vmem>> -> memref<16xi32, #tpu.memory_space<vmem>>
    %dma_wait3A_228 = arith.constant 0 : i32
    %dma_wait3A_229 = tpu.memref_slice %arg3[%dma_wait3A_228] : memref<640000xi32, #tpu.memory_space<hbm>> -> memref<16xi32, #tpu.memory_space<hbm>>
    %dma_wait3A_230 = arith.constant 0 : i32
    %dma_wait3A_231 = tpu.memref_slice %arg7[%dma_wait3A_224, %dma_wait3A_230] : memref<2x16xi32, #tpu.memory_space<vmem>> -> memref<1x16xi32, #tpu.memory_space<vmem>>
    %dma_wait3A_232 = tpu.memref_squeeze %dma_wait3A_231 : memref<1x16xi32, #tpu.memory_space<vmem>> -> memref<16xi32, #tpu.memory_space<vmem>>
    %dma_wait3A_233 = arith.constant 0 : i32
    %dma_wait3A_234 = tpu.memref_slice %arg3[%dma_wait3A_233] : memref<640000xi32, #tpu.memory_space<hbm>> -> memref<16xi32, #tpu.memory_space<hbm>>
    tpu.wait_dma2 semaphore(%arg11 : memref<!tpu.dma_semaphore, #tpu.memory_space<semaphore_mem>>) src(%dma_wait3A_234 : memref<16xi32, #tpu.memory_space<hbm>>) dst(%dma_wait3A_232 : memref<16xi32, #tpu.memory_space<vmem>>)
    %dma_wait3A_235 = arith.constant 1 : i32
    %dma_wait3A_236 = arith.constant 0 : i32
    %dma_wait3A_237 = tpu.memref_slice %arg7[%dma_wait3A_235, %dma_wait3A_236] : memref<2x16xi32, #tpu.memory_space<vmem>> -> memref<1x16xi32, #tpu.memory_space<vmem>>
    %dma_wait3A_238 = tpu.memref_squeeze %dma_wait3A_237 : memref<1x16xi32, #tpu.memory_space<vmem>> -> memref<16xi32, #tpu.memory_space<vmem>>
    %dma_wait3A_239 = arith.constant 0 : i32
    %dma_wait3A_240 = tpu.memref_slice %arg3[%dma_wait3A_239] : memref<640000xi32, #tpu.memory_space<hbm>> -> memref<16xi32, #tpu.memory_space<hbm>>
    %dma_wait3A_241 = arith.constant 0 : i32
    %dma_wait3A_242 = tpu.memref_slice %arg7[%dma_wait3A_235, %dma_wait3A_241] : memref<2x16xi32, #tpu.memory_space<vmem>> -> memref<1x16xi32, #tpu.memory_space<vmem>>
    %dma_wait3A_243 = tpu.memref_squeeze %dma_wait3A_242 : memref<1x16xi32, #tpu.memory_space<vmem>> -> memref<16xi32, #tpu.memory_space<vmem>>
    %dma_wait3A_244 = arith.constant 0 : i32
    %dma_wait3A_245 = tpu.memref_slice %arg3[%dma_wait3A_244] : memref<640000xi32, #tpu.memory_space<hbm>> -> memref<16xi32, #tpu.memory_space<hbm>>
    tpu.wait_dma2 semaphore(%arg11 : memref<!tpu.dma_semaphore, #tpu.memory_space<semaphore_mem>>) src(%dma_wait3A_245 : memref<16xi32, #tpu.memory_space<hbm>>) dst(%dma_wait3A_243 : memref<16xi32, #tpu.memory_space<vmem>>)
    %dma_start3A_246 = arith.constant 0 : i32
    %dma_start3A_247 = arith.constant 0 : i32
    %dma_start3A_248 = arith.constant 0 : i32
    %dma_start3A_249 = tpu.memref_slice %arg8[%dma_start3A_247, %dma_start3A_248] : memref<128x128xf32, #tpu.memory_space<vmem>> -> memref<16x128xf32, #tpu.memory_space<vmem>>
    %dma_start3A_250 = arith.constant 0 : i32
    %dma_start3A_251 = tpu.memref_slice %arg7[%dma_start3A_246, %dma_start3A_250] : memref<2x16xi32, #tpu.memory_space<vmem>> -> memref<1x16xi32, #tpu.memory_space<vmem>>
    %dma_start3A_252 = tpu.memref_squeeze %dma_start3A_251 : memref<1x16xi32, #tpu.memory_space<vmem>> -> memref<16xi32, #tpu.memory_space<vmem>>
    %dma_start3A_253 = arith.constant 0 : i32
    %dma_start3A_254 = arith.constant 0 : i32
    %dma_start3A_255 = tpu.memref_slice %arg2[%dma_start3A_253, %dma_start3A_254] : memref<10000x128xf32, #tpu.memory_space<hbm>> -> memref<10000x128xf32, #tpu.memory_space<hbm>>
    tpu.enqueue_indirect_dma source(%dma_start3A_255 : memref<10000x128xf32, #tpu.memory_space<hbm>>) target(%dma_start3A_249 : memref<16x128xf32, #tpu.memory_space<vmem>>) offsets(%dma_start3A_252 : memref<16xi32, #tpu.memory_space<vmem>>) semaphore(%arg13 : memref<!tpu.dma_semaphore, #tpu.memory_space<semaphore_mem>>)
    %dma_wait3A_256 = arith.constant 0 : i32
    %dma_wait3A_257 = arith.constant 0 : i32
    %dma_wait3A_258 = arith.constant 0 : i32
    %dma_wait3A_259 = tpu.memref_slice %arg8[%dma_wait3A_257, %dma_wait3A_258] : memref<128x128xf32, #tpu.memory_space<vmem>> -> memref<16x128xf32, #tpu.memory_space<vmem>>
    %dma_wait3A_260 = arith.constant 0 : i32
    %dma_wait3A_261 = tpu.memref_slice %arg7[%dma_wait3A_256, %dma_wait3A_260] : memref<2x16xi32, #tpu.memory_space<vmem>> -> memref<1x16xi32, #tpu.memory_space<vmem>>
    %dma_wait3A_262 = tpu.memref_squeeze %dma_wait3A_261 : memref<1x16xi32, #tpu.memory_space<vmem>> -> memref<16xi32, #tpu.memory_space<vmem>>
    %dma_wait3A_263 = arith.constant 0 : i32
    %dma_wait3A_264 = arith.constant 0 : i32
    %dma_wait3A_265 = tpu.memref_slice %arg2[%dma_wait3A_263, %dma_wait3A_264] : memref<10000x128xf32, #tpu.memory_space<hbm>> -> memref<10000x128xf32, #tpu.memory_space<hbm>>
    tpu.wait_indirect_dma semaphore(%arg13 : memref<!tpu.dma_semaphore, #tpu.memory_space<semaphore_mem>>) src(%dma_wait3A_265 : memref<10000x128xf32, #tpu.memory_space<hbm>>) dst(%dma_wait3A_259 : memref<16x128xf32, #tpu.memory_space<vmem>>)
    %dma_start3A_266 = arith.constant 1 : i32
    %dma_start3A_267 = arith.constant 0 : i32
    %dma_start3A_268 = arith.constant 0 : i32
    %dma_start3A_269 = tpu.memref_slice %arg8[%dma_start3A_267, %dma_start3A_268] : memref<128x128xf32, #tpu.memory_space<vmem>> -> memref<16x128xf32, #tpu.memory_space<vmem>>
    %dma_start3A_270 = arith.constant 0 : i32
    %dma_start3A_271 = tpu.memref_slice %arg7[%dma_start3A_266, %dma_start3A_270] : memref<2x16xi32, #tpu.memory_space<vmem>> -> memref<1x16xi32, #tpu.memory_space<vmem>>
    %dma_start3A_272 = tpu.memref_squeeze %dma_start3A_271 : memref<1x16xi32, #tpu.memory_space<vmem>> -> memref<16xi32, #tpu.memory_space<vmem>>
    %dma_start3A_273 = arith.constant 0 : i32
    %dma_start3A_274 = arith.constant 0 : i32
    %dma_start3A_275 = tpu.memref_slice %arg10[%dma_start3A_273, %dma_start3A_274] : memref<10240x128xf32, #tpu.memory_space<vmem_shared>> -> memref<10240x128xf32, #tpu.memory_space<vmem_shared>>
    tpu.enqueue_indirect_dma source(%dma_start3A_269 : memref<16x128xf32, #tpu.memory_space<vmem>>) target(%dma_start3A_275 : memref<10240x128xf32, #tpu.memory_space<vmem_shared>>) offsets(%dma_start3A_272 : memref<16xi32, #tpu.memory_space<vmem>>) semaphore(%arg15 : memref<!tpu.dma_semaphore, #tpu.memory_space<semaphore_mem>>) {add = true}
    %dma_wait3A_276 = arith.constant 1 : i32
    %dma_wait3A_277 = arith.constant 0 : i32
    %dma_wait3A_278 = arith.constant 0 : i32
    %dma_wait3A_279 = tpu.memref_slice %arg8[%dma_wait3A_277, %dma_wait3A_278] : memref<128x128xf32, #tpu.memory_space<vmem>> -> memref<16x128xf32, #tpu.memory_space<vmem>>
    %dma_wait3A_280 = arith.constant 0 : i32
    %dma_wait3A_281 = tpu.memref_slice %arg7[%dma_wait3A_276, %dma_wait3A_280] : memref<2x16xi32, #tpu.memory_space<vmem>> -> memref<1x16xi32, #tpu.memory_space<vmem>>
    %dma_wait3A_282 = tpu.memref_squeeze %dma_wait3A_281 : memref<1x16xi32, #tpu.memory_space<vmem>> -> memref<16xi32, #tpu.memory_space<vmem>>
    %dma_wait3A_283 = arith.constant 0 : i32
    %dma_wait3A_284 = arith.constant 0 : i32
    %dma_wait3A_285 = tpu.memref_slice %arg10[%dma_wait3A_283, %dma_wait3A_284] : memref<10240x128xf32, #tpu.memory_space<vmem_shared>> -> memref<10240x128xf32, #tpu.memory_space<vmem_shared>>
    tpu.wait_indirect_dma semaphore(%arg15 : memref<!tpu.dma_semaphore, #tpu.memory_space<semaphore_mem>>) src(%dma_wait3A_279 : memref<16x128xf32, #tpu.memory_space<vmem>>) dst(%dma_wait3A_285 : memref<10240x128xf32, #tpu.memory_space<vmem_shared>>)
    %barrier3A_286 = arith.constant 0 : index
    tpu.barrier barrier_id(%barrier3A_286)
    %mul3A_287 = arith.constant 5 : i32
    %mul3A_288 = arith.muli %arg1, %mul3A_287 : i32
    %add3A_289 = arith.constant 0 : i32
    %add3A_290 = arith.addi %mul3A_288, %add3A_289 : i32
    %mul3A_291 = arith.constant 128 : i32
    %mul3A_292 = arith.muli %add3A_290, %mul3A_291 : i32
    %mul3A_293 = arith.constant 10400 : i32
    %mul3A_294 = arith.muli %arg0, %mul3A_293 : i32
    %add3A_295 = arith.addi %mul3A_294, %mul3A_292 : i32
    "tpu.region"() ({
      %run_scoped3A = tpu.sem_alloc : memref<!tpu.dma_semaphore, #tpu.memory_space<semaphore_mem>>
      %dma_start3A_332 = arith.constant 0 : i32
      %dma_start3A_333 = tpu.memref_slice %arg5[%add3A_295, %dma_start3A_332] : memref<20640x128xf32, #tpu.memory_space<hbm>> -> memref<128x128xf32, #tpu.memory_space<hbm>>
      %dma_start3A_334 = arith.constant 0 : i32
      %dma_start3A_335 = tpu.memref_slice %arg10[%mul3A_292, %dma_start3A_334] : memref<10240x128xf32, #tpu.memory_space<vmem_shared>> -> memref<128x128xf32, #tpu.memory_space<vmem_shared>>
      tpu.enqueue_dma source(%dma_start3A_335 : memref<128x128xf32, #tpu.memory_space<vmem_shared>>) target(%dma_start3A_333 : memref<128x128xf32, #tpu.memory_space<hbm>>) target_semaphore(%run_scoped3A : memref<!tpu.dma_semaphore, #tpu.memory_space<semaphore_mem>>)
      %dma_wait3A_336 = arith.constant 0 : i32
      %dma_wait3A_337 = tpu.memref_slice %arg5[%add3A_295, %dma_wait3A_336] : memref<20640x128xf32, #tpu.memory_space<hbm>> -> memref<128x128xf32, #tpu.memory_space<hbm>>
      %dma_wait3A_338 = arith.constant 0 : i32
      %dma_wait3A_339 = tpu.memref_slice %arg10[%mul3A_292, %dma_wait3A_338] : memref<10240x128xf32, #tpu.memory_space<vmem_shared>> -> memref<128x128xf32, #tpu.memory_space<vmem_shared>>
      tpu.wait_dma2 semaphore(%run_scoped3A : memref<!tpu.dma_semaphore, #tpu.memory_space<semaphore_mem>>) src(%dma_wait3A_339 : memref<128x128xf32, #tpu.memory_space<vmem_shared>>) dst(%dma_wait3A_337 : memref<128x128xf32, #tpu.memory_space<hbm>>)
      tpu.yield
    }) : () -> ()
    %mul3A_296 = arith.constant 5 : i32
    %mul3A_297 = arith.muli %arg1, %mul3A_296 : i32
    %add3A_298 = arith.constant 1 : i32
    %add3A_299 = arith.addi %mul3A_297, %add3A_298 : i32
    %mul3A_300 = arith.constant 128 : i32
    %mul3A_301 = arith.muli %add3A_299, %mul3A_300 : i32
    %mul3A_302 = arith.constant 10400 : i32
    %mul3A_303 = arith.muli %arg0, %mul3A_302 : i32
    %add3A_304 = arith.addi %mul3A_303, %mul3A_301 : i32
    "tpu.region"() ({
      %run_scoped3A = tpu.sem_alloc : memref<!tpu.dma_semaphore, #tpu.memory_space<semaphore_mem>>
      %dma_start3A_332 = arith.constant 0 : i32
      %dma_start3A_333 = tpu.memref_slice %arg5[%add3A_304, %dma_start3A_332] : memref<20640x128xf32, #tpu.memory_space<hbm>> -> memref<128x128xf32, #tpu.memory_space<hbm>>
      %dma_start3A_334 = arith.constant 0 : i32
      %dma_start3A_335 = tpu.memref_slice %arg10[%mul3A_301, %dma_start3A_334] : memref<10240x128xf32, #tpu.memory_space<vmem_shared>> -> memref<128x128xf32, #tpu.memory_space<vmem_shared>>
      tpu.enqueue_dma source(%dma_start3A_335 : memref<128x128xf32, #tpu.memory_space<vmem_shared>>) target(%dma_start3A_333 : memref<128x128xf32, #tpu.memory_space<hbm>>) target_semaphore(%run_scoped3A : memref<!tpu.dma_semaphore, #tpu.memory_space<semaphore_mem>>)
      %dma_wait3A_336 = arith.constant 0 : i32
      %dma_wait3A_337 = tpu.memref_slice %arg5[%add3A_304, %dma_wait3A_336] : memref<20640x128xf32, #tpu.memory_space<hbm>> -> memref<128x128xf32, #tpu.memory_space<hbm>>
      %dma_wait3A_338 = arith.constant 0 : i32
      %dma_wait3A_339 = tpu.memref_slice %arg10[%mul3A_301, %dma_wait3A_338] : memref<10240x128xf32, #tpu.memory_space<vmem_shared>> -> memref<128x128xf32, #tpu.memory_space<vmem_shared>>
      tpu.wait_dma2 semaphore(%run_scoped3A : memref<!tpu.dma_semaphore, #tpu.memory_space<semaphore_mem>>) src(%dma_wait3A_339 : memref<128x128xf32, #tpu.memory_space<vmem_shared>>) dst(%dma_wait3A_337 : memref<128x128xf32, #tpu.memory_space<hbm>>)
      tpu.yield
    }) : () -> ()
    %mul3A_305 = arith.constant 5 : i32
    %mul3A_306 = arith.muli %arg1, %mul3A_305 : i32
    %add3A_307 = arith.constant 2 : i32
    %add3A_308 = arith.addi %mul3A_306, %add3A_307 : i32
    %mul3A_309 = arith.constant 128 : i32
    %mul3A_310 = arith.muli %add3A_308, %mul3A_309 : i32
    %mul3A_311 = arith.constant 10400 : i32
    %mul3A_312 = arith.muli %arg0, %mul3A_311 : i32
    %add3A_313 = arith.addi %mul3A_312, %mul3A_310 : i32
    "tpu.region"() ({
      %run_scoped3A = tpu.sem_alloc : memref<!tpu.dma_semaphore, #tpu.memory_space<semaphore_mem>>
      %dma_start3A_332 = arith.constant 0 : i32
      %dma_start3A_333 = tpu.memref_slice %arg5[%add3A_313, %dma_start3A_332] : memref<20640x128xf32, #tpu.memory_space<hbm>> -> memref<128x128xf32, #tpu.memory_space<hbm>>
      %dma_start3A_334 = arith.constant 0 : i32
      %dma_start3A_335 = tpu.memref_slice %arg10[%mul3A_310, %dma_start3A_334] : memref<10240x128xf32, #tpu.memory_space<vmem_shared>> -> memref<128x128xf32, #tpu.memory_space<vmem_shared>>
      tpu.enqueue_dma source(%dma_start3A_335 : memref<128x128xf32, #tpu.memory_space<vmem_shared>>) target(%dma_start3A_333 : memref<128x128xf32, #tpu.memory_space<hbm>>) target_semaphore(%run_scoped3A : memref<!tpu.dma_semaphore, #tpu.memory_space<semaphore_mem>>)
      %dma_wait3A_336 = arith.constant 0 : i32
      %dma_wait3A_337 = tpu.memref_slice %arg5[%add3A_313, %dma_wait3A_336] : memref<20640x128xf32, #tpu.memory_space<hbm>> -> memref<128x128xf32, #tpu.memory_space<hbm>>
      %dma_wait3A_338 = arith.constant 0 : i32
      %dma_wait3A_339 = tpu.memref_slice %arg10[%mul3A_310, %dma_wait3A_338] : memref<10240x128xf32, #tpu.memory_space<vmem_shared>> -> memref<128x128xf32, #tpu.memory_space<vmem_shared>>
      tpu.wait_dma2 semaphore(%run_scoped3A : memref<!tpu.dma_semaphore, #tpu.memory_space<semaphore_mem>>) src(%dma_wait3A_339 : memref<128x128xf32, #tpu.memory_space<vmem_shared>>) dst(%dma_wait3A_337 : memref<128x128xf32, #tpu.memory_space<hbm>>)
      tpu.yield
    }) : () -> ()
    %mul3A_314 = arith.constant 5 : i32
    %mul3A_315 = arith.muli %arg1, %mul3A_314 : i32
    %add3A_316 = arith.constant 3 : i32
    %add3A_317 = arith.addi %mul3A_315, %add3A_316 : i32
    %mul3A_318 = arith.constant 128 : i32
    %mul3A_319 = arith.muli %add3A_317, %mul3A_318 : i32
    %mul3A_320 = arith.constant 10400 : i32
    %mul3A_321 = arith.muli %arg0, %mul3A_320 : i32
    %add3A_322 = arith.addi %mul3A_321, %mul3A_319 : i32
    "tpu.region"() ({
      %run_scoped3A = tpu.sem_alloc : memref<!tpu.dma_semaphore, #tpu.memory_space<semaphore_mem>>
      %dma_start3A_332 = arith.constant 0 : i32
      %dma_start3A_333 = tpu.memref_slice %arg5[%add3A_322, %dma_start3A_332] : memref<20640x128xf32, #tpu.memory_space<hbm>> -> memref<128x128xf32, #tpu.memory_space<hbm>>
      %dma_start3A_334 = arith.constant 0 : i32
      %dma_start3A_335 = tpu.memref_slice %arg10[%mul3A_319, %dma_start3A_334] : memref<10240x128xf32, #tpu.memory_space<vmem_shared>> -> memref<128x128xf32, #tpu.memory_space<vmem_shared>>
      tpu.enqueue_dma source(%dma_start3A_335 : memref<128x128xf32, #tpu.memory_space<vmem_shared>>) target(%dma_start3A_333 : memref<128x128xf32, #tpu.memory_space<hbm>>) target_semaphore(%run_scoped3A : memref<!tpu.dma_semaphore, #tpu.memory_space<semaphore_mem>>)
      %dma_wait3A_336 = arith.constant 0 : i32
      %dma_wait3A_337 = tpu.memref_slice %arg5[%add3A_322, %dma_wait3A_336] : memref<20640x128xf32, #tpu.memory_space<hbm>> -> memref<128x128xf32, #tpu.memory_space<hbm>>
      %dma_wait3A_338 = arith.constant 0 : i32
      %dma_wait3A_339 = tpu.memref_slice %arg10[%mul3A_319, %dma_wait3A_338] : memref<10240x128xf32, #tpu.memory_space<vmem_shared>> -> memref<128x128xf32, #tpu.memory_space<vmem_shared>>
      tpu.wait_dma2 semaphore(%run_scoped3A : memref<!tpu.dma_semaphore, #tpu.memory_space<semaphore_mem>>) src(%dma_wait3A_339 : memref<128x128xf32, #tpu.memory_space<vmem_shared>>) dst(%dma_wait3A_337 : memref<128x128xf32, #tpu.memory_space<hbm>>)
      tpu.yield
    }) : () -> ()
    %mul3A_323 = arith.constant 5 : i32
    %mul3A_324 = arith.muli %arg1, %mul3A_323 : i32
    %add3A_325 = arith.constant 4 : i32
    %add3A_326 = arith.addi %mul3A_324, %add3A_325 : i32
    %mul3A_327 = arith.constant 128 : i32
    %mul3A_328 = arith.muli %add3A_326, %mul3A_327 : i32
    %mul3A_329 = arith.constant 10400 : i32
    %mul3A_330 = arith.muli %arg0, %mul3A_329 : i32
    %add3A_331 = arith.addi %mul3A_330, %mul3A_328 : i32
    "tpu.region"() ({
      %run_scoped3A = tpu.sem_alloc : memref<!tpu.dma_semaphore, #tpu.memory_space<semaphore_mem>>
      %dma_start3A_332 = arith.constant 0 : i32
      %dma_start3A_333 = tpu.memref_slice %arg5[%add3A_331, %dma_start3A_332] : memref<20640x128xf32, #tpu.memory_space<hbm>> -> memref<128x128xf32, #tpu.memory_space<hbm>>
      %dma_start3A_334 = arith.constant 0 : i32
      %dma_start3A_335 = tpu.memref_slice %arg10[%mul3A_328, %dma_start3A_334] : memref<10240x128xf32, #tpu.memory_space<vmem_shared>> -> memref<128x128xf32, #tpu.memory_space<vmem_shared>>
      tpu.enqueue_dma source(%dma_start3A_335 : memref<128x128xf32, #tpu.memory_space<vmem_shared>>) target(%dma_start3A_333 : memref<128x128xf32, #tpu.memory_space<hbm>>) target_semaphore(%run_scoped3A : memref<!tpu.dma_semaphore, #tpu.memory_space<semaphore_mem>>)
      %dma_wait3A_336 = arith.constant 0 : i32
      %dma_wait3A_337 = tpu.memref_slice %arg5[%add3A_331, %dma_wait3A_336] : memref<20640x128xf32, #tpu.memory_space<hbm>> -> memref<128x128xf32, #tpu.memory_space<hbm>>
      %dma_wait3A_338 = arith.constant 0 : i32
      %dma_wait3A_339 = tpu.memref_slice %arg10[%mul3A_328, %dma_wait3A_338] : memref<10240x128xf32, #tpu.memory_space<vmem_shared>> -> memref<128x128xf32, #tpu.memory_space<vmem_shared>>
      tpu.wait_dma2 semaphore(%run_scoped3A : memref<!tpu.dma_semaphore, #tpu.memory_space<semaphore_mem>>) src(%dma_wait3A_339 : memref<128x128xf32, #tpu.memory_space<vmem_shared>>) dst(%dma_wait3A_337 : memref<128x128xf32, #tpu.memory_space<hbm>>)
      tpu.yield
    }) : () -> ()
    return
  }
}

#map = affine_map<(d0, d1) -> (0, 0)>
#map1 = affine_map<(d0, d1) -> (0)>
module attributes {stable_mosaic.version = 14 : i64} {
  func.func @_agg_body(%arg0: i32, %arg1: i32, %arg2: memref<10000x128xf32, #tpu.memory_space<hbm>>, %arg3: memref<640000xi32, #tpu.memory_space<hbm>>, %arg4: memref<128x128xf32, #tpu.memory_space<hbm>>, %arg5: memref<20640x128xf32, #tpu.memory_space<hbm>>, %arg6: memref<2x2x128xi32, #tpu.memory_space<vmem>>, %arg7: memref<2x16xi32, #tpu.memory_space<vmem>>, %arg8: memref<128x128xf32, #tpu.memory_space<vmem>>, %arg9: memref<128x128xf32, #tpu.memory_space<vmem>>, %arg10: memref<10240x128xf32, #tpu.memory_space<vmem_shared>>, %arg11: memref<!tpu.dma_semaphore, #tpu.memory_space<semaphore_mem>>, %arg12: memref<!tpu.dma_semaphore, #tpu.memory_space<semaphore_mem>>, %arg13: memref<!tpu.dma_semaphore, #tpu.memory_space<semaphore_mem>>, %arg14: memref<!tpu.dma_semaphore, #tpu.memory_space<semaphore_mem>>, %arg15: memref<!tpu.dma_semaphore, #tpu.memory_space<semaphore_mem>>, %arg16: memref<!tpu.dma_semaphore, #tpu.memory_space<semaphore_mem>>) attributes {dimension_semantics = [#tpu.dimension_semantics<core_parallel>, #tpu.dimension_semantics<subcore_parallel>], iteration_bounds = array<i64: 2, 16>, scalar_prefetch = 0 : i64, scratch_operands = 11 : i64, tpu.core_type = #tpu.core_type<sc_vector_subcore>, window_params = [{transform_indices = #map}, {transform_indices = #map1}, {transform_indices = #map}, {transform_indices = #map}]} {
    %mul3A = arith.constant 16 : i32
    %mul3A_0 = arith.muli %arg0, %mul3A : i32
    %add3A = arith.addi %mul3A_0, %arg1 : i32
    %mul3A_1 = arith.constant 10000 : i32
    %mul3A_2 = arith.muli %add3A, %mul3A_1 : i32
    %add3A_3 = arith.constant 0 : i32
    %add3A_4 = arith.addi %mul3A_2, %add3A_3 : i32
    %dma_start3A = arith.constant 0 : i32
    %dma_start3A_5 = arith.constant 0 : i32
    %dma_start3A_6 = arith.constant 0 : i32
    %dma_start3A_7 = tpu.memref_slice %arg6[%dma_start3A, %dma_start3A_5, %dma_start3A_6] : memref<2x2x128xi32, #tpu.memory_space<vmem>> -> memref<1x1x128xi32, #tpu.memory_space<vmem>>
    %dma_start3A_8 = tpu.memref_squeeze %dma_start3A_7 : memref<1x1x128xi32, #tpu.memory_space<vmem>> -> memref<128xi32, #tpu.memory_space<vmem>>
    %dma_start3A_9 = tpu.memref_slice %arg3[%add3A_4] : memref<640000xi32, #tpu.memory_space<hbm>> -> memref<128xi32, #tpu.memory_space<hbm>>
    %dma_start3A_10 = arith.constant 0 : i32
    %dma_start3A_11 = tpu.memref_slice %arg6[%dma_start3A, %dma_start3A_5, %dma_start3A_10] : memref<2x2x128xi32, #tpu.memory_space<vmem>> -> memref<1x1x128xi32, #tpu.memory_space<vmem>>
    %dma_start3A_12 = tpu.memref_squeeze %dma_start3A_11 : memref<1x1x128xi32, #tpu.memory_space<vmem>> -> memref<128xi32, #tpu.memory_space<vmem>>
    %dma_start3A_13 = tpu.memref_slice %arg3[%add3A_4] : memref<640000xi32, #tpu.memory_space<hbm>> -> memref<128xi32, #tpu.memory_space<hbm>>
    tpu.enqueue_dma source(%dma_start3A_13 : memref<128xi32, #tpu.memory_space<hbm>>) target(%dma_start3A_12 : memref<128xi32, #tpu.memory_space<vmem>>) target_semaphore(%arg11 : memref<!tpu.dma_semaphore, #tpu.memory_space<semaphore_mem>>)
    %add3A_14 = arith.constant 320000 : i32
    %add3A_15 = arith.addi %add3A_14, %mul3A_2 : i32
    %add3A_16 = arith.constant 0 : i32
    %add3A_17 = arith.addi %add3A_15, %add3A_16 : i32
    %dma_start3A_18 = arith.constant 0 : i32
    %dma_start3A_19 = arith.constant 1 : i32
    %dma_start3A_20 = arith.constant 0 : i32
    %dma_start3A_21 = tpu.memref_slice %arg6[%dma_start3A_18, %dma_start3A_19, %dma_start3A_20] : memref<2x2x128xi32, #tpu.memory_space<vmem>> -> memref<1x1x128xi32, #tpu.memory_space<vmem>>
    %dma_start3A_22 = tpu.memref_squeeze %dma_start3A_21 : memref<1x1x128xi32, #tpu.memory_space<vmem>> -> memref<128xi32, #tpu.memory_space<vmem>>
    %dma_start3A_23 = tpu.memref_slice %arg3[%add3A_17] : memref<640000xi32, #tpu.memory_space<hbm>> -> memref<128xi32, #tpu.memory_space<hbm>>
    %dma_start3A_24 = arith.constant 0 : i32
    %dma_start3A_25 = tpu.memref_slice %arg6[%dma_start3A_18, %dma_start3A_19, %dma_start3A_24] : memref<2x2x128xi32, #tpu.memory_space<vmem>> -> memref<1x1x128xi32, #tpu.memory_space<vmem>>
    %dma_start3A_26 = tpu.memref_squeeze %dma_start3A_25 : memref<1x1x128xi32, #tpu.memory_space<vmem>> -> memref<128xi32, #tpu.memory_space<vmem>>
    %dma_start3A_27 = tpu.memref_slice %arg3[%add3A_17] : memref<640000xi32, #tpu.memory_space<hbm>> -> memref<128xi32, #tpu.memory_space<hbm>>
    tpu.enqueue_dma source(%dma_start3A_27 : memref<128xi32, #tpu.memory_space<hbm>>) target(%dma_start3A_26 : memref<128xi32, #tpu.memory_space<vmem>>) target_semaphore(%arg11 : memref<!tpu.dma_semaphore, #tpu.memory_space<semaphore_mem>>)
    %add3A_28 = arith.constant 128 : i32
    %add3A_29 = arith.addi %mul3A_2, %add3A_28 : i32
    %dma_start3A_30 = arith.constant 1 : i32
    %dma_start3A_31 = arith.constant 0 : i32
    %dma_start3A_32 = arith.constant 0 : i32
    %dma_start3A_33 = tpu.memref_slice %arg6[%dma_start3A_30, %dma_start3A_31, %dma_start3A_32] : memref<2x2x128xi32, #tpu.memory_space<vmem>> -> memref<1x1x128xi32, #tpu.memory_space<vmem>>
    %dma_start3A_34 = tpu.memref_squeeze %dma_start3A_33 : memref<1x1x128xi32, #tpu.memory_space<vmem>> -> memref<128xi32, #tpu.memory_space<vmem>>
    %dma_start3A_35 = tpu.memref_slice %arg3[%add3A_29] : memref<640000xi32, #tpu.memory_space<hbm>> -> memref<128xi32, #tpu.memory_space<hbm>>
    %dma_start3A_36 = arith.constant 0 : i32
    %dma_start3A_37 = tpu.memref_slice %arg6[%dma_start3A_30, %dma_start3A_31, %dma_start3A_36] : memref<2x2x128xi32, #tpu.memory_space<vmem>> -> memref<1x1x128xi32, #tpu.memory_space<vmem>>
    %dma_start3A_38 = tpu.memref_squeeze %dma_start3A_37 : memref<1x1x128xi32, #tpu.memory_space<vmem>> -> memref<128xi32, #tpu.memory_space<vmem>>
    %dma_start3A_39 = tpu.memref_slice %arg3[%add3A_29] : memref<640000xi32, #tpu.memory_space<hbm>> -> memref<128xi32, #tpu.memory_space<hbm>>
    tpu.enqueue_dma source(%dma_start3A_39 : memref<128xi32, #tpu.memory_space<hbm>>) target(%dma_start3A_38 : memref<128xi32, #tpu.memory_space<vmem>>) target_semaphore(%arg12 : memref<!tpu.dma_semaphore, #tpu.memory_space<semaphore_mem>>)
    %add3A_40 = arith.constant 320000 : i32
    %add3A_41 = arith.addi %add3A_40, %mul3A_2 : i32
    %add3A_42 = arith.constant 128 : i32
    %add3A_43 = arith.addi %add3A_41, %add3A_42 : i32
    %dma_start3A_44 = arith.constant 1 : i32
    %dma_start3A_45 = arith.constant 1 : i32
    %dma_start3A_46 = arith.constant 0 : i32
    %dma_start3A_47 = tpu.memref_slice %arg6[%dma_start3A_44, %dma_start3A_45, %dma_start3A_46] : memref<2x2x128xi32, #tpu.memory_space<vmem>> -> memref<1x1x128xi32, #tpu.memory_space<vmem>>
    %dma_start3A_48 = tpu.memref_squeeze %dma_start3A_47 : memref<1x1x128xi32, #tpu.memory_space<vmem>> -> memref<128xi32, #tpu.memory_space<vmem>>
    %dma_start3A_49 = tpu.memref_slice %arg3[%add3A_43] : memref<640000xi32, #tpu.memory_space<hbm>> -> memref<128xi32, #tpu.memory_space<hbm>>
    %dma_start3A_50 = arith.constant 0 : i32
    %dma_start3A_51 = tpu.memref_slice %arg6[%dma_start3A_44, %dma_start3A_45, %dma_start3A_50] : memref<2x2x128xi32, #tpu.memory_space<vmem>> -> memref<1x1x128xi32, #tpu.memory_space<vmem>>
    %dma_start3A_52 = tpu.memref_squeeze %dma_start3A_51 : memref<1x1x128xi32, #tpu.memory_space<vmem>> -> memref<128xi32, #tpu.memory_space<vmem>>
    %dma_start3A_53 = tpu.memref_slice %arg3[%add3A_43] : memref<640000xi32, #tpu.memory_space<hbm>> -> memref<128xi32, #tpu.memory_space<hbm>>
    tpu.enqueue_dma source(%dma_start3A_53 : memref<128xi32, #tpu.memory_space<hbm>>) target(%dma_start3A_52 : memref<128xi32, #tpu.memory_space<vmem>>) target_semaphore(%arg12 : memref<!tpu.dma_semaphore, #tpu.memory_space<semaphore_mem>>)
    %dma_wait3A = arith.constant 0 : i32
    %dma_wait3A_54 = arith.constant 0 : i32
    %dma_wait3A_55 = arith.constant 0 : i32
    %dma_wait3A_56 = tpu.memref_slice %arg6[%dma_wait3A, %dma_wait3A_54, %dma_wait3A_55] : memref<2x2x128xi32, #tpu.memory_space<vmem>> -> memref<1x1x128xi32, #tpu.memory_space<vmem>>
    %dma_wait3A_57 = tpu.memref_squeeze %dma_wait3A_56 : memref<1x1x128xi32, #tpu.memory_space<vmem>> -> memref<128xi32, #tpu.memory_space<vmem>>
    %dma_wait3A_58 = arith.constant 0 : i32
    %dma_wait3A_59 = tpu.memref_slice %arg3[%dma_wait3A_58] : memref<640000xi32, #tpu.memory_space<hbm>> -> memref<128xi32, #tpu.memory_space<hbm>>
    %dma_wait3A_60 = arith.constant 0 : i32
    %dma_wait3A_61 = tpu.memref_slice %arg6[%dma_wait3A, %dma_wait3A_54, %dma_wait3A_60] : memref<2x2x128xi32, #tpu.memory_space<vmem>> -> memref<1x1x128xi32, #tpu.memory_space<vmem>>
    %dma_wait3A_62 = tpu.memref_squeeze %dma_wait3A_61 : memref<1x1x128xi32, #tpu.memory_space<vmem>> -> memref<128xi32, #tpu.memory_space<vmem>>
    %dma_wait3A_63 = arith.constant 0 : i32
    %dma_wait3A_64 = tpu.memref_slice %arg3[%dma_wait3A_63] : memref<640000xi32, #tpu.memory_space<hbm>> -> memref<128xi32, #tpu.memory_space<hbm>>
    tpu.wait_dma2 semaphore(%arg11 : memref<!tpu.dma_semaphore, #tpu.memory_space<semaphore_mem>>) src(%dma_wait3A_64 : memref<128xi32, #tpu.memory_space<hbm>>) dst(%dma_wait3A_62 : memref<128xi32, #tpu.memory_space<vmem>>)
    %dma_wait3A_65 = arith.constant 0 : i32
    %dma_wait3A_66 = arith.constant 1 : i32
    %dma_wait3A_67 = arith.constant 0 : i32
    %dma_wait3A_68 = tpu.memref_slice %arg6[%dma_wait3A_65, %dma_wait3A_66, %dma_wait3A_67] : memref<2x2x128xi32, #tpu.memory_space<vmem>> -> memref<1x1x128xi32, #tpu.memory_space<vmem>>
    %dma_wait3A_69 = tpu.memref_squeeze %dma_wait3A_68 : memref<1x1x128xi32, #tpu.memory_space<vmem>> -> memref<128xi32, #tpu.memory_space<vmem>>
    %dma_wait3A_70 = arith.constant 0 : i32
    %dma_wait3A_71 = tpu.memref_slice %arg3[%dma_wait3A_70] : memref<640000xi32, #tpu.memory_space<hbm>> -> memref<128xi32, #tpu.memory_space<hbm>>
    %dma_wait3A_72 = arith.constant 0 : i32
    %dma_wait3A_73 = tpu.memref_slice %arg6[%dma_wait3A_65, %dma_wait3A_66, %dma_wait3A_72] : memref<2x2x128xi32, #tpu.memory_space<vmem>> -> memref<1x1x128xi32, #tpu.memory_space<vmem>>
    %dma_wait3A_74 = tpu.memref_squeeze %dma_wait3A_73 : memref<1x1x128xi32, #tpu.memory_space<vmem>> -> memref<128xi32, #tpu.memory_space<vmem>>
    %dma_wait3A_75 = arith.constant 0 : i32
    %dma_wait3A_76 = tpu.memref_slice %arg3[%dma_wait3A_75] : memref<640000xi32, #tpu.memory_space<hbm>> -> memref<128xi32, #tpu.memory_space<hbm>>
    tpu.wait_dma2 semaphore(%arg11 : memref<!tpu.dma_semaphore, #tpu.memory_space<semaphore_mem>>) src(%dma_wait3A_76 : memref<128xi32, #tpu.memory_space<hbm>>) dst(%dma_wait3A_74 : memref<128xi32, #tpu.memory_space<vmem>>)
    %dma_start3A_77 = arith.constant 0 : i32
    %dma_start3A_78 = arith.constant 0 : i32
    %dma_start3A_79 = arith.constant 0 : i32
    %dma_start3A_80 = tpu.memref_slice %arg6[%dma_start3A_77, %dma_start3A_78, %dma_start3A_79] : memref<2x2x128xi32, #tpu.memory_space<vmem>> -> memref<1x1x128xi32, #tpu.memory_space<vmem>>
    %dma_start3A_81 = tpu.memref_squeeze %dma_start3A_80 : memref<1x1x128xi32, #tpu.memory_space<vmem>> -> memref<128xi32, #tpu.memory_space<vmem>>
    %dma_start3A_82 = arith.constant 0 : i32
    %dma_start3A_83 = arith.constant 0 : i32
    %dma_start3A_84 = tpu.memref_slice %arg2[%dma_start3A_82, %dma_start3A_83] : memref<10000x128xf32, #tpu.memory_space<hbm>> -> memref<10000x128xf32, #tpu.memory_space<hbm>>
    tpu.enqueue_indirect_dma source(%dma_start3A_84 : memref<10000x128xf32, #tpu.memory_space<hbm>>) target(%arg8 : memref<128x128xf32, #tpu.memory_space<vmem>>) offsets(%dma_start3A_81 : memref<128xi32, #tpu.memory_space<vmem>>) semaphore(%arg13 : memref<!tpu.dma_semaphore, #tpu.memory_space<semaphore_mem>>)
    %mul3A_85 = arith.constant 5 : i32
    %mul3A_86 = arith.muli %arg1, %mul3A_85 : i32
    %add3A_87 = arith.constant 0 : i32
    %add3A_88 = arith.addi %mul3A_86, %add3A_87 : i32
    %mul3A_89 = arith.constant 128 : i32
    %mul3A_90 = arith.muli %add3A_88, %mul3A_89 : i32
    "tpu.region"() ({
      %run_scoped3A = tpu.sem_alloc : memref<!tpu.dma_semaphore, #tpu.memory_space<semaphore_mem>>
      %dma_start3A_332 = arith.constant 0 : i32
      %dma_start3A_333 = tpu.memref_slice %arg10[%mul3A_90, %dma_start3A_332] : memref<10240x128xf32, #tpu.memory_space<vmem_shared>> -> memref<128x128xf32, #tpu.memory_space<vmem_shared>>
      tpu.enqueue_dma source(%arg4 : memref<128x128xf32, #tpu.memory_space<hbm>>) target(%dma_start3A_333 : memref<128x128xf32, #tpu.memory_space<vmem_shared>>) target_semaphore(%run_scoped3A : memref<!tpu.dma_semaphore, #tpu.memory_space<semaphore_mem>>)
      %dma_wait3A_334 = arith.constant 0 : i32
      %dma_wait3A_335 = tpu.memref_slice %arg10[%mul3A_90, %dma_wait3A_334] : memref<10240x128xf32, #tpu.memory_space<vmem_shared>> -> memref<128x128xf32, #tpu.memory_space<vmem_shared>>
      tpu.wait_dma2 semaphore(%run_scoped3A : memref<!tpu.dma_semaphore, #tpu.memory_space<semaphore_mem>>) src(%arg4 : memref<128x128xf32, #tpu.memory_space<hbm>>) dst(%dma_wait3A_335 : memref<128x128xf32, #tpu.memory_space<vmem_shared>>)
      tpu.yield
    }) : () -> ()
    %mul3A_91 = arith.constant 5 : i32
    %mul3A_92 = arith.muli %arg1, %mul3A_91 : i32
    %add3A_93 = arith.constant 1 : i32
    %add3A_94 = arith.addi %mul3A_92, %add3A_93 : i32
    %mul3A_95 = arith.constant 128 : i32
    %mul3A_96 = arith.muli %add3A_94, %mul3A_95 : i32
    "tpu.region"() ({
      %run_scoped3A = tpu.sem_alloc : memref<!tpu.dma_semaphore, #tpu.memory_space<semaphore_mem>>
      %dma_start3A_332 = arith.constant 0 : i32
      %dma_start3A_333 = tpu.memref_slice %arg10[%mul3A_96, %dma_start3A_332] : memref<10240x128xf32, #tpu.memory_space<vmem_shared>> -> memref<128x128xf32, #tpu.memory_space<vmem_shared>>
      tpu.enqueue_dma source(%arg4 : memref<128x128xf32, #tpu.memory_space<hbm>>) target(%dma_start3A_333 : memref<128x128xf32, #tpu.memory_space<vmem_shared>>) target_semaphore(%run_scoped3A : memref<!tpu.dma_semaphore, #tpu.memory_space<semaphore_mem>>)
      %dma_wait3A_334 = arith.constant 0 : i32
      %dma_wait3A_335 = tpu.memref_slice %arg10[%mul3A_96, %dma_wait3A_334] : memref<10240x128xf32, #tpu.memory_space<vmem_shared>> -> memref<128x128xf32, #tpu.memory_space<vmem_shared>>
      tpu.wait_dma2 semaphore(%run_scoped3A : memref<!tpu.dma_semaphore, #tpu.memory_space<semaphore_mem>>) src(%arg4 : memref<128x128xf32, #tpu.memory_space<hbm>>) dst(%dma_wait3A_335 : memref<128x128xf32, #tpu.memory_space<vmem_shared>>)
      tpu.yield
    }) : () -> ()
    %mul3A_97 = arith.constant 5 : i32
    %mul3A_98 = arith.muli %arg1, %mul3A_97 : i32
    %add3A_99 = arith.constant 2 : i32
    %add3A_100 = arith.addi %mul3A_98, %add3A_99 : i32
    %mul3A_101 = arith.constant 128 : i32
    %mul3A_102 = arith.muli %add3A_100, %mul3A_101 : i32
    "tpu.region"() ({
      %run_scoped3A = tpu.sem_alloc : memref<!tpu.dma_semaphore, #tpu.memory_space<semaphore_mem>>
      %dma_start3A_332 = arith.constant 0 : i32
      %dma_start3A_333 = tpu.memref_slice %arg10[%mul3A_102, %dma_start3A_332] : memref<10240x128xf32, #tpu.memory_space<vmem_shared>> -> memref<128x128xf32, #tpu.memory_space<vmem_shared>>
      tpu.enqueue_dma source(%arg4 : memref<128x128xf32, #tpu.memory_space<hbm>>) target(%dma_start3A_333 : memref<128x128xf32, #tpu.memory_space<vmem_shared>>) target_semaphore(%run_scoped3A : memref<!tpu.dma_semaphore, #tpu.memory_space<semaphore_mem>>)
      %dma_wait3A_334 = arith.constant 0 : i32
      %dma_wait3A_335 = tpu.memref_slice %arg10[%mul3A_102, %dma_wait3A_334] : memref<10240x128xf32, #tpu.memory_space<vmem_shared>> -> memref<128x128xf32, #tpu.memory_space<vmem_shared>>
      tpu.wait_dma2 semaphore(%run_scoped3A : memref<!tpu.dma_semaphore, #tpu.memory_space<semaphore_mem>>) src(%arg4 : memref<128x128xf32, #tpu.memory_space<hbm>>) dst(%dma_wait3A_335 : memref<128x128xf32, #tpu.memory_space<vmem_shared>>)
      tpu.yield
    }) : () -> ()
    %mul3A_103 = arith.constant 5 : i32
    %mul3A_104 = arith.muli %arg1, %mul3A_103 : i32
    %add3A_105 = arith.constant 3 : i32
    %add3A_106 = arith.addi %mul3A_104, %add3A_105 : i32
    %mul3A_107 = arith.constant 128 : i32
    %mul3A_108 = arith.muli %add3A_106, %mul3A_107 : i32
    "tpu.region"() ({
      %run_scoped3A = tpu.sem_alloc : memref<!tpu.dma_semaphore, #tpu.memory_space<semaphore_mem>>
      %dma_start3A_332 = arith.constant 0 : i32
      %dma_start3A_333 = tpu.memref_slice %arg10[%mul3A_108, %dma_start3A_332] : memref<10240x128xf32, #tpu.memory_space<vmem_shared>> -> memref<128x128xf32, #tpu.memory_space<vmem_shared>>
      tpu.enqueue_dma source(%arg4 : memref<128x128xf32, #tpu.memory_space<hbm>>) target(%dma_start3A_333 : memref<128x128xf32, #tpu.memory_space<vmem_shared>>) target_semaphore(%run_scoped3A : memref<!tpu.dma_semaphore, #tpu.memory_space<semaphore_mem>>)
      %dma_wait3A_334 = arith.constant 0 : i32
      %dma_wait3A_335 = tpu.memref_slice %arg10[%mul3A_108, %dma_wait3A_334] : memref<10240x128xf32, #tpu.memory_space<vmem_shared>> -> memref<128x128xf32, #tpu.memory_space<vmem_shared>>
      tpu.wait_dma2 semaphore(%run_scoped3A : memref<!tpu.dma_semaphore, #tpu.memory_space<semaphore_mem>>) src(%arg4 : memref<128x128xf32, #tpu.memory_space<hbm>>) dst(%dma_wait3A_335 : memref<128x128xf32, #tpu.memory_space<vmem_shared>>)
      tpu.yield
    }) : () -> ()
    %mul3A_109 = arith.constant 5 : i32
    %mul3A_110 = arith.muli %arg1, %mul3A_109 : i32
    %add3A_111 = arith.constant 4 : i32
    %add3A_112 = arith.addi %mul3A_110, %add3A_111 : i32
    %mul3A_113 = arith.constant 128 : i32
    %mul3A_114 = arith.muli %add3A_112, %mul3A_113 : i32
    "tpu.region"() ({
      %run_scoped3A = tpu.sem_alloc : memref<!tpu.dma_semaphore, #tpu.memory_space<semaphore_mem>>
      %dma_start3A_332 = arith.constant 0 : i32
      %dma_start3A_333 = tpu.memref_slice %arg10[%mul3A_114, %dma_start3A_332] : memref<10240x128xf32, #tpu.memory_space<vmem_shared>> -> memref<128x128xf32, #tpu.memory_space<vmem_shared>>
      tpu.enqueue_dma source(%arg4 : memref<128x128xf32, #tpu.memory_space<hbm>>) target(%dma_start3A_333 : memref<128x128xf32, #tpu.memory_space<vmem_shared>>) target_semaphore(%run_scoped3A : memref<!tpu.dma_semaphore, #tpu.memory_space<semaphore_mem>>)
      %dma_wait3A_334 = arith.constant 0 : i32
      %dma_wait3A_335 = tpu.memref_slice %arg10[%mul3A_114, %dma_wait3A_334] : memref<10240x128xf32, #tpu.memory_space<vmem_shared>> -> memref<128x128xf32, #tpu.memory_space<vmem_shared>>
      tpu.wait_dma2 semaphore(%run_scoped3A : memref<!tpu.dma_semaphore, #tpu.memory_space<semaphore_mem>>) src(%arg4 : memref<128x128xf32, #tpu.memory_space<hbm>>) dst(%dma_wait3A_335 : memref<128x128xf32, #tpu.memory_space<vmem_shared>>)
      tpu.yield
    }) : () -> ()
    %barrier3A = arith.constant 0 : index
    tpu.barrier barrier_id(%barrier3A)
    %scan3A = arith.constant 0 : i32
    %scan3A_115 = arith.constant 0 : i32
    %scan3A_116 = arith.constant 38 : i32
    %scan3A_117 = arith.addi %scan3A_115, %scan3A_116 : i32
    %scan3A_118 = arith.constant 1 : i32
    scf.for %scan3A_332 = %scan3A_115 to %scan3A_117 step %scan3A_118  : i32 {
      %mul3A_333 = arith.constant 2 : i32
      %mul3A_334 = arith.muli %scan3A_332, %mul3A_333 : i32
      %add3A_335 = arith.constant 0 : i32
      %add3A_336 = arith.addi %mul3A_334, %add3A_335 : i32
      %dma_wait3A_337 = arith.constant 0 : i32
      %dma_wait3A_338 = arith.constant 0 : i32
      %dma_wait3A_339 = arith.constant 0 : i32
      %dma_wait3A_340 = tpu.memref_slice %arg6[%dma_wait3A_337, %dma_wait3A_338, %dma_wait3A_339] : memref<2x2x128xi32, #tpu.memory_space<vmem>> -> memref<1x1x128xi32, #tpu.memory_space<vmem>>
      %dma_wait3A_341 = tpu.memref_squeeze %dma_wait3A_340 : memref<1x1x128xi32, #tpu.memory_space<vmem>> -> memref<128xi32, #tpu.memory_space<vmem>>
      %dma_wait3A_342 = arith.constant 0 : i32
      %dma_wait3A_343 = arith.constant 0 : i32
      %dma_wait3A_344 = tpu.memref_slice %arg2[%dma_wait3A_342, %dma_wait3A_343] : memref<10000x128xf32, #tpu.memory_space<hbm>> -> memref<10000x128xf32, #tpu.memory_space<hbm>>
      tpu.wait_indirect_dma semaphore(%arg13 : memref<!tpu.dma_semaphore, #tpu.memory_space<semaphore_mem>>) src(%dma_wait3A_344 : memref<10000x128xf32, #tpu.memory_space<hbm>>) dst(%arg8 : memref<128x128xf32, #tpu.memory_space<vmem>>)
      %dma_wait3A_345 = arith.constant 1 : i32
      %dma_wait3A_346 = arith.constant 0 : i32
      %dma_wait3A_347 = arith.constant 0 : i32
      %dma_wait3A_348 = tpu.memref_slice %arg6[%dma_wait3A_345, %dma_wait3A_346, %dma_wait3A_347] : memref<2x2x128xi32, #tpu.memory_space<vmem>> -> memref<1x1x128xi32, #tpu.memory_space<vmem>>
      %dma_wait3A_349 = tpu.memref_squeeze %dma_wait3A_348 : memref<1x1x128xi32, #tpu.memory_space<vmem>> -> memref<128xi32, #tpu.memory_space<vmem>>
      %dma_wait3A_350 = arith.constant 0 : i32
      %dma_wait3A_351 = tpu.memref_slice %arg3[%dma_wait3A_350] : memref<640000xi32, #tpu.memory_space<hbm>> -> memref<128xi32, #tpu.memory_space<hbm>>
      %dma_wait3A_352 = arith.constant 0 : i32
      %dma_wait3A_353 = tpu.memref_slice %arg6[%dma_wait3A_345, %dma_wait3A_346, %dma_wait3A_352] : memref<2x2x128xi32, #tpu.memory_space<vmem>> -> memref<1x1x128xi32, #tpu.memory_space<vmem>>
      %dma_wait3A_354 = tpu.memref_squeeze %dma_wait3A_353 : memref<1x1x128xi32, #tpu.memory_space<vmem>> -> memref<128xi32, #tpu.memory_space<vmem>>
      %dma_wait3A_355 = arith.constant 0 : i32
      %dma_wait3A_356 = tpu.memref_slice %arg3[%dma_wait3A_355] : memref<640000xi32, #tpu.memory_space<hbm>> -> memref<128xi32, #tpu.memory_space<hbm>>
      tpu.wait_dma2 semaphore(%arg12 : memref<!tpu.dma_semaphore, #tpu.memory_space<semaphore_mem>>) src(%dma_wait3A_356 : memref<128xi32, #tpu.memory_space<hbm>>) dst(%dma_wait3A_354 : memref<128xi32, #tpu.memory_space<vmem>>)
      %dma_wait3A_357 = arith.constant 1 : i32
      %dma_wait3A_358 = arith.constant 1 : i32
      %dma_wait3A_359 = arith.constant 0 : i32
      %dma_wait3A_360 = tpu.memref_slice %arg6[%dma_wait3A_357, %dma_wait3A_358, %dma_wait3A_359] : memref<2x2x128xi32, #tpu.memory_space<vmem>> -> memref<1x1x128xi32, #tpu.memory_space<vmem>>
      %dma_wait3A_361 = tpu.memref_squeeze %dma_wait3A_360 : memref<1x1x128xi32, #tpu.memory_space<vmem>> -> memref<128xi32, #tpu.memory_space<vmem>>
      %dma_wait3A_362 = arith.constant 0 : i32
      %dma_wait3A_363 = tpu.memref_slice %arg3[%dma_wait3A_362] : memref<640000xi32, #tpu.memory_space<hbm>> -> memref<128xi32, #tpu.memory_space<hbm>>
      %dma_wait3A_364 = arith.constant 0 : i32
      %dma_wait3A_365 = tpu.memref_slice %arg6[%dma_wait3A_357, %dma_wait3A_358, %dma_wait3A_364] : memref<2x2x128xi32, #tpu.memory_space<vmem>> -> memref<1x1x128xi32, #tpu.memory_space<vmem>>
      %dma_wait3A_366 = tpu.memref_squeeze %dma_wait3A_365 : memref<1x1x128xi32, #tpu.memory_space<vmem>> -> memref<128xi32, #tpu.memory_space<vmem>>
      %dma_wait3A_367 = arith.constant 0 : i32
      %dma_wait3A_368 = tpu.memref_slice %arg3[%dma_wait3A_367] : memref<640000xi32, #tpu.memory_space<hbm>> -> memref<128xi32, #tpu.memory_space<hbm>>
      tpu.wait_dma2 semaphore(%arg12 : memref<!tpu.dma_semaphore, #tpu.memory_space<semaphore_mem>>) src(%dma_wait3A_368 : memref<128xi32, #tpu.memory_space<hbm>>) dst(%dma_wait3A_366 : memref<128xi32, #tpu.memory_space<vmem>>)
      %dma_start3A_369 = arith.constant 1 : i32
      %dma_start3A_370 = arith.constant 0 : i32
      %dma_start3A_371 = arith.constant 0 : i32
      %dma_start3A_372 = tpu.memref_slice %arg6[%dma_start3A_369, %dma_start3A_370, %dma_start3A_371] : memref<2x2x128xi32, #tpu.memory_space<vmem>> -> memref<1x1x128xi32, #tpu.memory_space<vmem>>
      %dma_start3A_373 = tpu.memref_squeeze %dma_start3A_372 : memref<1x1x128xi32, #tpu.memory_space<vmem>> -> memref<128xi32, #tpu.memory_space<vmem>>
      %dma_start3A_374 = arith.constant 0 : i32
      %dma_start3A_375 = arith.constant 0 : i32
      %dma_start3A_376 = tpu.memref_slice %arg2[%dma_start3A_374, %dma_start3A_375] : memref<10000x128xf32, #tpu.memory_space<hbm>> -> memref<10000x128xf32, #tpu.memory_space<hbm>>
      tpu.enqueue_indirect_dma source(%dma_start3A_376 : memref<10000x128xf32, #tpu.memory_space<hbm>>) target(%arg9 : memref<128x128xf32, #tpu.memory_space<vmem>>) offsets(%dma_start3A_373 : memref<128xi32, #tpu.memory_space<vmem>>) semaphore(%arg14 : memref<!tpu.dma_semaphore, #tpu.memory_space<semaphore_mem>>)
      %dma_start3A_377 = arith.constant 0 : i32
      %dma_start3A_378 = arith.constant 1 : i32
      %dma_start3A_379 = arith.constant 0 : i32
      %dma_start3A_380 = tpu.memref_slice %arg6[%dma_start3A_377, %dma_start3A_378, %dma_start3A_379] : memref<2x2x128xi32, #tpu.memory_space<vmem>> -> memref<1x1x128xi32, #tpu.memory_space<vmem>>
      %dma_start3A_381 = tpu.memref_squeeze %dma_start3A_380 : memref<1x1x128xi32, #tpu.memory_space<vmem>> -> memref<128xi32, #tpu.memory_space<vmem>>
      %dma_start3A_382 = arith.constant 0 : i32
      %dma_start3A_383 = arith.constant 0 : i32
      %dma_start3A_384 = tpu.memref_slice %arg10[%dma_start3A_382, %dma_start3A_383] : memref<10240x128xf32, #tpu.memory_space<vmem_shared>> -> memref<10240x128xf32, #tpu.memory_space<vmem_shared>>
      tpu.enqueue_indirect_dma source(%arg8 : memref<128x128xf32, #tpu.memory_space<vmem>>) target(%dma_start3A_384 : memref<10240x128xf32, #tpu.memory_space<vmem_shared>>) offsets(%dma_start3A_381 : memref<128xi32, #tpu.memory_space<vmem>>) semaphore(%arg15 : memref<!tpu.dma_semaphore, #tpu.memory_space<semaphore_mem>>) {add = true}
      %dma_wait3A_385 = arith.constant 0 : i32
      %dma_wait3A_386 = arith.constant 1 : i32
      %dma_wait3A_387 = arith.constant 0 : i32
      %dma_wait3A_388 = tpu.memref_slice %arg6[%dma_wait3A_385, %dma_wait3A_386, %dma_wait3A_387] : memref<2x2x128xi32, #tpu.memory_space<vmem>> -> memref<1x1x128xi32, #tpu.memory_space<vmem>>
      %dma_wait3A_389 = tpu.memref_squeeze %dma_wait3A_388 : memref<1x1x128xi32, #tpu.memory_space<vmem>> -> memref<128xi32, #tpu.memory_space<vmem>>
      %dma_wait3A_390 = arith.constant 0 : i32
      %dma_wait3A_391 = arith.constant 0 : i32
      %dma_wait3A_392 = tpu.memref_slice %arg10[%dma_wait3A_390, %dma_wait3A_391] : memref<10240x128xf32, #tpu.memory_space<vmem_shared>> -> memref<10240x128xf32, #tpu.memory_space<vmem_shared>>
      tpu.wait_indirect_dma semaphore(%arg15 : memref<!tpu.dma_semaphore, #tpu.memory_space<semaphore_mem>>) src(%arg8 : memref<128x128xf32, #tpu.memory_space<vmem>>) dst(%dma_wait3A_392 : memref<10240x128xf32, #tpu.memory_space<vmem_shared>>)
      %add3A_393 = arith.constant 2 : i32
      %add3A_394 = arith.addi %add3A_336, %add3A_393 : i32
      %mul3A_395 = arith.constant 128 : i32
      %mul3A_396 = arith.muli %add3A_394, %mul3A_395 : i32
      %add3A_397 = arith.addi %mul3A_2, %mul3A_396 : i32
      %dma_start3A_398 = arith.constant 0 : i32
      %dma_start3A_399 = arith.constant 0 : i32
      %dma_start3A_400 = arith.constant 0 : i32
      %dma_start3A_401 = tpu.memref_slice %arg6[%dma_start3A_398, %dma_start3A_399, %dma_start3A_400] : memref<2x2x128xi32, #tpu.memory_space<vmem>> -> memref<1x1x128xi32, #tpu.memory_space<vmem>>
      %dma_start3A_402 = tpu.memref_squeeze %dma_start3A_401 : memref<1x1x128xi32, #tpu.memory_space<vmem>> -> memref<128xi32, #tpu.memory_space<vmem>>
      %dma_start3A_403 = tpu.memref_slice %arg3[%add3A_397] : memref<640000xi32, #tpu.memory_space<hbm>> -> memref<128xi32, #tpu.memory_space<hbm>>
      %dma_start3A_404 = arith.constant 0 : i32
      %dma_start3A_405 = tpu.memref_slice %arg6[%dma_start3A_398, %dma_start3A_399, %dma_start3A_404] : memref<2x2x128xi32, #tpu.memory_space<vmem>> -> memref<1x1x128xi32, #tpu.memory_space<vmem>>
      %dma_start3A_406 = tpu.memref_squeeze %dma_start3A_405 : memref<1x1x128xi32, #tpu.memory_space<vmem>> -> memref<128xi32, #tpu.memory_space<vmem>>
      %dma_start3A_407 = tpu.memref_slice %arg3[%add3A_397] : memref<640000xi32, #tpu.memory_space<hbm>> -> memref<128xi32, #tpu.memory_space<hbm>>
      tpu.enqueue_dma source(%dma_start3A_407 : memref<128xi32, #tpu.memory_space<hbm>>) target(%dma_start3A_406 : memref<128xi32, #tpu.memory_space<vmem>>) target_semaphore(%arg11 : memref<!tpu.dma_semaphore, #tpu.memory_space<semaphore_mem>>)
      %add3A_408 = arith.constant 320000 : i32
      %add3A_409 = arith.addi %add3A_408, %mul3A_2 : i32
      %mul3A_410 = arith.constant 128 : i32
      %mul3A_411 = arith.muli %add3A_394, %mul3A_410 : i32
      %add3A_412 = arith.addi %add3A_409, %mul3A_411 : i32
      %dma_start3A_413 = arith.constant 0 : i32
      %dma_start3A_414 = arith.constant 1 : i32
      %dma_start3A_415 = arith.constant 0 : i32
      %dma_start3A_416 = tpu.memref_slice %arg6[%dma_start3A_413, %dma_start3A_414, %dma_start3A_415] : memref<2x2x128xi32, #tpu.memory_space<vmem>> -> memref<1x1x128xi32, #tpu.memory_space<vmem>>
      %dma_start3A_417 = tpu.memref_squeeze %dma_start3A_416 : memref<1x1x128xi32, #tpu.memory_space<vmem>> -> memref<128xi32, #tpu.memory_space<vmem>>
      %dma_start3A_418 = tpu.memref_slice %arg3[%add3A_412] : memref<640000xi32, #tpu.memory_space<hbm>> -> memref<128xi32, #tpu.memory_space<hbm>>
      %dma_start3A_419 = arith.constant 0 : i32
      %dma_start3A_420 = tpu.memref_slice %arg6[%dma_start3A_413, %dma_start3A_414, %dma_start3A_419] : memref<2x2x128xi32, #tpu.memory_space<vmem>> -> memref<1x1x128xi32, #tpu.memory_space<vmem>>
      %dma_start3A_421 = tpu.memref_squeeze %dma_start3A_420 : memref<1x1x128xi32, #tpu.memory_space<vmem>> -> memref<128xi32, #tpu.memory_space<vmem>>
      %dma_start3A_422 = tpu.memref_slice %arg3[%add3A_412] : memref<640000xi32, #tpu.memory_space<hbm>> -> memref<128xi32, #tpu.memory_space<hbm>>
      tpu.enqueue_dma source(%dma_start3A_422 : memref<128xi32, #tpu.memory_space<hbm>>) target(%dma_start3A_421 : memref<128xi32, #tpu.memory_space<vmem>>) target_semaphore(%arg11 : memref<!tpu.dma_semaphore, #tpu.memory_space<semaphore_mem>>)
      %mul3A_423 = arith.constant 2 : i32
      %mul3A_424 = arith.muli %scan3A_332, %mul3A_423 : i32
      %add3A_425 = arith.constant 1 : i32
      %add3A_426 = arith.addi %mul3A_424, %add3A_425 : i32
      %dma_wait3A_427 = arith.constant 1 : i32
      %dma_wait3A_428 = arith.constant 0 : i32
      %dma_wait3A_429 = arith.constant 0 : i32
      %dma_wait3A_430 = tpu.memref_slice %arg6[%dma_wait3A_427, %dma_wait3A_428, %dma_wait3A_429] : memref<2x2x128xi32, #tpu.memory_space<vmem>> -> memref<1x1x128xi32, #tpu.memory_space<vmem>>
      %dma_wait3A_431 = tpu.memref_squeeze %dma_wait3A_430 : memref<1x1x128xi32, #tpu.memory_space<vmem>> -> memref<128xi32, #tpu.memory_space<vmem>>
      %dma_wait3A_432 = arith.constant 0 : i32
      %dma_wait3A_433 = arith.constant 0 : i32
      %dma_wait3A_434 = tpu.memref_slice %arg2[%dma_wait3A_432, %dma_wait3A_433] : memref<10000x128xf32, #tpu.memory_space<hbm>> -> memref<10000x128xf32, #tpu.memory_space<hbm>>
      tpu.wait_indirect_dma semaphore(%arg14 : memref<!tpu.dma_semaphore, #tpu.memory_space<semaphore_mem>>) src(%dma_wait3A_434 : memref<10000x128xf32, #tpu.memory_space<hbm>>) dst(%arg9 : memref<128x128xf32, #tpu.memory_space<vmem>>)
      %dma_wait3A_435 = arith.constant 0 : i32
      %dma_wait3A_436 = arith.constant 0 : i32
      %dma_wait3A_437 = arith.constant 0 : i32
      %dma_wait3A_438 = tpu.memref_slice %arg6[%dma_wait3A_435, %dma_wait3A_436, %dma_wait3A_437] : memref<2x2x128xi32, #tpu.memory_space<vmem>> -> memref<1x1x128xi32, #tpu.memory_space<vmem>>
      %dma_wait3A_439 = tpu.memref_squeeze %dma_wait3A_438 : memref<1x1x128xi32, #tpu.memory_space<vmem>> -> memref<128xi32, #tpu.memory_space<vmem>>
      %dma_wait3A_440 = arith.constant 0 : i32
      %dma_wait3A_441 = tpu.memref_slice %arg3[%dma_wait3A_440] : memref<640000xi32, #tpu.memory_space<hbm>> -> memref<128xi32, #tpu.memory_space<hbm>>
      %dma_wait3A_442 = arith.constant 0 : i32
      %dma_wait3A_443 = tpu.memref_slice %arg6[%dma_wait3A_435, %dma_wait3A_436, %dma_wait3A_442] : memref<2x2x128xi32, #tpu.memory_space<vmem>> -> memref<1x1x128xi32, #tpu.memory_space<vmem>>
      %dma_wait3A_444 = tpu.memref_squeeze %dma_wait3A_443 : memref<1x1x128xi32, #tpu.memory_space<vmem>> -> memref<128xi32, #tpu.memory_space<vmem>>
      %dma_wait3A_445 = arith.constant 0 : i32
      %dma_wait3A_446 = tpu.memref_slice %arg3[%dma_wait3A_445] : memref<640000xi32, #tpu.memory_space<hbm>> -> memref<128xi32, #tpu.memory_space<hbm>>
      tpu.wait_dma2 semaphore(%arg11 : memref<!tpu.dma_semaphore, #tpu.memory_space<semaphore_mem>>) src(%dma_wait3A_446 : memref<128xi32, #tpu.memory_space<hbm>>) dst(%dma_wait3A_444 : memref<128xi32, #tpu.memory_space<vmem>>)
      %dma_wait3A_447 = arith.constant 0 : i32
      %dma_wait3A_448 = arith.constant 1 : i32
      %dma_wait3A_449 = arith.constant 0 : i32
      %dma_wait3A_450 = tpu.memref_slice %arg6[%dma_wait3A_447, %dma_wait3A_448, %dma_wait3A_449] : memref<2x2x128xi32, #tpu.memory_space<vmem>> -> memref<1x1x128xi32, #tpu.memory_space<vmem>>
      %dma_wait3A_451 = tpu.memref_squeeze %dma_wait3A_450 : memref<1x1x128xi32, #tpu.memory_space<vmem>> -> memref<128xi32, #tpu.memory_space<vmem>>
      %dma_wait3A_452 = arith.constant 0 : i32
      %dma_wait3A_453 = tpu.memref_slice %arg3[%dma_wait3A_452] : memref<640000xi32, #tpu.memory_space<hbm>> -> memref<128xi32, #tpu.memory_space<hbm>>
      %dma_wait3A_454 = arith.constant 0 : i32
      %dma_wait3A_455 = tpu.memref_slice %arg6[%dma_wait3A_447, %dma_wait3A_448, %dma_wait3A_454] : memref<2x2x128xi32, #tpu.memory_space<vmem>> -> memref<1x1x128xi32, #tpu.memory_space<vmem>>
      %dma_wait3A_456 = tpu.memref_squeeze %dma_wait3A_455 : memref<1x1x128xi32, #tpu.memory_space<vmem>> -> memref<128xi32, #tpu.memory_space<vmem>>
      %dma_wait3A_457 = arith.constant 0 : i32
      %dma_wait3A_458 = tpu.memref_slice %arg3[%dma_wait3A_457] : memref<640000xi32, #tpu.memory_space<hbm>> -> memref<128xi32, #tpu.memory_space<hbm>>
      tpu.wait_dma2 semaphore(%arg11 : memref<!tpu.dma_semaphore, #tpu.memory_space<semaphore_mem>>) src(%dma_wait3A_458 : memref<128xi32, #tpu.memory_space<hbm>>) dst(%dma_wait3A_456 : memref<128xi32, #tpu.memory_space<vmem>>)
      %dma_start3A_459 = arith.constant 0 : i32
      %dma_start3A_460 = arith.constant 0 : i32
      %dma_start3A_461 = arith.constant 0 : i32
      %dma_start3A_462 = tpu.memref_slice %arg6[%dma_start3A_459, %dma_start3A_460, %dma_start3A_461] : memref<2x2x128xi32, #tpu.memory_space<vmem>> -> memref<1x1x128xi32, #tpu.memory_space<vmem>>
      %dma_start3A_463 = tpu.memref_squeeze %dma_start3A_462 : memref<1x1x128xi32, #tpu.memory_space<vmem>> -> memref<128xi32, #tpu.memory_space<vmem>>
      %dma_start3A_464 = arith.constant 0 : i32
      %dma_start3A_465 = arith.constant 0 : i32
      %dma_start3A_466 = tpu.memref_slice %arg2[%dma_start3A_464, %dma_start3A_465] : memref<10000x128xf32, #tpu.memory_space<hbm>> -> memref<10000x128xf32, #tpu.memory_space<hbm>>
      tpu.enqueue_indirect_dma source(%dma_start3A_466 : memref<10000x128xf32, #tpu.memory_space<hbm>>) target(%arg8 : memref<128x128xf32, #tpu.memory_space<vmem>>) offsets(%dma_start3A_463 : memref<128xi32, #tpu.memory_space<vmem>>) semaphore(%arg13 : memref<!tpu.dma_semaphore, #tpu.memory_space<semaphore_mem>>)
      %dma_start3A_467 = arith.constant 1 : i32
      %dma_start3A_468 = arith.constant 1 : i32
      %dma_start3A_469 = arith.constant 0 : i32
      %dma_start3A_470 = tpu.memref_slice %arg6[%dma_start3A_467, %dma_start3A_468, %dma_start3A_469] : memref<2x2x128xi32, #tpu.memory_space<vmem>> -> memref<1x1x128xi32, #tpu.memory_space<vmem>>
      %dma_start3A_471 = tpu.memref_squeeze %dma_start3A_470 : memref<1x1x128xi32, #tpu.memory_space<vmem>> -> memref<128xi32, #tpu.memory_space<vmem>>
      %dma_start3A_472 = arith.constant 0 : i32
      %dma_start3A_473 = arith.constant 0 : i32
      %dma_start3A_474 = tpu.memref_slice %arg10[%dma_start3A_472, %dma_start3A_473] : memref<10240x128xf32, #tpu.memory_space<vmem_shared>> -> memref<10240x128xf32, #tpu.memory_space<vmem_shared>>
      tpu.enqueue_indirect_dma source(%arg9 : memref<128x128xf32, #tpu.memory_space<vmem>>) target(%dma_start3A_474 : memref<10240x128xf32, #tpu.memory_space<vmem_shared>>) offsets(%dma_start3A_471 : memref<128xi32, #tpu.memory_space<vmem>>) semaphore(%arg16 : memref<!tpu.dma_semaphore, #tpu.memory_space<semaphore_mem>>) {add = true}
      %dma_wait3A_475 = arith.constant 1 : i32
      %dma_wait3A_476 = arith.constant 1 : i32
      %dma_wait3A_477 = arith.constant 0 : i32
      %dma_wait3A_478 = tpu.memref_slice %arg6[%dma_wait3A_475, %dma_wait3A_476, %dma_wait3A_477] : memref<2x2x128xi32, #tpu.memory_space<vmem>> -> memref<1x1x128xi32, #tpu.memory_space<vmem>>
      %dma_wait3A_479 = tpu.memref_squeeze %dma_wait3A_478 : memref<1x1x128xi32, #tpu.memory_space<vmem>> -> memref<128xi32, #tpu.memory_space<vmem>>
      %dma_wait3A_480 = arith.constant 0 : i32
      %dma_wait3A_481 = arith.constant 0 : i32
      %dma_wait3A_482 = tpu.memref_slice %arg10[%dma_wait3A_480, %dma_wait3A_481] : memref<10240x128xf32, #tpu.memory_space<vmem_shared>> -> memref<10240x128xf32, #tpu.memory_space<vmem_shared>>
      tpu.wait_indirect_dma semaphore(%arg16 : memref<!tpu.dma_semaphore, #tpu.memory_space<semaphore_mem>>) src(%arg9 : memref<128x128xf32, #tpu.memory_space<vmem>>) dst(%dma_wait3A_482 : memref<10240x128xf32, #tpu.memory_space<vmem_shared>>)
      %add3A_483 = arith.constant 2 : i32
      %add3A_484 = arith.addi %add3A_426, %add3A_483 : i32
      %mul3A_485 = arith.constant 128 : i32
      %mul3A_486 = arith.muli %add3A_484, %mul3A_485 : i32
      %add3A_487 = arith.addi %mul3A_2, %mul3A_486 : i32
      %dma_start3A_488 = arith.constant 1 : i32
      %dma_start3A_489 = arith.constant 0 : i32
      %dma_start3A_490 = arith.constant 0 : i32
      %dma_start3A_491 = tpu.memref_slice %arg6[%dma_start3A_488, %dma_start3A_489, %dma_start3A_490] : memref<2x2x128xi32, #tpu.memory_space<vmem>> -> memref<1x1x128xi32, #tpu.memory_space<vmem>>
      %dma_start3A_492 = tpu.memref_squeeze %dma_start3A_491 : memref<1x1x128xi32, #tpu.memory_space<vmem>> -> memref<128xi32, #tpu.memory_space<vmem>>
      %dma_start3A_493 = tpu.memref_slice %arg3[%add3A_487] : memref<640000xi32, #tpu.memory_space<hbm>> -> memref<128xi32, #tpu.memory_space<hbm>>
      %dma_start3A_494 = arith.constant 0 : i32
      %dma_start3A_495 = tpu.memref_slice %arg6[%dma_start3A_488, %dma_start3A_489, %dma_start3A_494] : memref<2x2x128xi32, #tpu.memory_space<vmem>> -> memref<1x1x128xi32, #tpu.memory_space<vmem>>
      %dma_start3A_496 = tpu.memref_squeeze %dma_start3A_495 : memref<1x1x128xi32, #tpu.memory_space<vmem>> -> memref<128xi32, #tpu.memory_space<vmem>>
      %dma_start3A_497 = tpu.memref_slice %arg3[%add3A_487] : memref<640000xi32, #tpu.memory_space<hbm>> -> memref<128xi32, #tpu.memory_space<hbm>>
      tpu.enqueue_dma source(%dma_start3A_497 : memref<128xi32, #tpu.memory_space<hbm>>) target(%dma_start3A_496 : memref<128xi32, #tpu.memory_space<vmem>>) target_semaphore(%arg12 : memref<!tpu.dma_semaphore, #tpu.memory_space<semaphore_mem>>)
      %add3A_498 = arith.constant 320000 : i32
      %add3A_499 = arith.addi %add3A_498, %mul3A_2 : i32
      %mul3A_500 = arith.constant 128 : i32
      %mul3A_501 = arith.muli %add3A_484, %mul3A_500 : i32
      %add3A_502 = arith.addi %add3A_499, %mul3A_501 : i32
      %dma_start3A_503 = arith.constant 1 : i32
      %dma_start3A_504 = arith.constant 1 : i32
      %dma_start3A_505 = arith.constant 0 : i32
      %dma_start3A_506 = tpu.memref_slice %arg6[%dma_start3A_503, %dma_start3A_504, %dma_start3A_505] : memref<2x2x128xi32, #tpu.memory_space<vmem>> -> memref<1x1x128xi32, #tpu.memory_space<vmem>>
      %dma_start3A_507 = tpu.memref_squeeze %dma_start3A_506 : memref<1x1x128xi32, #tpu.memory_space<vmem>> -> memref<128xi32, #tpu.memory_space<vmem>>
      %dma_start3A_508 = tpu.memref_slice %arg3[%add3A_502] : memref<640000xi32, #tpu.memory_space<hbm>> -> memref<128xi32, #tpu.memory_space<hbm>>
      %dma_start3A_509 = arith.constant 0 : i32
      %dma_start3A_510 = tpu.memref_slice %arg6[%dma_start3A_503, %dma_start3A_504, %dma_start3A_509] : memref<2x2x128xi32, #tpu.memory_space<vmem>> -> memref<1x1x128xi32, #tpu.memory_space<vmem>>
      %dma_start3A_511 = tpu.memref_squeeze %dma_start3A_510 : memref<1x1x128xi32, #tpu.memory_space<vmem>> -> memref<128xi32, #tpu.memory_space<vmem>>
      %dma_start3A_512 = tpu.memref_slice %arg3[%add3A_502] : memref<640000xi32, #tpu.memory_space<hbm>> -> memref<128xi32, #tpu.memory_space<hbm>>
      tpu.enqueue_dma source(%dma_start3A_512 : memref<128xi32, #tpu.memory_space<hbm>>) target(%dma_start3A_511 : memref<128xi32, #tpu.memory_space<vmem>>) target_semaphore(%arg12 : memref<!tpu.dma_semaphore, #tpu.memory_space<semaphore_mem>>)
    }
    %scan3A_119 = arith.constant 38 : i32
    %add3A_120 = arith.constant 9984 : i32
    %add3A_121 = arith.addi %mul3A_2, %add3A_120 : i32
    %dma_start3A_122 = arith.constant 0 : i32
    %dma_start3A_123 = arith.constant 0 : i32
    %dma_start3A_124 = tpu.memref_slice %arg7[%dma_start3A_122, %dma_start3A_123] : memref<2x16xi32, #tpu.memory_space<vmem>> -> memref<1x16xi32, #tpu.memory_space<vmem>>
    %dma_start3A_125 = tpu.memref_squeeze %dma_start3A_124 : memref<1x16xi32, #tpu.memory_space<vmem>> -> memref<16xi32, #tpu.memory_space<vmem>>
    %dma_start3A_126 = tpu.memref_slice %arg3[%add3A_121] : memref<640000xi32, #tpu.memory_space<hbm>> -> memref<16xi32, #tpu.memory_space<hbm>>
    %dma_start3A_127 = arith.constant 0 : i32
    %dma_start3A_128 = tpu.memref_slice %arg7[%dma_start3A_122, %dma_start3A_127] : memref<2x16xi32, #tpu.memory_space<vmem>> -> memref<1x16xi32, #tpu.memory_space<vmem>>
    %dma_start3A_129 = tpu.memref_squeeze %dma_start3A_128 : memref<1x16xi32, #tpu.memory_space<vmem>> -> memref<16xi32, #tpu.memory_space<vmem>>
    %dma_start3A_130 = tpu.memref_slice %arg3[%add3A_121] : memref<640000xi32, #tpu.memory_space<hbm>> -> memref<16xi32, #tpu.memory_space<hbm>>
    tpu.enqueue_dma source(%dma_start3A_130 : memref<16xi32, #tpu.memory_space<hbm>>) target(%dma_start3A_129 : memref<16xi32, #tpu.memory_space<vmem>>) target_semaphore(%arg11 : memref<!tpu.dma_semaphore, #tpu.memory_space<semaphore_mem>>)
    %add3A_131 = arith.constant 320000 : i32
    %add3A_132 = arith.addi %add3A_131, %mul3A_2 : i32
    %add3A_133 = arith.constant 9984 : i32
    %add3A_134 = arith.addi %add3A_132, %add3A_133 : i32
    %dma_start3A_135 = arith.constant 1 : i32
    %dma_start3A_136 = arith.constant 0 : i32
    %dma_start3A_137 = tpu.memref_slice %arg7[%dma_start3A_135, %dma_start3A_136] : memref<2x16xi32, #tpu.memory_space<vmem>> -> memref<1x16xi32, #tpu.memory_space<vmem>>
    %dma_start3A_138 = tpu.memref_squeeze %dma_start3A_137 : memref<1x16xi32, #tpu.memory_space<vmem>> -> memref<16xi32, #tpu.memory_space<vmem>>
    %dma_start3A_139 = tpu.memref_slice %arg3[%add3A_134] : memref<640000xi32, #tpu.memory_space<hbm>> -> memref<16xi32, #tpu.memory_space<hbm>>
    %dma_start3A_140 = arith.constant 0 : i32
    %dma_start3A_141 = tpu.memref_slice %arg7[%dma_start3A_135, %dma_start3A_140] : memref<2x16xi32, #tpu.memory_space<vmem>> -> memref<1x16xi32, #tpu.memory_space<vmem>>
    %dma_start3A_142 = tpu.memref_squeeze %dma_start3A_141 : memref<1x16xi32, #tpu.memory_space<vmem>> -> memref<16xi32, #tpu.memory_space<vmem>>
    %dma_start3A_143 = tpu.memref_slice %arg3[%add3A_134] : memref<640000xi32, #tpu.memory_space<hbm>> -> memref<16xi32, #tpu.memory_space<hbm>>
    tpu.enqueue_dma source(%dma_start3A_143 : memref<16xi32, #tpu.memory_space<hbm>>) target(%dma_start3A_142 : memref<16xi32, #tpu.memory_space<vmem>>) target_semaphore(%arg11 : memref<!tpu.dma_semaphore, #tpu.memory_space<semaphore_mem>>)
    %dma_wait3A_144 = arith.constant 0 : i32
    %dma_wait3A_145 = arith.constant 0 : i32
    %dma_wait3A_146 = arith.constant 0 : i32
    %dma_wait3A_147 = tpu.memref_slice %arg6[%dma_wait3A_144, %dma_wait3A_145, %dma_wait3A_146] : memref<2x2x128xi32, #tpu.memory_space<vmem>> -> memref<1x1x128xi32, #tpu.memory_space<vmem>>
    %dma_wait3A_148 = tpu.memref_squeeze %dma_wait3A_147 : memref<1x1x128xi32, #tpu.memory_space<vmem>> -> memref<128xi32, #tpu.memory_space<vmem>>
    %dma_wait3A_149 = arith.constant 0 : i32
    %dma_wait3A_150 = arith.constant 0 : i32
    %dma_wait3A_151 = tpu.memref_slice %arg2[%dma_wait3A_149, %dma_wait3A_150] : memref<10000x128xf32, #tpu.memory_space<hbm>> -> memref<10000x128xf32, #tpu.memory_space<hbm>>
    tpu.wait_indirect_dma semaphore(%arg13 : memref<!tpu.dma_semaphore, #tpu.memory_space<semaphore_mem>>) src(%dma_wait3A_151 : memref<10000x128xf32, #tpu.memory_space<hbm>>) dst(%arg8 : memref<128x128xf32, #tpu.memory_space<vmem>>)
    %dma_wait3A_152 = arith.constant 1 : i32
    %dma_wait3A_153 = arith.constant 0 : i32
    %dma_wait3A_154 = arith.constant 0 : i32
    %dma_wait3A_155 = tpu.memref_slice %arg6[%dma_wait3A_152, %dma_wait3A_153, %dma_wait3A_154] : memref<2x2x128xi32, #tpu.memory_space<vmem>> -> memref<1x1x128xi32, #tpu.memory_space<vmem>>
    %dma_wait3A_156 = tpu.memref_squeeze %dma_wait3A_155 : memref<1x1x128xi32, #tpu.memory_space<vmem>> -> memref<128xi32, #tpu.memory_space<vmem>>
    %dma_wait3A_157 = arith.constant 0 : i32
    %dma_wait3A_158 = tpu.memref_slice %arg3[%dma_wait3A_157] : memref<640000xi32, #tpu.memory_space<hbm>> -> memref<128xi32, #tpu.memory_space<hbm>>
    %dma_wait3A_159 = arith.constant 0 : i32
    %dma_wait3A_160 = tpu.memref_slice %arg6[%dma_wait3A_152, %dma_wait3A_153, %dma_wait3A_159] : memref<2x2x128xi32, #tpu.memory_space<vmem>> -> memref<1x1x128xi32, #tpu.memory_space<vmem>>
    %dma_wait3A_161 = tpu.memref_squeeze %dma_wait3A_160 : memref<1x1x128xi32, #tpu.memory_space<vmem>> -> memref<128xi32, #tpu.memory_space<vmem>>
    %dma_wait3A_162 = arith.constant 0 : i32
    %dma_wait3A_163 = tpu.memref_slice %arg3[%dma_wait3A_162] : memref<640000xi32, #tpu.memory_space<hbm>> -> memref<128xi32, #tpu.memory_space<hbm>>
    tpu.wait_dma2 semaphore(%arg12 : memref<!tpu.dma_semaphore, #tpu.memory_space<semaphore_mem>>) src(%dma_wait3A_163 : memref<128xi32, #tpu.memory_space<hbm>>) dst(%dma_wait3A_161 : memref<128xi32, #tpu.memory_space<vmem>>)
    %dma_wait3A_164 = arith.constant 1 : i32
    %dma_wait3A_165 = arith.constant 1 : i32
    %dma_wait3A_166 = arith.constant 0 : i32
    %dma_wait3A_167 = tpu.memref_slice %arg6[%dma_wait3A_164, %dma_wait3A_165, %dma_wait3A_166] : memref<2x2x128xi32, #tpu.memory_space<vmem>> -> memref<1x1x128xi32, #tpu.memory_space<vmem>>
    %dma_wait3A_168 = tpu.memref_squeeze %dma_wait3A_167 : memref<1x1x128xi32, #tpu.memory_space<vmem>> -> memref<128xi32, #tpu.memory_space<vmem>>
    %dma_wait3A_169 = arith.constant 0 : i32
    %dma_wait3A_170 = tpu.memref_slice %arg3[%dma_wait3A_169] : memref<640000xi32, #tpu.memory_space<hbm>> -> memref<128xi32, #tpu.memory_space<hbm>>
    %dma_wait3A_171 = arith.constant 0 : i32
    %dma_wait3A_172 = tpu.memref_slice %arg6[%dma_wait3A_164, %dma_wait3A_165, %dma_wait3A_171] : memref<2x2x128xi32, #tpu.memory_space<vmem>> -> memref<1x1x128xi32, #tpu.memory_space<vmem>>
    %dma_wait3A_173 = tpu.memref_squeeze %dma_wait3A_172 : memref<1x1x128xi32, #tpu.memory_space<vmem>> -> memref<128xi32, #tpu.memory_space<vmem>>
    %dma_wait3A_174 = arith.constant 0 : i32
    %dma_wait3A_175 = tpu.memref_slice %arg3[%dma_wait3A_174] : memref<640000xi32, #tpu.memory_space<hbm>> -> memref<128xi32, #tpu.memory_space<hbm>>
    tpu.wait_dma2 semaphore(%arg12 : memref<!tpu.dma_semaphore, #tpu.memory_space<semaphore_mem>>) src(%dma_wait3A_175 : memref<128xi32, #tpu.memory_space<hbm>>) dst(%dma_wait3A_173 : memref<128xi32, #tpu.memory_space<vmem>>)
    %dma_start3A_176 = arith.constant 1 : i32
    %dma_start3A_177 = arith.constant 0 : i32
    %dma_start3A_178 = arith.constant 0 : i32
    %dma_start3A_179 = tpu.memref_slice %arg6[%dma_start3A_176, %dma_start3A_177, %dma_start3A_178] : memref<2x2x128xi32, #tpu.memory_space<vmem>> -> memref<1x1x128xi32, #tpu.memory_space<vmem>>
    %dma_start3A_180 = tpu.memref_squeeze %dma_start3A_179 : memref<1x1x128xi32, #tpu.memory_space<vmem>> -> memref<128xi32, #tpu.memory_space<vmem>>
    %dma_start3A_181 = arith.constant 0 : i32
    %dma_start3A_182 = arith.constant 0 : i32
    %dma_start3A_183 = tpu.memref_slice %arg2[%dma_start3A_181, %dma_start3A_182] : memref<10000x128xf32, #tpu.memory_space<hbm>> -> memref<10000x128xf32, #tpu.memory_space<hbm>>
    tpu.enqueue_indirect_dma source(%dma_start3A_183 : memref<10000x128xf32, #tpu.memory_space<hbm>>) target(%arg9 : memref<128x128xf32, #tpu.memory_space<vmem>>) offsets(%dma_start3A_180 : memref<128xi32, #tpu.memory_space<vmem>>) semaphore(%arg14 : memref<!tpu.dma_semaphore, #tpu.memory_space<semaphore_mem>>)
    %dma_start3A_184 = arith.constant 0 : i32
    %dma_start3A_185 = arith.constant 1 : i32
    %dma_start3A_186 = arith.constant 0 : i32
    %dma_start3A_187 = tpu.memref_slice %arg6[%dma_start3A_184, %dma_start3A_185, %dma_start3A_186] : memref<2x2x128xi32, #tpu.memory_space<vmem>> -> memref<1x1x128xi32, #tpu.memory_space<vmem>>
    %dma_start3A_188 = tpu.memref_squeeze %dma_start3A_187 : memref<1x1x128xi32, #tpu.memory_space<vmem>> -> memref<128xi32, #tpu.memory_space<vmem>>
    %dma_start3A_189 = arith.constant 0 : i32
    %dma_start3A_190 = arith.constant 0 : i32
    %dma_start3A_191 = tpu.memref_slice %arg10[%dma_start3A_189, %dma_start3A_190] : memref<10240x128xf32, #tpu.memory_space<vmem_shared>> -> memref<10240x128xf32, #tpu.memory_space<vmem_shared>>
    tpu.enqueue_indirect_dma source(%arg8 : memref<128x128xf32, #tpu.memory_space<vmem>>) target(%dma_start3A_191 : memref<10240x128xf32, #tpu.memory_space<vmem_shared>>) offsets(%dma_start3A_188 : memref<128xi32, #tpu.memory_space<vmem>>) semaphore(%arg15 : memref<!tpu.dma_semaphore, #tpu.memory_space<semaphore_mem>>) {add = true}
    %dma_wait3A_192 = arith.constant 0 : i32
    %dma_wait3A_193 = arith.constant 1 : i32
    %dma_wait3A_194 = arith.constant 0 : i32
    %dma_wait3A_195 = tpu.memref_slice %arg6[%dma_wait3A_192, %dma_wait3A_193, %dma_wait3A_194] : memref<2x2x128xi32, #tpu.memory_space<vmem>> -> memref<1x1x128xi32, #tpu.memory_space<vmem>>
    %dma_wait3A_196 = tpu.memref_squeeze %dma_wait3A_195 : memref<1x1x128xi32, #tpu.memory_space<vmem>> -> memref<128xi32, #tpu.memory_space<vmem>>
    %dma_wait3A_197 = arith.constant 0 : i32
    %dma_wait3A_198 = arith.constant 0 : i32
    %dma_wait3A_199 = tpu.memref_slice %arg10[%dma_wait3A_197, %dma_wait3A_198] : memref<10240x128xf32, #tpu.memory_space<vmem_shared>> -> memref<10240x128xf32, #tpu.memory_space<vmem_shared>>
    tpu.wait_indirect_dma semaphore(%arg15 : memref<!tpu.dma_semaphore, #tpu.memory_space<semaphore_mem>>) src(%arg8 : memref<128x128xf32, #tpu.memory_space<vmem>>) dst(%dma_wait3A_199 : memref<10240x128xf32, #tpu.memory_space<vmem_shared>>)
    %dma_wait3A_200 = arith.constant 1 : i32
    %dma_wait3A_201 = arith.constant 0 : i32
    %dma_wait3A_202 = arith.constant 0 : i32
    %dma_wait3A_203 = tpu.memref_slice %arg6[%dma_wait3A_200, %dma_wait3A_201, %dma_wait3A_202] : memref<2x2x128xi32, #tpu.memory_space<vmem>> -> memref<1x1x128xi32, #tpu.memory_space<vmem>>
    %dma_wait3A_204 = tpu.memref_squeeze %dma_wait3A_203 : memref<1x1x128xi32, #tpu.memory_space<vmem>> -> memref<128xi32, #tpu.memory_space<vmem>>
    %dma_wait3A_205 = arith.constant 0 : i32
    %dma_wait3A_206 = arith.constant 0 : i32
    %dma_wait3A_207 = tpu.memref_slice %arg2[%dma_wait3A_205, %dma_wait3A_206] : memref<10000x128xf32, #tpu.memory_space<hbm>> -> memref<10000x128xf32, #tpu.memory_space<hbm>>
    tpu.wait_indirect_dma semaphore(%arg14 : memref<!tpu.dma_semaphore, #tpu.memory_space<semaphore_mem>>) src(%dma_wait3A_207 : memref<10000x128xf32, #tpu.memory_space<hbm>>) dst(%arg9 : memref<128x128xf32, #tpu.memory_space<vmem>>)
    %dma_start3A_208 = arith.constant 1 : i32
    %dma_start3A_209 = arith.constant 1 : i32
    %dma_start3A_210 = arith.constant 0 : i32
    %dma_start3A_211 = tpu.memref_slice %arg6[%dma_start3A_208, %dma_start3A_209, %dma_start3A_210] : memref<2x2x128xi32, #tpu.memory_space<vmem>> -> memref<1x1x128xi32, #tpu.memory_space<vmem>>
    %dma_start3A_212 = tpu.memref_squeeze %dma_start3A_211 : memref<1x1x128xi32, #tpu.memory_space<vmem>> -> memref<128xi32, #tpu.memory_space<vmem>>
    %dma_start3A_213 = arith.constant 0 : i32
    %dma_start3A_214 = arith.constant 0 : i32
    %dma_start3A_215 = tpu.memref_slice %arg10[%dma_start3A_213, %dma_start3A_214] : memref<10240x128xf32, #tpu.memory_space<vmem_shared>> -> memref<10240x128xf32, #tpu.memory_space<vmem_shared>>
    tpu.enqueue_indirect_dma source(%arg9 : memref<128x128xf32, #tpu.memory_space<vmem>>) target(%dma_start3A_215 : memref<10240x128xf32, #tpu.memory_space<vmem_shared>>) offsets(%dma_start3A_212 : memref<128xi32, #tpu.memory_space<vmem>>) semaphore(%arg16 : memref<!tpu.dma_semaphore, #tpu.memory_space<semaphore_mem>>) {add = true}
    %dma_wait3A_216 = arith.constant 1 : i32
    %dma_wait3A_217 = arith.constant 1 : i32
    %dma_wait3A_218 = arith.constant 0 : i32
    %dma_wait3A_219 = tpu.memref_slice %arg6[%dma_wait3A_216, %dma_wait3A_217, %dma_wait3A_218] : memref<2x2x128xi32, #tpu.memory_space<vmem>> -> memref<1x1x128xi32, #tpu.memory_space<vmem>>
    %dma_wait3A_220 = tpu.memref_squeeze %dma_wait3A_219 : memref<1x1x128xi32, #tpu.memory_space<vmem>> -> memref<128xi32, #tpu.memory_space<vmem>>
    %dma_wait3A_221 = arith.constant 0 : i32
    %dma_wait3A_222 = arith.constant 0 : i32
    %dma_wait3A_223 = tpu.memref_slice %arg10[%dma_wait3A_221, %dma_wait3A_222] : memref<10240x128xf32, #tpu.memory_space<vmem_shared>> -> memref<10240x128xf32, #tpu.memory_space<vmem_shared>>
    tpu.wait_indirect_dma semaphore(%arg16 : memref<!tpu.dma_semaphore, #tpu.memory_space<semaphore_mem>>) src(%arg9 : memref<128x128xf32, #tpu.memory_space<vmem>>) dst(%dma_wait3A_223 : memref<10240x128xf32, #tpu.memory_space<vmem_shared>>)
    %dma_wait3A_224 = arith.constant 0 : i32
    %dma_wait3A_225 = arith.constant 0 : i32
    %dma_wait3A_226 = tpu.memref_slice %arg7[%dma_wait3A_224, %dma_wait3A_225] : memref<2x16xi32, #tpu.memory_space<vmem>> -> memref<1x16xi32, #tpu.memory_space<vmem>>
    %dma_wait3A_227 = tpu.memref_squeeze %dma_wait3A_226 : memref<1x16xi32, #tpu.memory_space<vmem>> -> memref<16xi32, #tpu.memory_space<vmem>>
    %dma_wait3A_228 = arith.constant 0 : i32
    %dma_wait3A_229 = tpu.memref_slice %arg3[%dma_wait3A_228] : memref<640000xi32, #tpu.memory_space<hbm>> -> memref<16xi32, #tpu.memory_space<hbm>>
    %dma_wait3A_230 = arith.constant 0 : i32
    %dma_wait3A_231 = tpu.memref_slice %arg7[%dma_wait3A_224, %dma_wait3A_230] : memref<2x16xi32, #tpu.memory_space<vmem>> -> memref<1x16xi32, #tpu.memory_space<vmem>>
    %dma_wait3A_232 = tpu.memref_squeeze %dma_wait3A_231 : memref<1x16xi32, #tpu.memory_space<vmem>> -> memref<16xi32, #tpu.memory_space<vmem>>
    %dma_wait3A_233 = arith.constant 0 : i32
    %dma_wait3A_234 = tpu.memref_slice %arg3[%dma_wait3A_233] : memref<640000xi32, #tpu.memory_space<hbm>> -> memref<16xi32, #tpu.memory_space<hbm>>
    tpu.wait_dma2 semaphore(%arg11 : memref<!tpu.dma_semaphore, #tpu.memory_space<semaphore_mem>>) src(%dma_wait3A_234 : memref<16xi32, #tpu.memory_space<hbm>>) dst(%dma_wait3A_232 : memref<16xi32, #tpu.memory_space<vmem>>)
    %dma_wait3A_235 = arith.constant 1 : i32
    %dma_wait3A_236 = arith.constant 0 : i32
    %dma_wait3A_237 = tpu.memref_slice %arg7[%dma_wait3A_235, %dma_wait3A_236] : memref<2x16xi32, #tpu.memory_space<vmem>> -> memref<1x16xi32, #tpu.memory_space<vmem>>
    %dma_wait3A_238 = tpu.memref_squeeze %dma_wait3A_237 : memref<1x16xi32, #tpu.memory_space<vmem>> -> memref<16xi32, #tpu.memory_space<vmem>>
    %dma_wait3A_239 = arith.constant 0 : i32
    %dma_wait3A_240 = tpu.memref_slice %arg3[%dma_wait3A_239] : memref<640000xi32, #tpu.memory_space<hbm>> -> memref<16xi32, #tpu.memory_space<hbm>>
    %dma_wait3A_241 = arith.constant 0 : i32
    %dma_wait3A_242 = tpu.memref_slice %arg7[%dma_wait3A_235, %dma_wait3A_241] : memref<2x16xi32, #tpu.memory_space<vmem>> -> memref<1x16xi32, #tpu.memory_space<vmem>>
    %dma_wait3A_243 = tpu.memref_squeeze %dma_wait3A_242 : memref<1x16xi32, #tpu.memory_space<vmem>> -> memref<16xi32, #tpu.memory_space<vmem>>
    %dma_wait3A_244 = arith.constant 0 : i32
    %dma_wait3A_245 = tpu.memref_slice %arg3[%dma_wait3A_244] : memref<640000xi32, #tpu.memory_space<hbm>> -> memref<16xi32, #tpu.memory_space<hbm>>
    tpu.wait_dma2 semaphore(%arg11 : memref<!tpu.dma_semaphore, #tpu.memory_space<semaphore_mem>>) src(%dma_wait3A_245 : memref<16xi32, #tpu.memory_space<hbm>>) dst(%dma_wait3A_243 : memref<16xi32, #tpu.memory_space<vmem>>)
    %dma_start3A_246 = arith.constant 0 : i32
    %dma_start3A_247 = arith.constant 0 : i32
    %dma_start3A_248 = arith.constant 0 : i32
    %dma_start3A_249 = tpu.memref_slice %arg8[%dma_start3A_247, %dma_start3A_248] : memref<128x128xf32, #tpu.memory_space<vmem>> -> memref<16x128xf32, #tpu.memory_space<vmem>>
    %dma_start3A_250 = arith.constant 0 : i32
    %dma_start3A_251 = tpu.memref_slice %arg7[%dma_start3A_246, %dma_start3A_250] : memref<2x16xi32, #tpu.memory_space<vmem>> -> memref<1x16xi32, #tpu.memory_space<vmem>>
    %dma_start3A_252 = tpu.memref_squeeze %dma_start3A_251 : memref<1x16xi32, #tpu.memory_space<vmem>> -> memref<16xi32, #tpu.memory_space<vmem>>
    %dma_start3A_253 = arith.constant 0 : i32
    %dma_start3A_254 = arith.constant 0 : i32
    %dma_start3A_255 = tpu.memref_slice %arg2[%dma_start3A_253, %dma_start3A_254] : memref<10000x128xf32, #tpu.memory_space<hbm>> -> memref<10000x128xf32, #tpu.memory_space<hbm>>
    tpu.enqueue_indirect_dma source(%dma_start3A_255 : memref<10000x128xf32, #tpu.memory_space<hbm>>) target(%dma_start3A_249 : memref<16x128xf32, #tpu.memory_space<vmem>>) offsets(%dma_start3A_252 : memref<16xi32, #tpu.memory_space<vmem>>) semaphore(%arg13 : memref<!tpu.dma_semaphore, #tpu.memory_space<semaphore_mem>>)
    %dma_wait3A_256 = arith.constant 0 : i32
    %dma_wait3A_257 = arith.constant 0 : i32
    %dma_wait3A_258 = arith.constant 0 : i32
    %dma_wait3A_259 = tpu.memref_slice %arg8[%dma_wait3A_257, %dma_wait3A_258] : memref<128x128xf32, #tpu.memory_space<vmem>> -> memref<16x128xf32, #tpu.memory_space<vmem>>
    %dma_wait3A_260 = arith.constant 0 : i32
    %dma_wait3A_261 = tpu.memref_slice %arg7[%dma_wait3A_256, %dma_wait3A_260] : memref<2x16xi32, #tpu.memory_space<vmem>> -> memref<1x16xi32, #tpu.memory_space<vmem>>
    %dma_wait3A_262 = tpu.memref_squeeze %dma_wait3A_261 : memref<1x16xi32, #tpu.memory_space<vmem>> -> memref<16xi32, #tpu.memory_space<vmem>>
    %dma_wait3A_263 = arith.constant 0 : i32
    %dma_wait3A_264 = arith.constant 0 : i32
    %dma_wait3A_265 = tpu.memref_slice %arg2[%dma_wait3A_263, %dma_wait3A_264] : memref<10000x128xf32, #tpu.memory_space<hbm>> -> memref<10000x128xf32, #tpu.memory_space<hbm>>
    tpu.wait_indirect_dma semaphore(%arg13 : memref<!tpu.dma_semaphore, #tpu.memory_space<semaphore_mem>>) src(%dma_wait3A_265 : memref<10000x128xf32, #tpu.memory_space<hbm>>) dst(%dma_wait3A_259 : memref<16x128xf32, #tpu.memory_space<vmem>>)
    %dma_start3A_266 = arith.constant 1 : i32
    %dma_start3A_267 = arith.constant 0 : i32
    %dma_start3A_268 = arith.constant 0 : i32
    %dma_start3A_269 = tpu.memref_slice %arg8[%dma_start3A_267, %dma_start3A_268] : memref<128x128xf32, #tpu.memory_space<vmem>> -> memref<16x128xf32, #tpu.memory_space<vmem>>
    %dma_start3A_270 = arith.constant 0 : i32
    %dma_start3A_271 = tpu.memref_slice %arg7[%dma_start3A_266, %dma_start3A_270] : memref<2x16xi32, #tpu.memory_space<vmem>> -> memref<1x16xi32, #tpu.memory_space<vmem>>
    %dma_start3A_272 = tpu.memref_squeeze %dma_start3A_271 : memref<1x16xi32, #tpu.memory_space<vmem>> -> memref<16xi32, #tpu.memory_space<vmem>>
    %dma_start3A_273 = arith.constant 0 : i32
    %dma_start3A_274 = arith.constant 0 : i32
    %dma_start3A_275 = tpu.memref_slice %arg10[%dma_start3A_273, %dma_start3A_274] : memref<10240x128xf32, #tpu.memory_space<vmem_shared>> -> memref<10240x128xf32, #tpu.memory_space<vmem_shared>>
    tpu.enqueue_indirect_dma source(%dma_start3A_269 : memref<16x128xf32, #tpu.memory_space<vmem>>) target(%dma_start3A_275 : memref<10240x128xf32, #tpu.memory_space<vmem_shared>>) offsets(%dma_start3A_272 : memref<16xi32, #tpu.memory_space<vmem>>) semaphore(%arg15 : memref<!tpu.dma_semaphore, #tpu.memory_space<semaphore_mem>>) {add = true}
    %dma_wait3A_276 = arith.constant 1 : i32
    %dma_wait3A_277 = arith.constant 0 : i32
    %dma_wait3A_278 = arith.constant 0 : i32
    %dma_wait3A_279 = tpu.memref_slice %arg8[%dma_wait3A_277, %dma_wait3A_278] : memref<128x128xf32, #tpu.memory_space<vmem>> -> memref<16x128xf32, #tpu.memory_space<vmem>>
    %dma_wait3A_280 = arith.constant 0 : i32
    %dma_wait3A_281 = tpu.memref_slice %arg7[%dma_wait3A_276, %dma_wait3A_280] : memref<2x16xi32, #tpu.memory_space<vmem>> -> memref<1x16xi32, #tpu.memory_space<vmem>>
    %dma_wait3A_282 = tpu.memref_squeeze %dma_wait3A_281 : memref<1x16xi32, #tpu.memory_space<vmem>> -> memref<16xi32, #tpu.memory_space<vmem>>
    %dma_wait3A_283 = arith.constant 0 : i32
    %dma_wait3A_284 = arith.constant 0 : i32
    %dma_wait3A_285 = tpu.memref_slice %arg10[%dma_wait3A_283, %dma_wait3A_284] : memref<10240x128xf32, #tpu.memory_space<vmem_shared>> -> memref<10240x128xf32, #tpu.memory_space<vmem_shared>>
    tpu.wait_indirect_dma semaphore(%arg15 : memref<!tpu.dma_semaphore, #tpu.memory_space<semaphore_mem>>) src(%dma_wait3A_279 : memref<16x128xf32, #tpu.memory_space<vmem>>) dst(%dma_wait3A_285 : memref<10240x128xf32, #tpu.memory_space<vmem_shared>>)
    %barrier3A_286 = arith.constant 0 : index
    tpu.barrier barrier_id(%barrier3A_286)
    %mul3A_287 = arith.constant 5 : i32
    %mul3A_288 = arith.muli %arg1, %mul3A_287 : i32
    %add3A_289 = arith.constant 0 : i32
    %add3A_290 = arith.addi %mul3A_288, %add3A_289 : i32
    %mul3A_291 = arith.constant 128 : i32
    %mul3A_292 = arith.muli %add3A_290, %mul3A_291 : i32
    %mul3A_293 = arith.constant 10400 : i32
    %mul3A_294 = arith.muli %arg0, %mul3A_293 : i32
    %add3A_295 = arith.addi %mul3A_294, %mul3A_292 : i32
    "tpu.region"() ({
      %run_scoped3A = tpu.sem_alloc : memref<!tpu.dma_semaphore, #tpu.memory_space<semaphore_mem>>
      %dma_start3A_332 = arith.constant 0 : i32
      %dma_start3A_333 = tpu.memref_slice %arg5[%add3A_295, %dma_start3A_332] : memref<20640x128xf32, #tpu.memory_space<hbm>> -> memref<128x128xf32, #tpu.memory_space<hbm>>
      %dma_start3A_334 = arith.constant 0 : i32
      %dma_start3A_335 = tpu.memref_slice %arg10[%mul3A_292, %dma_start3A_334] : memref<10240x128xf32, #tpu.memory_space<vmem_shared>> -> memref<128x128xf32, #tpu.memory_space<vmem_shared>>
      tpu.enqueue_dma source(%dma_start3A_335 : memref<128x128xf32, #tpu.memory_space<vmem_shared>>) target(%dma_start3A_333 : memref<128x128xf32, #tpu.memory_space<hbm>>) target_semaphore(%run_scoped3A : memref<!tpu.dma_semaphore, #tpu.memory_space<semaphore_mem>>)
      %dma_wait3A_336 = arith.constant 0 : i32
      %dma_wait3A_337 = tpu.memref_slice %arg5[%add3A_295, %dma_wait3A_336] : memref<20640x128xf32, #tpu.memory_space<hbm>> -> memref<128x128xf32, #tpu.memory_space<hbm>>
      %dma_wait3A_338 = arith.constant 0 : i32
      %dma_wait3A_339 = tpu.memref_slice %arg10[%mul3A_292, %dma_wait3A_338] : memref<10240x128xf32, #tpu.memory_space<vmem_shared>> -> memref<128x128xf32, #tpu.memory_space<vmem_shared>>
      tpu.wait_dma2 semaphore(%run_scoped3A : memref<!tpu.dma_semaphore, #tpu.memory_space<semaphore_mem>>) src(%dma_wait3A_339 : memref<128x128xf32, #tpu.memory_space<vmem_shared>>) dst(%dma_wait3A_337 : memref<128x128xf32, #tpu.memory_space<hbm>>)
      tpu.yield
    }) : () -> ()
    %mul3A_296 = arith.constant 5 : i32
    %mul3A_297 = arith.muli %arg1, %mul3A_296 : i32
    %add3A_298 = arith.constant 1 : i32
    %add3A_299 = arith.addi %mul3A_297, %add3A_298 : i32
    %mul3A_300 = arith.constant 128 : i32
    %mul3A_301 = arith.muli %add3A_299, %mul3A_300 : i32
    %mul3A_302 = arith.constant 10400 : i32
    %mul3A_303 = arith.muli %arg0, %mul3A_302 : i32
    %add3A_304 = arith.addi %mul3A_303, %mul3A_301 : i32
    "tpu.region"() ({
      %run_scoped3A = tpu.sem_alloc : memref<!tpu.dma_semaphore, #tpu.memory_space<semaphore_mem>>
      %dma_start3A_332 = arith.constant 0 : i32
      %dma_start3A_333 = tpu.memref_slice %arg5[%add3A_304, %dma_start3A_332] : memref<20640x128xf32, #tpu.memory_space<hbm>> -> memref<128x128xf32, #tpu.memory_space<hbm>>
      %dma_start3A_334 = arith.constant 0 : i32
      %dma_start3A_335 = tpu.memref_slice %arg10[%mul3A_301, %dma_start3A_334] : memref<10240x128xf32, #tpu.memory_space<vmem_shared>> -> memref<128x128xf32, #tpu.memory_space<vmem_shared>>
      tpu.enqueue_dma source(%dma_start3A_335 : memref<128x128xf32, #tpu.memory_space<vmem_shared>>) target(%dma_start3A_333 : memref<128x128xf32, #tpu.memory_space<hbm>>) target_semaphore(%run_scoped3A : memref<!tpu.dma_semaphore, #tpu.memory_space<semaphore_mem>>)
      %dma_wait3A_336 = arith.constant 0 : i32
      %dma_wait3A_337 = tpu.memref_slice %arg5[%add3A_304, %dma_wait3A_336] : memref<20640x128xf32, #tpu.memory_space<hbm>> -> memref<128x128xf32, #tpu.memory_space<hbm>>
      %dma_wait3A_338 = arith.constant 0 : i32
      %dma_wait3A_339 = tpu.memref_slice %arg10[%mul3A_301, %dma_wait3A_338] : memref<10240x128xf32, #tpu.memory_space<vmem_shared>> -> memref<128x128xf32, #tpu.memory_space<vmem_shared>>
      tpu.wait_dma2 semaphore(%run_scoped3A : memref<!tpu.dma_semaphore, #tpu.memory_space<semaphore_mem>>) src(%dma_wait3A_339 : memref<128x128xf32, #tpu.memory_space<vmem_shared>>) dst(%dma_wait3A_337 : memref<128x128xf32, #tpu.memory_space<hbm>>)
      tpu.yield
    }) : () -> ()
    %mul3A_305 = arith.constant 5 : i32
    %mul3A_306 = arith.muli %arg1, %mul3A_305 : i32
    %add3A_307 = arith.constant 2 : i32
    %add3A_308 = arith.addi %mul3A_306, %add3A_307 : i32
    %mul3A_309 = arith.constant 128 : i32
    %mul3A_310 = arith.muli %add3A_308, %mul3A_309 : i32
    %mul3A_311 = arith.constant 10400 : i32
    %mul3A_312 = arith.muli %arg0, %mul3A_311 : i32
    %add3A_313 = arith.addi %mul3A_312, %mul3A_310 : i32
    "tpu.region"() ({
      %run_scoped3A = tpu.sem_alloc : memref<!tpu.dma_semaphore, #tpu.memory_space<semaphore_mem>>
      %dma_start3A_332 = arith.constant 0 : i32
      %dma_start3A_333 = tpu.memref_slice %arg5[%add3A_313, %dma_start3A_332] : memref<20640x128xf32, #tpu.memory_space<hbm>> -> memref<128x128xf32, #tpu.memory_space<hbm>>
      %dma_start3A_334 = arith.constant 0 : i32
      %dma_start3A_335 = tpu.memref_slice %arg10[%mul3A_310, %dma_start3A_334] : memref<10240x128xf32, #tpu.memory_space<vmem_shared>> -> memref<128x128xf32, #tpu.memory_space<vmem_shared>>
      tpu.enqueue_dma source(%dma_start3A_335 : memref<128x128xf32, #tpu.memory_space<vmem_shared>>) target(%dma_start3A_333 : memref<128x128xf32, #tpu.memory_space<hbm>>) target_semaphore(%run_scoped3A : memref<!tpu.dma_semaphore, #tpu.memory_space<semaphore_mem>>)
      %dma_wait3A_336 = arith.constant 0 : i32
      %dma_wait3A_337 = tpu.memref_slice %arg5[%add3A_313, %dma_wait3A_336] : memref<20640x128xf32, #tpu.memory_space<hbm>> -> memref<128x128xf32, #tpu.memory_space<hbm>>
      %dma_wait3A_338 = arith.constant 0 : i32
      %dma_wait3A_339 = tpu.memref_slice %arg10[%mul3A_310, %dma_wait3A_338] : memref<10240x128xf32, #tpu.memory_space<vmem_shared>> -> memref<128x128xf32, #tpu.memory_space<vmem_shared>>
      tpu.wait_dma2 semaphore(%run_scoped3A : memref<!tpu.dma_semaphore, #tpu.memory_space<semaphore_mem>>) src(%dma_wait3A_339 : memref<128x128xf32, #tpu.memory_space<vmem_shared>>) dst(%dma_wait3A_337 : memref<128x128xf32, #tpu.memory_space<hbm>>)
      tpu.yield
    }) : () -> ()
    %mul3A_314 = arith.constant 5 : i32
    %mul3A_315 = arith.muli %arg1, %mul3A_314 : i32
    %add3A_316 = arith.constant 3 : i32
    %add3A_317 = arith.addi %mul3A_315, %add3A_316 : i32
    %mul3A_318 = arith.constant 128 : i32
    %mul3A_319 = arith.muli %add3A_317, %mul3A_318 : i32
    %mul3A_320 = arith.constant 10400 : i32
    %mul3A_321 = arith.muli %arg0, %mul3A_320 : i32
    %add3A_322 = arith.addi %mul3A_321, %mul3A_319 : i32
    "tpu.region"() ({
      %run_scoped3A = tpu.sem_alloc : memref<!tpu.dma_semaphore, #tpu.memory_space<semaphore_mem>>
      %dma_start3A_332 = arith.constant 0 : i32
      %dma_start3A_333 = tpu.memref_slice %arg5[%add3A_322, %dma_start3A_332] : memref<20640x128xf32, #tpu.memory_space<hbm>> -> memref<128x128xf32, #tpu.memory_space<hbm>>
      %dma_start3A_334 = arith.constant 0 : i32
      %dma_start3A_335 = tpu.memref_slice %arg10[%mul3A_319, %dma_start3A_334] : memref<10240x128xf32, #tpu.memory_space<vmem_shared>> -> memref<128x128xf32, #tpu.memory_space<vmem_shared>>
      tpu.enqueue_dma source(%dma_start3A_335 : memref<128x128xf32, #tpu.memory_space<vmem_shared>>) target(%dma_start3A_333 : memref<128x128xf32, #tpu.memory_space<hbm>>) target_semaphore(%run_scoped3A : memref<!tpu.dma_semaphore, #tpu.memory_space<semaphore_mem>>)
      %dma_wait3A_336 = arith.constant 0 : i32
      %dma_wait3A_337 = tpu.memref_slice %arg5[%add3A_322, %dma_wait3A_336] : memref<20640x128xf32, #tpu.memory_space<hbm>> -> memref<128x128xf32, #tpu.memory_space<hbm>>
      %dma_wait3A_338 = arith.constant 0 : i32
      %dma_wait3A_339 = tpu.memref_slice %arg10[%mul3A_319, %dma_wait3A_338] : memref<10240x128xf32, #tpu.memory_space<vmem_shared>> -> memref<128x128xf32, #tpu.memory_space<vmem_shared>>
      tpu.wait_dma2 semaphore(%run_scoped3A : memref<!tpu.dma_semaphore, #tpu.memory_space<semaphore_mem>>) src(%dma_wait3A_339 : memref<128x128xf32, #tpu.memory_space<vmem_shared>>) dst(%dma_wait3A_337 : memref<128x128xf32, #tpu.memory_space<hbm>>)
      tpu.yield
    }) : () -> ()
    %mul3A_323 = arith.constant 5 : i32
    %mul3A_324 = arith.muli %arg1, %mul3A_323 : i32
    %add3A_325 = arith.constant 4 : i32
    %add3A_326 = arith.addi %mul3A_324, %add3A_325 : i32
    %mul3A_327 = arith.constant 128 : i32
    %mul3A_328 = arith.muli %add3A_326, %mul3A_327 : i32
    %mul3A_329 = arith.constant 10400 : i32
    %mul3A_330 = arith.muli %arg0, %mul3A_329 : i32
    %add3A_331 = arith.addi %mul3A_330, %mul3A_328 : i32
    "tpu.region"() ({
      %run_scoped3A = tpu.sem_alloc : memref<!tpu.dma_semaphore, #tpu.memory_space<semaphore_mem>>
      %dma_start3A_332 = arith.constant 0 : i32
      %dma_start3A_333 = tpu.memref_slice %arg5[%add3A_331, %dma_start3A_332] : memref<20640x128xf32, #tpu.memory_space<hbm>> -> memref<128x128xf32, #tpu.memory_space<hbm>>
      %dma_start3A_334 = arith.constant 0 : i32
      %dma_start3A_335 = tpu.memref_slice %arg10[%mul3A_328, %dma_start3A_334] : memref<10240x128xf32, #tpu.memory_space<vmem_shared>> -> memref<128x128xf32, #tpu.memory_space<vmem_shared>>
      tpu.enqueue_dma source(%dma_start3A_335 : memref<128x128xf32, #tpu.memory_space<vmem_shared>>) target(%dma_start3A_333 : memref<128x128xf32, #tpu.memory_space<hbm>>) target_semaphore(%run_scoped3A : memref<!tpu.dma_semaphore, #tpu.memory_space<semaphore_mem>>)
      %dma_wait3A_336 = arith.constant 0 : i32
      %dma_wait3A_337 = tpu.memref_slice %arg5[%add3A_331, %dma_wait3A_336] : memref<20640x128xf32, #tpu.memory_space<hbm>> -> memref<128x128xf32, #tpu.memory_space<hbm>>
      %dma_wait3A_338 = arith.constant 0 : i32
      %dma_wait3A_339 = tpu.memref_slice %arg10[%mul3A_328, %dma_wait3A_338] : memref<10240x128xf32, #tpu.memory_space<vmem_shared>> -> memref<128x128xf32, #tpu.memory_space<vmem_shared>>
      tpu.wait_dma2 semaphore(%run_scoped3A : memref<!tpu.dma_semaphore, #tpu.memory_space<semaphore_mem>>) src(%dma_wait3A_339 : memref<128x128xf32, #tpu.memory_space<vmem_shared>>) dst(%dma_wait3A_337 : memref<128x128xf32, #tpu.memory_space<hbm>>)
      tpu.yield
    }) : () -> ()
    return
  }
}

#map = affine_map<(d0, d1) -> (0, 0)>
#map1 = affine_map<(d0, d1) -> (0)>
module attributes {stable_mosaic.version = 14 : i64} {
  func.func @_agg_body(%arg0: i32, %arg1: i32, %arg2: memref<10000x128xf32, #tpu.memory_space<hbm>>, %arg3: memref<640000xi32, #tpu.memory_space<hbm>>, %arg4: memref<128x128xf32, #tpu.memory_space<hbm>>, %arg5: memref<20640x128xf32, #tpu.memory_space<hbm>>, %arg6: memref<2x2x128xi32, #tpu.memory_space<vmem>>, %arg7: memref<2x16xi32, #tpu.memory_space<vmem>>, %arg8: memref<128x128xf32, #tpu.memory_space<vmem>>, %arg9: memref<128x128xf32, #tpu.memory_space<vmem>>, %arg10: memref<10240x128xf32, #tpu.memory_space<vmem_shared>>, %arg11: memref<!tpu.dma_semaphore, #tpu.memory_space<semaphore_mem>>, %arg12: memref<!tpu.dma_semaphore, #tpu.memory_space<semaphore_mem>>, %arg13: memref<!tpu.dma_semaphore, #tpu.memory_space<semaphore_mem>>, %arg14: memref<!tpu.dma_semaphore, #tpu.memory_space<semaphore_mem>>, %arg15: memref<!tpu.dma_semaphore, #tpu.memory_space<semaphore_mem>>, %arg16: memref<!tpu.dma_semaphore, #tpu.memory_space<semaphore_mem>>) attributes {dimension_semantics = [#tpu.dimension_semantics<core_parallel>, #tpu.dimension_semantics<subcore_parallel>], iteration_bounds = array<i64: 2, 16>, scalar_prefetch = 0 : i64, scratch_operands = 11 : i64, tpu.core_type = #tpu.core_type<sc_vector_subcore>, window_params = [{transform_indices = #map}, {transform_indices = #map1}, {transform_indices = #map}, {transform_indices = #map}]} {
    %mul3A = arith.constant 16 : i32
    %mul3A_0 = arith.muli %arg0, %mul3A : i32
    %add3A = arith.addi %mul3A_0, %arg1 : i32
    %mul3A_1 = arith.constant 10000 : i32
    %mul3A_2 = arith.muli %add3A, %mul3A_1 : i32
    %add3A_3 = arith.constant 0 : i32
    %add3A_4 = arith.addi %mul3A_2, %add3A_3 : i32
    %dma_start3A = arith.constant 0 : i32
    %dma_start3A_5 = arith.constant 0 : i32
    %dma_start3A_6 = arith.constant 0 : i32
    %dma_start3A_7 = tpu.memref_slice %arg6[%dma_start3A, %dma_start3A_5, %dma_start3A_6] : memref<2x2x128xi32, #tpu.memory_space<vmem>> -> memref<1x1x128xi32, #tpu.memory_space<vmem>>
    %dma_start3A_8 = tpu.memref_squeeze %dma_start3A_7 : memref<1x1x128xi32, #tpu.memory_space<vmem>> -> memref<128xi32, #tpu.memory_space<vmem>>
    %dma_start3A_9 = tpu.memref_slice %arg3[%add3A_4] : memref<640000xi32, #tpu.memory_space<hbm>> -> memref<128xi32, #tpu.memory_space<hbm>>
    %dma_start3A_10 = arith.constant 0 : i32
    %dma_start3A_11 = tpu.memref_slice %arg6[%dma_start3A, %dma_start3A_5, %dma_start3A_10] : memref<2x2x128xi32, #tpu.memory_space<vmem>> -> memref<1x1x128xi32, #tpu.memory_space<vmem>>
    %dma_start3A_12 = tpu.memref_squeeze %dma_start3A_11 : memref<1x1x128xi32, #tpu.memory_space<vmem>> -> memref<128xi32, #tpu.memory_space<vmem>>
    %dma_start3A_13 = tpu.memref_slice %arg3[%add3A_4] : memref<640000xi32, #tpu.memory_space<hbm>> -> memref<128xi32, #tpu.memory_space<hbm>>
    tpu.enqueue_dma source(%dma_start3A_13 : memref<128xi32, #tpu.memory_space<hbm>>) target(%dma_start3A_12 : memref<128xi32, #tpu.memory_space<vmem>>) target_semaphore(%arg11 : memref<!tpu.dma_semaphore, #tpu.memory_space<semaphore_mem>>)
    %add3A_14 = arith.constant 320000 : i32
    %add3A_15 = arith.addi %add3A_14, %mul3A_2 : i32
    %add3A_16 = arith.constant 0 : i32
    %add3A_17 = arith.addi %add3A_15, %add3A_16 : i32
    %dma_start3A_18 = arith.constant 0 : i32
    %dma_start3A_19 = arith.constant 1 : i32
    %dma_start3A_20 = arith.constant 0 : i32
    %dma_start3A_21 = tpu.memref_slice %arg6[%dma_start3A_18, %dma_start3A_19, %dma_start3A_20] : memref<2x2x128xi32, #tpu.memory_space<vmem>> -> memref<1x1x128xi32, #tpu.memory_space<vmem>>
    %dma_start3A_22 = tpu.memref_squeeze %dma_start3A_21 : memref<1x1x128xi32, #tpu.memory_space<vmem>> -> memref<128xi32, #tpu.memory_space<vmem>>
    %dma_start3A_23 = tpu.memref_slice %arg3[%add3A_17] : memref<640000xi32, #tpu.memory_space<hbm>> -> memref<128xi32, #tpu.memory_space<hbm>>
    %dma_start3A_24 = arith.constant 0 : i32
    %dma_start3A_25 = tpu.memref_slice %arg6[%dma_start3A_18, %dma_start3A_19, %dma_start3A_24] : memref<2x2x128xi32, #tpu.memory_space<vmem>> -> memref<1x1x128xi32, #tpu.memory_space<vmem>>
    %dma_start3A_26 = tpu.memref_squeeze %dma_start3A_25 : memref<1x1x128xi32, #tpu.memory_space<vmem>> -> memref<128xi32, #tpu.memory_space<vmem>>
    %dma_start3A_27 = tpu.memref_slice %arg3[%add3A_17] : memref<640000xi32, #tpu.memory_space<hbm>> -> memref<128xi32, #tpu.memory_space<hbm>>
    tpu.enqueue_dma source(%dma_start3A_27 : memref<128xi32, #tpu.memory_space<hbm>>) target(%dma_start3A_26 : memref<128xi32, #tpu.memory_space<vmem>>) target_semaphore(%arg11 : memref<!tpu.dma_semaphore, #tpu.memory_space<semaphore_mem>>)
    %add3A_28 = arith.constant 128 : i32
    %add3A_29 = arith.addi %mul3A_2, %add3A_28 : i32
    %dma_start3A_30 = arith.constant 1 : i32
    %dma_start3A_31 = arith.constant 0 : i32
    %dma_start3A_32 = arith.constant 0 : i32
    %dma_start3A_33 = tpu.memref_slice %arg6[%dma_start3A_30, %dma_start3A_31, %dma_start3A_32] : memref<2x2x128xi32, #tpu.memory_space<vmem>> -> memref<1x1x128xi32, #tpu.memory_space<vmem>>
    %dma_start3A_34 = tpu.memref_squeeze %dma_start3A_33 : memref<1x1x128xi32, #tpu.memory_space<vmem>> -> memref<128xi32, #tpu.memory_space<vmem>>
    %dma_start3A_35 = tpu.memref_slice %arg3[%add3A_29] : memref<640000xi32, #tpu.memory_space<hbm>> -> memref<128xi32, #tpu.memory_space<hbm>>
    %dma_start3A_36 = arith.constant 0 : i32
    %dma_start3A_37 = tpu.memref_slice %arg6[%dma_start3A_30, %dma_start3A_31, %dma_start3A_36] : memref<2x2x128xi32, #tpu.memory_space<vmem>> -> memref<1x1x128xi32, #tpu.memory_space<vmem>>
    %dma_start3A_38 = tpu.memref_squeeze %dma_start3A_37 : memref<1x1x128xi32, #tpu.memory_space<vmem>> -> memref<128xi32, #tpu.memory_space<vmem>>
    %dma_start3A_39 = tpu.memref_slice %arg3[%add3A_29] : memref<640000xi32, #tpu.memory_space<hbm>> -> memref<128xi32, #tpu.memory_space<hbm>>
    tpu.enqueue_dma source(%dma_start3A_39 : memref<128xi32, #tpu.memory_space<hbm>>) target(%dma_start3A_38 : memref<128xi32, #tpu.memory_space<vmem>>) target_semaphore(%arg12 : memref<!tpu.dma_semaphore, #tpu.memory_space<semaphore_mem>>)
    %add3A_40 = arith.constant 320000 : i32
    %add3A_41 = arith.addi %add3A_40, %mul3A_2 : i32
    %add3A_42 = arith.constant 128 : i32
    %add3A_43 = arith.addi %add3A_41, %add3A_42 : i32
    %dma_start3A_44 = arith.constant 1 : i32
    %dma_start3A_45 = arith.constant 1 : i32
    %dma_start3A_46 = arith.constant 0 : i32
    %dma_start3A_47 = tpu.memref_slice %arg6[%dma_start3A_44, %dma_start3A_45, %dma_start3A_46] : memref<2x2x128xi32, #tpu.memory_space<vmem>> -> memref<1x1x128xi32, #tpu.memory_space<vmem>>
    %dma_start3A_48 = tpu.memref_squeeze %dma_start3A_47 : memref<1x1x128xi32, #tpu.memory_space<vmem>> -> memref<128xi32, #tpu.memory_space<vmem>>
    %dma_start3A_49 = tpu.memref_slice %arg3[%add3A_43] : memref<640000xi32, #tpu.memory_space<hbm>> -> memref<128xi32, #tpu.memory_space<hbm>>
    %dma_start3A_50 = arith.constant 0 : i32
    %dma_start3A_51 = tpu.memref_slice %arg6[%dma_start3A_44, %dma_start3A_45, %dma_start3A_50] : memref<2x2x128xi32, #tpu.memory_space<vmem>> -> memref<1x1x128xi32, #tpu.memory_space<vmem>>
    %dma_start3A_52 = tpu.memref_squeeze %dma_start3A_51 : memref<1x1x128xi32, #tpu.memory_space<vmem>> -> memref<128xi32, #tpu.memory_space<vmem>>
    %dma_start3A_53 = tpu.memref_slice %arg3[%add3A_43] : memref<640000xi32, #tpu.memory_space<hbm>> -> memref<128xi32, #tpu.memory_space<hbm>>
    tpu.enqueue_dma source(%dma_start3A_53 : memref<128xi32, #tpu.memory_space<hbm>>) target(%dma_start3A_52 : memref<128xi32, #tpu.memory_space<vmem>>) target_semaphore(%arg12 : memref<!tpu.dma_semaphore, #tpu.memory_space<semaphore_mem>>)
    %dma_wait3A = arith.constant 0 : i32
    %dma_wait3A_54 = arith.constant 0 : i32
    %dma_wait3A_55 = arith.constant 0 : i32
    %dma_wait3A_56 = tpu.memref_slice %arg6[%dma_wait3A, %dma_wait3A_54, %dma_wait3A_55] : memref<2x2x128xi32, #tpu.memory_space<vmem>> -> memref<1x1x128xi32, #tpu.memory_space<vmem>>
    %dma_wait3A_57 = tpu.memref_squeeze %dma_wait3A_56 : memref<1x1x128xi32, #tpu.memory_space<vmem>> -> memref<128xi32, #tpu.memory_space<vmem>>
    %dma_wait3A_58 = arith.constant 0 : i32
    %dma_wait3A_59 = tpu.memref_slice %arg3[%dma_wait3A_58] : memref<640000xi32, #tpu.memory_space<hbm>> -> memref<128xi32, #tpu.memory_space<hbm>>
    %dma_wait3A_60 = arith.constant 0 : i32
    %dma_wait3A_61 = tpu.memref_slice %arg6[%dma_wait3A, %dma_wait3A_54, %dma_wait3A_60] : memref<2x2x128xi32, #tpu.memory_space<vmem>> -> memref<1x1x128xi32, #tpu.memory_space<vmem>>
    %dma_wait3A_62 = tpu.memref_squeeze %dma_wait3A_61 : memref<1x1x128xi32, #tpu.memory_space<vmem>> -> memref<128xi32, #tpu.memory_space<vmem>>
    %dma_wait3A_63 = arith.constant 0 : i32
    %dma_wait3A_64 = tpu.memref_slice %arg3[%dma_wait3A_63] : memref<640000xi32, #tpu.memory_space<hbm>> -> memref<128xi32, #tpu.memory_space<hbm>>
    tpu.wait_dma2 semaphore(%arg11 : memref<!tpu.dma_semaphore, #tpu.memory_space<semaphore_mem>>) src(%dma_wait3A_64 : memref<128xi32, #tpu.memory_space<hbm>>) dst(%dma_wait3A_62 : memref<128xi32, #tpu.memory_space<vmem>>)
    %dma_wait3A_65 = arith.constant 0 : i32
    %dma_wait3A_66 = arith.constant 1 : i32
    %dma_wait3A_67 = arith.constant 0 : i32
    %dma_wait3A_68 = tpu.memref_slice %arg6[%dma_wait3A_65, %dma_wait3A_66, %dma_wait3A_67] : memref<2x2x128xi32, #tpu.memory_space<vmem>> -> memref<1x1x128xi32, #tpu.memory_space<vmem>>
    %dma_wait3A_69 = tpu.memref_squeeze %dma_wait3A_68 : memref<1x1x128xi32, #tpu.memory_space<vmem>> -> memref<128xi32, #tpu.memory_space<vmem>>
    %dma_wait3A_70 = arith.constant 0 : i32
    %dma_wait3A_71 = tpu.memref_slice %arg3[%dma_wait3A_70] : memref<640000xi32, #tpu.memory_space<hbm>> -> memref<128xi32, #tpu.memory_space<hbm>>
    %dma_wait3A_72 = arith.constant 0 : i32
    %dma_wait3A_73 = tpu.memref_slice %arg6[%dma_wait3A_65, %dma_wait3A_66, %dma_wait3A_72] : memref<2x2x128xi32, #tpu.memory_space<vmem>> -> memref<1x1x128xi32, #tpu.memory_space<vmem>>
    %dma_wait3A_74 = tpu.memref_squeeze %dma_wait3A_73 : memref<1x1x128xi32, #tpu.memory_space<vmem>> -> memref<128xi32, #tpu.memory_space<vmem>>
    %dma_wait3A_75 = arith.constant 0 : i32
    %dma_wait3A_76 = tpu.memref_slice %arg3[%dma_wait3A_75] : memref<640000xi32, #tpu.memory_space<hbm>> -> memref<128xi32, #tpu.memory_space<hbm>>
    tpu.wait_dma2 semaphore(%arg11 : memref<!tpu.dma_semaphore, #tpu.memory_space<semaphore_mem>>) src(%dma_wait3A_76 : memref<128xi32, #tpu.memory_space<hbm>>) dst(%dma_wait3A_74 : memref<128xi32, #tpu.memory_space<vmem>>)
    %dma_start3A_77 = arith.constant 0 : i32
    %dma_start3A_78 = arith.constant 0 : i32
    %dma_start3A_79 = arith.constant 0 : i32
    %dma_start3A_80 = tpu.memref_slice %arg6[%dma_start3A_77, %dma_start3A_78, %dma_start3A_79] : memref<2x2x128xi32, #tpu.memory_space<vmem>> -> memref<1x1x128xi32, #tpu.memory_space<vmem>>
    %dma_start3A_81 = tpu.memref_squeeze %dma_start3A_80 : memref<1x1x128xi32, #tpu.memory_space<vmem>> -> memref<128xi32, #tpu.memory_space<vmem>>
    %dma_start3A_82 = arith.constant 0 : i32
    %dma_start3A_83 = arith.constant 0 : i32
    %dma_start3A_84 = tpu.memref_slice %arg2[%dma_start3A_82, %dma_start3A_83] : memref<10000x128xf32, #tpu.memory_space<hbm>> -> memref<10000x128xf32, #tpu.memory_space<hbm>>
    tpu.enqueue_indirect_dma source(%dma_start3A_84 : memref<10000x128xf32, #tpu.memory_space<hbm>>) target(%arg8 : memref<128x128xf32, #tpu.memory_space<vmem>>) offsets(%dma_start3A_81 : memref<128xi32, #tpu.memory_space<vmem>>) semaphore(%arg13 : memref<!tpu.dma_semaphore, #tpu.memory_space<semaphore_mem>>)
    %mul3A_85 = arith.constant 5 : i32
    %mul3A_86 = arith.muli %arg1, %mul3A_85 : i32
    %add3A_87 = arith.constant 0 : i32
    %add3A_88 = arith.addi %mul3A_86, %add3A_87 : i32
    %mul3A_89 = arith.constant 128 : i32
    %mul3A_90 = arith.muli %add3A_88, %mul3A_89 : i32
    "tpu.region"() ({
      %run_scoped3A = tpu.sem_alloc : memref<!tpu.dma_semaphore, #tpu.memory_space<semaphore_mem>>
      %dma_start3A_332 = arith.constant 0 : i32
      %dma_start3A_333 = tpu.memref_slice %arg10[%mul3A_90, %dma_start3A_332] : memref<10240x128xf32, #tpu.memory_space<vmem_shared>> -> memref<128x128xf32, #tpu.memory_space<vmem_shared>>
      tpu.enqueue_dma source(%arg4 : memref<128x128xf32, #tpu.memory_space<hbm>>) target(%dma_start3A_333 : memref<128x128xf32, #tpu.memory_space<vmem_shared>>) target_semaphore(%run_scoped3A : memref<!tpu.dma_semaphore, #tpu.memory_space<semaphore_mem>>)
      %dma_wait3A_334 = arith.constant 0 : i32
      %dma_wait3A_335 = tpu.memref_slice %arg10[%mul3A_90, %dma_wait3A_334] : memref<10240x128xf32, #tpu.memory_space<vmem_shared>> -> memref<128x128xf32, #tpu.memory_space<vmem_shared>>
      tpu.wait_dma2 semaphore(%run_scoped3A : memref<!tpu.dma_semaphore, #tpu.memory_space<semaphore_mem>>) src(%arg4 : memref<128x128xf32, #tpu.memory_space<hbm>>) dst(%dma_wait3A_335 : memref<128x128xf32, #tpu.memory_space<vmem_shared>>)
      tpu.yield
    }) : () -> ()
    %mul3A_91 = arith.constant 5 : i32
    %mul3A_92 = arith.muli %arg1, %mul3A_91 : i32
    %add3A_93 = arith.constant 1 : i32
    %add3A_94 = arith.addi %mul3A_92, %add3A_93 : i32
    %mul3A_95 = arith.constant 128 : i32
    %mul3A_96 = arith.muli %add3A_94, %mul3A_95 : i32
    "tpu.region"() ({
      %run_scoped3A = tpu.sem_alloc : memref<!tpu.dma_semaphore, #tpu.memory_space<semaphore_mem>>
      %dma_start3A_332 = arith.constant 0 : i32
      %dma_start3A_333 = tpu.memref_slice %arg10[%mul3A_96, %dma_start3A_332] : memref<10240x128xf32, #tpu.memory_space<vmem_shared>> -> memref<128x128xf32, #tpu.memory_space<vmem_shared>>
      tpu.enqueue_dma source(%arg4 : memref<128x128xf32, #tpu.memory_space<hbm>>) target(%dma_start3A_333 : memref<128x128xf32, #tpu.memory_space<vmem_shared>>) target_semaphore(%run_scoped3A : memref<!tpu.dma_semaphore, #tpu.memory_space<semaphore_mem>>)
      %dma_wait3A_334 = arith.constant 0 : i32
      %dma_wait3A_335 = tpu.memref_slice %arg10[%mul3A_96, %dma_wait3A_334] : memref<10240x128xf32, #tpu.memory_space<vmem_shared>> -> memref<128x128xf32, #tpu.memory_space<vmem_shared>>
      tpu.wait_dma2 semaphore(%run_scoped3A : memref<!tpu.dma_semaphore, #tpu.memory_space<semaphore_mem>>) src(%arg4 : memref<128x128xf32, #tpu.memory_space<hbm>>) dst(%dma_wait3A_335 : memref<128x128xf32, #tpu.memory_space<vmem_shared>>)
      tpu.yield
    }) : () -> ()
    %mul3A_97 = arith.constant 5 : i32
    %mul3A_98 = arith.muli %arg1, %mul3A_97 : i32
    %add3A_99 = arith.constant 2 : i32
    %add3A_100 = arith.addi %mul3A_98, %add3A_99 : i32
    %mul3A_101 = arith.constant 128 : i32
    %mul3A_102 = arith.muli %add3A_100, %mul3A_101 : i32
    "tpu.region"() ({
      %run_scoped3A = tpu.sem_alloc : memref<!tpu.dma_semaphore, #tpu.memory_space<semaphore_mem>>
      %dma_start3A_332 = arith.constant 0 : i32
      %dma_start3A_333 = tpu.memref_slice %arg10[%mul3A_102, %dma_start3A_332] : memref<10240x128xf32, #tpu.memory_space<vmem_shared>> -> memref<128x128xf32, #tpu.memory_space<vmem_shared>>
      tpu.enqueue_dma source(%arg4 : memref<128x128xf32, #tpu.memory_space<hbm>>) target(%dma_start3A_333 : memref<128x128xf32, #tpu.memory_space<vmem_shared>>) target_semaphore(%run_scoped3A : memref<!tpu.dma_semaphore, #tpu.memory_space<semaphore_mem>>)
      %dma_wait3A_334 = arith.constant 0 : i32
      %dma_wait3A_335 = tpu.memref_slice %arg10[%mul3A_102, %dma_wait3A_334] : memref<10240x128xf32, #tpu.memory_space<vmem_shared>> -> memref<128x128xf32, #tpu.memory_space<vmem_shared>>
      tpu.wait_dma2 semaphore(%run_scoped3A : memref<!tpu.dma_semaphore, #tpu.memory_space<semaphore_mem>>) src(%arg4 : memref<128x128xf32, #tpu.memory_space<hbm>>) dst(%dma_wait3A_335 : memref<128x128xf32, #tpu.memory_space<vmem_shared>>)
      tpu.yield
    }) : () -> ()
    %mul3A_103 = arith.constant 5 : i32
    %mul3A_104 = arith.muli %arg1, %mul3A_103 : i32
    %add3A_105 = arith.constant 3 : i32
    %add3A_106 = arith.addi %mul3A_104, %add3A_105 : i32
    %mul3A_107 = arith.constant 128 : i32
    %mul3A_108 = arith.muli %add3A_106, %mul3A_107 : i32
    "tpu.region"() ({
      %run_scoped3A = tpu.sem_alloc : memref<!tpu.dma_semaphore, #tpu.memory_space<semaphore_mem>>
      %dma_start3A_332 = arith.constant 0 : i32
      %dma_start3A_333 = tpu.memref_slice %arg10[%mul3A_108, %dma_start3A_332] : memref<10240x128xf32, #tpu.memory_space<vmem_shared>> -> memref<128x128xf32, #tpu.memory_space<vmem_shared>>
      tpu.enqueue_dma source(%arg4 : memref<128x128xf32, #tpu.memory_space<hbm>>) target(%dma_start3A_333 : memref<128x128xf32, #tpu.memory_space<vmem_shared>>) target_semaphore(%run_scoped3A : memref<!tpu.dma_semaphore, #tpu.memory_space<semaphore_mem>>)
      %dma_wait3A_334 = arith.constant 0 : i32
      %dma_wait3A_335 = tpu.memref_slice %arg10[%mul3A_108, %dma_wait3A_334] : memref<10240x128xf32, #tpu.memory_space<vmem_shared>> -> memref<128x128xf32, #tpu.memory_space<vmem_shared>>
      tpu.wait_dma2 semaphore(%run_scoped3A : memref<!tpu.dma_semaphore, #tpu.memory_space<semaphore_mem>>) src(%arg4 : memref<128x128xf32, #tpu.memory_space<hbm>>) dst(%dma_wait3A_335 : memref<128x128xf32, #tpu.memory_space<vmem_shared>>)
      tpu.yield
    }) : () -> ()
    %mul3A_109 = arith.constant 5 : i32
    %mul3A_110 = arith.muli %arg1, %mul3A_109 : i32
    %add3A_111 = arith.constant 4 : i32
    %add3A_112 = arith.addi %mul3A_110, %add3A_111 : i32
    %mul3A_113 = arith.constant 128 : i32
    %mul3A_114 = arith.muli %add3A_112, %mul3A_113 : i32
    "tpu.region"() ({
      %run_scoped3A = tpu.sem_alloc : memref<!tpu.dma_semaphore, #tpu.memory_space<semaphore_mem>>
      %dma_start3A_332 = arith.constant 0 : i32
      %dma_start3A_333 = tpu.memref_slice %arg10[%mul3A_114, %dma_start3A_332] : memref<10240x128xf32, #tpu.memory_space<vmem_shared>> -> memref<128x128xf32, #tpu.memory_space<vmem_shared>>
      tpu.enqueue_dma source(%arg4 : memref<128x128xf32, #tpu.memory_space<hbm>>) target(%dma_start3A_333 : memref<128x128xf32, #tpu.memory_space<vmem_shared>>) target_semaphore(%run_scoped3A : memref<!tpu.dma_semaphore, #tpu.memory_space<semaphore_mem>>)
      %dma_wait3A_334 = arith.constant 0 : i32
      %dma_wait3A_335 = tpu.memref_slice %arg10[%mul3A_114, %dma_wait3A_334] : memref<10240x128xf32, #tpu.memory_space<vmem_shared>> -> memref<128x128xf32, #tpu.memory_space<vmem_shared>>
      tpu.wait_dma2 semaphore(%run_scoped3A : memref<!tpu.dma_semaphore, #tpu.memory_space<semaphore_mem>>) src(%arg4 : memref<128x128xf32, #tpu.memory_space<hbm>>) dst(%dma_wait3A_335 : memref<128x128xf32, #tpu.memory_space<vmem_shared>>)
      tpu.yield
    }) : () -> ()
    %barrier3A = arith.constant 0 : index
    tpu.barrier barrier_id(%barrier3A)
    %scan3A = arith.constant 0 : i32
    %scan3A_115 = arith.constant 0 : i32
    %scan3A_116 = arith.constant 38 : i32
    %scan3A_117 = arith.addi %scan3A_115, %scan3A_116 : i32
    %scan3A_118 = arith.constant 1 : i32
    scf.for %scan3A_332 = %scan3A_115 to %scan3A_117 step %scan3A_118  : i32 {
      %mul3A_333 = arith.constant 2 : i32
      %mul3A_334 = arith.muli %scan3A_332, %mul3A_333 : i32
      %add3A_335 = arith.constant 0 : i32
      %add3A_336 = arith.addi %mul3A_334, %add3A_335 : i32
      %dma_wait3A_337 = arith.constant 0 : i32
      %dma_wait3A_338 = arith.constant 0 : i32
      %dma_wait3A_339 = arith.constant 0 : i32
      %dma_wait3A_340 = tpu.memref_slice %arg6[%dma_wait3A_337, %dma_wait3A_338, %dma_wait3A_339] : memref<2x2x128xi32, #tpu.memory_space<vmem>> -> memref<1x1x128xi32, #tpu.memory_space<vmem>>
      %dma_wait3A_341 = tpu.memref_squeeze %dma_wait3A_340 : memref<1x1x128xi32, #tpu.memory_space<vmem>> -> memref<128xi32, #tpu.memory_space<vmem>>
      %dma_wait3A_342 = arith.constant 0 : i32
      %dma_wait3A_343 = arith.constant 0 : i32
      %dma_wait3A_344 = tpu.memref_slice %arg2[%dma_wait3A_342, %dma_wait3A_343] : memref<10000x128xf32, #tpu.memory_space<hbm>> -> memref<10000x128xf32, #tpu.memory_space<hbm>>
      tpu.wait_indirect_dma semaphore(%arg13 : memref<!tpu.dma_semaphore, #tpu.memory_space<semaphore_mem>>) src(%dma_wait3A_344 : memref<10000x128xf32, #tpu.memory_space<hbm>>) dst(%arg8 : memref<128x128xf32, #tpu.memory_space<vmem>>)
      %dma_wait3A_345 = arith.constant 1 : i32
      %dma_wait3A_346 = arith.constant 0 : i32
      %dma_wait3A_347 = arith.constant 0 : i32
      %dma_wait3A_348 = tpu.memref_slice %arg6[%dma_wait3A_345, %dma_wait3A_346, %dma_wait3A_347] : memref<2x2x128xi32, #tpu.memory_space<vmem>> -> memref<1x1x128xi32, #tpu.memory_space<vmem>>
      %dma_wait3A_349 = tpu.memref_squeeze %dma_wait3A_348 : memref<1x1x128xi32, #tpu.memory_space<vmem>> -> memref<128xi32, #tpu.memory_space<vmem>>
      %dma_wait3A_350 = arith.constant 0 : i32
      %dma_wait3A_351 = tpu.memref_slice %arg3[%dma_wait3A_350] : memref<640000xi32, #tpu.memory_space<hbm>> -> memref<128xi32, #tpu.memory_space<hbm>>
      %dma_wait3A_352 = arith.constant 0 : i32
      %dma_wait3A_353 = tpu.memref_slice %arg6[%dma_wait3A_345, %dma_wait3A_346, %dma_wait3A_352] : memref<2x2x128xi32, #tpu.memory_space<vmem>> -> memref<1x1x128xi32, #tpu.memory_space<vmem>>
      %dma_wait3A_354 = tpu.memref_squeeze %dma_wait3A_353 : memref<1x1x128xi32, #tpu.memory_space<vmem>> -> memref<128xi32, #tpu.memory_space<vmem>>
      %dma_wait3A_355 = arith.constant 0 : i32
      %dma_wait3A_356 = tpu.memref_slice %arg3[%dma_wait3A_355] : memref<640000xi32, #tpu.memory_space<hbm>> -> memref<128xi32, #tpu.memory_space<hbm>>
      tpu.wait_dma2 semaphore(%arg12 : memref<!tpu.dma_semaphore, #tpu.memory_space<semaphore_mem>>) src(%dma_wait3A_356 : memref<128xi32, #tpu.memory_space<hbm>>) dst(%dma_wait3A_354 : memref<128xi32, #tpu.memory_space<vmem>>)
      %dma_wait3A_357 = arith.constant 1 : i32
      %dma_wait3A_358 = arith.constant 1 : i32
      %dma_wait3A_359 = arith.constant 0 : i32
      %dma_wait3A_360 = tpu.memref_slice %arg6[%dma_wait3A_357, %dma_wait3A_358, %dma_wait3A_359] : memref<2x2x128xi32, #tpu.memory_space<vmem>> -> memref<1x1x128xi32, #tpu.memory_space<vmem>>
      %dma_wait3A_361 = tpu.memref_squeeze %dma_wait3A_360 : memref<1x1x128xi32, #tpu.memory_space<vmem>> -> memref<128xi32, #tpu.memory_space<vmem>>
      %dma_wait3A_362 = arith.constant 0 : i32
      %dma_wait3A_363 = tpu.memref_slice %arg3[%dma_wait3A_362] : memref<640000xi32, #tpu.memory_space<hbm>> -> memref<128xi32, #tpu.memory_space<hbm>>
      %dma_wait3A_364 = arith.constant 0 : i32
      %dma_wait3A_365 = tpu.memref_slice %arg6[%dma_wait3A_357, %dma_wait3A_358, %dma_wait3A_364] : memref<2x2x128xi32, #tpu.memory_space<vmem>> -> memref<1x1x128xi32, #tpu.memory_space<vmem>>
      %dma_wait3A_366 = tpu.memref_squeeze %dma_wait3A_365 : memref<1x1x128xi32, #tpu.memory_space<vmem>> -> memref<128xi32, #tpu.memory_space<vmem>>
      %dma_wait3A_367 = arith.constant 0 : i32
      %dma_wait3A_368 = tpu.memref_slice %arg3[%dma_wait3A_367] : memref<640000xi32, #tpu.memory_space<hbm>> -> memref<128xi32, #tpu.memory_space<hbm>>
      tpu.wait_dma2 semaphore(%arg12 : memref<!tpu.dma_semaphore, #tpu.memory_space<semaphore_mem>>) src(%dma_wait3A_368 : memref<128xi32, #tpu.memory_space<hbm>>) dst(%dma_wait3A_366 : memref<128xi32, #tpu.memory_space<vmem>>)
      %dma_start3A_369 = arith.constant 1 : i32
      %dma_start3A_370 = arith.constant 0 : i32
      %dma_start3A_371 = arith.constant 0 : i32
      %dma_start3A_372 = tpu.memref_slice %arg6[%dma_start3A_369, %dma_start3A_370, %dma_start3A_371] : memref<2x2x128xi32, #tpu.memory_space<vmem>> -> memref<1x1x128xi32, #tpu.memory_space<vmem>>
      %dma_start3A_373 = tpu.memref_squeeze %dma_start3A_372 : memref<1x1x128xi32, #tpu.memory_space<vmem>> -> memref<128xi32, #tpu.memory_space<vmem>>
      %dma_start3A_374 = arith.constant 0 : i32
      %dma_start3A_375 = arith.constant 0 : i32
      %dma_start3A_376 = tpu.memref_slice %arg2[%dma_start3A_374, %dma_start3A_375] : memref<10000x128xf32, #tpu.memory_space<hbm>> -> memref<10000x128xf32, #tpu.memory_space<hbm>>
      tpu.enqueue_indirect_dma source(%dma_start3A_376 : memref<10000x128xf32, #tpu.memory_space<hbm>>) target(%arg9 : memref<128x128xf32, #tpu.memory_space<vmem>>) offsets(%dma_start3A_373 : memref<128xi32, #tpu.memory_space<vmem>>) semaphore(%arg14 : memref<!tpu.dma_semaphore, #tpu.memory_space<semaphore_mem>>)
      %dma_start3A_377 = arith.constant 0 : i32
      %dma_start3A_378 = arith.constant 1 : i32
      %dma_start3A_379 = arith.constant 0 : i32
      %dma_start3A_380 = tpu.memref_slice %arg6[%dma_start3A_377, %dma_start3A_378, %dma_start3A_379] : memref<2x2x128xi32, #tpu.memory_space<vmem>> -> memref<1x1x128xi32, #tpu.memory_space<vmem>>
      %dma_start3A_381 = tpu.memref_squeeze %dma_start3A_380 : memref<1x1x128xi32, #tpu.memory_space<vmem>> -> memref<128xi32, #tpu.memory_space<vmem>>
      %dma_start3A_382 = arith.constant 0 : i32
      %dma_start3A_383 = arith.constant 0 : i32
      %dma_start3A_384 = tpu.memref_slice %arg10[%dma_start3A_382, %dma_start3A_383] : memref<10240x128xf32, #tpu.memory_space<vmem_shared>> -> memref<10240x128xf32, #tpu.memory_space<vmem_shared>>
      tpu.enqueue_indirect_dma source(%arg8 : memref<128x128xf32, #tpu.memory_space<vmem>>) target(%dma_start3A_384 : memref<10240x128xf32, #tpu.memory_space<vmem_shared>>) offsets(%dma_start3A_381 : memref<128xi32, #tpu.memory_space<vmem>>) semaphore(%arg15 : memref<!tpu.dma_semaphore, #tpu.memory_space<semaphore_mem>>) {add = true}
      %dma_wait3A_385 = arith.constant 0 : i32
      %dma_wait3A_386 = arith.constant 1 : i32
      %dma_wait3A_387 = arith.constant 0 : i32
      %dma_wait3A_388 = tpu.memref_slice %arg6[%dma_wait3A_385, %dma_wait3A_386, %dma_wait3A_387] : memref<2x2x128xi32, #tpu.memory_space<vmem>> -> memref<1x1x128xi32, #tpu.memory_space<vmem>>
      %dma_wait3A_389 = tpu.memref_squeeze %dma_wait3A_388 : memref<1x1x128xi32, #tpu.memory_space<vmem>> -> memref<128xi32, #tpu.memory_space<vmem>>
      %dma_wait3A_390 = arith.constant 0 : i32
      %dma_wait3A_391 = arith.constant 0 : i32
      %dma_wait3A_392 = tpu.memref_slice %arg10[%dma_wait3A_390, %dma_wait3A_391] : memref<10240x128xf32, #tpu.memory_space<vmem_shared>> -> memref<10240x128xf32, #tpu.memory_space<vmem_shared>>
      tpu.wait_indirect_dma semaphore(%arg15 : memref<!tpu.dma_semaphore, #tpu.memory_space<semaphore_mem>>) src(%arg8 : memref<128x128xf32, #tpu.memory_space<vmem>>) dst(%dma_wait3A_392 : memref<10240x128xf32, #tpu.memory_space<vmem_shared>>)
      %add3A_393 = arith.constant 2 : i32
      %add3A_394 = arith.addi %add3A_336, %add3A_393 : i32
      %mul3A_395 = arith.constant 128 : i32
      %mul3A_396 = arith.muli %add3A_394, %mul3A_395 : i32
      %add3A_397 = arith.addi %mul3A_2, %mul3A_396 : i32
      %dma_start3A_398 = arith.constant 0 : i32
      %dma_start3A_399 = arith.constant 0 : i32
      %dma_start3A_400 = arith.constant 0 : i32
      %dma_start3A_401 = tpu.memref_slice %arg6[%dma_start3A_398, %dma_start3A_399, %dma_start3A_400] : memref<2x2x128xi32, #tpu.memory_space<vmem>> -> memref<1x1x128xi32, #tpu.memory_space<vmem>>
      %dma_start3A_402 = tpu.memref_squeeze %dma_start3A_401 : memref<1x1x128xi32, #tpu.memory_space<vmem>> -> memref<128xi32, #tpu.memory_space<vmem>>
      %dma_start3A_403 = tpu.memref_slice %arg3[%add3A_397] : memref<640000xi32, #tpu.memory_space<hbm>> -> memref<128xi32, #tpu.memory_space<hbm>>
      %dma_start3A_404 = arith.constant 0 : i32
      %dma_start3A_405 = tpu.memref_slice %arg6[%dma_start3A_398, %dma_start3A_399, %dma_start3A_404] : memref<2x2x128xi32, #tpu.memory_space<vmem>> -> memref<1x1x128xi32, #tpu.memory_space<vmem>>
      %dma_start3A_406 = tpu.memref_squeeze %dma_start3A_405 : memref<1x1x128xi32, #tpu.memory_space<vmem>> -> memref<128xi32, #tpu.memory_space<vmem>>
      %dma_start3A_407 = tpu.memref_slice %arg3[%add3A_397] : memref<640000xi32, #tpu.memory_space<hbm>> -> memref<128xi32, #tpu.memory_space<hbm>>
      tpu.enqueue_dma source(%dma_start3A_407 : memref<128xi32, #tpu.memory_space<hbm>>) target(%dma_start3A_406 : memref<128xi32, #tpu.memory_space<vmem>>) target_semaphore(%arg11 : memref<!tpu.dma_semaphore, #tpu.memory_space<semaphore_mem>>)
      %add3A_408 = arith.constant 320000 : i32
      %add3A_409 = arith.addi %add3A_408, %mul3A_2 : i32
      %mul3A_410 = arith.constant 128 : i32
      %mul3A_411 = arith.muli %add3A_394, %mul3A_410 : i32
      %add3A_412 = arith.addi %add3A_409, %mul3A_411 : i32
      %dma_start3A_413 = arith.constant 0 : i32
      %dma_start3A_414 = arith.constant 1 : i32
      %dma_start3A_415 = arith.constant 0 : i32
      %dma_start3A_416 = tpu.memref_slice %arg6[%dma_start3A_413, %dma_start3A_414, %dma_start3A_415] : memref<2x2x128xi32, #tpu.memory_space<vmem>> -> memref<1x1x128xi32, #tpu.memory_space<vmem>>
      %dma_start3A_417 = tpu.memref_squeeze %dma_start3A_416 : memref<1x1x128xi32, #tpu.memory_space<vmem>> -> memref<128xi32, #tpu.memory_space<vmem>>
      %dma_start3A_418 = tpu.memref_slice %arg3[%add3A_412] : memref<640000xi32, #tpu.memory_space<hbm>> -> memref<128xi32, #tpu.memory_space<hbm>>
      %dma_start3A_419 = arith.constant 0 : i32
      %dma_start3A_420 = tpu.memref_slice %arg6[%dma_start3A_413, %dma_start3A_414, %dma_start3A_419] : memref<2x2x128xi32, #tpu.memory_space<vmem>> -> memref<1x1x128xi32, #tpu.memory_space<vmem>>
      %dma_start3A_421 = tpu.memref_squeeze %dma_start3A_420 : memref<1x1x128xi32, #tpu.memory_space<vmem>> -> memref<128xi32, #tpu.memory_space<vmem>>
      %dma_start3A_422 = tpu.memref_slice %arg3[%add3A_412] : memref<640000xi32, #tpu.memory_space<hbm>> -> memref<128xi32, #tpu.memory_space<hbm>>
      tpu.enqueue_dma source(%dma_start3A_422 : memref<128xi32, #tpu.memory_space<hbm>>) target(%dma_start3A_421 : memref<128xi32, #tpu.memory_space<vmem>>) target_semaphore(%arg11 : memref<!tpu.dma_semaphore, #tpu.memory_space<semaphore_mem>>)
      %mul3A_423 = arith.constant 2 : i32
      %mul3A_424 = arith.muli %scan3A_332, %mul3A_423 : i32
      %add3A_425 = arith.constant 1 : i32
      %add3A_426 = arith.addi %mul3A_424, %add3A_425 : i32
      %dma_wait3A_427 = arith.constant 1 : i32
      %dma_wait3A_428 = arith.constant 0 : i32
      %dma_wait3A_429 = arith.constant 0 : i32
      %dma_wait3A_430 = tpu.memref_slice %arg6[%dma_wait3A_427, %dma_wait3A_428, %dma_wait3A_429] : memref<2x2x128xi32, #tpu.memory_space<vmem>> -> memref<1x1x128xi32, #tpu.memory_space<vmem>>
      %dma_wait3A_431 = tpu.memref_squeeze %dma_wait3A_430 : memref<1x1x128xi32, #tpu.memory_space<vmem>> -> memref<128xi32, #tpu.memory_space<vmem>>
      %dma_wait3A_432 = arith.constant 0 : i32
      %dma_wait3A_433 = arith.constant 0 : i32
      %dma_wait3A_434 = tpu.memref_slice %arg2[%dma_wait3A_432, %dma_wait3A_433] : memref<10000x128xf32, #tpu.memory_space<hbm>> -> memref<10000x128xf32, #tpu.memory_space<hbm>>
      tpu.wait_indirect_dma semaphore(%arg14 : memref<!tpu.dma_semaphore, #tpu.memory_space<semaphore_mem>>) src(%dma_wait3A_434 : memref<10000x128xf32, #tpu.memory_space<hbm>>) dst(%arg9 : memref<128x128xf32, #tpu.memory_space<vmem>>)
      %dma_wait3A_435 = arith.constant 0 : i32
      %dma_wait3A_436 = arith.constant 0 : i32
      %dma_wait3A_437 = arith.constant 0 : i32
      %dma_wait3A_438 = tpu.memref_slice %arg6[%dma_wait3A_435, %dma_wait3A_436, %dma_wait3A_437] : memref<2x2x128xi32, #tpu.memory_space<vmem>> -> memref<1x1x128xi32, #tpu.memory_space<vmem>>
      %dma_wait3A_439 = tpu.memref_squeeze %dma_wait3A_438 : memref<1x1x128xi32, #tpu.memory_space<vmem>> -> memref<128xi32, #tpu.memory_space<vmem>>
      %dma_wait3A_440 = arith.constant 0 : i32
      %dma_wait3A_441 = tpu.memref_slice %arg3[%dma_wait3A_440] : memref<640000xi32, #tpu.memory_space<hbm>> -> memref<128xi32, #tpu.memory_space<hbm>>
      %dma_wait3A_442 = arith.constant 0 : i32
      %dma_wait3A_443 = tpu.memref_slice %arg6[%dma_wait3A_435, %dma_wait3A_436, %dma_wait3A_442] : memref<2x2x128xi32, #tpu.memory_space<vmem>> -> memref<1x1x128xi32, #tpu.memory_space<vmem>>
      %dma_wait3A_444 = tpu.memref_squeeze %dma_wait3A_443 : memref<1x1x128xi32, #tpu.memory_space<vmem>> -> memref<128xi32, #tpu.memory_space<vmem>>
      %dma_wait3A_445 = arith.constant 0 : i32
      %dma_wait3A_446 = tpu.memref_slice %arg3[%dma_wait3A_445] : memref<640000xi32, #tpu.memory_space<hbm>> -> memref<128xi32, #tpu.memory_space<hbm>>
      tpu.wait_dma2 semaphore(%arg11 : memref<!tpu.dma_semaphore, #tpu.memory_space<semaphore_mem>>) src(%dma_wait3A_446 : memref<128xi32, #tpu.memory_space<hbm>>) dst(%dma_wait3A_444 : memref<128xi32, #tpu.memory_space<vmem>>)
      %dma_wait3A_447 = arith.constant 0 : i32
      %dma_wait3A_448 = arith.constant 1 : i32
      %dma_wait3A_449 = arith.constant 0 : i32
      %dma_wait3A_450 = tpu.memref_slice %arg6[%dma_wait3A_447, %dma_wait3A_448, %dma_wait3A_449] : memref<2x2x128xi32, #tpu.memory_space<vmem>> -> memref<1x1x128xi32, #tpu.memory_space<vmem>>
      %dma_wait3A_451 = tpu.memref_squeeze %dma_wait3A_450 : memref<1x1x128xi32, #tpu.memory_space<vmem>> -> memref<128xi32, #tpu.memory_space<vmem>>
      %dma_wait3A_452 = arith.constant 0 : i32
      %dma_wait3A_453 = tpu.memref_slice %arg3[%dma_wait3A_452] : memref<640000xi32, #tpu.memory_space<hbm>> -> memref<128xi32, #tpu.memory_space<hbm>>
      %dma_wait3A_454 = arith.constant 0 : i32
      %dma_wait3A_455 = tpu.memref_slice %arg6[%dma_wait3A_447, %dma_wait3A_448, %dma_wait3A_454] : memref<2x2x128xi32, #tpu.memory_space<vmem>> -> memref<1x1x128xi32, #tpu.memory_space<vmem>>
      %dma_wait3A_456 = tpu.memref_squeeze %dma_wait3A_455 : memref<1x1x128xi32, #tpu.memory_space<vmem>> -> memref<128xi32, #tpu.memory_space<vmem>>
      %dma_wait3A_457 = arith.constant 0 : i32
      %dma_wait3A_458 = tpu.memref_slice %arg3[%dma_wait3A_457] : memref<640000xi32, #tpu.memory_space<hbm>> -> memref<128xi32, #tpu.memory_space<hbm>>
      tpu.wait_dma2 semaphore(%arg11 : memref<!tpu.dma_semaphore, #tpu.memory_space<semaphore_mem>>) src(%dma_wait3A_458 : memref<128xi32, #tpu.memory_space<hbm>>) dst(%dma_wait3A_456 : memref<128xi32, #tpu.memory_space<vmem>>)
      %dma_start3A_459 = arith.constant 0 : i32
      %dma_start3A_460 = arith.constant 0 : i32
      %dma_start3A_461 = arith.constant 0 : i32
      %dma_start3A_462 = tpu.memref_slice %arg6[%dma_start3A_459, %dma_start3A_460, %dma_start3A_461] : memref<2x2x128xi32, #tpu.memory_space<vmem>> -> memref<1x1x128xi32, #tpu.memory_space<vmem>>
      %dma_start3A_463 = tpu.memref_squeeze %dma_start3A_462 : memref<1x1x128xi32, #tpu.memory_space<vmem>> -> memref<128xi32, #tpu.memory_space<vmem>>
      %dma_start3A_464 = arith.constant 0 : i32
      %dma_start3A_465 = arith.constant 0 : i32
      %dma_start3A_466 = tpu.memref_slice %arg2[%dma_start3A_464, %dma_start3A_465] : memref<10000x128xf32, #tpu.memory_space<hbm>> -> memref<10000x128xf32, #tpu.memory_space<hbm>>
      tpu.enqueue_indirect_dma source(%dma_start3A_466 : memref<10000x128xf32, #tpu.memory_space<hbm>>) target(%arg8 : memref<128x128xf32, #tpu.memory_space<vmem>>) offsets(%dma_start3A_463 : memref<128xi32, #tpu.memory_space<vmem>>) semaphore(%arg13 : memref<!tpu.dma_semaphore, #tpu.memory_space<semaphore_mem>>)
      %dma_start3A_467 = arith.constant 1 : i32
      %dma_start3A_468 = arith.constant 1 : i32
      %dma_start3A_469 = arith.constant 0 : i32
      %dma_start3A_470 = tpu.memref_slice %arg6[%dma_start3A_467, %dma_start3A_468, %dma_start3A_469] : memref<2x2x128xi32, #tpu.memory_space<vmem>> -> memref<1x1x128xi32, #tpu.memory_space<vmem>>
      %dma_start3A_471 = tpu.memref_squeeze %dma_start3A_470 : memref<1x1x128xi32, #tpu.memory_space<vmem>> -> memref<128xi32, #tpu.memory_space<vmem>>
      %dma_start3A_472 = arith.constant 0 : i32
      %dma_start3A_473 = arith.constant 0 : i32
      %dma_start3A_474 = tpu.memref_slice %arg10[%dma_start3A_472, %dma_start3A_473] : memref<10240x128xf32, #tpu.memory_space<vmem_shared>> -> memref<10240x128xf32, #tpu.memory_space<vmem_shared>>
      tpu.enqueue_indirect_dma source(%arg9 : memref<128x128xf32, #tpu.memory_space<vmem>>) target(%dma_start3A_474 : memref<10240x128xf32, #tpu.memory_space<vmem_shared>>) offsets(%dma_start3A_471 : memref<128xi32, #tpu.memory_space<vmem>>) semaphore(%arg16 : memref<!tpu.dma_semaphore, #tpu.memory_space<semaphore_mem>>) {add = true}
      %dma_wait3A_475 = arith.constant 1 : i32
      %dma_wait3A_476 = arith.constant 1 : i32
      %dma_wait3A_477 = arith.constant 0 : i32
      %dma_wait3A_478 = tpu.memref_slice %arg6[%dma_wait3A_475, %dma_wait3A_476, %dma_wait3A_477] : memref<2x2x128xi32, #tpu.memory_space<vmem>> -> memref<1x1x128xi32, #tpu.memory_space<vmem>>
      %dma_wait3A_479 = tpu.memref_squeeze %dma_wait3A_478 : memref<1x1x128xi32, #tpu.memory_space<vmem>> -> memref<128xi32, #tpu.memory_space<vmem>>
      %dma_wait3A_480 = arith.constant 0 : i32
      %dma_wait3A_481 = arith.constant 0 : i32
      %dma_wait3A_482 = tpu.memref_slice %arg10[%dma_wait3A_480, %dma_wait3A_481] : memref<10240x128xf32, #tpu.memory_space<vmem_shared>> -> memref<10240x128xf32, #tpu.memory_space<vmem_shared>>
      tpu.wait_indirect_dma semaphore(%arg16 : memref<!tpu.dma_semaphore, #tpu.memory_space<semaphore_mem>>) src(%arg9 : memref<128x128xf32, #tpu.memory_space<vmem>>) dst(%dma_wait3A_482 : memref<10240x128xf32, #tpu.memory_space<vmem_shared>>)
      %add3A_483 = arith.constant 2 : i32
      %add3A_484 = arith.addi %add3A_426, %add3A_483 : i32
      %mul3A_485 = arith.constant 128 : i32
      %mul3A_486 = arith.muli %add3A_484, %mul3A_485 : i32
      %add3A_487 = arith.addi %mul3A_2, %mul3A_486 : i32
      %dma_start3A_488 = arith.constant 1 : i32
      %dma_start3A_489 = arith.constant 0 : i32
      %dma_start3A_490 = arith.constant 0 : i32
      %dma_start3A_491 = tpu.memref_slice %arg6[%dma_start3A_488, %dma_start3A_489, %dma_start3A_490] : memref<2x2x128xi32, #tpu.memory_space<vmem>> -> memref<1x1x128xi32, #tpu.memory_space<vmem>>
      %dma_start3A_492 = tpu.memref_squeeze %dma_start3A_491 : memref<1x1x128xi32, #tpu.memory_space<vmem>> -> memref<128xi32, #tpu.memory_space<vmem>>
      %dma_start3A_493 = tpu.memref_slice %arg3[%add3A_487] : memref<640000xi32, #tpu.memory_space<hbm>> -> memref<128xi32, #tpu.memory_space<hbm>>
      %dma_start3A_494 = arith.constant 0 : i32
      %dma_start3A_495 = tpu.memref_slice %arg6[%dma_start3A_488, %dma_start3A_489, %dma_start3A_494] : memref<2x2x128xi32, #tpu.memory_space<vmem>> -> memref<1x1x128xi32, #tpu.memory_space<vmem>>
      %dma_start3A_496 = tpu.memref_squeeze %dma_start3A_495 : memref<1x1x128xi32, #tpu.memory_space<vmem>> -> memref<128xi32, #tpu.memory_space<vmem>>
      %dma_start3A_497 = tpu.memref_slice %arg3[%add3A_487] : memref<640000xi32, #tpu.memory_space<hbm>> -> memref<128xi32, #tpu.memory_space<hbm>>
      tpu.enqueue_dma source(%dma_start3A_497 : memref<128xi32, #tpu.memory_space<hbm>>) target(%dma_start3A_496 : memref<128xi32, #tpu.memory_space<vmem>>) target_semaphore(%arg12 : memref<!tpu.dma_semaphore, #tpu.memory_space<semaphore_mem>>)
      %add3A_498 = arith.constant 320000 : i32
      %add3A_499 = arith.addi %add3A_498, %mul3A_2 : i32
      %mul3A_500 = arith.constant 128 : i32
      %mul3A_501 = arith.muli %add3A_484, %mul3A_500 : i32
      %add3A_502 = arith.addi %add3A_499, %mul3A_501 : i32
      %dma_start3A_503 = arith.constant 1 : i32
      %dma_start3A_504 = arith.constant 1 : i32
      %dma_start3A_505 = arith.constant 0 : i32
      %dma_start3A_506 = tpu.memref_slice %arg6[%dma_start3A_503, %dma_start3A_504, %dma_start3A_505] : memref<2x2x128xi32, #tpu.memory_space<vmem>> -> memref<1x1x128xi32, #tpu.memory_space<vmem>>
      %dma_start3A_507 = tpu.memref_squeeze %dma_start3A_506 : memref<1x1x128xi32, #tpu.memory_space<vmem>> -> memref<128xi32, #tpu.memory_space<vmem>>
      %dma_start3A_508 = tpu.memref_slice %arg3[%add3A_502] : memref<640000xi32, #tpu.memory_space<hbm>> -> memref<128xi32, #tpu.memory_space<hbm>>
      %dma_start3A_509 = arith.constant 0 : i32
      %dma_start3A_510 = tpu.memref_slice %arg6[%dma_start3A_503, %dma_start3A_504, %dma_start3A_509] : memref<2x2x128xi32, #tpu.memory_space<vmem>> -> memref<1x1x128xi32, #tpu.memory_space<vmem>>
      %dma_start3A_511 = tpu.memref_squeeze %dma_start3A_510 : memref<1x1x128xi32, #tpu.memory_space<vmem>> -> memref<128xi32, #tpu.memory_space<vmem>>
      %dma_start3A_512 = tpu.memref_slice %arg3[%add3A_502] : memref<640000xi32, #tpu.memory_space<hbm>> -> memref<128xi32, #tpu.memory_space<hbm>>
      tpu.enqueue_dma source(%dma_start3A_512 : memref<128xi32, #tpu.memory_space<hbm>>) target(%dma_start3A_511 : memref<128xi32, #tpu.memory_space<vmem>>) target_semaphore(%arg12 : memref<!tpu.dma_semaphore, #tpu.memory_space<semaphore_mem>>)
    }
    %scan3A_119 = arith.constant 38 : i32
    %add3A_120 = arith.constant 9984 : i32
    %add3A_121 = arith.addi %mul3A_2, %add3A_120 : i32
    %dma_start3A_122 = arith.constant 0 : i32
    %dma_start3A_123 = arith.constant 0 : i32
    %dma_start3A_124 = tpu.memref_slice %arg7[%dma_start3A_122, %dma_start3A_123] : memref<2x16xi32, #tpu.memory_space<vmem>> -> memref<1x16xi32, #tpu.memory_space<vmem>>
    %dma_start3A_125 = tpu.memref_squeeze %dma_start3A_124 : memref<1x16xi32, #tpu.memory_space<vmem>> -> memref<16xi32, #tpu.memory_space<vmem>>
    %dma_start3A_126 = tpu.memref_slice %arg3[%add3A_121] : memref<640000xi32, #tpu.memory_space<hbm>> -> memref<16xi32, #tpu.memory_space<hbm>>
    %dma_start3A_127 = arith.constant 0 : i32
    %dma_start3A_128 = tpu.memref_slice %arg7[%dma_start3A_122, %dma_start3A_127] : memref<2x16xi32, #tpu.memory_space<vmem>> -> memref<1x16xi32, #tpu.memory_space<vmem>>
    %dma_start3A_129 = tpu.memref_squeeze %dma_start3A_128 : memref<1x16xi32, #tpu.memory_space<vmem>> -> memref<16xi32, #tpu.memory_space<vmem>>
    %dma_start3A_130 = tpu.memref_slice %arg3[%add3A_121] : memref<640000xi32, #tpu.memory_space<hbm>> -> memref<16xi32, #tpu.memory_space<hbm>>
    tpu.enqueue_dma source(%dma_start3A_130 : memref<16xi32, #tpu.memory_space<hbm>>) target(%dma_start3A_129 : memref<16xi32, #tpu.memory_space<vmem>>) target_semaphore(%arg11 : memref<!tpu.dma_semaphore, #tpu.memory_space<semaphore_mem>>)
    %add3A_131 = arith.constant 320000 : i32
    %add3A_132 = arith.addi %add3A_131, %mul3A_2 : i32
    %add3A_133 = arith.constant 9984 : i32
    %add3A_134 = arith.addi %add3A_132, %add3A_133 : i32
    %dma_start3A_135 = arith.constant 1 : i32
    %dma_start3A_136 = arith.constant 0 : i32
    %dma_start3A_137 = tpu.memref_slice %arg7[%dma_start3A_135, %dma_start3A_136] : memref<2x16xi32, #tpu.memory_space<vmem>> -> memref<1x16xi32, #tpu.memory_space<vmem>>
    %dma_start3A_138 = tpu.memref_squeeze %dma_start3A_137 : memref<1x16xi32, #tpu.memory_space<vmem>> -> memref<16xi32, #tpu.memory_space<vmem>>
    %dma_start3A_139 = tpu.memref_slice %arg3[%add3A_134] : memref<640000xi32, #tpu.memory_space<hbm>> -> memref<16xi32, #tpu.memory_space<hbm>>
    %dma_start3A_140 = arith.constant 0 : i32
    %dma_start3A_141 = tpu.memref_slice %arg7[%dma_start3A_135, %dma_start3A_140] : memref<2x16xi32, #tpu.memory_space<vmem>> -> memref<1x16xi32, #tpu.memory_space<vmem>>
    %dma_start3A_142 = tpu.memref_squeeze %dma_start3A_141 : memref<1x16xi32, #tpu.memory_space<vmem>> -> memref<16xi32, #tpu.memory_space<vmem>>
    %dma_start3A_143 = tpu.memref_slice %arg3[%add3A_134] : memref<640000xi32, #tpu.memory_space<hbm>> -> memref<16xi32, #tpu.memory_space<hbm>>
    tpu.enqueue_dma source(%dma_start3A_143 : memref<16xi32, #tpu.memory_space<hbm>>) target(%dma_start3A_142 : memref<16xi32, #tpu.memory_space<vmem>>) target_semaphore(%arg11 : memref<!tpu.dma_semaphore, #tpu.memory_space<semaphore_mem>>)
    %dma_wait3A_144 = arith.constant 0 : i32
    %dma_wait3A_145 = arith.constant 0 : i32
    %dma_wait3A_146 = arith.constant 0 : i32
    %dma_wait3A_147 = tpu.memref_slice %arg6[%dma_wait3A_144, %dma_wait3A_145, %dma_wait3A_146] : memref<2x2x128xi32, #tpu.memory_space<vmem>> -> memref<1x1x128xi32, #tpu.memory_space<vmem>>
    %dma_wait3A_148 = tpu.memref_squeeze %dma_wait3A_147 : memref<1x1x128xi32, #tpu.memory_space<vmem>> -> memref<128xi32, #tpu.memory_space<vmem>>
    %dma_wait3A_149 = arith.constant 0 : i32
    %dma_wait3A_150 = arith.constant 0 : i32
    %dma_wait3A_151 = tpu.memref_slice %arg2[%dma_wait3A_149, %dma_wait3A_150] : memref<10000x128xf32, #tpu.memory_space<hbm>> -> memref<10000x128xf32, #tpu.memory_space<hbm>>
    tpu.wait_indirect_dma semaphore(%arg13 : memref<!tpu.dma_semaphore, #tpu.memory_space<semaphore_mem>>) src(%dma_wait3A_151 : memref<10000x128xf32, #tpu.memory_space<hbm>>) dst(%arg8 : memref<128x128xf32, #tpu.memory_space<vmem>>)
    %dma_wait3A_152 = arith.constant 1 : i32
    %dma_wait3A_153 = arith.constant 0 : i32
    %dma_wait3A_154 = arith.constant 0 : i32
    %dma_wait3A_155 = tpu.memref_slice %arg6[%dma_wait3A_152, %dma_wait3A_153, %dma_wait3A_154] : memref<2x2x128xi32, #tpu.memory_space<vmem>> -> memref<1x1x128xi32, #tpu.memory_space<vmem>>
    %dma_wait3A_156 = tpu.memref_squeeze %dma_wait3A_155 : memref<1x1x128xi32, #tpu.memory_space<vmem>> -> memref<128xi32, #tpu.memory_space<vmem>>
    %dma_wait3A_157 = arith.constant 0 : i32
    %dma_wait3A_158 = tpu.memref_slice %arg3[%dma_wait3A_157] : memref<640000xi32, #tpu.memory_space<hbm>> -> memref<128xi32, #tpu.memory_space<hbm>>
    %dma_wait3A_159 = arith.constant 0 : i32
    %dma_wait3A_160 = tpu.memref_slice %arg6[%dma_wait3A_152, %dma_wait3A_153, %dma_wait3A_159] : memref<2x2x128xi32, #tpu.memory_space<vmem>> -> memref<1x1x128xi32, #tpu.memory_space<vmem>>
    %dma_wait3A_161 = tpu.memref_squeeze %dma_wait3A_160 : memref<1x1x128xi32, #tpu.memory_space<vmem>> -> memref<128xi32, #tpu.memory_space<vmem>>
    %dma_wait3A_162 = arith.constant 0 : i32
    %dma_wait3A_163 = tpu.memref_slice %arg3[%dma_wait3A_162] : memref<640000xi32, #tpu.memory_space<hbm>> -> memref<128xi32, #tpu.memory_space<hbm>>
    tpu.wait_dma2 semaphore(%arg12 : memref<!tpu.dma_semaphore, #tpu.memory_space<semaphore_mem>>) src(%dma_wait3A_163 : memref<128xi32, #tpu.memory_space<hbm>>) dst(%dma_wait3A_161 : memref<128xi32, #tpu.memory_space<vmem>>)
    %dma_wait3A_164 = arith.constant 1 : i32
    %dma_wait3A_165 = arith.constant 1 : i32
    %dma_wait3A_166 = arith.constant 0 : i32
    %dma_wait3A_167 = tpu.memref_slice %arg6[%dma_wait3A_164, %dma_wait3A_165, %dma_wait3A_166] : memref<2x2x128xi32, #tpu.memory_space<vmem>> -> memref<1x1x128xi32, #tpu.memory_space<vmem>>
    %dma_wait3A_168 = tpu.memref_squeeze %dma_wait3A_167 : memref<1x1x128xi32, #tpu.memory_space<vmem>> -> memref<128xi32, #tpu.memory_space<vmem>>
    %dma_wait3A_169 = arith.constant 0 : i32
    %dma_wait3A_170 = tpu.memref_slice %arg3[%dma_wait3A_169] : memref<640000xi32, #tpu.memory_space<hbm>> -> memref<128xi32, #tpu.memory_space<hbm>>
    %dma_wait3A_171 = arith.constant 0 : i32
    %dma_wait3A_172 = tpu.memref_slice %arg6[%dma_wait3A_164, %dma_wait3A_165, %dma_wait3A_171] : memref<2x2x128xi32, #tpu.memory_space<vmem>> -> memref<1x1x128xi32, #tpu.memory_space<vmem>>
    %dma_wait3A_173 = tpu.memref_squeeze %dma_wait3A_172 : memref<1x1x128xi32, #tpu.memory_space<vmem>> -> memref<128xi32, #tpu.memory_space<vmem>>
    %dma_wait3A_174 = arith.constant 0 : i32
    %dma_wait3A_175 = tpu.memref_slice %arg3[%dma_wait3A_174] : memref<640000xi32, #tpu.memory_space<hbm>> -> memref<128xi32, #tpu.memory_space<hbm>>
    tpu.wait_dma2 semaphore(%arg12 : memref<!tpu.dma_semaphore, #tpu.memory_space<semaphore_mem>>) src(%dma_wait3A_175 : memref<128xi32, #tpu.memory_space<hbm>>) dst(%dma_wait3A_173 : memref<128xi32, #tpu.memory_space<vmem>>)
    %dma_start3A_176 = arith.constant 1 : i32
    %dma_start3A_177 = arith.constant 0 : i32
    %dma_start3A_178 = arith.constant 0 : i32
    %dma_start3A_179 = tpu.memref_slice %arg6[%dma_start3A_176, %dma_start3A_177, %dma_start3A_178] : memref<2x2x128xi32, #tpu.memory_space<vmem>> -> memref<1x1x128xi32, #tpu.memory_space<vmem>>
    %dma_start3A_180 = tpu.memref_squeeze %dma_start3A_179 : memref<1x1x128xi32, #tpu.memory_space<vmem>> -> memref<128xi32, #tpu.memory_space<vmem>>
    %dma_start3A_181 = arith.constant 0 : i32
    %dma_start3A_182 = arith.constant 0 : i32
    %dma_start3A_183 = tpu.memref_slice %arg2[%dma_start3A_181, %dma_start3A_182] : memref<10000x128xf32, #tpu.memory_space<hbm>> -> memref<10000x128xf32, #tpu.memory_space<hbm>>
    tpu.enqueue_indirect_dma source(%dma_start3A_183 : memref<10000x128xf32, #tpu.memory_space<hbm>>) target(%arg9 : memref<128x128xf32, #tpu.memory_space<vmem>>) offsets(%dma_start3A_180 : memref<128xi32, #tpu.memory_space<vmem>>) semaphore(%arg14 : memref<!tpu.dma_semaphore, #tpu.memory_space<semaphore_mem>>)
    %dma_start3A_184 = arith.constant 0 : i32
    %dma_start3A_185 = arith.constant 1 : i32
    %dma_start3A_186 = arith.constant 0 : i32
    %dma_start3A_187 = tpu.memref_slice %arg6[%dma_start3A_184, %dma_start3A_185, %dma_start3A_186] : memref<2x2x128xi32, #tpu.memory_space<vmem>> -> memref<1x1x128xi32, #tpu.memory_space<vmem>>
    %dma_start3A_188 = tpu.memref_squeeze %dma_start3A_187 : memref<1x1x128xi32, #tpu.memory_space<vmem>> -> memref<128xi32, #tpu.memory_space<vmem>>
    %dma_start3A_189 = arith.constant 0 : i32
    %dma_start3A_190 = arith.constant 0 : i32
    %dma_start3A_191 = tpu.memref_slice %arg10[%dma_start3A_189, %dma_start3A_190] : memref<10240x128xf32, #tpu.memory_space<vmem_shared>> -> memref<10240x128xf32, #tpu.memory_space<vmem_shared>>
    tpu.enqueue_indirect_dma source(%arg8 : memref<128x128xf32, #tpu.memory_space<vmem>>) target(%dma_start3A_191 : memref<10240x128xf32, #tpu.memory_space<vmem_shared>>) offsets(%dma_start3A_188 : memref<128xi32, #tpu.memory_space<vmem>>) semaphore(%arg15 : memref<!tpu.dma_semaphore, #tpu.memory_space<semaphore_mem>>) {add = true}
    %dma_wait3A_192 = arith.constant 0 : i32
    %dma_wait3A_193 = arith.constant 1 : i32
    %dma_wait3A_194 = arith.constant 0 : i32
    %dma_wait3A_195 = tpu.memref_slice %arg6[%dma_wait3A_192, %dma_wait3A_193, %dma_wait3A_194] : memref<2x2x128xi32, #tpu.memory_space<vmem>> -> memref<1x1x128xi32, #tpu.memory_space<vmem>>
    %dma_wait3A_196 = tpu.memref_squeeze %dma_wait3A_195 : memref<1x1x128xi32, #tpu.memory_space<vmem>> -> memref<128xi32, #tpu.memory_space<vmem>>
    %dma_wait3A_197 = arith.constant 0 : i32
    %dma_wait3A_198 = arith.constant 0 : i32
    %dma_wait3A_199 = tpu.memref_slice %arg10[%dma_wait3A_197, %dma_wait3A_198] : memref<10240x128xf32, #tpu.memory_space<vmem_shared>> -> memref<10240x128xf32, #tpu.memory_space<vmem_shared>>
    tpu.wait_indirect_dma semaphore(%arg15 : memref<!tpu.dma_semaphore, #tpu.memory_space<semaphore_mem>>) src(%arg8 : memref<128x128xf32, #tpu.memory_space<vmem>>) dst(%dma_wait3A_199 : memref<10240x128xf32, #tpu.memory_space<vmem_shared>>)
    %dma_wait3A_200 = arith.constant 1 : i32
    %dma_wait3A_201 = arith.constant 0 : i32
    %dma_wait3A_202 = arith.constant 0 : i32
    %dma_wait3A_203 = tpu.memref_slice %arg6[%dma_wait3A_200, %dma_wait3A_201, %dma_wait3A_202] : memref<2x2x128xi32, #tpu.memory_space<vmem>> -> memref<1x1x128xi32, #tpu.memory_space<vmem>>
    %dma_wait3A_204 = tpu.memref_squeeze %dma_wait3A_203 : memref<1x1x128xi32, #tpu.memory_space<vmem>> -> memref<128xi32, #tpu.memory_space<vmem>>
    %dma_wait3A_205 = arith.constant 0 : i32
    %dma_wait3A_206 = arith.constant 0 : i32
    %dma_wait3A_207 = tpu.memref_slice %arg2[%dma_wait3A_205, %dma_wait3A_206] : memref<10000x128xf32, #tpu.memory_space<hbm>> -> memref<10000x128xf32, #tpu.memory_space<hbm>>
    tpu.wait_indirect_dma semaphore(%arg14 : memref<!tpu.dma_semaphore, #tpu.memory_space<semaphore_mem>>) src(%dma_wait3A_207 : memref<10000x128xf32, #tpu.memory_space<hbm>>) dst(%arg9 : memref<128x128xf32, #tpu.memory_space<vmem>>)
    %dma_start3A_208 = arith.constant 1 : i32
    %dma_start3A_209 = arith.constant 1 : i32
    %dma_start3A_210 = arith.constant 0 : i32
    %dma_start3A_211 = tpu.memref_slice %arg6[%dma_start3A_208, %dma_start3A_209, %dma_start3A_210] : memref<2x2x128xi32, #tpu.memory_space<vmem>> -> memref<1x1x128xi32, #tpu.memory_space<vmem>>
    %dma_start3A_212 = tpu.memref_squeeze %dma_start3A_211 : memref<1x1x128xi32, #tpu.memory_space<vmem>> -> memref<128xi32, #tpu.memory_space<vmem>>
    %dma_start3A_213 = arith.constant 0 : i32
    %dma_start3A_214 = arith.constant 0 : i32
    %dma_start3A_215 = tpu.memref_slice %arg10[%dma_start3A_213, %dma_start3A_214] : memref<10240x128xf32, #tpu.memory_space<vmem_shared>> -> memref<10240x128xf32, #tpu.memory_space<vmem_shared>>
    tpu.enqueue_indirect_dma source(%arg9 : memref<128x128xf32, #tpu.memory_space<vmem>>) target(%dma_start3A_215 : memref<10240x128xf32, #tpu.memory_space<vmem_shared>>) offsets(%dma_start3A_212 : memref<128xi32, #tpu.memory_space<vmem>>) semaphore(%arg16 : memref<!tpu.dma_semaphore, #tpu.memory_space<semaphore_mem>>) {add = true}
    %dma_wait3A_216 = arith.constant 1 : i32
    %dma_wait3A_217 = arith.constant 1 : i32
    %dma_wait3A_218 = arith.constant 0 : i32
    %dma_wait3A_219 = tpu.memref_slice %arg6[%dma_wait3A_216, %dma_wait3A_217, %dma_wait3A_218] : memref<2x2x128xi32, #tpu.memory_space<vmem>> -> memref<1x1x128xi32, #tpu.memory_space<vmem>>
    %dma_wait3A_220 = tpu.memref_squeeze %dma_wait3A_219 : memref<1x1x128xi32, #tpu.memory_space<vmem>> -> memref<128xi32, #tpu.memory_space<vmem>>
    %dma_wait3A_221 = arith.constant 0 : i32
    %dma_wait3A_222 = arith.constant 0 : i32
    %dma_wait3A_223 = tpu.memref_slice %arg10[%dma_wait3A_221, %dma_wait3A_222] : memref<10240x128xf32, #tpu.memory_space<vmem_shared>> -> memref<10240x128xf32, #tpu.memory_space<vmem_shared>>
    tpu.wait_indirect_dma semaphore(%arg16 : memref<!tpu.dma_semaphore, #tpu.memory_space<semaphore_mem>>) src(%arg9 : memref<128x128xf32, #tpu.memory_space<vmem>>) dst(%dma_wait3A_223 : memref<10240x128xf32, #tpu.memory_space<vmem_shared>>)
    %dma_wait3A_224 = arith.constant 0 : i32
    %dma_wait3A_225 = arith.constant 0 : i32
    %dma_wait3A_226 = tpu.memref_slice %arg7[%dma_wait3A_224, %dma_wait3A_225] : memref<2x16xi32, #tpu.memory_space<vmem>> -> memref<1x16xi32, #tpu.memory_space<vmem>>
    %dma_wait3A_227 = tpu.memref_squeeze %dma_wait3A_226 : memref<1x16xi32, #tpu.memory_space<vmem>> -> memref<16xi32, #tpu.memory_space<vmem>>
    %dma_wait3A_228 = arith.constant 0 : i32
    %dma_wait3A_229 = tpu.memref_slice %arg3[%dma_wait3A_228] : memref<640000xi32, #tpu.memory_space<hbm>> -> memref<16xi32, #tpu.memory_space<hbm>>
    %dma_wait3A_230 = arith.constant 0 : i32
    %dma_wait3A_231 = tpu.memref_slice %arg7[%dma_wait3A_224, %dma_wait3A_230] : memref<2x16xi32, #tpu.memory_space<vmem>> -> memref<1x16xi32, #tpu.memory_space<vmem>>
    %dma_wait3A_232 = tpu.memref_squeeze %dma_wait3A_231 : memref<1x16xi32, #tpu.memory_space<vmem>> -> memref<16xi32, #tpu.memory_space<vmem>>
    %dma_wait3A_233 = arith.constant 0 : i32
    %dma_wait3A_234 = tpu.memref_slice %arg3[%dma_wait3A_233] : memref<640000xi32, #tpu.memory_space<hbm>> -> memref<16xi32, #tpu.memory_space<hbm>>
    tpu.wait_dma2 semaphore(%arg11 : memref<!tpu.dma_semaphore, #tpu.memory_space<semaphore_mem>>) src(%dma_wait3A_234 : memref<16xi32, #tpu.memory_space<hbm>>) dst(%dma_wait3A_232 : memref<16xi32, #tpu.memory_space<vmem>>)
    %dma_wait3A_235 = arith.constant 1 : i32
    %dma_wait3A_236 = arith.constant 0 : i32
    %dma_wait3A_237 = tpu.memref_slice %arg7[%dma_wait3A_235, %dma_wait3A_236] : memref<2x16xi32, #tpu.memory_space<vmem>> -> memref<1x16xi32, #tpu.memory_space<vmem>>
    %dma_wait3A_238 = tpu.memref_squeeze %dma_wait3A_237 : memref<1x16xi32, #tpu.memory_space<vmem>> -> memref<16xi32, #tpu.memory_space<vmem>>
    %dma_wait3A_239 = arith.constant 0 : i32
    %dma_wait3A_240 = tpu.memref_slice %arg3[%dma_wait3A_239] : memref<640000xi32, #tpu.memory_space<hbm>> -> memref<16xi32, #tpu.memory_space<hbm>>
    %dma_wait3A_241 = arith.constant 0 : i32
    %dma_wait3A_242 = tpu.memref_slice %arg7[%dma_wait3A_235, %dma_wait3A_241] : memref<2x16xi32, #tpu.memory_space<vmem>> -> memref<1x16xi32, #tpu.memory_space<vmem>>
    %dma_wait3A_243 = tpu.memref_squeeze %dma_wait3A_242 : memref<1x16xi32, #tpu.memory_space<vmem>> -> memref<16xi32, #tpu.memory_space<vmem>>
    %dma_wait3A_244 = arith.constant 0 : i32
    %dma_wait3A_245 = tpu.memref_slice %arg3[%dma_wait3A_244] : memref<640000xi32, #tpu.memory_space<hbm>> -> memref<16xi32, #tpu.memory_space<hbm>>
    tpu.wait_dma2 semaphore(%arg11 : memref<!tpu.dma_semaphore, #tpu.memory_space<semaphore_mem>>) src(%dma_wait3A_245 : memref<16xi32, #tpu.memory_space<hbm>>) dst(%dma_wait3A_243 : memref<16xi32, #tpu.memory_space<vmem>>)
    %dma_start3A_246 = arith.constant 0 : i32
    %dma_start3A_247 = arith.constant 0 : i32
    %dma_start3A_248 = arith.constant 0 : i32
    %dma_start3A_249 = tpu.memref_slice %arg8[%dma_start3A_247, %dma_start3A_248] : memref<128x128xf32, #tpu.memory_space<vmem>> -> memref<16x128xf32, #tpu.memory_space<vmem>>
    %dma_start3A_250 = arith.constant 0 : i32
    %dma_start3A_251 = tpu.memref_slice %arg7[%dma_start3A_246, %dma_start3A_250] : memref<2x16xi32, #tpu.memory_space<vmem>> -> memref<1x16xi32, #tpu.memory_space<vmem>>
    %dma_start3A_252 = tpu.memref_squeeze %dma_start3A_251 : memref<1x16xi32, #tpu.memory_space<vmem>> -> memref<16xi32, #tpu.memory_space<vmem>>
    %dma_start3A_253 = arith.constant 0 : i32
    %dma_start3A_254 = arith.constant 0 : i32
    %dma_start3A_255 = tpu.memref_slice %arg2[%dma_start3A_253, %dma_start3A_254] : memref<10000x128xf32, #tpu.memory_space<hbm>> -> memref<10000x128xf32, #tpu.memory_space<hbm>>
    tpu.enqueue_indirect_dma source(%dma_start3A_255 : memref<10000x128xf32, #tpu.memory_space<hbm>>) target(%dma_start3A_249 : memref<16x128xf32, #tpu.memory_space<vmem>>) offsets(%dma_start3A_252 : memref<16xi32, #tpu.memory_space<vmem>>) semaphore(%arg13 : memref<!tpu.dma_semaphore, #tpu.memory_space<semaphore_mem>>)
    %dma_wait3A_256 = arith.constant 0 : i32
    %dma_wait3A_257 = arith.constant 0 : i32
    %dma_wait3A_258 = arith.constant 0 : i32
    %dma_wait3A_259 = tpu.memref_slice %arg8[%dma_wait3A_257, %dma_wait3A_258] : memref<128x128xf32, #tpu.memory_space<vmem>> -> memref<16x128xf32, #tpu.memory_space<vmem>>
    %dma_wait3A_260 = arith.constant 0 : i32
    %dma_wait3A_261 = tpu.memref_slice %arg7[%dma_wait3A_256, %dma_wait3A_260] : memref<2x16xi32, #tpu.memory_space<vmem>> -> memref<1x16xi32, #tpu.memory_space<vmem>>
    %dma_wait3A_262 = tpu.memref_squeeze %dma_wait3A_261 : memref<1x16xi32, #tpu.memory_space<vmem>> -> memref<16xi32, #tpu.memory_space<vmem>>
    %dma_wait3A_263 = arith.constant 0 : i32
    %dma_wait3A_264 = arith.constant 0 : i32
    %dma_wait3A_265 = tpu.memref_slice %arg2[%dma_wait3A_263, %dma_wait3A_264] : memref<10000x128xf32, #tpu.memory_space<hbm>> -> memref<10000x128xf32, #tpu.memory_space<hbm>>
    tpu.wait_indirect_dma semaphore(%arg13 : memref<!tpu.dma_semaphore, #tpu.memory_space<semaphore_mem>>) src(%dma_wait3A_265 : memref<10000x128xf32, #tpu.memory_space<hbm>>) dst(%dma_wait3A_259 : memref<16x128xf32, #tpu.memory_space<vmem>>)
    %dma_start3A_266 = arith.constant 1 : i32
    %dma_start3A_267 = arith.constant 0 : i32
    %dma_start3A_268 = arith.constant 0 : i32
    %dma_start3A_269 = tpu.memref_slice %arg8[%dma_start3A_267, %dma_start3A_268] : memref<128x128xf32, #tpu.memory_space<vmem>> -> memref<16x128xf32, #tpu.memory_space<vmem>>
    %dma_start3A_270 = arith.constant 0 : i32
    %dma_start3A_271 = tpu.memref_slice %arg7[%dma_start3A_266, %dma_start3A_270] : memref<2x16xi32, #tpu.memory_space<vmem>> -> memref<1x16xi32, #tpu.memory_space<vmem>>
    %dma_start3A_272 = tpu.memref_squeeze %dma_start3A_271 : memref<1x16xi32, #tpu.memory_space<vmem>> -> memref<16xi32, #tpu.memory_space<vmem>>
    %dma_start3A_273 = arith.constant 0 : i32
    %dma_start3A_274 = arith.constant 0 : i32
    %dma_start3A_275 = tpu.memref_slice %arg10[%dma_start3A_273, %dma_start3A_274] : memref<10240x128xf32, #tpu.memory_space<vmem_shared>> -> memref<10240x128xf32, #tpu.memory_space<vmem_shared>>
    tpu.enqueue_indirect_dma source(%dma_start3A_269 : memref<16x128xf32, #tpu.memory_space<vmem>>) target(%dma_start3A_275 : memref<10240x128xf32, #tpu.memory_space<vmem_shared>>) offsets(%dma_start3A_272 : memref<16xi32, #tpu.memory_space<vmem>>) semaphore(%arg15 : memref<!tpu.dma_semaphore, #tpu.memory_space<semaphore_mem>>) {add = true}
    %dma_wait3A_276 = arith.constant 1 : i32
    %dma_wait3A_277 = arith.constant 0 : i32
    %dma_wait3A_278 = arith.constant 0 : i32
    %dma_wait3A_279 = tpu.memref_slice %arg8[%dma_wait3A_277, %dma_wait3A_278] : memref<128x128xf32, #tpu.memory_space<vmem>> -> memref<16x128xf32, #tpu.memory_space<vmem>>
    %dma_wait3A_280 = arith.constant 0 : i32
    %dma_wait3A_281 = tpu.memref_slice %arg7[%dma_wait3A_276, %dma_wait3A_280] : memref<2x16xi32, #tpu.memory_space<vmem>> -> memref<1x16xi32, #tpu.memory_space<vmem>>
    %dma_wait3A_282 = tpu.memref_squeeze %dma_wait3A_281 : memref<1x16xi32, #tpu.memory_space<vmem>> -> memref<16xi32, #tpu.memory_space<vmem>>
    %dma_wait3A_283 = arith.constant 0 : i32
    %dma_wait3A_284 = arith.constant 0 : i32
    %dma_wait3A_285 = tpu.memref_slice %arg10[%dma_wait3A_283, %dma_wait3A_284] : memref<10240x128xf32, #tpu.memory_space<vmem_shared>> -> memref<10240x128xf32, #tpu.memory_space<vmem_shared>>
    tpu.wait_indirect_dma semaphore(%arg15 : memref<!tpu.dma_semaphore, #tpu.memory_space<semaphore_mem>>) src(%dma_wait3A_279 : memref<16x128xf32, #tpu.memory_space<vmem>>) dst(%dma_wait3A_285 : memref<10240x128xf32, #tpu.memory_space<vmem_shared>>)
    %barrier3A_286 = arith.constant 0 : index
    tpu.barrier barrier_id(%barrier3A_286)
    %mul3A_287 = arith.constant 5 : i32
    %mul3A_288 = arith.muli %arg1, %mul3A_287 : i32
    %add3A_289 = arith.constant 0 : i32
    %add3A_290 = arith.addi %mul3A_288, %add3A_289 : i32
    %mul3A_291 = arith.constant 128 : i32
    %mul3A_292 = arith.muli %add3A_290, %mul3A_291 : i32
    %mul3A_293 = arith.constant 10400 : i32
    %mul3A_294 = arith.muli %arg0, %mul3A_293 : i32
    %add3A_295 = arith.addi %mul3A_294, %mul3A_292 : i32
    "tpu.region"() ({
      %run_scoped3A = tpu.sem_alloc : memref<!tpu.dma_semaphore, #tpu.memory_space<semaphore_mem>>
      %dma_start3A_332 = arith.constant 0 : i32
      %dma_start3A_333 = tpu.memref_slice %arg5[%add3A_295, %dma_start3A_332] : memref<20640x128xf32, #tpu.memory_space<hbm>> -> memref<128x128xf32, #tpu.memory_space<hbm>>
      %dma_start3A_334 = arith.constant 0 : i32
      %dma_start3A_335 = tpu.memref_slice %arg10[%mul3A_292, %dma_start3A_334] : memref<10240x128xf32, #tpu.memory_space<vmem_shared>> -> memref<128x128xf32, #tpu.memory_space<vmem_shared>>
      tpu.enqueue_dma source(%dma_start3A_335 : memref<128x128xf32, #tpu.memory_space<vmem_shared>>) target(%dma_start3A_333 : memref<128x128xf32, #tpu.memory_space<hbm>>) target_semaphore(%run_scoped3A : memref<!tpu.dma_semaphore, #tpu.memory_space<semaphore_mem>>)
      %dma_wait3A_336 = arith.constant 0 : i32
      %dma_wait3A_337 = tpu.memref_slice %arg5[%add3A_295, %dma_wait3A_336] : memref<20640x128xf32, #tpu.memory_space<hbm>> -> memref<128x128xf32, #tpu.memory_space<hbm>>
      %dma_wait3A_338 = arith.constant 0 : i32
      %dma_wait3A_339 = tpu.memref_slice %arg10[%mul3A_292, %dma_wait3A_338] : memref<10240x128xf32, #tpu.memory_space<vmem_shared>> -> memref<128x128xf32, #tpu.memory_space<vmem_shared>>
      tpu.wait_dma2 semaphore(%run_scoped3A : memref<!tpu.dma_semaphore, #tpu.memory_space<semaphore_mem>>) src(%dma_wait3A_339 : memref<128x128xf32, #tpu.memory_space<vmem_shared>>) dst(%dma_wait3A_337 : memref<128x128xf32, #tpu.memory_space<hbm>>)
      tpu.yield
    }) : () -> ()
    %mul3A_296 = arith.constant 5 : i32
    %mul3A_297 = arith.muli %arg1, %mul3A_296 : i32
    %add3A_298 = arith.constant 1 : i32
    %add3A_299 = arith.addi %mul3A_297, %add3A_298 : i32
    %mul3A_300 = arith.constant 128 : i32
    %mul3A_301 = arith.muli %add3A_299, %mul3A_300 : i32
    %mul3A_302 = arith.constant 10400 : i32
    %mul3A_303 = arith.muli %arg0, %mul3A_302 : i32
    %add3A_304 = arith.addi %mul3A_303, %mul3A_301 : i32
    "tpu.region"() ({
      %run_scoped3A = tpu.sem_alloc : memref<!tpu.dma_semaphore, #tpu.memory_space<semaphore_mem>>
      %dma_start3A_332 = arith.constant 0 : i32
      %dma_start3A_333 = tpu.memref_slice %arg5[%add3A_304, %dma_start3A_332] : memref<20640x128xf32, #tpu.memory_space<hbm>> -> memref<128x128xf32, #tpu.memory_space<hbm>>
      %dma_start3A_334 = arith.constant 0 : i32
      %dma_start3A_335 = tpu.memref_slice %arg10[%mul3A_301, %dma_start3A_334] : memref<10240x128xf32, #tpu.memory_space<vmem_shared>> -> memref<128x128xf32, #tpu.memory_space<vmem_shared>>
      tpu.enqueue_dma source(%dma_start3A_335 : memref<128x128xf32, #tpu.memory_space<vmem_shared>>) target(%dma_start3A_333 : memref<128x128xf32, #tpu.memory_space<hbm>>) target_semaphore(%run_scoped3A : memref<!tpu.dma_semaphore, #tpu.memory_space<semaphore_mem>>)
      %dma_wait3A_336 = arith.constant 0 : i32
      %dma_wait3A_337 = tpu.memref_slice %arg5[%add3A_304, %dma_wait3A_336] : memref<20640x128xf32, #tpu.memory_space<hbm>> -> memref<128x128xf32, #tpu.memory_space<hbm>>
      %dma_wait3A_338 = arith.constant 0 : i32
      %dma_wait3A_339 = tpu.memref_slice %arg10[%mul3A_301, %dma_wait3A_338] : memref<10240x128xf32, #tpu.memory_space<vmem_shared>> -> memref<128x128xf32, #tpu.memory_space<vmem_shared>>
      tpu.wait_dma2 semaphore(%run_scoped3A : memref<!tpu.dma_semaphore, #tpu.memory_space<semaphore_mem>>) src(%dma_wait3A_339 : memref<128x128xf32, #tpu.memory_space<vmem_shared>>) dst(%dma_wait3A_337 : memref<128x128xf32, #tpu.memory_space<hbm>>)
      tpu.yield
    }) : () -> ()
    %mul3A_305 = arith.constant 5 : i32
    %mul3A_306 = arith.muli %arg1, %mul3A_305 : i32
    %add3A_307 = arith.constant 2 : i32
    %add3A_308 = arith.addi %mul3A_306, %add3A_307 : i32
    %mul3A_309 = arith.constant 128 : i32
    %mul3A_310 = arith.muli %add3A_308, %mul3A_309 : i32
    %mul3A_311 = arith.constant 10400 : i32
    %mul3A_312 = arith.muli %arg0, %mul3A_311 : i32
    %add3A_313 = arith.addi %mul3A_312, %mul3A_310 : i32
    "tpu.region"() ({
      %run_scoped3A = tpu.sem_alloc : memref<!tpu.dma_semaphore, #tpu.memory_space<semaphore_mem>>
      %dma_start3A_332 = arith.constant 0 : i32
      %dma_start3A_333 = tpu.memref_slice %arg5[%add3A_313, %dma_start3A_332] : memref<20640x128xf32, #tpu.memory_space<hbm>> -> memref<128x128xf32, #tpu.memory_space<hbm>>
      %dma_start3A_334 = arith.constant 0 : i32
      %dma_start3A_335 = tpu.memref_slice %arg10[%mul3A_310, %dma_start3A_334] : memref<10240x128xf32, #tpu.memory_space<vmem_shared>> -> memref<128x128xf32, #tpu.memory_space<vmem_shared>>
      tpu.enqueue_dma source(%dma_start3A_335 : memref<128x128xf32, #tpu.memory_space<vmem_shared>>) target(%dma_start3A_333 : memref<128x128xf32, #tpu.memory_space<hbm>>) target_semaphore(%run_scoped3A : memref<!tpu.dma_semaphore, #tpu.memory_space<semaphore_mem>>)
      %dma_wait3A_336 = arith.constant 0 : i32
      %dma_wait3A_337 = tpu.memref_slice %arg5[%add3A_313, %dma_wait3A_336] : memref<20640x128xf32, #tpu.memory_space<hbm>> -> memref<128x128xf32, #tpu.memory_space<hbm>>
      %dma_wait3A_338 = arith.constant 0 : i32
      %dma_wait3A_339 = tpu.memref_slice %arg10[%mul3A_310, %dma_wait3A_338] : memref<10240x128xf32, #tpu.memory_space<vmem_shared>> -> memref<128x128xf32, #tpu.memory_space<vmem_shared>>
      tpu.wait_dma2 semaphore(%run_scoped3A : memref<!tpu.dma_semaphore, #tpu.memory_space<semaphore_mem>>) src(%dma_wait3A_339 : memref<128x128xf32, #tpu.memory_space<vmem_shared>>) dst(%dma_wait3A_337 : memref<128x128xf32, #tpu.memory_space<hbm>>)
      tpu.yield
    }) : () -> ()
    %mul3A_314 = arith.constant 5 : i32
    %mul3A_315 = arith.muli %arg1, %mul3A_314 : i32
    %add3A_316 = arith.constant 3 : i32
    %add3A_317 = arith.addi %mul3A_315, %add3A_316 : i32
    %mul3A_318 = arith.constant 128 : i32
    %mul3A_319 = arith.muli %add3A_317, %mul3A_318 : i32
    %mul3A_320 = arith.constant 10400 : i32
    %mul3A_321 = arith.muli %arg0, %mul3A_320 : i32
    %add3A_322 = arith.addi %mul3A_321, %mul3A_319 : i32
    "tpu.region"() ({
      %run_scoped3A = tpu.sem_alloc : memref<!tpu.dma_semaphore, #tpu.memory_space<semaphore_mem>>
      %dma_start3A_332 = arith.constant 0 : i32
      %dma_start3A_333 = tpu.memref_slice %arg5[%add3A_322, %dma_start3A_332] : memref<20640x128xf32, #tpu.memory_space<hbm>> -> memref<128x128xf32, #tpu.memory_space<hbm>>
      %dma_start3A_334 = arith.constant 0 : i32
      %dma_start3A_335 = tpu.memref_slice %arg10[%mul3A_319, %dma_start3A_334] : memref<10240x128xf32, #tpu.memory_space<vmem_shared>> -> memref<128x128xf32, #tpu.memory_space<vmem_shared>>
      tpu.enqueue_dma source(%dma_start3A_335 : memref<128x128xf32, #tpu.memory_space<vmem_shared>>) target(%dma_start3A_333 : memref<128x128xf32, #tpu.memory_space<hbm>>) target_semaphore(%run_scoped3A : memref<!tpu.dma_semaphore, #tpu.memory_space<semaphore_mem>>)
      %dma_wait3A_336 = arith.constant 0 : i32
      %dma_wait3A_337 = tpu.memref_slice %arg5[%add3A_322, %dma_wait3A_336] : memref<20640x128xf32, #tpu.memory_space<hbm>> -> memref<128x128xf32, #tpu.memory_space<hbm>>
      %dma_wait3A_338 = arith.constant 0 : i32
      %dma_wait3A_339 = tpu.memref_slice %arg10[%mul3A_319, %dma_wait3A_338] : memref<10240x128xf32, #tpu.memory_space<vmem_shared>> -> memref<128x128xf32, #tpu.memory_space<vmem_shared>>
      tpu.wait_dma2 semaphore(%run_scoped3A : memref<!tpu.dma_semaphore, #tpu.memory_space<semaphore_mem>>) src(%dma_wait3A_339 : memref<128x128xf32, #tpu.memory_space<vmem_shared>>) dst(%dma_wait3A_337 : memref<128x128xf32, #tpu.memory_space<hbm>>)
      tpu.yield
    }) : () -> ()
    %mul3A_323 = arith.constant 5 : i32
    %mul3A_324 = arith.muli %arg1, %mul3A_323 : i32
    %add3A_325 = arith.constant 4 : i32
    %add3A_326 = arith.addi %mul3A_324, %add3A_325 : i32
    %mul3A_327 = arith.constant 128 : i32
    %mul3A_328 = arith.muli %add3A_326, %mul3A_327 : i32
    %mul3A_329 = arith.constant 10400 : i32
    %mul3A_330 = arith.muli %arg0, %mul3A_329 : i32
    %add3A_331 = arith.addi %mul3A_330, %mul3A_328 : i32
    "tpu.region"() ({
      %run_scoped3A = tpu.sem_alloc : memref<!tpu.dma_semaphore, #tpu.memory_space<semaphore_mem>>
      %dma_start3A_332 = arith.constant 0 : i32
      %dma_start3A_333 = tpu.memref_slice %arg5[%add3A_331, %dma_start3A_332] : memref<20640x128xf32, #tpu.memory_space<hbm>> -> memref<128x128xf32, #tpu.memory_space<hbm>>
      %dma_start3A_334 = arith.constant 0 : i32
      %dma_start3A_335 = tpu.memref_slice %arg10[%mul3A_328, %dma_start3A_334] : memref<10240x128xf32, #tpu.memory_space<vmem_shared>> -> memref<128x128xf32, #tpu.memory_space<vmem_shared>>
      tpu.enqueue_dma source(%dma_start3A_335 : memref<128x128xf32, #tpu.memory_space<vmem_shared>>) target(%dma_start3A_333 : memref<128x128xf32, #tpu.memory_space<hbm>>) target_semaphore(%run_scoped3A : memref<!tpu.dma_semaphore, #tpu.memory_space<semaphore_mem>>)
      %dma_wait3A_336 = arith.constant 0 : i32
      %dma_wait3A_337 = tpu.memref_slice %arg5[%add3A_331, %dma_wait3A_336] : memref<20640x128xf32, #tpu.memory_space<hbm>> -> memref<128x128xf32, #tpu.memory_space<hbm>>
      %dma_wait3A_338 = arith.constant 0 : i32
      %dma_wait3A_339 = tpu.memref_slice %arg10[%mul3A_328, %dma_wait3A_338] : memref<10240x128xf32, #tpu.memory_space<vmem_shared>> -> memref<128x128xf32, #tpu.memory_space<vmem_shared>>
      tpu.wait_dma2 semaphore(%run_scoped3A : memref<!tpu.dma_semaphore, #tpu.memory_space<semaphore_mem>>) src(%dma_wait3A_339 : memref<128x128xf32, #tpu.memory_space<vmem_shared>>) dst(%dma_wait3A_337 : memref<128x128xf32, #tpu.memory_space<hbm>>)
      tpu.yield
    }) : () -> ()
    return
  }
}

module attributes {stable_mosaic.version = 14 : i64} {
  func.func @_pre_body(%arg0: i32, %arg1: memref<400x128xf32, #tpu.memory_space<vmem>>, %arg2: memref<400x128xf32, #tpu.memory_space<vmem>>, %arg3: memref<400x128xf32, #tpu.memory_space<vmem>>, %arg4: memref<400x128xf32, #tpu.memory_space<vmem>>, %arg5: memref<400x128xf32, #tpu.memory_space<vmem>>) attributes {dimension_semantics = [#tpu.dimension_semantics<arbitrary>], iteration_bounds = array<i64: 25>, scalar_prefetch = 0 : i64, scratch_operands = 0 : i64, tpu.core_type = #tpu.core_type<tc>, window_params = [{transform_indices = @transform_0, window_bounds = array<i64: 400, 128>}, {transform_indices = @transform_1, window_bounds = array<i64: 400, 128>}, {transform_indices = @transform_2, window_bounds = array<i64: 400, 128>}, {transform_indices = @transform_3, window_bounds = array<i64: 400, 128>}, {transform_indices = @transform_4, window_bounds = array<i64: 400, 128>}]} {
    %get3A = arith.constant 0 : index
    %get3A_0 = arith.constant 0 : index
    %get3A_1 = vector.load %arg1[%get3A, %get3A_0] : memref<400x128xf32, #tpu.memory_space<vmem>>, vector<400x1xf32>
    %get3A_2 = arith.constant 0 : index
    %get3A_3 = arith.constant 0 : index
    %get3A_4 = vector.load %arg2[%get3A_2, %get3A_3] : memref<400x128xf32, #tpu.memory_space<vmem>>, vector<400x1xf32>
    %add3A = arith.addf %get3A_1, %get3A_4 : vector<400x1xf32>
    %add3A_5 = arith.constant 1.000000e+00 : f32
    %add3A_6 = vector.broadcast %add3A_5 : f32 to vector<400x1xf32>
    %add3A_7 = arith.addf %add3A, %add3A_6 : vector<400x1xf32>
    %rsqrt3A = math.rsqrt %add3A_7 : vector<400x1xf32>
    %get3A_8 = arith.constant 0 : index
    %get3A_9 = arith.constant 0 : index
    %get3A_10 = vector.load %arg3[%get3A_8, %get3A_9] : memref<400x128xf32, #tpu.memory_space<vmem>>, vector<400x128xf32>
    %mul3A = vector.broadcast %rsqrt3A : vector<400x1xf32> to vector<400x128xf32>
    %mul3A_11 = arith.mulf %get3A_10, %mul3A : vector<400x128xf32>
    %swap3A = arith.constant 0 : index
    %swap3A_12 = arith.constant 0 : index
    %swap3A_13 = vector.load %arg4[%swap3A, %swap3A_12] : memref<400x128xf32, #tpu.memory_space<vmem>>, vector<400x128xf32>
    tpu.vector_store %arg4[%swap3A, %swap3A_12], %mul3A_11 {strides = array<i32>} : memref<400x128xf32, #tpu.memory_space<vmem>>, vector<400x128xf32>,
    %broadcast_in_dim3A = vector.shape_cast %rsqrt3A : vector<400x1xf32> to vector<400x1xf32>
    %broadcast_in_dim3A_14 = vector.broadcast %broadcast_in_dim3A : vector<400x1xf32> to vector<400x128xf32>
    %swap3A_15 = arith.constant 0 : index
    %swap3A_16 = arith.constant 0 : index
    %swap3A_17 = vector.load %arg5[%swap3A_15, %swap3A_16] : memref<400x128xf32, #tpu.memory_space<vmem>>, vector<400x128xf32>
    tpu.vector_store %arg5[%swap3A_15, %swap3A_16], %broadcast_in_dim3A_14 {strides = array<i32>} : memref<400x128xf32, #tpu.memory_space<vmem>>, vector<400x128xf32>,
    return
  }
  func.func @transform_0(%arg0: i32) -> (i32, i32) {
    %c0_i32 = arith.constant 0 : i32
    %c0_i32_0 = arith.constant 0 : i32
    return %arg0, %c0_i32 : i32, i32
  }
  func.func @transform_1(%arg0: i32) -> (i32, i32) {
    %add3A = arith.constant 26 : i32
    %add3A_0 = arith.addi %add3A, %arg0 : i32
    %c0_i32 = arith.constant 0 : i32
    %c0_i32_1 = arith.constant 0 : i32
    return %add3A_0, %c0_i32 : i32, i32
  }
  func.func @transform_2(%arg0: i32) -> (i32, i32) {
    %c0_i32 = arith.constant 0 : i32
    %c0_i32_0 = arith.constant 0 : i32
    return %arg0, %c0_i32 : i32, i32
  }
  func.func @transform_3(%arg0: i32) -> (i32, i32) {
    %c0_i32 = arith.constant 0 : i32
    %c0_i32_0 = arith.constant 0 : i32
    return %arg0, %c0_i32 : i32, i32
  }
  func.func @transform_4(%arg0: i32) -> (i32, i32) {
    %c0_i32 = arith.constant 0 : i32
    %c0_i32_0 = arith.constant 0 : i32
    return %arg0, %c0_i32 : i32, i32
  }
}

module attributes {stable_mosaic.version = 14 : i64} {
  func.func @_mm_pair_body(%arg0: i32, %arg1: memref<400x128xf32, #tpu.memory_space<vmem>>, %arg2: memref<400x128xf32, #tpu.memory_space<vmem>>, %arg3: memref<400x128xf32, #tpu.memory_space<vmem>>, %arg4: memref<400x128xf32, #tpu.memory_space<vmem>>, %arg5: memref<128x512xf32, #tpu.memory_space<vmem>>, %arg6: memref<1x512xf32, #tpu.memory_space<vmem>>, %arg7: memref<512x128xf32, #tpu.memory_space<vmem>>, %arg8: memref<400x128xf32, #tpu.memory_space<vmem>>) attributes {dimension_semantics = [#tpu.dimension_semantics<arbitrary>], iteration_bounds = array<i64: 25>, scalar_prefetch = 0 : i64, scratch_operands = 0 : i64, tpu.core_type = #tpu.core_type<tc>, window_params = [{transform_indices = @transform_0, window_bounds = array<i64: 400, 128>}, {transform_indices = @transform_1, window_bounds = array<i64: 400, 128>}, {transform_indices = @transform_2, window_bounds = array<i64: 400, 128>}, {transform_indices = @transform_3, window_bounds = array<i64: 400, 128>}, {pipeline_mode = #tpu.pipeline_mode<synchronous>, transform_indices = @transform_4, window_bounds = array<i64: 128, 512>}, {pipeline_mode = #tpu.pipeline_mode<synchronous>, transform_indices = @transform_5, window_bounds = array<i64: 1, 512>}, {pipeline_mode = #tpu.pipeline_mode<synchronous>, transform_indices = @transform_6, window_bounds = array<i64: 512, 128>}, {transform_indices = @transform_7, window_bounds = array<i64: 400, 128>}]} {
    %get3A = arith.constant 0 : index
    %get3A_0 = arith.constant 0 : index
    %get3A_1 = vector.load %arg1[%get3A, %get3A_0] : memref<400x128xf32, #tpu.memory_space<vmem>>, vector<400x128xf32>
    %get3A_2 = arith.constant 0 : index
    %get3A_3 = arith.constant 0 : index
    %get3A_4 = vector.load %arg2[%get3A_2, %get3A_3] : memref<400x128xf32, #tpu.memory_space<vmem>>, vector<400x128xf32>
    %get3A_5 = arith.constant 0 : index
    %get3A_6 = arith.constant 0 : index
    %get3A_7 = vector.load %arg3[%get3A_5, %get3A_6] : memref<400x128xf32, #tpu.memory_space<vmem>>, vector<400x128xf32>
    %add3A = arith.addf %get3A_4, %get3A_7 : vector<400x128xf32>
    %get3A_8 = arith.constant 0 : index
    %get3A_9 = arith.constant 0 : index
    %get3A_10 = vector.load %arg4[%get3A_8, %get3A_9] : memref<400x128xf32, #tpu.memory_space<vmem>>, vector<400x128xf32>
    %add3A_11 = arith.addf %add3A, %get3A_10 : vector<400x128xf32>
    %mul3A = arith.mulf %add3A_11, %get3A_1 : vector<400x128xf32>
    %get3A_12 = arith.constant 0 : index
    %get3A_13 = arith.constant 0 : index
    %get3A_14 = vector.load %arg5[%get3A_12, %get3A_13] : memref<128x512xf32, #tpu.memory_space<vmem>>, vector<128x512xf32>
    %dot_general3A = arith.constant dense<0.000000e+00> : vector<400x512xf32>
    %dot_general3A_15 = tpu.matmul %mul3A, %get3A_14, %dot_general3A {dimension_numbers = #tpu.dot_dimension_numbers<[1], [0], [0], [1], [0, 0, 1, 1], [], []>, transpose_lhs_hint = false} : vector<400x128xf32>, vector<128x512xf32>, vector<400x512xf32> -> vector<400x512xf32>
    %get3A_16 = arith.constant 0 : index
    %get3A_17 = arith.constant 0 : index
    %get3A_18 = vector.load %arg6[%get3A_16, %get3A_17] : memref<1x512xf32, #tpu.memory_space<vmem>>, vector<1x512xf32>
    %add3A_19 = vector.broadcast %get3A_18 : vector<1x512xf32> to vector<400x512xf32>
    %add3A_20 = arith.addf %dot_general3A_15, %add3A_19 : vector<400x512xf32>
    %max3A = arith.constant 0.000000e+00 : f32
    %max3A_21 = vector.broadcast %max3A : f32 to vector<400x512xf32>
    %max3A_22 = arith.maximumf %add3A_20, %max3A_21 : vector<400x512xf32>
    %get3A_23 = arith.constant 0 : index
    %get3A_24 = arith.constant 0 : index
    %get3A_25 = vector.load %arg7[%get3A_23, %get3A_24] : memref<512x128xf32, #tpu.memory_space<vmem>>, vector<512x128xf32>
    %dot_general3A_26 = arith.constant dense<0.000000e+00> : vector<400x128xf32>
    %dot_general3A_27 = tpu.matmul %max3A_22, %get3A_25, %dot_general3A_26 {dimension_numbers = #tpu.dot_dimension_numbers<[1], [0], [0], [1], [0, 0, 1, 1], [], []>, transpose_lhs_hint = false} : vector<400x512xf32>, vector<512x128xf32>, vector<400x128xf32> -> vector<400x128xf32>
    %mul3A_28 = arith.mulf %dot_general3A_27, %get3A_1 : vector<400x128xf32>
    %swap3A = arith.constant 0 : index
    %swap3A_29 = arith.constant 0 : index
    %swap3A_30 = vector.load %arg8[%swap3A, %swap3A_29] : memref<400x128xf32, #tpu.memory_space<vmem>>, vector<400x128xf32>
    tpu.vector_store %arg8[%swap3A, %swap3A_29], %mul3A_28 {strides = array<i32>} : memref<400x128xf32, #tpu.memory_space<vmem>>, vector<400x128xf32>,
    return
  }
  func.func @transform_0(%arg0: i32) -> (i32, i32) {
    %c0_i32 = arith.constant 0 : i32
    %c0_i32_0 = arith.constant 0 : i32
    return %arg0, %c0_i32 : i32, i32
  }
  func.func @transform_1(%arg0: i32) -> (i32, i32) {
    %c0_i32 = arith.constant 0 : i32
    %c0_i32_0 = arith.constant 0 : i32
    return %arg0, %c0_i32 : i32, i32
  }
  func.func @transform_2(%arg0: i32) -> (i32, i32) {
    %add3A = arith.constant 26 : i32
    %add3A_0 = arith.addi %add3A, %arg0 : i32
    %c0_i32 = arith.constant 0 : i32
    %c0_i32_1 = arith.constant 0 : i32
    return %add3A_0, %c0_i32 : i32, i32
  }
  func.func @transform_3(%arg0: i32) -> (i32, i32) {
    %c0_i32 = arith.constant 0 : i32
    %c0_i32_0 = arith.constant 0 : i32
    return %arg0, %c0_i32 : i32, i32
  }
  func.func @transform_4(%arg0: i32) -> (i32, i32) {
    %c0_i32 = arith.constant 0 : i32
    %c0_i32_0 = arith.constant 0 : i32
    %c0_i32_1 = arith.constant 0 : i32
    return %c0_i32, %c0_i32_0 : i32, i32
  }
  func.func @transform_5(%arg0: i32) -> (i32, i32) {
    %c0_i32 = arith.constant 0 : i32
    %c0_i32_0 = arith.constant 0 : i32
    %c0_i32_1 = arith.constant 0 : i32
    return %c0_i32, %c0_i32_0 : i32, i32
  }
  func.func @transform_6(%arg0: i32) -> (i32, i32) {
    %c0_i32 = arith.constant 0 : i32
    %c0_i32_0 = arith.constant 0 : i32
    %c0_i32_1 = arith.constant 0 : i32
    return %c0_i32, %c0_i32_0 : i32, i32
  }
  func.func @transform_7(%arg0: i32) -> (i32, i32) {
    %c0_i32 = arith.constant 0 : i32
    %c0_i32_0 = arith.constant 0 : i32
    return %arg0, %c0_i32 : i32, i32
  }
}

module attributes {stable_mosaic.version = 14 : i64} {
  func.func @_z_body(%arg0: i32, %arg1: memref<400x128xf32, #tpu.memory_space<vmem>>, %arg2: memref<400x128xf32, #tpu.memory_space<vmem>>, %arg3: memref<400x128xf32, #tpu.memory_space<vmem>>, %arg4: memref<400x128xf32, #tpu.memory_space<vmem>>, %arg5: memref<1x128xf32, #tpu.memory_space<vmem>>, %arg6: memref<400x128xf32, #tpu.memory_space<vmem>>, %arg7: memref<400x128xf32, #tpu.memory_space<vmem>>) attributes {dimension_semantics = [#tpu.dimension_semantics<arbitrary>], iteration_bounds = array<i64: 25>, scalar_prefetch = 0 : i64, scratch_operands = 0 : i64, tpu.core_type = #tpu.core_type<tc>, window_params = [{transform_indices = @transform_0, window_bounds = array<i64: 400, 128>}, {transform_indices = @transform_1, window_bounds = array<i64: 400, 128>}, {transform_indices = @transform_2, window_bounds = array<i64: 400, 128>}, {transform_indices = @transform_3, window_bounds = array<i64: 400, 128>}, {pipeline_mode = #tpu.pipeline_mode<synchronous>, transform_indices = @transform_4, window_bounds = array<i64: 1, 128>}, {transform_indices = @transform_5, window_bounds = array<i64: 400, 128>}, {transform_indices = @transform_6, window_bounds = array<i64: 400, 128>}]} {
    %get3A = arith.constant 0 : index
    %get3A_0 = arith.constant 0 : index
    %get3A_1 = vector.load %arg1[%get3A, %get3A_0] : memref<400x128xf32, #tpu.memory_space<vmem>>, vector<400x128xf32>
    %get3A_2 = arith.constant 0 : index
    %get3A_3 = arith.constant 0 : index
    %get3A_4 = vector.load %arg2[%get3A_2, %get3A_3] : memref<400x128xf32, #tpu.memory_space<vmem>>, vector<400x128xf32>
    %get3A_5 = arith.constant 0 : index
    %get3A_6 = arith.constant 0 : index
    %get3A_7 = vector.load %arg3[%get3A_5, %get3A_6] : memref<400x128xf32, #tpu.memory_space<vmem>>, vector<400x128xf32>
    %add3A = arith.addf %get3A_4, %get3A_7 : vector<400x128xf32>
    %get3A_8 = arith.constant 0 : index
    %get3A_9 = arith.constant 0 : index
    %get3A_10 = vector.load %arg4[%get3A_8, %get3A_9] : memref<400x128xf32, #tpu.memory_space<vmem>>, vector<400x128xf32>
    %add3A_11 = arith.addf %add3A, %get3A_10 : vector<400x128xf32>
    %mul3A = arith.mulf %add3A_11, %get3A_1 : vector<400x128xf32>
    %get3A_12 = arith.constant 0 : index
    %get3A_13 = arith.constant 0 : index
    %get3A_14 = vector.load %arg5[%get3A_12, %get3A_13] : memref<1x128xf32, #tpu.memory_space<vmem>>, vector<1x128xf32>
    %add3A_15 = vector.broadcast %get3A_14 : vector<1x128xf32> to vector<400x128xf32>
    %add3A_16 = arith.addf %mul3A, %add3A_15 : vector<400x128xf32>
    %swap3A = arith.constant 0 : index
    %swap3A_17 = arith.constant 0 : index
    %swap3A_18 = vector.load %arg6[%swap3A, %swap3A_17] : memref<400x128xf32, #tpu.memory_space<vmem>>, vector<400x128xf32>
    tpu.vector_store %arg6[%swap3A, %swap3A_17], %add3A_16 {strides = array<i32>} : memref<400x128xf32, #tpu.memory_space<vmem>>, vector<400x128xf32>,
    %mul3A_19 = arith.mulf %add3A_16, %get3A_1 : vector<400x128xf32>
    %swap3A_20 = arith.constant 0 : index
    %swap3A_21 = arith.constant 0 : index
    %swap3A_22 = vector.load %arg7[%swap3A_20, %swap3A_21] : memref<400x128xf32, #tpu.memory_space<vmem>>, vector<400x128xf32>
    tpu.vector_store %arg7[%swap3A_20, %swap3A_21], %mul3A_19 {strides = array<i32>} : memref<400x128xf32, #tpu.memory_space<vmem>>, vector<400x128xf32>,
    return
  }
  func.func @transform_0(%arg0: i32) -> (i32, i32) {
    %c0_i32 = arith.constant 0 : i32
    %c0_i32_0 = arith.constant 0 : i32
    return %arg0, %c0_i32 : i32, i32
  }
  func.func @transform_1(%arg0: i32) -> (i32, i32) {
    %c0_i32 = arith.constant 0 : i32
    %c0_i32_0 = arith.constant 0 : i32
    return %arg0, %c0_i32 : i32, i32
  }
  func.func @transform_2(%arg0: i32) -> (i32, i32) {
    %add3A = arith.constant 26 : i32
    %add3A_0 = arith.addi %add3A, %arg0 : i32
    %c0_i32 = arith.constant 0 : i32
    %c0_i32_1 = arith.constant 0 : i32
    return %add3A_0, %c0_i32 : i32, i32
  }
  func.func @transform_3(%arg0: i32) -> (i32, i32) {
    %c0_i32 = arith.constant 0 : i32
    %c0_i32_0 = arith.constant 0 : i32
    return %arg0, %c0_i32 : i32, i32
  }
  func.func @transform_4(%arg0: i32) -> (i32, i32) {
    %c0_i32 = arith.constant 0 : i32
    %c0_i32_0 = arith.constant 0 : i32
    %c0_i32_1 = arith.constant 0 : i32
    return %c0_i32, %c0_i32_0 : i32, i32
  }
  func.func @transform_5(%arg0: i32) -> (i32, i32) {
    %c0_i32 = arith.constant 0 : i32
    %c0_i32_0 = arith.constant 0 : i32
    return %arg0, %c0_i32 : i32, i32
  }
  func.func @transform_6(%arg0: i32) -> (i32, i32) {
    %c0_i32 = arith.constant 0 : i32
    %c0_i32_0 = arith.constant 0 : i32
    return %arg0, %c0_i32 : i32, i32
  }
}

module attributes {stable_mosaic.version = 14 : i64} {
  func.func @_final_body(%arg0: i32, %arg1: memref<400x128xf32, #tpu.memory_space<vmem>>, %arg2: memref<400x128xf32, #tpu.memory_space<vmem>>, %arg3: memref<400x128xf32, #tpu.memory_space<vmem>>, %arg4: memref<400x128xf32, #tpu.memory_space<vmem>>, %arg5: memref<1x128xf32, #tpu.memory_space<vmem>>, %arg6: memref<400x128xf32, #tpu.memory_space<vmem>>) attributes {dimension_semantics = [#tpu.dimension_semantics<arbitrary>], iteration_bounds = array<i64: 25>, scalar_prefetch = 0 : i64, scratch_operands = 0 : i64, tpu.core_type = #tpu.core_type<tc>, window_params = [{transform_indices = @transform_0, window_bounds = array<i64: 400, 128>}, {transform_indices = @transform_1, window_bounds = array<i64: 400, 128>}, {transform_indices = @transform_2, window_bounds = array<i64: 400, 128>}, {transform_indices = @transform_3, window_bounds = array<i64: 400, 128>}, {pipeline_mode = #tpu.pipeline_mode<synchronous>, transform_indices = @transform_4, window_bounds = array<i64: 1, 128>}, {transform_indices = @transform_5, window_bounds = array<i64: 400, 128>}]} {
    %get3A = arith.constant 0 : index
    %get3A_0 = arith.constant 0 : index
    %get3A_1 = vector.load %arg2[%get3A, %get3A_0] : memref<400x128xf32, #tpu.memory_space<vmem>>, vector<400x128xf32>
    %get3A_2 = arith.constant 0 : index
    %get3A_3 = arith.constant 0 : index
    %get3A_4 = vector.load %arg3[%get3A_2, %get3A_3] : memref<400x128xf32, #tpu.memory_space<vmem>>, vector<400x128xf32>
    %add3A = arith.addf %get3A_1, %get3A_4 : vector<400x128xf32>
    %get3A_5 = arith.constant 0 : index
    %get3A_6 = arith.constant 0 : index
    %get3A_7 = vector.load %arg4[%get3A_5, %get3A_6] : memref<400x128xf32, #tpu.memory_space<vmem>>, vector<400x128xf32>
    %add3A_8 = arith.addf %add3A, %get3A_7 : vector<400x128xf32>
    %get3A_9 = arith.constant 0 : index
    %get3A_10 = arith.constant 0 : index
    %get3A_11 = vector.load %arg1[%get3A_9, %get3A_10] : memref<400x128xf32, #tpu.memory_space<vmem>>, vector<400x128xf32>
    %mul3A = arith.mulf %add3A_8, %get3A_11 : vector<400x128xf32>
    %get3A_12 = arith.constant 0 : index
    %get3A_13 = arith.constant 0 : index
    %get3A_14 = vector.load %arg5[%get3A_12, %get3A_13] : memref<1x128xf32, #tpu.memory_space<vmem>>, vector<1x128xf32>
    %add3A_15 = vector.broadcast %get3A_14 : vector<1x128xf32> to vector<400x128xf32>
    %add3A_16 = arith.addf %mul3A, %add3A_15 : vector<400x128xf32>
    %swap3A = arith.constant 0 : index
    %swap3A_17 = arith.constant 0 : index
    %swap3A_18 = vector.load %arg6[%swap3A, %swap3A_17] : memref<400x128xf32, #tpu.memory_space<vmem>>, vector<400x128xf32>
    tpu.vector_store %arg6[%swap3A, %swap3A_17], %add3A_16 {strides = array<i32>} : memref<400x128xf32, #tpu.memory_space<vmem>>, vector<400x128xf32>,
    return
  }
  func.func @transform_0(%arg0: i32) -> (i32, i32) {
    %c0_i32 = arith.constant 0 : i32
    %c0_i32_0 = arith.constant 0 : i32
    return %arg0, %c0_i32 : i32, i32
  }
  func.func @transform_1(%arg0: i32) -> (i32, i32) {
    %c0_i32 = arith.constant 0 : i32
    %c0_i32_0 = arith.constant 0 : i32
    return %arg0, %c0_i32 : i32, i32
  }
  func.func @transform_2(%arg0: i32) -> (i32, i32) {
    %add3A = arith.constant 26 : i32
    %add3A_0 = arith.addi %add3A, %arg0 : i32
    %c0_i32 = arith.constant 0 : i32
    %c0_i32_1 = arith.constant 0 : i32
    return %add3A_0, %c0_i32 : i32, i32
  }
  func.func @transform_3(%arg0: i32) -> (i32, i32) {
    %c0_i32 = arith.constant 0 : i32
    %c0_i32_0 = arith.constant 0 : i32
    return %arg0, %c0_i32 : i32, i32
  }
  func.func @transform_4(%arg0: i32) -> (i32, i32) {
    %c0_i32 = arith.constant 0 : i32
    %c0_i32_0 = arith.constant 0 : i32
    %c0_i32_1 = arith.constant 0 : i32
    return %c0_i32, %c0_i32_0 : i32, i32
  }
  func.func @transform_5(%arg0: i32) -> (i32, i32) {
    %c0_i32 = arith.constant 0 : i32
    %c0_i32_0 = arith.constant 0 : i32
    return %arg0, %c0_i32 : i32, i32
  }
}

</mosaic_0001>

<sc_bundles>
// kernel: kernel.12.cloned.1.call-start
scs
__scs_entry_jumppad:
0x0: {  	(pc) =	sbr.rel $0x88, $3  }
0x1: {  	(tag) =	ssettag $0x0;
	lr =	simm.s32 $0x1  }
0x2: {  	[smem:$0x3F97] =	sst lr;
	_ =	strace $0xD0000000  }
0x3: {  	_ = 	snop  }
0x4: {  	_ = 	snop  }
0x5: {  	_ = 	snop  }
0x6: {  	_ = 	snop  }
0x7: {  	_ = 	snop  }
__scs_overlays_trampoline_lowered:
0x8: {  	[smem:$0x3FA6] =	sst s0  }
0x9: {  	[smem:$0x3FA7] =	sst s1  }
0xa: {  	[smem:$0x3FA8] =	sst s2  }
0xb: {  	[smem:$0x3FA9] =	sst s3  }
0xc: {  	[smem:$0x3FAA] =	sst s4  }
0xd: {  	[smem:$0x3FAB] =	sst s5  }
0xe: {  	[smem:$0x3FAC] =	sst s6  }
0xf: {  	[smem:$0x3FAD] =	sst s7  }
0x10: {  	[smem:$0x3FAE] =	sst s8  }
0x11: {  	[smem:$0x3FAF] =	sst s9;
	s0 =	simm.s32 @!p0 $0x0  }
0x12: {  	s1 =	sld [smem:$0x3F95];
	s0 =	simm.s32 @p0 $0x1  }
0x13: {  	[smem:$0x3FB0] =	sst s0;
	s0 =	simm.s32 @!p1 $0x0  }
0x14: {  	s2 =	sld [smem:$0x3F94];
	s0 =	simm.s32 @p1 $0x1  }
0x15: {  	[smem:$0x3FB1] =	sst s0;
	s0 =	simm.s32 @!p2 $0x0  }
0x16: {  	s3 =	sld [smem:$0x3FDB];
	s0 =	simm.s32 @p2 $0x1  }
0x17: {  	s4 =	simm.s32 $0x1BF5;
	[smem:$0x3FB3] =	sst s0  }
0x18: {  	s0 =	sld [smem:$0x3F96];
	_ =	swait.ge [sflag:s4], $0x0  }
0x19: {  	s7 =	sld [smem:$0x3F97]  }
0x1a: {  	s8 =	sadd.s32 $0xFFFFE003, lr  }
0x1b: {  	s9 =	sadd.s32 $0xFFFFFEF7, lr;
	s5 =	simm.s32 $0xFFFFFFFF;
	p2 =	slt.u32 s8, $0xFFFFF086  }
0x1c: {  	p1 =	slt.u32 s9, $0xF7A;
	s5 =	simm.s32 @!p2 $0x0  }
0x1d: {  	s5 =	simm.s32 @p1 $0x1;
	p0 =	seq.s32 s7, s2  }
0x1e: {  	s7 =	smul.u32 @!p0 $0xF7A, s2;
	p2 =	seq.s32 @!p0 s5, $0x0  }
0x1f: {  	s9 =	smul.u32 $0xF7A, s1;
	s8 =	simm.s32 @!p0 $0x1BF5;
	p2 =	por !p2, p0  }
0x20: {  	[sflag:s8] =	ssyncset.s32 @!p0 $0xFFFFF086;
	s6 =	sadd.s32 @!p0 s3, s7;
	s7 =	simm.s32 @!p0 $0x108  }
0x21: {  	s3 =	sadd.s32 s3, s9;
	s6 =	sadd.s32 @!p0 $0x88, s6;
	s7 =	simm.s32 @p2 $0x1082  }
0x22: {  	[simem:s7], [sflag:s8] =	dma.local @!p0 [hbm:s6], $0xF7A  }
0x23: {  	s9 =	sor.u32 $0xD0000000, s2;
	s6 =	simm.s32 $0x108;
	_ =	swait.ge @!p0 [sflag:s8], $0x0  }
0x24: {  	s3 =	sadd.s32 $0x88, s3;
	s6 =	simm.s32 @!p1 $0x1082;
	[sflag:s4] =	ssyncset.s32 $0xFFFFF086  }
0x25: {  	[simem:s6], [sflag:s4] =	dma.local [hbm:s3], $0xF7A  }
0x26: {  	[smem:$0x3F97] =	sst s1;
	(tag) =	ssettag s2;
	_ =	strace s9  }
0x27: {  	s1 =	sld [smem:$0x3FA7]  }
0x28: {  	s2 =	sld [smem:$0x3FA8]  }
0x29: {  	s4 =	sld [smem:$0x3FAA]  }
0x2a: {  	p0 =	seq.s32 s5, $0x0;
	s5 =	sld [smem:$0x3FAB]  }
0x2b: {  	s6 =	sld [smem:$0x3FAC]  }
0x2c: {  	s7 =	sld [smem:$0x3FAD]  }
0x2d: {  	s3 =	simm.s32 $0x108;
	s8 =	sld [smem:$0x3FAE]  }
0x2e: {  	s3 =	simm.s32 @!p0 $0x1082;
	s9 =	sld [smem:$0x3FAF]  }
0x2f: {  	lr =	sadd.s32 s0, s3;
	s0 =	sld [smem:$0x3FA6]  }
0x30: {  	s3 =	sld [smem:$0x3FA9]  }
0x31: {  	[smem:$0x3FB2] =	sst s10  }
0x32: {  	s10 =	sld [smem:$0x3FB0];
	_ =	sdelay $0x3  }
0x33: {  	p0 =	seq.s32 s10, $0x1;
	s10 =	sld [smem:$0x3FB2];
	_ =	sdelay $0x3  }
0x34: {  	[smem:$0x3FB2] =	sst s10  }
0x35: {  	s10 =	sld [smem:$0x3FB1];
	_ =	sdelay $0x3  }
0x36: {  	p1 =	seq.s32 s10, $0x1;
	s10 =	sld [smem:$0x3FB2];
	_ =	sdelay $0x3  }
0x37: {  	[smem:$0x3FB2] =	sst s10  }
0x38: {  	s10 =	sld [smem:$0x3FB3]  }
0x39: {  	_ = 	snop;
	(pc) =	sbr.ind lr, $3  }
0x3a: {  	_ = 	snop  }
0x3b: {  	_ = 	snop  }
0x3c: {  	p2 =	seq.s32 s10, $0x1;
	s10 =	sld [smem:$0x3FB2]  }
0x3d: {  	_ =	shalt  }
0x3e: {  	_ =	shalt  }
0x3f: {  	_ =	shalt  }
0x40: {  	_ =	shalt  }
0x41: {  	_ =	shalt  }
0x42: {  	_ =	shalt  }
0x43: {  	_ =	shalt  }
0x44: {  	_ =	shalt  }
0x45: {  	_ =	shalt  }
0x46: {  	_ =	shalt  }
0x47: {  	_ =	shalt  }
0x48: {  	_ =	shalt  }
0x49: {  	_ =	shalt  }
0x4a: {  	_ =	shalt  }
0x4b: {  	_ =	shalt  }
0x4c: {  	_ =	shalt  }
0x4d: {  	_ =	shalt  }
0x4e: {  	_ =	shalt  }
0x4f: {  	_ =	shalt  }
0x50: {  	_ =	shalt  }
0x51: {  	_ =	shalt  }
0x52: {  	_ =	shalt  }
0x53: {  	_ =	shalt  }
0x54: {  	_ =	shalt  }
0x55: {  	_ =	shalt  }
0x56: {  	_ =	shalt  }
0x57: {  	_ =	shalt  }
0x58: {  	_ =	shalt  }
0x59: {  	_ =	shalt  }
0x5a: {  	_ =	shalt  }
0x5b: {  	_ =	shalt  }
0x5c: {  	_ =	shalt  }
0x5d: {  	_ =	shalt  }
0x5e: {  	_ =	shalt  }
0x5f: {  	_ =	shalt  }
0x60: {  	_ =	shalt  }
0x61: {  	_ =	shalt  }
0x62: {  	_ =	shalt  }
0x63: {  	_ =	shalt  }
0x64: {  	_ =	shalt  }
0x65: {  	_ =	shalt  }
0x66: {  	_ =	shalt  }
0x67: {  	_ =	shalt  }
0x68: {  	_ =	shalt  }
0x69: {  	_ =	shalt  }
0x6a: {  	_ =	shalt  }
0x6b: {  	_ =	shalt  }
0x6c: {  	_ =	shalt  }
0x6d: {  	_ =	shalt  }
0x6e: {  	_ =	shalt  }
0x6f: {  	_ =	shalt  }
0x70: {  	_ =	shalt  }
0x71: {  	_ =	shalt  }
0x72: {  	_ =	shalt  }
0x73: {  	_ =	shalt  }
0x74: {  	_ =	shalt  }
0x75: {  	_ =	shalt  }
0x76: {  	_ =	shalt  }
0x77: {  	_ =	shalt  }
0x78: {  	_ =	shalt  }
0x79: {  	_ =	shalt  }
0x7a: {  	_ =	shalt  }
0x7b: {  	_ =	shalt  }
0x7c: {  	_ =	shalt  }
0x7d: {  	_ =	shalt  }
0x7e: {  	_ =	shalt  }
0x7f: {  	_ =	shalt  }
0x80: {  	_ =	shalt  }
0x81: {  	_ =	shalt  }
0x82: {  	_ =	shalt  }
0x83: {  	_ =	shalt  }
0x84: {  	_ =	shalt  }
0x85: {  	_ =	shalt  }
0x86: {  	_ =	shalt  }
0x87: {  	_ =	shalt  }
.Lfunc_end0:
.L_simem_size_0:
called_computation_lowered:
.L_overlay_start_0:
0x88: {  	s2 =	sld [smem:$0x3FD9]  }
0x89: {  	s3 =	sld [smem:$0x3FFE];
	_ =	sdelay $0x1  }
0x8a: {  	s1 =	srdreg.scid  }
0x8b: {  	s0 =	sand.u32 $0x1, s1  }
0x8c: {  	s14 =	sshll.u32 s0, $0xA;
	s2 =	sadd.s32 s3, s2  }
0x8d: {  	s2 =	sadd.s32 s2, s14  }
0x8e: {  	[smem:$0x3FBE] =	sst s2  }
0x8f: {  	_ = 	snop  }
0x90: {  	s2 =	sld [smem:$0x3FD0];
	_ =	sdelay $0x2  }
0x91: {  	s15 =	simm.s32 $0xA;
	s4 =	simm.s32 $0x10  }
0x92: {  	[smem:s4], [sflag:s15] =	dma.local [hbm:s2], $0x1  }
0x93: {  	_ =	swait.eq [sflag:s15], $0x1  }
0x94: {  	[sflag:s15] =	ssyncset.done $0x0  }
0x95: {  	[sflag:s15] =	ssyncadd.s32 $0xFFFFFFFF  }
0x96: {  	s16 =	sld [smem:$0x10];
	(tm) =	ssettm $0x1  }
0x97: {  	s17 =	sld [smem:$0x3FFB];
	_ =	sdelay $0x3  }
0x98: {  	_ =	strace s17  }
0x99: {  	s3 =	sld [smem:$0x3FFC];
	_ =	sdelay $0x3  }
0x9a: {  	_ =	strace s3  }
0x9b: {  	s3 =	sld [smem:$0x3FFD];
	_ =	sdelay $0x3  }
0x9c: {  	_ =	strace s3  }
0x9d: {  	_ =	strace $0x8FFFFFFF  }
0x9e: {  	s18 =	sld [smem:$0x3FDB];
	_ =	sdelay $0x1  }
0x9f: {  	s19 =	simm.s32 $_scs_section_size  }
0xa0: {  	s5 =	simm.s32 $_size__tile_overlayer_lowered;
	s6 =	simm.s32 $_tile_overlayer_lowered  }
0xa1: {  	s22 =	simm.s32 $0x1BFF;
	s21 =	sshll.u32 s6, $0x1;
	s3 =	sadd.s32 s19, s18  }
0xa2: {  	s7 =	simm.s32 $0x0;
	s20 =	sshll.u32 s5, $0x1;
	s5 =	sadd.s32 s21, s3  }
0xa3: {  	[timem:s7], [sflag:s22] =	dma.local [hbm:s5], s20  }
0xa4: {  	_ =	swait.ge [sflag:s22], s20  }
0xa5: {  	s4 =	ssub.s32 $0x0, s20;
	[sflag:s22] =	ssyncset.done $0x0  }
0xa6: {  	[sflag:s22] =	ssyncadd.s32 s4;
	_ =	sdelay $0x1  }
0xa7: {  	s23 =	simm.s32 $0x1B8B  }
0xa8: {  	_ =	swait.ge [sflag:s23], $0x1  }
0xa9: {  	[sflag:s23] =	ssyncset.done $0x0  }
0xaa: {  	s25 =	simm.s32 $0x1B8E;
	s24 =	sld [smem:$0x3FFE];
	[sflag:s23] =	ssyncadd.s32 $0xFFFFFFFF  }
0xab: {  	s26 =	simm.s32 $execute0_lowered;
	[smem:$0x3FD2] =	sst s25  }
0xac: {  	s5 =	sshll.u32 s26, $0x1;
	_ =	strace $0x80000046;
	[dreg:$0x1] =	wrdreg $0xFFFFFFFF  }
0xad: {  	s28 =	simm.s32 $_size_execute0_lowered;
	s3 =	sadd.s32 s3, s5;
	[dreg:$0x0] =	wrdreg $0x0  }
0xae: {  	s5 =	sshll.u32 s28, $0x1;
	[dreg:$0x2] =	wrdreg s3  }
0xaf: {  	[dreg:$0x3] =	wrdreg s5  }
0xb0: {  	[dreg:$0x4] =	wrdreg $0xC0  }
0xb1: {  	_ =	task [dreg:s7], $0x5FFFF  }
0xb2: {  	[dreg:$0x1] =	wrdreg $0xFFFFFFFF  }
0xb3: {  	[dreg:$0x0] =	wrdreg $0x60  }
0xb4: {  	[dreg:$0x2] =	wrdreg s16  }
0xb5: {  	[dreg:$0x3] =	wrdreg s24  }
0xb6: {  	[dreg:$0x4] =	wrdreg $0x83000  }
0xb7: {  	[dreg:$0x5] =	wrdreg $0x9  }
0xb8: {  	_ =	task.clear_ibuf [dreg:s7], $0x6FFFF;
	_ =	strace $0x90000046  }
0xb9: {  	s29 =	simm.s32 $0x9;
	_ =	strace $0x80000048  }
0xba: {  	_ =	swait.ge [sflag:s29], $0x1  }
0xbb: {  	[sflag:s29] =	ssyncadd.s32 $0xFFFFFFFF  }
0xbc: {  	_ =	strace $0x90000048  }
0xbd: {  	_ =	sfence  }
0xbe: {  	s30 =	sld [smem:$0x0];
	_ =	sdelay $0x2  }
0xbf: {  	s31 =	sshll.u32 s1, $0xD;
	s1 =	sshrl.u32 s1, $0x2  }
0xc0: {  	s3 =	sand.u32 $0x4000, s31;
	s1 =	sadd.s32 s1, s30  }
0xc1: {  	s0 =	sor.u32 s3, s0;
	s1 =	sshll.u32 s1, $0x11  }
0xc2: {  	s0 =	sor.u32 s1, s0  }
0xc3: {  	s0 =	sadd.s32 $0x8F2B, s0  }
0xc4: {  	[sflag:s0] =	ssyncadd.remote.s32 $0x1  }
0xc5: {  	_ =	sfence.sel $0xFFFF  }
0xc6: {  	[dreg:$0x0] =	wrdreg $0xFFFFFFFF;
	(pc) =	sbr.abs _section_cstart, $3  }
0xc7: {  	[dreg:$0x1] =	wrdreg $0xFFFFFFFF  }
0xc8: {  	_ =	task.clear_ibuf [dreg:s7], $0x2FFFF;
	_ =	strace $0x9FFFFFFF  }
0xc9: {  	(tm) =	ssettm $0x7FFFFFFF  }
tec
execute0_lowered:
.L_overlay_start_1:
0x0: {  	(tag) =	ssettag $0x1  }
0x1: {  	s1 =	rddreg [dreg:$0x0]  }
0x2: {  	s0 =	rddreg [dreg:$0x1]  }
0x3: {  	s2 =	rddreg [dreg:$0x2]  }
0x4: {  	s3 =	srdreg.scid;
	s4 =	simm.s32 $0x0;
	s15 =	stileid.u32  }
0x5: {  	s29 =	simm.s32 $0x80;
	s30 =	simm.s32 $0x100;
	s9 =	smul.u32 $0x280, s15  }
0x6: {  	s31 =	simm.s32 $0x180;
	s3 =	sand.u32 $0x1, s3;
	s18 =	smul.u32 $0x50000, s15  }
0x7: {  	[smem:$0x7FF] =	sst s4;
	s6 =	sadd.s32 $0x17C00, s0;
	s17 =	smul.u32 $0x2710, s15  }
0x8: {  	s5 =	sshll.u32 s3, $0x4;
	_ =	strace $0x80000047;
	s14 =	smul.u32 $0x28A0, s3  }
0x9: {  	s8 =	ssub.s32 $0x2, s3;
	s3 =	smul.u32 $0x27100, s3;
	s5 =	sor.u32 s15, s5  }
0xa: {  	s10 =	sshrl.u32 s8, $0x1;
	s22 =	sadd.s32 $0x80, s9;
	s11 =	sadd.s32 $0x100, s9  }
0xb: {  	s13 =	sadd.s32 $0x180, s9;
	s26 =	sadd.s32 $0x200, s9;
	s7 =	smul.u32 $0x2710, s5  }
0xc: {  	s5 =	sadd.s32 $0x4200, s0;
	s0 =	sadd.s32 $0x18400, s0;
	s8 =	ssub.s32 s8, s10  }
0xd: {  	s23 =	sshll.u32 s22, $0x7;
	s12 =	sshll.u32 s11, $0x7;
	s25 =	sshll.u32 s13, $0x7  }
0xe: {  	s9 =	sadd.s32 s9, s14;
	s28 =	sshll.u32 s26, $0x7;
	s10 =	sadd.s32 s14, s22  }
0xf: {  	s13 =	sadd.s32 s14, s13;
	s3 =	sadd.s32 s17, s3;
	s24 =	sadd.s32 s12, s2  }
0x10: {  	s9 =	sshll.u32 s9, $0x4;
	s12 =	sadd.s32 s28, s2;
	[dreg:$0xa] =	wrdreg s24  }
0x11: {  	s10 =	sshll.u32 s10, $0x4;
	s7 =	sshrl.u32 s7, $0x3;
	[dreg:$0xc] =	wrdreg s12  }
0x12: {  	s9 =	sadd.s32 s0, s9;
	s12 =	sadd.s32 s14, s11;
	s11 =	simm.s32 $0x4300  }
0x13: {  	s16 =	sadd.s32 s5, s7;
	[dreg:$0xd] =	wrdreg s9;
	s9 =	sadd.s32 s0, s10  }
0x14: {  	s7 =	sshrl.u32 s18, $0x2;
	s18 =	sshll.u32 s13, $0x4;
	[dreg:$0xe] =	wrdreg s9  }
0x15: {  	s10 =	simm.s32 $0x2;
	s19 =	sadd.s32 $0x9C40, s16;
	[dreg:$0x4] =	wrdreg s16  }
0x16: {  	s13 =	simm.s32 $0x4;
	s20 =	sadd.s32 $0x10, s16;
	[dreg:$0x5] =	wrdreg s19  }
0x17: {  	s21 =	sadd.s32 $0x9C50, s16;
	s7 =	sadd.s32 s7, s2;
	[dreg:$0x6] =	wrdreg s20  }
0x18: {  	s9 =	sshll.u32 s12, $0x4;
	s28 =	sadd.s32 $0xA120, s16;
	[dreg:$0x7] =	wrdreg s21  }
0x19: {  	s12 =	simm.s32 $0x5;
	[dreg:$0x8] =	wrdreg s7;
	s7 =	sadd.s32 s23, s2  }
0x1a: {  	s9 =	sadd.s32 s0, s9;
	s19 =	smax.u32 s8, $0x1;
	[dreg:$0x15] =	wrdreg s28  }
0x1b: {  	s20 =	sadd.s32 $0x4E300, s3;
	s21 =	sadd.s32 $0x4E380, s3;
	[dreg:$0x9] =	wrdreg s7  }
0x1c: {  	s23 =	sadd.s32 $0x180, s3;
	s3 =	sadd.s32 $0x100, s3;
	[dreg:$0xf] =	wrdreg s9  }
0x1d: {  	s8 =	simm.s32 $0x7;
	s7 =	sadd.s32 s25, s2;
	[dreg:$0x12] =	wrdreg s19  }
0x1e: {  	s9 =	sadd.s32 s0, s18;
	s24 =	sshrl.u32 s21, $0x3;
	[dreg:$0x13] =	wrdreg s3  }
0x1f: {  	s25 =	sshrl.u32 s23, $0x3;
	s3 =	simm.s32 $0x300;
	[dreg:$0xb] =	wrdreg s7  }
0x20: {  	s18 =	simm.s32 $0x0;
	s7 =	sadd.s32 s14, s26;
	[dreg:$0x10] =	wrdreg s9  }
0x21: {  	s24 =	sadd.s32 s24, s5;
	s25 =	sadd.s32 s25, s5;
	s7 =	sshll.u32 s7, $0x4  }
0x22: {  	s26 =	sadd.s32 $0x4E0, s16;
	s9 =	simm.s32 $0x3;
	s0 =	sadd.s32 s0, s7  }
0x23: {  	s14 =	simm.s32 $0x6;
	[dreg:$0x11] =	wrdreg s0;
	s0 =	sshrl.u32 s20, $0x3  }
0x24: {  	[dreg:$0x14] =	wrdreg s26;
	s22 =	sadd.s32 s0, s5;
	s0 =	simm.s32 $0x1  }
.LBB2_1:
0x25: {  	s7 =	rddreg [dreg:$0x4]  }
0x26: {  	[tilespmem:s4], [sflag:$0x1] =	stream.linear.gather [hbm4b:s7+s4], $0x80, $0x38;
	[tilespmem:$0x1C300] =	vst v63  }
0x27: {  	s19 =	rddreg [dreg:$0x5]  }
0x28: {  	[tilespmem:s29], [sflag:$0x1] =	stream.linear.gather [hbm4b:s19+s4], $0x80, $0x38;
	[tilespmem:$0x1C300] =	vst v63  }
0x29: {  	s20 =	rddreg [dreg:$0x6]  }
0x2a: {  	[tilespmem:s30], [sflag:$0x2] =	stream.linear.gather [hbm4b:s20+s4], $0x80, $0x38;
	[tilespmem:$0x1C300] =	vst v63  }
0x2b: {  	s21 =	rddreg [dreg:$0x7]  }
0x2c: {  	[tilespmem:s31], [sflag:$0x2] =	stream.linear.gather [hbm4b:s21+s4], $0x80, $0x38;
	[tilespmem:$0x1C300] =	vst v63  }
0x2d: {  	_ =	swait.ge [sflag:s0], $0x80  }
0x2e: {  	[sflag:s0] =	ssyncset.done $0x0  }
0x2f: {  	[sflag:s0] =	ssyncadd.s32 $0xFFFFFF80  }
0x30: {  	s23 =	stileid.u32;
	_ =	swait.ge [sflag:s0], $0x80  }
0x31: {  	s7 =	sshll.u32 s23, $0x6;
	[sflag:s0] =	ssyncset.done $0x0;
	s26 =	rddreg [dreg:$0x8]  }
0x32: {  	s19 =	sor.u32 $0x1C07, s7;
	[sflag:s0] =	ssyncadd.s32 $0xFFFFFF80;
	s20 =	sshrl.u32 s26, $0x3  }
0x33: {  	[tilespmem:s3], [sflag:$0x3] =	stream.indirect.gather [hbm4b:s1+s29], $0x80, s4, s29, $0xb8;
	[tilespmem:$0x1C300] =	vst v63  }
0x34: {  	[spmem:s20], [sflag:s19] =	dma.local [hbm:s6], $0x800  }
0x35: {  	_ =	swait.ge [sflag:s8], $0x800  }
0x36: {  	[sflag:s8] =	ssyncset.done $0x0;
	s15 =	rddreg [dreg:$0x9]  }
0x37: {  	[sflag:s8] =	ssyncadd.s32 $0xFFFFF800;
	s21 =	sshrl.u32 s15, $0x3  }
0x38: {  	[spmem:s21], [sflag:s19] =	dma.local [hbm:s6], $0x800  }
0x39: {  	_ =	swait.ge [sflag:s8], $0x800  }
0x3a: {  	[sflag:s8] =	ssyncset.done $0x0;
	s16 =	rddreg [dreg:$0xa]  }
0x3b: {  	[sflag:s8] =	ssyncadd.s32 $0xFFFFF800;
	s7 =	sshrl.u32 s16, $0x3  }
0x3c: {  	[spmem:s7], [sflag:s19] =	dma.local [hbm:s6], $0x800  }
0x3d: {  	_ =	swait.ge [sflag:s8], $0x800  }
0x3e: {  	[sflag:s8] =	ssyncset.done $0x0;
	s15 =	rddreg [dreg:$0xb]  }
0x3f: {  	[sflag:s8] =	ssyncadd.s32 $0xFFFFF800;
	s26 =	sshrl.u32 s15, $0x3  }
0x40: {  	[spmem:s26], [sflag:s19] =	dma.local [hbm:s6], $0x800  }
0x41: {  	_ =	swait.ge [sflag:s8], $0x800  }
0x42: {  	[sflag:s8] =	ssyncset.done $0x0;
	s17 =	rddreg [dreg:$0xc]  }
0x43: {  	[sflag:s8] =	ssyncadd.s32 $0xFFFFF800;
	s28 =	sshrl.u32 s17, $0x3  }
0x44: {  	[spmem:s28], [sflag:s19] =	dma.local [hbm:s6], $0x800  }
0x45: {  	_ =	swait.ge [sflag:s8], $0x800  }
0x46: {  	[sflag:s8] =	ssyncset.done $0x0  }
0x47: {  	[sflag:s8] =	ssyncadd.s32 $0xFFFFF800  }
0x48: {  	[bflag:$0x0] =	sbarrier.arrive $0xFFFF  }
0x49: {  	_ =	swait.ge [sflag:s9], $0x4000  }
0x4a: {  	[sflag:s9] =	ssyncset.done $0x0  }
0x4b: {  	[sflag:s9] =	ssyncadd.s32 $0xFFFFC000  }
0x4c: {  	_ =	swait.ge [sflag:s10], $0x80  }
0x4d: {  	[sflag:s10] =	ssyncset.done $0x0  }
0x4e: {  	[sflag:s10] =	ssyncadd.s32 $0xFFFFFF80  }
0x4f: {  	_ =	swait.ge [sflag:s10], $0x80  }
0x50: {  	[sflag:s10] =	ssyncset.done $0x0  }
0x51: {  	[sflag:s10] =	ssyncadd.s32 $0xFFFFFF80  }
0x52: {  	[tilespmem:s11], [sflag:$0x4] =	stream.indirect.gather [hbm4b:s1+s29], $0x80, s30, s29, $0xb8;
	[tilespmem:$0x1C300] =	vst v63  }
0x53: {  	_ = 	snop  }
0x54: {  	[spmem:s2] =	stream.indirect.scatter.add.f32 [tilespmem:s3], [sflag:$0x5], $0x80, s29, s29, $0xb8;
	[tilespmem:$0x1C300] =	vst v63  }
0x55: {  	_ =	swait.ge [sflag:s12], $0x4000  }
0x56: {  	s16 =	rddreg [dreg:$0x13]  }
0x57: {  	[sflag:s12] =	ssyncset.done $0x0;
	s23 =	sshrl.u32 s16, $0x3  }
0x58: {  	[sflag:s12] =	ssyncadd.s32 $0xFFFFC000;
	s15 =	sadd.s32 s5, s23  }
0x59: {  	[tilespmem:s4], [sflag:$0x1] =	stream.linear.gather [hbm4b:s15+s4], $0x80, $0x38;
	[tilespmem:$0x1C300] =	vst v63  }
0x5a: {  	s17 =	sadd.s32 $0x0, s22  }
0x5b: {  	[tilespmem:s29], [sflag:$0x1] =	stream.linear.gather [hbm4b:s17+s4], $0x80, $0x38;
	[tilespmem:$0x1C300] =	vst v63  }
0x5c: {  	_ =	swait.ge [sflag:s13], $0x4000  }
0x5d: {  	[sflag:s13] =	ssyncset.done $0x0  }
0x5e: {  	[sflag:s13] =	ssyncadd.s32 $0xFFFFC000  }
0x5f: {  	_ =	swait.ge [sflag:s0], $0x80  }
0x60: {  	[sflag:s0] =	ssyncset.done $0x0  }
0x61: {  	[sflag:s0] =	ssyncadd.s32 $0xFFFFFF80  }
0x62: {  	_ =	swait.ge [sflag:s0], $0x80  }
0x63: {  	[sflag:s0] =	ssyncset.done $0x0  }
0x64: {  	[sflag:s0] =	ssyncadd.s32 $0xFFFFFF80  }
0x65: {  	[tilespmem:s3], [sflag:$0x3] =	stream.indirect.gather [hbm4b:s1+s29], $0x80, s4, s29, $0xb8;
	[tilespmem:$0x1C300] =	vst v63  }
0x66: {  	_ = 	snop  }
0x67: {  	[spmem:s2] =	stream.indirect.scatter.add.f32 [tilespmem:s11], [sflag:$0x6], $0x80, s31, s29, $0xb8;
	[tilespmem:$0x1C300] =	vst v63  }
0x68: {  	_ =	swait.ge [sflag:s14], $0x4000  }
0x69: {  	s16 =	sadd.s32 $0x100, s16;
	s23 =	sadd.s32 $0x0, s25;
	[sflag:s14] =	ssyncset.done $0x0  }
0x6a: {  	s15 =	simm.s32 $0x20;
	s17 =	sadd.s32 $0x0, s24;
	[sflag:s14] =	ssyncadd.s32 $0xFFFFC000  }
0x6b: {  	[tilespmem:s30], [sflag:$0x2] =	stream.linear.gather [hbm4b:s23+s4], $0x80, $0x38;
	[tilespmem:$0x1C300] =	vst v63  }
.LBB2_2:
0x6c: {  	[tilespmem:s31], [sflag:$0x2] =	stream.linear.gather [hbm4b:s17+s4], $0x80, $0x38;
	[tilespmem:$0x1C300] =	vst v63  }
0x6d: {  	s17 =	smov.u32 s15  }
0x6e: {  	p0 =	sne.s32 s15, $0x4A0;
	s15 =	sadd.s32 $0x20, s15;
	_ =	swait.ge [sflag:s9], $0x4000  }
0x6f: {  	[sflag:s9] =	ssyncset.done $0x0  }
0x70: {  	[sflag:s9] =	ssyncadd.s32 $0xFFFFC000  }
0x71: {  	_ =	swait.ge [sflag:s10], $0x80  }
0x72: {  	[sflag:s10] =	ssyncset.done $0x0  }
0x73: {  	[sflag:s10] =	ssyncadd.s32 $0xFFFFFF80  }
0x74: {  	_ =	swait.ge [sflag:s10], $0x80  }
0x75: {  	[sflag:s10] =	ssyncset.done $0x0  }
0x76: {  	[sflag:s10] =	ssyncadd.s32 $0xFFFFFF80  }
0x77: {  	[tilespmem:s11], [sflag:$0x4] =	stream.indirect.gather [hbm4b:s1+s29], $0x80, s30, s29, $0xb8;
	[tilespmem:$0x1C300] =	vst v63  }
0x78: {  	_ = 	snop  }
0x79: {  	[spmem:s2] =	stream.indirect.scatter.add.f32 [tilespmem:s3], [sflag:$0x5], $0x80, s29, s29, $0xb8;
	[tilespmem:$0x1C300] =	vst v63  }
0x7a: {  	_ =	swait.ge [sflag:s12], $0x4000  }
0x7b: {  	s23 =	sshrl.u32 s16, $0x3;
	[sflag:s12] =	ssyncset.done $0x0  }
0x7c: {  	s23 =	sadd.s32 s5, s23;
	[sflag:s12] =	ssyncadd.s32 $0xFFFFC000  }
0x7d: {  	[tilespmem:s4], [sflag:$0x1] =	stream.linear.gather [hbm4b:s23+s4], $0x80, $0x38;
	[tilespmem:$0x1C300] =	vst v63  }
0x7e: {  	s23 =	sadd.s32 s17, s22  }
0x7f: {  	[tilespmem:s29], [sflag:$0x1] =	stream.linear.gather [hbm4b:s23+s4], $0x80, $0x38;
	[tilespmem:$0x1C300] =	vst v63  }
0x80: {  	_ =	swait.ge [sflag:s13], $0x4000  }
0x81: {  	[sflag:s13] =	ssyncset.done $0x0  }
0x82: {  	[sflag:s13] =	ssyncadd.s32 $0xFFFFC000  }
0x83: {  	_ =	swait.ge [sflag:s0], $0x80  }
0x84: {  	[sflag:s0] =	ssyncset.done $0x0  }
0x85: {  	[sflag:s0] =	ssyncadd.s32 $0xFFFFFF80  }
0x86: {  	_ =	swait.ge [sflag:s0], $0x80  }
0x87: {  	[sflag:s0] =	ssyncset.done $0x0  }
0x88: {  	[sflag:s0] =	ssyncadd.s32 $0xFFFFFF80  }
0x89: {  	[tilespmem:s3], [sflag:$0x3] =	stream.indirect.gather [hbm4b:s1+s29], $0x80, s4, s29, $0xb8;
	[tilespmem:$0x1C300] =	vst v63  }
0x8a: {  	_ = 	snop  }
0x8b: {  	[spmem:s2] =	stream.indirect.scatter.add.f32 [tilespmem:s11], [sflag:$0x6], $0x80, s31, s29, $0xb8;
	[tilespmem:$0x1C300] =	vst v63  }
.Ltmp0:
0x8c: {  	_ =	swait.ge [sflag:s14], $0x4000;
	(pc) =	sbr.rel @p0 .LBB2_2-.Ltmp0, $4  }
0x8d: {  	[sflag:s14] =	ssyncset.done $0x0  }
0x8e: {  	s23 =	sadd.s32 s17, s25;
	[sflag:s14] =	ssyncadd.s32 $0xFFFFC000  }
0x8f: {  	[tilespmem:s30], [sflag:$0x2] =	stream.linear.gather [hbm4b:s23+s4], $0x80, $0x38;
	[tilespmem:$0x1C300] =	vst v63  }
0x90: {  	s16 =	sadd.s32 $0x100, s16;
	s17 =	sadd.s32 s17, s24  }
0x91: {  	[tilespmem:s31], [sflag:$0x2] =	stream.linear.gather [hbm4b:s17+s4], $0x80, $0x38;
	[tilespmem:$0x1C300] =	vst v63  }
0x92: {  	s15 =	rddreg [dreg:$0x14];
	s16 =	simm.s32 $0x200  }
0x93: {  	[tilespmem:s16], [sflag:$0x1] =	stream.linear.gather [hbm4b:s15+s4], $0x10, $0x38;
	[tilespmem:$0x1C300] =	vst v63  }
0x94: {  	s23 =	rddreg [dreg:$0x15];
	s17 =	simm.s32 $0x280  }
0x95: {  	[tilespmem:s17], [sflag:$0x1] =	stream.linear.gather [hbm4b:s23+s4], $0x10, $0x38;
	[tilespmem:$0x1C300] =	vst v63  }
0x96: {  	_ =	swait.ge [sflag:s9], $0x4000  }
0x97: {  	[sflag:s9] =	ssyncset.done $0x0  }
0x98: {  	[sflag:s9] =	ssyncadd.s32 $0xFFFFC000  }
0x99: {  	_ =	swait.ge [sflag:s10], $0x80  }
0x9a: {  	[sflag:s10] =	ssyncset.done $0x0  }
0x9b: {  	[sflag:s10] =	ssyncadd.s32 $0xFFFFFF80  }
0x9c: {  	_ =	swait.ge [sflag:s10], $0x80  }
0x9d: {  	[sflag:s10] =	ssyncset.done $0x0  }
0x9e: {  	[sflag:s10] =	ssyncadd.s32 $0xFFFFFF80  }
0x9f: {  	[tilespmem:s11], [sflag:$0x4] =	stream.indirect.gather [hbm4b:s1+s29], $0x80, s30, s29, $0xb8;
	[tilespmem:$0x1C300] =	vst v63  }
0xa0: {  	_ = 	snop  }
0xa1: {  	[spmem:s2] =	stream.indirect.scatter.add.f32 [tilespmem:s3], [sflag:$0x5], $0x80, s29, s29, $0xb8;
	[tilespmem:$0x1C300] =	vst v63  }
0xa2: {  	_ =	swait.ge [sflag:s12], $0x4000  }
0xa3: {  	[sflag:s12] =	ssyncset.done $0x0  }
0xa4: {  	[sflag:s12] =	ssyncadd.s32 $0xFFFFC000  }
0xa5: {  	_ =	swait.ge [sflag:s13], $0x4000  }
0xa6: {  	[sflag:s13] =	ssyncset.done $0x0  }
0xa7: {  	[sflag:s13] =	ssyncadd.s32 $0xFFFFC000  }
0xa8: {  	[spmem:s2] =	stream.indirect.scatter.add.f32 [tilespmem:s11], [sflag:$0x6], $0x80, s31, s29, $0xb8;
	[tilespmem:$0x1C300] =	vst v63  }
0xa9: {  	_ =	swait.ge [sflag:s14], $0x4000  }
0xaa: {  	[sflag:s14] =	ssyncset.done $0x0  }
0xab: {  	[sflag:s14] =	ssyncadd.s32 $0xFFFFC000  }
0xac: {  	_ =	swait.ge [sflag:s0], $0x10  }
0xad: {  	[sflag:s0] =	ssyncset.done $0x0  }
0xae: {  	[sflag:s0] =	ssyncadd.s32 $0xFFFFFFF0  }
0xaf: {  	_ =	swait.ge [sflag:s0], $0x10  }
0xb0: {  	[sflag:s0] =	ssyncset.done $0x0  }
0xb1: {  	s23 =	simm.s32 $0x10;
	[sflag:s0] =	ssyncadd.s32 $0xFFFFFFF0  }
0xb2: {  	[tilespmem:s3], [sflag:$0x3] =	stream.indirect.gather [hbm4b:s1+s23], $0x80, s16, s23, $0xb8;
	[tilespmem:$0x1C300] =	vst v63  }
0xb3: {  	_ =	swait.ge [sflag:s9], $0x800  }
0xb4: {  	[sflag:s9] =	ssyncset.done $0x0  }
0xb5: {  	[sflag:s9] =	ssyncadd.s32 $0xFFFFF800  }
0xb6: {  	[spmem:s2] =	stream.indirect.scatter.add.f32 [tilespmem:s3], [sflag:$0x5], $0x80, s17, s23, $0xb8;
	[tilespmem:$0x1C300] =	vst v63  }
0xb7: {  	_ =	swait.ge [sflag:s12], $0x800  }
0xb8: {  	[sflag:s12] =	ssyncset.done $0x0  }
0xb9: {  	[sflag:s12] =	ssyncadd.s32 $0xFFFFF800  }
0xba: {  	[bflag:$0x0] =	sbarrier.arrive $0xFFFF  }
0xbb: {  	s17 =	rddreg [dreg:$0xd]  }
0xbc: {  	[hbm:s17], [sflag:s19] =	dma.local [spmem:s20], $0x800  }
0xbd: {  	_ =	swait.ge [sflag:s8], $0x800  }
0xbe: {  	[sflag:s8] =	ssyncset.done $0x0  }
0xbf: {  	s20 =	rddreg [dreg:$0xe];
	[sflag:s8] =	ssyncadd.s32 $0xFFFFF800  }
0xc0: {  	[hbm:s20], [sflag:s19] =	dma.local [spmem:s21], $0x800  }
0xc1: {  	_ =	swait.ge [sflag:s8], $0x800  }
0xc2: {  	[sflag:s8] =	ssyncset.done $0x0  }
0xc3: {  	s21 =	rddreg [dreg:$0xf];
	[sflag:s8] =	ssyncadd.s32 $0xFFFFF800  }
0xc4: {  	[hbm:s21], [sflag:s19] =	dma.local [spmem:s7], $0x800  }
0xc5: {  	_ =	swait.ge [sflag:s8], $0x800  }
0xc6: {  	[sflag:s8] =	ssyncset.done $0x0  }
0xc7: {  	s23 =	rddreg [dreg:$0x10];
	[sflag:s8] =	ssyncadd.s32 $0xFFFFF800  }
0xc8: {  	[hbm:s23], [sflag:s19] =	dma.local [spmem:s26], $0x800  }
0xc9: {  	_ =	swait.ge [sflag:s8], $0x800  }
0xca: {  	[sflag:s8] =	ssyncset.done $0x0  }
0xcb: {  	s26 =	rddreg [dreg:$0x11];
	[sflag:s8] =	ssyncadd.s32 $0xFFFFF800  }
0xcc: {  	[hbm:s26], [sflag:s19] =	dma.local [spmem:s28], $0x800  }
0xcd: {  	_ =	swait.ge [sflag:s8], $0x800  }
0xce: {  	s18 =	sadd.s32 $0x1, s18;
	s28 =	rddreg [dreg:$0x12]  }
0xcf: {  	p0 =	sne.s32 s18, s28  }
.Ltmp1:
0xd0: {  	_ = 	snop;
	(pc) =	sbr.rel @p0 .LBB2_1-.Ltmp1, $3  }
0xd1: {  	_ =	sdelay $0x1  }
0xd2: {  	[sflag:s8] =	ssyncset.done $0x0  }
0xd3: {  	[sflag:s8] =	ssyncadd.s32 $0xFFFFF800  }
0xd4: {  	_ =	sfence.sel $0x180000  }
0xd5: {  	[bflag:$0x0] =	sbarrier.arrive $0xFFFF  }
0xd6: {  	_ =	strace $0x90000047  }
0xd7: {  	s0 =	stileid.u32;
	[bflag:$0x2] =	sbarrier.arrive $0xFFFF  }
0xd8: {  	p0 =	sne.s32 s0, $0x0;
	s0 =	rddreg [dreg:$0x3]  }
0xd9: {  	s0 =	sadd.s32 @!p0 $0x100000, s0  }
0xda: {  	[sflag:s0] =	ssyncadd.tile.s32 @!p0 $0x1;
	_ =	shalt  }
.Lfunc_end2:
_tile_overlayer_lowered:
.L_overlay_start_2:
0xdb: {  	(tag) =	ssettag $0x2  }
0xdc: {  	s0 =	rddreg [dreg:$0x0];
	s2 =	stileid.u32  }
0xdd: {  	s1 =	rddreg [dreg:$0x1];
	p0 =	sne.s32 s2, $0x0  }
0xde: {  	s3 =	rddreg [dreg:$0x2];
	[bflag:$0x3] =	sbarrier.arrive $0xFFFF;
	s2 =	simm.s32 @!p0 $0x1C07  }
0xdf: {  	[timem:s3], [sflag:s2] =	dma.local @!p0 [hbm:s0], s1  }
0xe0: {  	s0 =	simm.s32 @!p0 $0x7  }
0xe1: {  	_ =	swait.ge @!p0 [sflag:s0], s1  }
0xe2: {  	s1 =	ssub.s32 @!p0 $0x0, s1;
	[sflag:s0] =	ssyncset.done @!p0 $0x0  }
0xe3: {  	[sflag:s0] =	ssyncadd.s32 @!p0 s1  }
0xe4: {  	[bflag:$0x3] =	sbarrier.arrive $0xFFFF  }
0xe5: {  	_ =	shalt  }

// kernel: kernel.15.cloned.1.call-start
scs
__scs_entry_jumppad:
0x0: {  	(pc) =	sbr.rel $0x88, $3  }
0x1: {  	(tag) =	ssettag $0x0;
	lr =	simm.s32 $0x1  }
0x2: {  	[smem:$0x3F97] =	sst lr;
	_ =	strace $0xD0000000  }
0x3: {  	_ = 	snop  }
0x4: {  	_ = 	snop  }
0x5: {  	_ = 	snop  }
0x6: {  	_ = 	snop  }
0x7: {  	_ = 	snop  }
__scs_overlays_trampoline_lowered:
0x8: {  	[smem:$0x3FA6] =	sst s0  }
0x9: {  	[smem:$0x3FA7] =	sst s1  }
0xa: {  	[smem:$0x3FA8] =	sst s2  }
0xb: {  	[smem:$0x3FA9] =	sst s3  }
0xc: {  	[smem:$0x3FAA] =	sst s4  }
0xd: {  	[smem:$0x3FAB] =	sst s5  }
0xe: {  	[smem:$0x3FAC] =	sst s6  }
0xf: {  	[smem:$0x3FAD] =	sst s7  }
0x10: {  	[smem:$0x3FAE] =	sst s8  }
0x11: {  	[smem:$0x3FAF] =	sst s9;
	s0 =	simm.s32 @!p0 $0x0  }
0x12: {  	s1 =	sld [smem:$0x3F95];
	s0 =	simm.s32 @p0 $0x1  }
0x13: {  	[smem:$0x3FB0] =	sst s0;
	s0 =	simm.s32 @!p1 $0x0  }
0x14: {  	s2 =	sld [smem:$0x3F94];
	s0 =	simm.s32 @p1 $0x1  }
0x15: {  	[smem:$0x3FB1] =	sst s0;
	s0 =	simm.s32 @!p2 $0x0  }
0x16: {  	s3 =	sld [smem:$0x3FDB];
	s0 =	simm.s32 @p2 $0x1  }
0x17: {  	s4 =	simm.s32 $0x1BF5;
	[smem:$0x3FB3] =	sst s0  }
0x18: {  	s0 =	sld [smem:$0x3F96];
	_ =	swait.ge [sflag:s4], $0x0  }
0x19: {  	s7 =	sld [smem:$0x3F97]  }
0x1a: {  	s8 =	sadd.s32 $0xFFFFE003, lr  }
0x1b: {  	s9 =	sadd.s32 $0xFFFFFEF7, lr;
	s5 =	simm.s32 $0xFFFFFFFF;
	p2 =	slt.u32 s8, $0xFFFFF086  }
0x1c: {  	p1 =	slt.u32 s9, $0xF7A;
	s5 =	simm.s32 @!p2 $0x0  }
0x1d: {  	s5 =	simm.s32 @p1 $0x1;
	p0 =	seq.s32 s7, s2  }
0x1e: {  	s7 =	smul.u32 @!p0 $0xF7A, s2;
	p2 =	seq.s32 @!p0 s5, $0x0  }
0x1f: {  	s9 =	smul.u32 $0xF7A, s1;
	s8 =	simm.s32 @!p0 $0x1BF5;
	p2 =	por !p2, p0  }
0x20: {  	[sflag:s8] =	ssyncset.s32 @!p0 $0xFFFFF086;
	s6 =	sadd.s32 @!p0 s3, s7;
	s7 =	simm.s32 @!p0 $0x108  }
0x21: {  	s3 =	sadd.s32 s3, s9;
	s6 =	sadd.s32 @!p0 $0x88, s6;
	s7 =	simm.s32 @p2 $0x1082  }
0x22: {  	[simem:s7], [sflag:s8] =	dma.local @!p0 [hbm:s6], $0xF7A  }
0x23: {  	s9 =	sor.u32 $0xD0000000, s2;
	s6 =	simm.s32 $0x108;
	_ =	swait.ge @!p0 [sflag:s8], $0x0  }
0x24: {  	s3 =	sadd.s32 $0x88, s3;
	s6 =	simm.s32 @!p1 $0x1082;
	[sflag:s4] =	ssyncset.s32 $0xFFFFF086  }
0x25: {  	[simem:s6], [sflag:s4] =	dma.local [hbm:s3], $0xF7A  }
0x26: {  	[smem:$0x3F97] =	sst s1;
	(tag) =	ssettag s2;
	_ =	strace s9  }
0x27: {  	s1 =	sld [smem:$0x3FA7]  }
0x28: {  	s2 =	sld [smem:$0x3FA8]  }
0x29: {  	s4 =	sld [smem:$0x3FAA]  }
0x2a: {  	p0 =	seq.s32 s5, $0x0;
	s5 =	sld [smem:$0x3FAB]  }
0x2b: {  	s6 =	sld [smem:$0x3FAC]  }
0x2c: {  	s7 =	sld [smem:$0x3FAD]  }
0x2d: {  	s3 =	simm.s32 $0x108;
	s8 =	sld [smem:$0x3FAE]  }
0x2e: {  	s3 =	simm.s32 @!p0 $0x1082;
	s9 =	sld [smem:$0x3FAF]  }
0x2f: {  	lr =	sadd.s32 s0, s3;
	s0 =	sld [smem:$0x3FA6]  }
0x30: {  	s3 =	sld [smem:$0x3FA9]  }
0x31: {  	[smem:$0x3FB2] =	sst s10  }
0x32: {  	s10 =	sld [smem:$0x3FB0];
	_ =	sdelay $0x3  }
0x33: {  	p0 =	seq.s32 s10, $0x1;
	s10 =	sld [smem:$0x3FB2];
	_ =	sdelay $0x3  }
0x34: {  	[smem:$0x3FB2] =	sst s10  }
0x35: {  	s10 =	sld [smem:$0x3FB1];
	_ =	sdelay $0x3  }
0x36: {  	p1 =	seq.s32 s10, $0x1;
	s10 =	sld [smem:$0x3FB2];
	_ =	sdelay $0x3  }
0x37: {  	[smem:$0x3FB2] =	sst s10  }
0x38: {  	s10 =	sld [smem:$0x3FB3]  }
0x39: {  	_ = 	snop;
	(pc) =	sbr.ind lr, $3  }
0x3a: {  	_ = 	snop  }
0x3b: {  	_ = 	snop  }
0x3c: {  	p2 =	seq.s32 s10, $0x1;
	s10 =	sld [smem:$0x3FB2]  }
0x3d: {  	_ =	shalt  }
0x3e: {  	_ =	shalt  }
0x3f: {  	_ =	shalt  }
0x40: {  	_ =	shalt  }
0x41: {  	_ =	shalt  }
0x42: {  	_ =	shalt  }
0x43: {  	_ =	shalt  }
0x44: {  	_ =	shalt  }
0x45: {  	_ =	shalt  }
0x46: {  	_ =	shalt  }
0x47: {  	_ =	shalt  }
0x48: {  	_ =	shalt  }
0x49: {  	_ =	shalt  }
0x4a: {  	_ =	shalt  }
0x4b: {  	_ =	shalt  }
0x4c: {  	_ =	shalt  }
0x4d: {  	_ =	shalt  }
0x4e: {  	_ =	shalt  }
0x4f: {  	_ =	shalt  }
0x50: {  	_ =	shalt  }
0x51: {  	_ =	shalt  }
0x52: {  	_ =	shalt  }
0x53: {  	_ =	shalt  }
0x54: {  	_ =	shalt  }
0x55: {  	_ =	shalt  }
0x56: {  	_ =	shalt  }
0x57: {  	_ =	shalt  }
0x58: {  	_ =	shalt  }
0x59: {  	_ =	shalt  }
0x5a: {  	_ =	shalt  }
0x5b: {  	_ =	shalt  }
0x5c: {  	_ =	shalt  }
0x5d: {  	_ =	shalt  }
0x5e: {  	_ =	shalt  }
0x5f: {  	_ =	shalt  }
0x60: {  	_ =	shalt  }
0x61: {  	_ =	shalt  }
0x62: {  	_ =	shalt  }
0x63: {  	_ =	shalt  }
0x64: {  	_ =	shalt  }
0x65: {  	_ =	shalt  }
0x66: {  	_ =	shalt  }
0x67: {  	_ =	shalt  }
0x68: {  	_ =	shalt  }
0x69: {  	_ =	shalt  }
0x6a: {  	_ =	shalt  }
0x6b: {  	_ =	shalt  }
0x6c: {  	_ =	shalt  }
0x6d: {  	_ =	shalt  }
0x6e: {  	_ =	shalt  }
0x6f: {  	_ =	shalt  }
0x70: {  	_ =	shalt  }
0x71: {  	_ =	shalt  }
0x72: {  	_ =	shalt  }
0x73: {  	_ =	shalt  }
0x74: {  	_ =	shalt  }
0x75: {  	_ =	shalt  }
0x76: {  	_ =	shalt  }
0x77: {  	_ =	shalt  }
0x78: {  	_ =	shalt  }
0x79: {  	_ =	shalt  }
0x7a: {  	_ =	shalt  }
0x7b: {  	_ =	shalt  }
0x7c: {  	_ =	shalt  }
0x7d: {  	_ =	shalt  }
0x7e: {  	_ =	shalt  }
0x7f: {  	_ =	shalt  }
0x80: {  	_ =	shalt  }
0x81: {  	_ =	shalt  }
0x82: {  	_ =	shalt  }
0x83: {  	_ =	shalt  }
0x84: {  	_ =	shalt  }
0x85: {  	_ =	shalt  }
0x86: {  	_ =	shalt  }
0x87: {  	_ =	shalt  }
.Lfunc_end0:
.L_simem_size_0:
called_computation.1_lowered:
.L_overlay_start_0:
0x88: {  	s2 =	sld [smem:$0x3FD9]  }
0x89: {  	s3 =	sld [smem:$0x3FFE];
	_ =	sdelay $0x1  }
0x8a: {  	s1 =	srdreg.scid  }
0x8b: {  	s0 =	sand.u32 $0x1, s1  }
0x8c: {  	s14 =	sshll.u32 s0, $0xA;
	s2 =	sadd.s32 s3, s2  }
0x8d: {  	s2 =	sadd.s32 s2, s14  }
0x8e: {  	[smem:$0x3FBE] =	sst s2  }
0x8f: {  	_ = 	snop  }
0x90: {  	s2 =	sld [smem:$0x3FD0];
	_ =	sdelay $0x2  }
0x91: {  	s15 =	simm.s32 $0xA;
	s4 =	simm.s32 $0x10  }
0x92: {  	[smem:s4], [sflag:s15] =	dma.local [hbm:s2], $0x1  }
0x93: {  	_ =	swait.eq [sflag:s15], $0x1  }
0x94: {  	[sflag:s15] =	ssyncset.done $0x0  }
0x95: {  	[sflag:s15] =	ssyncadd.s32 $0xFFFFFFFF  }
0x96: {  	s16 =	sld [smem:$0x10];
	(tm) =	ssettm $0x1  }
0x97: {  	s17 =	sld [smem:$0x3FFB];
	_ =	sdelay $0x3  }
0x98: {  	_ =	strace s17  }
0x99: {  	s3 =	sld [smem:$0x3FFC];
	_ =	sdelay $0x3  }
0x9a: {  	_ =	strace s3  }
0x9b: {  	s3 =	sld [smem:$0x3FFD];
	_ =	sdelay $0x3  }
0x9c: {  	_ =	strace s3  }
0x9d: {  	_ =	strace $0x8FFFFFFF  }
0x9e: {  	s18 =	sld [smem:$0x3FDB];
	_ =	sdelay $0x1  }
0x9f: {  	s19 =	simm.s32 $_scs_section_size  }
0xa0: {  	s5 =	simm.s32 $_size__tile_overlayer_lowered;
	s6 =	simm.s32 $_tile_overlayer_lowered  }
0xa1: {  	s22 =	simm.s32 $0x1BFF;
	s21 =	sshll.u32 s6, $0x1;
	s3 =	sadd.s32 s19, s18  }
0xa2: {  	s7 =	simm.s32 $0x0;
	s20 =	sshll.u32 s5, $0x1;
	s5 =	sadd.s32 s21, s3  }
0xa3: {  	[timem:s7], [sflag:s22] =	dma.local [hbm:s5], s20  }
0xa4: {  	_ =	swait.ge [sflag:s22], s20  }
0xa5: {  	s4 =	ssub.s32 $0x0, s20;
	[sflag:s22] =	ssyncset.done $0x0  }
0xa6: {  	[sflag:s22] =	ssyncadd.s32 s4;
	_ =	sdelay $0x1  }
0xa7: {  	s23 =	simm.s32 $0x1B8B  }
0xa8: {  	_ =	swait.ge [sflag:s23], $0x1  }
0xa9: {  	[sflag:s23] =	ssyncset.done $0x0  }
0xaa: {  	s25 =	simm.s32 $0x1B8E;
	s24 =	sld [smem:$0x3FFE];
	[sflag:s23] =	ssyncadd.s32 $0xFFFFFFFF  }
0xab: {  	s26 =	simm.s32 $execute0_lowered;
	[smem:$0x3FD2] =	sst s25  }
0xac: {  	s5 =	sshll.u32 s26, $0x1;
	_ =	strace $0x80000049;
	[dreg:$0x1] =	wrdreg $0xFFFFFFFF  }
0xad: {  	s28 =	simm.s32 $_size_execute0_lowered;
	s3 =	sadd.s32 s3, s5;
	[dreg:$0x0] =	wrdreg $0x0  }
0xae: {  	s5 =	sshll.u32 s28, $0x1;
	[dreg:$0x2] =	wrdreg s3  }
0xaf: {  	[dreg:$0x3] =	wrdreg s5  }
0xb0: {  	[dreg:$0x4] =	wrdreg $0xC0  }
0xb1: {  	_ =	task [dreg:s7], $0x5FFFF  }
0xb2: {  	[dreg:$0x1] =	wrdreg $0xFFFFFFFF  }
0xb3: {  	[dreg:$0x0] =	wrdreg $0x60  }
0xb4: {  	[dreg:$0x2] =	wrdreg s16  }
0xb5: {  	[dreg:$0x3] =	wrdreg s24  }
0xb6: {  	[dreg:$0x4] =	wrdreg $0x83000  }
0xb7: {  	[dreg:$0x5] =	wrdreg $0x9  }
0xb8: {  	_ =	task.clear_ibuf [dreg:s7], $0x6FFFF;
	_ =	strace $0x90000049  }
0xb9: {  	s29 =	simm.s32 $0x9;
	_ =	strace $0x8000004B  }
0xba: {  	_ =	swait.ge [sflag:s29], $0x1  }
0xbb: {  	[sflag:s29] =	ssyncadd.s32 $0xFFFFFFFF  }
0xbc: {  	_ =	strace $0x9000004B  }
0xbd: {  	_ =	sfence  }
0xbe: {  	s30 =	sld [smem:$0x0];
	_ =	sdelay $0x2  }
0xbf: {  	s31 =	sshll.u32 s1, $0xD;
	s1 =	sshrl.u32 s1, $0x2  }
0xc0: {  	s3 =	sand.u32 $0x4000, s31;
	s1 =	sadd.s32 s1, s30  }
0xc1: {  	s0 =	sor.u32 s3, s0;
	s1 =	sshll.u32 s1, $0x11  }
0xc2: {  	s0 =	sor.u32 s1, s0  }
0xc3: {  	s0 =	sadd.s32 $0x8F2B, s0  }
0xc4: {  	[sflag:s0] =	ssyncadd.remote.s32 $0x1  }
0xc5: {  	_ =	sfence.sel $0xFFFF  }
0xc6: {  	[dreg:$0x0] =	wrdreg $0xFFFFFFFF;
	(pc) =	sbr.abs _section_cstart, $3  }
0xc7: {  	[dreg:$0x1] =	wrdreg $0xFFFFFFFF  }
0xc8: {  	_ =	task.clear_ibuf [dreg:s7], $0x2FFFF;
	_ =	strace $0x9FFFFFFF  }
0xc9: {  	(tm) =	ssettm $0x7FFFFFFF  }
tec
execute0_lowered:
.L_overlay_start_1:
0x0: {  	(tag) =	ssettag $0x1  }
0x1: {  	s1 =	rddreg [dreg:$0x0]  }
0x2: {  	s0 =	rddreg [dreg:$0x1]  }
0x3: {  	s2 =	rddreg [dreg:$0x2]  }
0x4: {  	s3 =	srdreg.scid;
	s4 =	simm.s32 $0x0;
	s15 =	stileid.u32  }
0x5: {  	s29 =	simm.s32 $0x80;
	s30 =	simm.s32 $0x100;
	s9 =	smul.u32 $0x280, s15  }
0x6: {  	s31 =	simm.s32 $0x180;
	s3 =	sand.u32 $0x1, s3;
	s18 =	smul.u32 $0x50000, s15  }
0x7: {  	[smem:$0x7FF] =	sst s4;
	s6 =	sadd.s32 $0x17C00, s0;
	s17 =	smul.u32 $0x2710, s15  }
0x8: {  	s5 =	sshll.u32 s3, $0x4;
	_ =	strace $0x8000004A;
	s14 =	smul.u32 $0x28A0, s3  }
0x9: {  	s8 =	ssub.s32 $0x2, s3;
	s3 =	smul.u32 $0x27100, s3;
	s5 =	sor.u32 s15, s5  }
0xa: {  	s10 =	sshrl.u32 s8, $0x1;
	s22 =	sadd.s32 $0x80, s9;
	s11 =	sadd.s32 $0x100, s9  }
0xb: {  	s13 =	sadd.s32 $0x180, s9;
	s26 =	sadd.s32 $0x200, s9;
	s7 =	smul.u32 $0x2710, s5  }
0xc: {  	s5 =	sadd.s32 $0x4200, s0;
	s0 =	sadd.s32 $0x18400, s0;
	s8 =	ssub.s32 s8, s10  }
0xd: {  	s23 =	sshll.u32 s22, $0x7;
	s12 =	sshll.u32 s11, $0x7;
	s25 =	sshll.u32 s13, $0x7  }
0xe: {  	s9 =	sadd.s32 s9, s14;
	s28 =	sshll.u32 s26, $0x7;
	s10 =	sadd.s32 s14, s22  }
0xf: {  	s13 =	sadd.s32 s14, s13;
	s3 =	sadd.s32 s17, s3;
	s24 =	sadd.s32 s12, s2  }
0x10: {  	s9 =	sshll.u32 s9, $0x4;
	s12 =	sadd.s32 s28, s2;
	[dreg:$0xa] =	wrdreg s24  }
0x11: {  	s10 =	sshll.u32 s10, $0x4;
	s7 =	sshrl.u32 s7, $0x3;
	[dreg:$0xc] =	wrdreg s12  }
0x12: {  	s9 =	sadd.s32 s0, s9;
	s12 =	sadd.s32 s14, s11;
	s11 =	simm.s32 $0x4300  }
0x13: {  	s16 =	sadd.s32 s5, s7;
	[dreg:$0xd] =	wrdreg s9;
	s9 =	sadd.s32 s0, s10  }
0x14: {  	s7 =	sshrl.u32 s18, $0x2;
	s18 =	sshll.u32 s13, $0x4;
	[dreg:$0xe] =	wrdreg s9  }
0x15: {  	s10 =	simm.s32 $0x2;
	s19 =	sadd.s32 $0x9C40, s16;
	[dreg:$0x4] =	wrdreg s16  }
0x16: {  	s13 =	simm.s32 $0x4;
	s20 =	sadd.s32 $0x10, s16;
	[dreg:$0x5] =	wrdreg s19  }
0x17: {  	s21 =	sadd.s32 $0x9C50, s16;
	s7 =	sadd.s32 s7, s2;
	[dreg:$0x6] =	wrdreg s20  }
0x18: {  	s9 =	sshll.u32 s12, $0x4;
	s28 =	sadd.s32 $0xA120, s16;
	[dreg:$0x7] =	wrdreg s21  }
0x19: {  	s12 =	simm.s32 $0x5;
	[dreg:$0x8] =	wrdreg s7;
	s7 =	sadd.s32 s23, s2  }
0x1a: {  	s9 =	sadd.s32 s0, s9;
	s19 =	smax.u32 s8, $0x1;
	[dreg:$0x15] =	wrdreg s28  }
0x1b: {  	s20 =	sadd.s32 $0x4E300, s3;
	s21 =	sadd.s32 $0x4E380, s3;
	[dreg:$0x9] =	wrdreg s7  }
0x1c: {  	s23 =	sadd.s32 $0x180, s3;
	s3 =	sadd.s32 $0x100, s3;
	[dreg:$0xf] =	wrdreg s9  }
0x1d: {  	s8 =	simm.s32 $0x7;
	s7 =	sadd.s32 s25, s2;
	[dreg:$0x12] =	wrdreg s19  }
0x1e: {  	s9 =	sadd.s32 s0, s18;
	s24 =	sshrl.u32 s21, $0x3;
	[dreg:$0x13] =	wrdreg s3  }
0x1f: {  	s25 =	sshrl.u32 s23, $0x3;
	s3 =	simm.s32 $0x300;
	[dreg:$0xb] =	wrdreg s7  }
0x20: {  	s18 =	simm.s32 $0x0;
	s7 =	sadd.s32 s14, s26;
	[dreg:$0x10] =	wrdreg s9  }
0x21: {  	s24 =	sadd.s32 s24, s5;
	s25 =	sadd.s32 s25, s5;
	s7 =	sshll.u32 s7, $0x4  }
0x22: {  	s26 =	sadd.s32 $0x4E0, s16;
	s9 =	simm.s32 $0x3;
	s0 =	sadd.s32 s0, s7  }
0x23: {  	s14 =	simm.s32 $0x6;
	[dreg:$0x11] =	wrdreg s0;
	s0 =	sshrl.u32 s20, $0x3  }
0x24: {  	[dreg:$0x14] =	wrdreg s26;
	s22 =	sadd.s32 s0, s5;
	s0 =	simm.s32 $0x1  }
.LBB2_1:
0x25: {  	s7 =	rddreg [dreg:$0x4]  }
0x26: {  	[tilespmem:s4], [sflag:$0x1] =	stream.linear.gather [hbm4b:s7+s4], $0x80, $0x38;
	[tilespmem:$0x1C300] =	vst v63  }
0x27: {  	s19 =	rddreg [dreg:$0x5]  }
0x28: {  	[tilespmem:s29], [sflag:$0x1] =	stream.linear.gather [hbm4b:s19+s4], $0x80, $0x38;
	[tilespmem:$0x1C300] =	vst v63  }
0x29: {  	s20 =	rddreg [dreg:$0x6]  }
0x2a: {  	[tilespmem:s30], [sflag:$0x2] =	stream.linear.gather [hbm4b:s20+s4], $0x80, $0x38;
	[tilespmem:$0x1C300] =	vst v63  }
0x2b: {  	s21 =	rddreg [dreg:$0x7]  }
0x2c: {  	[tilespmem:s31], [sflag:$0x2] =	stream.linear.gather [hbm4b:s21+s4], $0x80, $0x38;
	[tilespmem:$0x1C300] =	vst v63  }
0x2d: {  	_ =	swait.ge [sflag:s0], $0x80  }
0x2e: {  	[sflag:s0] =	ssyncset.done $0x0  }
0x2f: {  	[sflag:s0] =	ssyncadd.s32 $0xFFFFFF80  }
0x30: {  	s23 =	stileid.u32;
	_ =	swait.ge [sflag:s0], $0x80  }
0x31: {  	s7 =	sshll.u32 s23, $0x6;
	[sflag:s0] =	ssyncset.done $0x0;
	s26 =	rddreg [dreg:$0x8]  }
0x32: {  	s19 =	sor.u32 $0x1C07, s7;
	[sflag:s0] =	ssyncadd.s32 $0xFFFFFF80;
	s20 =	sshrl.u32 s26, $0x3  }
0x33: {  	[tilespmem:s3], [sflag:$0x3] =	stream.indirect.gather [hbm4b:s1+s29], $0x80, s4, s29, $0xb8;
	[tilespmem:$0x1C300] =	vst v63  }
0x34: {  	[spmem:s20], [sflag:s19] =	dma.local [hbm:s6], $0x800  }
0x35: {  	_ =	swait.ge [sflag:s8], $0x800  }
0x36: {  	[sflag:s8] =	ssyncset.done $0x0;
	s15 =	rddreg [dreg:$0x9]  }
0x37: {  	[sflag:s8] =	ssyncadd.s32 $0xFFFFF800;
	s21 =	sshrl.u32 s15, $0x3  }
0x38: {  	[spmem:s21], [sflag:s19] =	dma.local [hbm:s6], $0x800  }
0x39: {  	_ =	swait.ge [sflag:s8], $0x800  }
0x3a: {  	[sflag:s8] =	ssyncset.done $0x0;
	s16 =	rddreg [dreg:$0xa]  }
0x3b: {  	[sflag:s8] =	ssyncadd.s32 $0xFFFFF800;
	s7 =	sshrl.u32 s16, $0x3  }
0x3c: {  	[spmem:s7], [sflag:s19] =	dma.local [hbm:s6], $0x800  }
0x3d: {  	_ =	swait.ge [sflag:s8], $0x800  }
0x3e: {  	[sflag:s8] =	ssyncset.done $0x0;
	s15 =	rddreg [dreg:$0xb]  }
0x3f: {  	[sflag:s8] =	ssyncadd.s32 $0xFFFFF800;
	s26 =	sshrl.u32 s15, $0x3  }
0x40: {  	[spmem:s26], [sflag:s19] =	dma.local [hbm:s6], $0x800  }
0x41: {  	_ =	swait.ge [sflag:s8], $0x800  }
0x42: {  	[sflag:s8] =	ssyncset.done $0x0;
	s17 =	rddreg [dreg:$0xc]  }
0x43: {  	[sflag:s8] =	ssyncadd.s32 $0xFFFFF800;
	s28 =	sshrl.u32 s17, $0x3  }
0x44: {  	[spmem:s28], [sflag:s19] =	dma.local [hbm:s6], $0x800  }
0x45: {  	_ =	swait.ge [sflag:s8], $0x800  }
0x46: {  	[sflag:s8] =	ssyncset.done $0x0  }
0x47: {  	[sflag:s8] =	ssyncadd.s32 $0xFFFFF800  }
0x48: {  	[bflag:$0x0] =	sbarrier.arrive $0xFFFF  }
0x49: {  	_ =	swait.ge [sflag:s9], $0x4000  }
0x4a: {  	[sflag:s9] =	ssyncset.done $0x0  }
0x4b: {  	[sflag:s9] =	ssyncadd.s32 $0xFFFFC000  }
0x4c: {  	_ =	swait.ge [sflag:s10], $0x80  }
0x4d: {  	[sflag:s10] =	ssyncset.done $0x0  }
0x4e: {  	[sflag:s10] =	ssyncadd.s32 $0xFFFFFF80  }
0x4f: {  	_ =	swait.ge [sflag:s10], $0x80  }
0x50: {  	[sflag:s10] =	ssyncset.done $0x0  }
0x51: {  	[sflag:s10] =	ssyncadd.s32 $0xFFFFFF80  }
0x52: {  	[tilespmem:s11], [sflag:$0x4] =	stream.indirect.gather [hbm4b:s1+s29], $0x80, s30, s29, $0xb8;
	[tilespmem:$0x1C300] =	vst v63  }
0x53: {  	_ = 	snop  }
0x54: {  	[spmem:s2] =	stream.indirect.scatter.add.f32 [tilespmem:s3], [sflag:$0x5], $0x80, s29, s29, $0xb8;
	[tilespmem:$0x1C300] =	vst v63  }
0x55: {  	_ =	swait.ge [sflag:s12], $0x4000  }
0x56: {  	s16 =	rddreg [dreg:$0x13]  }
0x57: {  	[sflag:s12] =	ssyncset.done $0x0;
	s23 =	sshrl.u32 s16, $0x3  }
0x58: {  	[sflag:s12] =	ssyncadd.s32 $0xFFFFC000;
	s15 =	sadd.s32 s5, s23  }
0x59: {  	[tilespmem:s4], [sflag:$0x1] =	stream.linear.gather [hbm4b:s15+s4], $0x80, $0x38;
	[tilespmem:$0x1C300] =	vst v63  }
0x5a: {  	s17 =	sadd.s32 $0x0, s22  }
0x5b: {  	[tilespmem:s29], [sflag:$0x1] =	stream.linear.gather [hbm4b:s17+s4], $0x80, $0x38;
	[tilespmem:$0x1C300] =	vst v63  }
0x5c: {  	_ =	swait.ge [sflag:s13], $0x4000  }
0x5d: {  	[sflag:s13] =	ssyncset.done $0x0  }
0x5e: {  	[sflag:s13] =	ssyncadd.s32 $0xFFFFC000  }
0x5f: {  	_ =	swait.ge [sflag:s0], $0x80  }
0x60: {  	[sflag:s0] =	ssyncset.done $0x0  }
0x61: {  	[sflag:s0] =	ssyncadd.s32 $0xFFFFFF80  }
0x62: {  	_ =	swait.ge [sflag:s0], $0x80  }
0x63: {  	[sflag:s0] =	ssyncset.done $0x0  }
0x64: {  	[sflag:s0] =	ssyncadd.s32 $0xFFFFFF80  }
0x65: {  	[tilespmem:s3], [sflag:$0x3] =	stream.indirect.gather [hbm4b:s1+s29], $0x80, s4, s29, $0xb8;
	[tilespmem:$0x1C300] =	vst v63  }
0x66: {  	_ = 	snop  }
0x67: {  	[spmem:s2] =	stream.indirect.scatter.add.f32 [tilespmem:s11], [sflag:$0x6], $0x80, s31, s29, $0xb8;
	[tilespmem:$0x1C300] =	vst v63  }
0x68: {  	_ =	swait.ge [sflag:s14], $0x4000  }
0x69: {  	s16 =	sadd.s32 $0x100, s16;
	s23 =	sadd.s32 $0x0, s25;
	[sflag:s14] =	ssyncset.done $0x0  }
0x6a: {  	s15 =	simm.s32 $0x20;
	s17 =	sadd.s32 $0x0, s24;
	[sflag:s14] =	ssyncadd.s32 $0xFFFFC000  }
0x6b: {  	[tilespmem:s30], [sflag:$0x2] =	stream.linear.gather [hbm4b:s23+s4], $0x80, $0x38;
	[tilespmem:$0x1C300] =	vst v63  }
.LBB2_2:
0x6c: {  	[tilespmem:s31], [sflag:$0x2] =	stream.linear.gather [hbm4b:s17+s4], $0x80, $0x38;
	[tilespmem:$0x1C300] =	vst v63  }
0x6d: {  	s17 =	smov.u32 s15  }
0x6e: {  	p0 =	sne.s32 s15, $0x4A0;
	s15 =	sadd.s32 $0x20, s15;
	_ =	swait.ge [sflag:s9], $0x4000  }
0x6f: {  	[sflag:s9] =	ssyncset.done $0x0  }
0x70: {  	[sflag:s9] =	ssyncadd.s32 $0xFFFFC000  }
0x71: {  	_ =	swait.ge [sflag:s10], $0x80  }
0x72: {  	[sflag:s10] =	ssyncset.done $0x0  }
0x73: {  	[sflag:s10] =	ssyncadd.s32 $0xFFFFFF80  }
0x74: {  	_ =	swait.ge [sflag:s10], $0x80  }
0x75: {  	[sflag:s10] =	ssyncset.done $0x0  }
0x76: {  	[sflag:s10] =	ssyncadd.s32 $0xFFFFFF80  }
0x77: {  	[tilespmem:s11], [sflag:$0x4] =	stream.indirect.gather [hbm4b:s1+s29], $0x80, s30, s29, $0xb8;
	[tilespmem:$0x1C300] =	vst v63  }
0x78: {  	_ = 	snop  }
0x79: {  	[spmem:s2] =	stream.indirect.scatter.add.f32 [tilespmem:s3], [sflag:$0x5], $0x80, s29, s29, $0xb8;
	[tilespmem:$0x1C300] =	vst v63  }
0x7a: {  	_ =	swait.ge [sflag:s12], $0x4000  }
0x7b: {  	s23 =	sshrl.u32 s16, $0x3;
	[sflag:s12] =	ssyncset.done $0x0  }
0x7c: {  	s23 =	sadd.s32 s5, s23;
	[sflag:s12] =	ssyncadd.s32 $0xFFFFC000  }
0x7d: {  	[tilespmem:s4], [sflag:$0x1] =	stream.linear.gather [hbm4b:s23+s4], $0x80, $0x38;
	[tilespmem:$0x1C300] =	vst v63  }
0x7e: {  	s23 =	sadd.s32 s17, s22  }
0x7f: {  	[tilespmem:s29], [sflag:$0x1] =	stream.linear.gather [hbm4b:s23+s4], $0x80, $0x38;
	[tilespmem:$0x1C300] =	vst v63  }
0x80: {  	_ =	swait.ge [sflag:s13], $0x4000  }
0x81: {  	[sflag:s13] =	ssyncset.done $0x0  }
0x82: {  	[sflag:s13] =	ssyncadd.s32 $0xFFFFC000  }
0x83: {  	_ =	swait.ge [sflag:s0], $0x80  }
0x84: {  	[sflag:s0] =	ssyncset.done $0x0  }
0x85: {  	[sflag:s0] =	ssyncadd.s32 $0xFFFFFF80  }
0x86: {  	_ =	swait.ge [sflag:s0], $0x80  }
0x87: {  	[sflag:s0] =	ssyncset.done $0x0  }
0x88: {  	[sflag:s0] =	ssyncadd.s32 $0xFFFFFF80  }
0x89: {  	[tilespmem:s3], [sflag:$0x3] =	stream.indirect.gather [hbm4b:s1+s29], $0x80, s4, s29, $0xb8;
	[tilespmem:$0x1C300] =	vst v63  }
0x8a: {  	_ = 	snop  }
0x8b: {  	[spmem:s2] =	stream.indirect.scatter.add.f32 [tilespmem:s11], [sflag:$0x6], $0x80, s31, s29, $0xb8;
	[tilespmem:$0x1C300] =	vst v63  }
.Ltmp0:
0x8c: {  	_ =	swait.ge [sflag:s14], $0x4000;
	(pc) =	sbr.rel @p0 .LBB2_2-.Ltmp0, $4  }
0x8d: {  	[sflag:s14] =	ssyncset.done $0x0  }
0x8e: {  	s23 =	sadd.s32 s17, s25;
	[sflag:s14] =	ssyncadd.s32 $0xFFFFC000  }
0x8f: {  	[tilespmem:s30], [sflag:$0x2] =	stream.linear.gather [hbm4b:s23+s4], $0x80, $0x38;
	[tilespmem:$0x1C300] =	vst v63  }
0x90: {  	s16 =	sadd.s32 $0x100, s16;
	s17 =	sadd.s32 s17, s24  }
0x91: {  	[tilespmem:s31], [sflag:$0x2] =	stream.linear.gather [hbm4b:s17+s4], $0x80, $0x38;
	[tilespmem:$0x1C300] =	vst v63  }
0x92: {  	s15 =	rddreg [dreg:$0x14];
	s16 =	simm.s32 $0x200  }
0x93: {  	[tilespmem:s16], [sflag:$0x1] =	stream.linear.gather [hbm4b:s15+s4], $0x10, $0x38;
	[tilespmem:$0x1C300] =	vst v63  }
0x94: {  	s23 =	rddreg [dreg:$0x15];
	s17 =	simm.s32 $0x280  }
0x95: {  	[tilespmem:s17], [sflag:$0x1] =	stream.linear.gather [hbm4b:s23+s4], $0x10, $0x38;
	[tilespmem:$0x1C300] =	vst v63  }
0x96: {  	_ =	swait.ge [sflag:s9], $0x4000  }
0x97: {  	[sflag:s9] =	ssyncset.done $0x0  }
0x98: {  	[sflag:s9] =	ssyncadd.s32 $0xFFFFC000  }
0x99: {  	_ =	swait.ge [sflag:s10], $0x80  }
0x9a: {  	[sflag:s10] =	ssyncset.done $0x0  }
0x9b: {  	[sflag:s10] =	ssyncadd.s32 $0xFFFFFF80  }
0x9c: {  	_ =	swait.ge [sflag:s10], $0x80  }
0x9d: {  	[sflag:s10] =	ssyncset.done $0x0  }
0x9e: {  	[sflag:s10] =	ssyncadd.s32 $0xFFFFFF80  }
0x9f: {  	[tilespmem:s11], [sflag:$0x4] =	stream.indirect.gather [hbm4b:s1+s29], $0x80, s30, s29, $0xb8;
	[tilespmem:$0x1C300] =	vst v63  }
0xa0: {  	_ = 	snop  }
0xa1: {  	[spmem:s2] =	stream.indirect.scatter.add.f32 [tilespmem:s3], [sflag:$0x5], $0x80, s29, s29, $0xb8;
	[tilespmem:$0x1C300] =	vst v63  }
0xa2: {  	_ =	swait.ge [sflag:s12], $0x4000  }
0xa3: {  	[sflag:s12] =	ssyncset.done $0x0  }
0xa4: {  	[sflag:s12] =	ssyncadd.s32 $0xFFFFC000  }
0xa5: {  	_ =	swait.ge [sflag:s13], $0x4000  }
0xa6: {  	[sflag:s13] =	ssyncset.done $0x0  }
0xa7: {  	[sflag:s13] =	ssyncadd.s32 $0xFFFFC000  }
0xa8: {  	[spmem:s2] =	stream.indirect.scatter.add.f32 [tilespmem:s11], [sflag:$0x6], $0x80, s31, s29, $0xb8;
	[tilespmem:$0x1C300] =	vst v63  }
0xa9: {  	_ =	swait.ge [sflag:s14], $0x4000  }
0xaa: {  	[sflag:s14] =	ssyncset.done $0x0  }
0xab: {  	[sflag:s14] =	ssyncadd.s32 $0xFFFFC000  }
0xac: {  	_ =	swait.ge [sflag:s0], $0x10  }
0xad: {  	[sflag:s0] =	ssyncset.done $0x0  }
0xae: {  	[sflag:s0] =	ssyncadd.s32 $0xFFFFFFF0  }
0xaf: {  	_ =	swait.ge [sflag:s0], $0x10  }
0xb0: {  	[sflag:s0] =	ssyncset.done $0x0  }
0xb1: {  	s23 =	simm.s32 $0x10;
	[sflag:s0] =	ssyncadd.s32 $0xFFFFFFF0  }
0xb2: {  	[tilespmem:s3], [sflag:$0x3] =	stream.indirect.gather [hbm4b:s1+s23], $0x80, s16, s23, $0xb8;
	[tilespmem:$0x1C300] =	vst v63  }
0xb3: {  	_ =	swait.ge [sflag:s9], $0x800  }
0xb4: {  	[sflag:s9] =	ssyncset.done $0x0  }
0xb5: {  	[sflag:s9] =	ssyncadd.s32 $0xFFFFF800  }
0xb6: {  	[spmem:s2] =	stream.indirect.scatter.add.f32 [tilespmem:s3], [sflag:$0x5], $0x80, s17, s23, $0xb8;
	[tilespmem:$0x1C300] =	vst v63  }
0xb7: {  	_ =	swait.ge [sflag:s12], $0x800  }
0xb8: {  	[sflag:s12] =	ssyncset.done $0x0  }
0xb9: {  	[sflag:s12] =	ssyncadd.s32 $0xFFFFF800  }
0xba: {  	[bflag:$0x0] =	sbarrier.arrive $0xFFFF  }
0xbb: {  	s17 =	rddreg [dreg:$0xd]  }
0xbc: {  	[hbm:s17], [sflag:s19] =	dma.local [spmem:s20], $0x800  }
0xbd: {  	_ =	swait.ge [sflag:s8], $0x800  }
0xbe: {  	[sflag:s8] =	ssyncset.done $0x0  }
0xbf: {  	s20 =	rddreg [dreg:$0xe];
	[sflag:s8] =	ssyncadd.s32 $0xFFFFF800  }
0xc0: {  	[hbm:s20], [sflag:s19] =	dma.local [spmem:s21], $0x800  }
0xc1: {  	_ =	swait.ge [sflag:s8], $0x800  }
0xc2: {  	[sflag:s8] =	ssyncset.done $0x0  }
0xc3: {  	s21 =	rddreg [dreg:$0xf];
	[sflag:s8] =	ssyncadd.s32 $0xFFFFF800  }
0xc4: {  	[hbm:s21], [sflag:s19] =	dma.local [spmem:s7], $0x800  }
0xc5: {  	_ =	swait.ge [sflag:s8], $0x800  }
0xc6: {  	[sflag:s8] =	ssyncset.done $0x0  }
0xc7: {  	s23 =	rddreg [dreg:$0x10];
	[sflag:s8] =	ssyncadd.s32 $0xFFFFF800  }
0xc8: {  	[hbm:s23], [sflag:s19] =	dma.local [spmem:s26], $0x800  }
0xc9: {  	_ =	swait.ge [sflag:s8], $0x800  }
0xca: {  	[sflag:s8] =	ssyncset.done $0x0  }
0xcb: {  	s26 =	rddreg [dreg:$0x11];
	[sflag:s8] =	ssyncadd.s32 $0xFFFFF800  }
0xcc: {  	[hbm:s26], [sflag:s19] =	dma.local [spmem:s28], $0x800  }
0xcd: {  	_ =	swait.ge [sflag:s8], $0x800  }
0xce: {  	s18 =	sadd.s32 $0x1, s18;
	s28 =	rddreg [dreg:$0x12]  }
0xcf: {  	p0 =	sne.s32 s18, s28  }
.Ltmp1:
0xd0: {  	_ = 	snop;
	(pc) =	sbr.rel @p0 .LBB2_1-.Ltmp1, $3  }
0xd1: {  	_ =	sdelay $0x1  }
0xd2: {  	[sflag:s8] =	ssyncset.done $0x0  }
0xd3: {  	[sflag:s8] =	ssyncadd.s32 $0xFFFFF800  }
0xd4: {  	_ =	sfence.sel $0x180000  }
0xd5: {  	[bflag:$0x0] =	sbarrier.arrive $0xFFFF  }
0xd6: {  	_ =	strace $0x9000004A  }
0xd7: {  	s0 =	stileid.u32;
	[bflag:$0x2] =	sbarrier.arrive $0xFFFF  }
0xd8: {  	p0 =	sne.s32 s0, $0x0;
	s0 =	rddreg [dreg:$0x3]  }
0xd9: {  	s0 =	sadd.s32 @!p0 $0x100000, s0  }
0xda: {  	[sflag:s0] =	ssyncadd.tile.s32 @!p0 $0x1;
	_ =	shalt  }
.Lfunc_end2:
_tile_overlayer_lowered:
.L_overlay_start_2:
0xdb: {  	(tag) =	ssettag $0x2  }
0xdc: {  	s0 =	rddreg [dreg:$0x0];
	s2 =	stileid.u32  }
0xdd: {  	s1 =	rddreg [dreg:$0x1];
	p0 =	sne.s32 s2, $0x0  }
0xde: {  	s3 =	rddreg [dreg:$0x2];
	[bflag:$0x3] =	sbarrier.arrive $0xFFFF;
	s2 =	simm.s32 @!p0 $0x1C07  }
0xdf: {  	[timem:s3], [sflag:s2] =	dma.local @!p0 [hbm:s0], s1  }
0xe0: {  	s0 =	simm.s32 @!p0 $0x7  }
0xe1: {  	_ =	swait.ge @!p0 [sflag:s0], s1  }
0xe2: {  	s1 =	ssub.s32 @!p0 $0x0, s1;
	[sflag:s0] =	ssyncset.done @!p0 $0x0  }
0xe3: {  	[sflag:s0] =	ssyncadd.s32 @!p0 s1  }
0xe4: {  	[bflag:$0x3] =	sbarrier.arrive $0xFFFF  }
0xe5: {  	_ =	shalt  }

// kernel: kernel.18.cloned.1.call-start
scs
__scs_entry_jumppad:
0x0: {  	(pc) =	sbr.rel $0x88, $3  }
0x1: {  	(tag) =	ssettag $0x0;
	lr =	simm.s32 $0x1  }
0x2: {  	[smem:$0x3F97] =	sst lr;
	_ =	strace $0xD0000000  }
0x3: {  	_ = 	snop  }
0x4: {  	_ = 	snop  }
0x5: {  	_ = 	snop  }
0x6: {  	_ = 	snop  }
0x7: {  	_ = 	snop  }
__scs_overlays_trampoline_lowered:
0x8: {  	[smem:$0x3FA6] =	sst s0  }
0x9: {  	[smem:$0x3FA7] =	sst s1  }
0xa: {  	[smem:$0x3FA8] =	sst s2  }
0xb: {  	[smem:$0x3FA9] =	sst s3  }
0xc: {  	[smem:$0x3FAA] =	sst s4  }
0xd: {  	[smem:$0x3FAB] =	sst s5  }
0xe: {  	[smem:$0x3FAC] =	sst s6  }
0xf: {  	[smem:$0x3FAD] =	sst s7  }
0x10: {  	[smem:$0x3FAE] =	sst s8  }
0x11: {  	[smem:$0x3FAF] =	sst s9;
	s0 =	simm.s32 @!p0 $0x0  }
0x12: {  	s1 =	sld [smem:$0x3F95];
	s0 =	simm.s32 @p0 $0x1  }
0x13: {  	[smem:$0x3FB0] =	sst s0;
	s0 =	simm.s32 @!p1 $0x0  }
0x14: {  	s2 =	sld [smem:$0x3F94];
	s0 =	simm.s32 @p1 $0x1  }
0x15: {  	[smem:$0x3FB1] =	sst s0;
	s0 =	simm.s32 @!p2 $0x0  }
0x16: {  	s3 =	sld [smem:$0x3FDB];
	s0 =	simm.s32 @p2 $0x1  }
0x17: {  	s4 =	simm.s32 $0x1BF5;
	[smem:$0x3FB3] =	sst s0  }
0x18: {  	s0 =	sld [smem:$0x3F96];
	_ =	swait.ge [sflag:s4], $0x0  }
0x19: {  	s7 =	sld [smem:$0x3F97]  }
0x1a: {  	s8 =	sadd.s32 $0xFFFFE003, lr  }
0x1b: {  	s9 =	sadd.s32 $0xFFFFFEF7, lr;
	s5 =	simm.s32 $0xFFFFFFFF;
	p2 =	slt.u32 s8, $0xFFFFF086  }
0x1c: {  	p1 =	slt.u32 s9, $0xF7A;
	s5 =	simm.s32 @!p2 $0x0  }
0x1d: {  	s5 =	simm.s32 @p1 $0x1;
	p0 =	seq.s32 s7, s2  }
0x1e: {  	s7 =	smul.u32 @!p0 $0xF7A, s2;
	p2 =	seq.s32 @!p0 s5, $0x0  }
0x1f: {  	s9 =	smul.u32 $0xF7A, s1;
	s8 =	simm.s32 @!p0 $0x1BF5;
	p2 =	por !p2, p0  }
0x20: {  	[sflag:s8] =	ssyncset.s32 @!p0 $0xFFFFF086;
	s6 =	sadd.s32 @!p0 s3, s7;
	s7 =	simm.s32 @!p0 $0x108  }
0x21: {  	s3 =	sadd.s32 s3, s9;
	s6 =	sadd.s32 @!p0 $0x88, s6;
	s7 =	simm.s32 @p2 $0x1082  }
0x22: {  	[simem:s7], [sflag:s8] =	dma.local @!p0 [hbm:s6], $0xF7A  }
0x23: {  	s9 =	sor.u32 $0xD0000000, s2;
	s6 =	simm.s32 $0x108;
	_ =	swait.ge @!p0 [sflag:s8], $0x0  }
0x24: {  	s3 =	sadd.s32 $0x88, s3;
	s6 =	simm.s32 @!p1 $0x1082;
	[sflag:s4] =	ssyncset.s32 $0xFFFFF086  }
0x25: {  	[simem:s6], [sflag:s4] =	dma.local [hbm:s3], $0xF7A  }
0x26: {  	[smem:$0x3F97] =	sst s1;
	(tag) =	ssettag s2;
	_ =	strace s9  }
0x27: {  	s1 =	sld [smem:$0x3FA7]  }
0x28: {  	s2 =	sld [smem:$0x3FA8]  }
0x29: {  	s4 =	sld [smem:$0x3FAA]  }
0x2a: {  	p0 =	seq.s32 s5, $0x0;
	s5 =	sld [smem:$0x3FAB]  }
0x2b: {  	s6 =	sld [smem:$0x3FAC]  }
0x2c: {  	s7 =	sld [smem:$0x3FAD]  }
0x2d: {  	s3 =	simm.s32 $0x108;
	s8 =	sld [smem:$0x3FAE]  }
0x2e: {  	s3 =	simm.s32 @!p0 $0x1082;
	s9 =	sld [smem:$0x3FAF]  }
0x2f: {  	lr =	sadd.s32 s0, s3;
	s0 =	sld [smem:$0x3FA6]  }
0x30: {  	s3 =	sld [smem:$0x3FA9]  }
0x31: {  	[smem:$0x3FB2] =	sst s10  }
0x32: {  	s10 =	sld [smem:$0x3FB0];
	_ =	sdelay $0x3  }
0x33: {  	p0 =	seq.s32 s10, $0x1;
	s10 =	sld [smem:$0x3FB2];
	_ =	sdelay $0x3  }
0x34: {  	[smem:$0x3FB2] =	sst s10  }
0x35: {  	s10 =	sld [smem:$0x3FB1];
	_ =	sdelay $0x3  }
0x36: {  	p1 =	seq.s32 s10, $0x1;
	s10 =	sld [smem:$0x3FB2];
	_ =	sdelay $0x3  }
0x37: {  	[smem:$0x3FB2] =	sst s10  }
0x38: {  	s10 =	sld [smem:$0x3FB3]  }
0x39: {  	_ = 	snop;
	(pc) =	sbr.ind lr, $3  }
0x3a: {  	_ = 	snop  }
0x3b: {  	_ = 	snop  }
0x3c: {  	p2 =	seq.s32 s10, $0x1;
	s10 =	sld [smem:$0x3FB2]  }
0x3d: {  	_ =	shalt  }
0x3e: {  	_ =	shalt  }
0x3f: {  	_ =	shalt  }
0x40: {  	_ =	shalt  }
0x41: {  	_ =	shalt  }
0x42: {  	_ =	shalt  }
0x43: {  	_ =	shalt  }
0x44: {  	_ =	shalt  }
0x45: {  	_ =	shalt  }
0x46: {  	_ =	shalt  }
0x47: {  	_ =	shalt  }
0x48: {  	_ =	shalt  }
0x49: {  	_ =	shalt  }
0x4a: {  	_ =	shalt  }
0x4b: {  	_ =	shalt  }
0x4c: {  	_ =	shalt  }
0x4d: {  	_ =	shalt  }
0x4e: {  	_ =	shalt  }
0x4f: {  	_ =	shalt  }
0x50: {  	_ =	shalt  }
0x51: {  	_ =	shalt  }
0x52: {  	_ =	shalt  }
0x53: {  	_ =	shalt  }
0x54: {  	_ =	shalt  }
0x55: {  	_ =	shalt  }
0x56: {  	_ =	shalt  }
0x57: {  	_ =	shalt  }
0x58: {  	_ =	shalt  }
0x59: {  	_ =	shalt  }
0x5a: {  	_ =	shalt  }
0x5b: {  	_ =	shalt  }
0x5c: {  	_ =	shalt  }
0x5d: {  	_ =	shalt  }
0x5e: {  	_ =	shalt  }
0x5f: {  	_ =	shalt  }
0x60: {  	_ =	shalt  }
0x61: {  	_ =	shalt  }
0x62: {  	_ =	shalt  }
0x63: {  	_ =	shalt  }
0x64: {  	_ =	shalt  }
0x65: {  	_ =	shalt  }
0x66: {  	_ =	shalt  }
0x67: {  	_ =	shalt  }
0x68: {  	_ =	shalt  }
0x69: {  	_ =	shalt  }
0x6a: {  	_ =	shalt  }
0x6b: {  	_ =	shalt  }
0x6c: {  	_ =	shalt  }
0x6d: {  	_ =	shalt  }
0x6e: {  	_ =	shalt  }
0x6f: {  	_ =	shalt  }
0x70: {  	_ =	shalt  }
0x71: {  	_ =	shalt  }
0x72: {  	_ =	shalt  }
0x73: {  	_ =	shalt  }
0x74: {  	_ =	shalt  }
0x75: {  	_ =	shalt  }
0x76: {  	_ =	shalt  }
0x77: {  	_ =	shalt  }
0x78: {  	_ =	shalt  }
0x79: {  	_ =	shalt  }
0x7a: {  	_ =	shalt  }
0x7b: {  	_ =	shalt  }
0x7c: {  	_ =	shalt  }
0x7d: {  	_ =	shalt  }
0x7e: {  	_ =	shalt  }
0x7f: {  	_ =	shalt  }
0x80: {  	_ =	shalt  }
0x81: {  	_ =	shalt  }
0x82: {  	_ =	shalt  }
0x83: {  	_ =	shalt  }
0x84: {  	_ =	shalt  }
0x85: {  	_ =	shalt  }
0x86: {  	_ =	shalt  }
0x87: {  	_ =	shalt  }
.Lfunc_end0:
.L_simem_size_0:
called_computation.2_lowered:
.L_overlay_start_0:
0x88: {  	s2 =	sld [smem:$0x3FD9]  }
0x89: {  	s3 =	sld [smem:$0x3FFE];
	_ =	sdelay $0x1  }
0x8a: {  	s1 =	srdreg.scid  }
0x8b: {  	s0 =	sand.u32 $0x1, s1  }
0x8c: {  	s14 =	sshll.u32 s0, $0xA;
	s2 =	sadd.s32 s3, s2  }
0x8d: {  	s2 =	sadd.s32 s2, s14  }
0x8e: {  	[smem:$0x3FBE] =	sst s2  }
0x8f: {  	_ = 	snop  }
0x90: {  	s2 =	sld [smem:$0x3FD0];
	_ =	sdelay $0x2  }
0x91: {  	s15 =	simm.s32 $0xA;
	s4 =	simm.s32 $0x10  }
0x92: {  	[smem:s4], [sflag:s15] =	dma.local [hbm:s2], $0x1  }
0x93: {  	_ =	swait.eq [sflag:s15], $0x1  }
0x94: {  	[sflag:s15] =	ssyncset.done $0x0  }
0x95: {  	[sflag:s15] =	ssyncadd.s32 $0xFFFFFFFF  }
0x96: {  	s16 =	sld [smem:$0x10];
	(tm) =	ssettm $0x1  }
0x97: {  	s17 =	sld [smem:$0x3FFB];
	_ =	sdelay $0x3  }
0x98: {  	_ =	strace s17  }
0x99: {  	s3 =	sld [smem:$0x3FFC];
	_ =	sdelay $0x3  }
0x9a: {  	_ =	strace s3  }
0x9b: {  	s3 =	sld [smem:$0x3FFD];
	_ =	sdelay $0x3  }
0x9c: {  	_ =	strace s3  }
0x9d: {  	_ =	strace $0x8FFFFFFF  }
0x9e: {  	s18 =	sld [smem:$0x3FDB];
	_ =	sdelay $0x1  }
0x9f: {  	s19 =	simm.s32 $_scs_section_size  }
0xa0: {  	s5 =	simm.s32 $_size__tile_overlayer_lowered;
	s6 =	simm.s32 $_tile_overlayer_lowered  }
0xa1: {  	s22 =	simm.s32 $0x1BFF;
	s21 =	sshll.u32 s6, $0x1;
	s3 =	sadd.s32 s19, s18  }
0xa2: {  	s7 =	simm.s32 $0x0;
	s20 =	sshll.u32 s5, $0x1;
	s5 =	sadd.s32 s21, s3  }
0xa3: {  	[timem:s7], [sflag:s22] =	dma.local [hbm:s5], s20  }
0xa4: {  	_ =	swait.ge [sflag:s22], s20  }
0xa5: {  	s4 =	ssub.s32 $0x0, s20;
	[sflag:s22] =	ssyncset.done $0x0  }
0xa6: {  	[sflag:s22] =	ssyncadd.s32 s4;
	_ =	sdelay $0x1  }
0xa7: {  	s23 =	simm.s32 $0x1B8B  }
0xa8: {  	_ =	swait.ge [sflag:s23], $0x1  }
0xa9: {  	[sflag:s23] =	ssyncset.done $0x0  }
0xaa: {  	s25 =	simm.s32 $0x1B8E;
	s24 =	sld [smem:$0x3FFE];
	[sflag:s23] =	ssyncadd.s32 $0xFFFFFFFF  }
0xab: {  	s26 =	simm.s32 $execute0_lowered;
	[smem:$0x3FD2] =	sst s25  }
0xac: {  	s5 =	sshll.u32 s26, $0x1;
	_ =	strace $0x8000004C;
	[dreg:$0x1] =	wrdreg $0xFFFFFFFF  }
0xad: {  	s28 =	simm.s32 $_size_execute0_lowered;
	s3 =	sadd.s32 s3, s5;
	[dreg:$0x0] =	wrdreg $0x0  }
0xae: {  	s5 =	sshll.u32 s28, $0x1;
	[dreg:$0x2] =	wrdreg s3  }
0xaf: {  	[dreg:$0x3] =	wrdreg s5  }
0xb0: {  	[dreg:$0x4] =	wrdreg $0xC0  }
0xb1: {  	_ =	task [dreg:s7], $0x5FFFF  }
0xb2: {  	[dreg:$0x1] =	wrdreg $0xFFFFFFFF  }
0xb3: {  	[dreg:$0x0] =	wrdreg $0x60  }
0xb4: {  	[dreg:$0x2] =	wrdreg s16  }
0xb5: {  	[dreg:$0x3] =	wrdreg s24  }
0xb6: {  	[dreg:$0x4] =	wrdreg $0x83000  }
0xb7: {  	[dreg:$0x5] =	wrdreg $0x9  }
0xb8: {  	_ =	task.clear_ibuf [dreg:s7], $0x6FFFF;
	_ =	strace $0x9000004C  }
0xb9: {  	s29 =	simm.s32 $0x9;
	_ =	strace $0x8000004E  }
0xba: {  	_ =	swait.ge [sflag:s29], $0x1  }
0xbb: {  	[sflag:s29] =	ssyncadd.s32 $0xFFFFFFFF  }
0xbc: {  	_ =	strace $0x9000004E  }
0xbd: {  	_ =	sfence  }
0xbe: {  	s30 =	sld [smem:$0x0];
	_ =	sdelay $0x2  }
0xbf: {  	s31 =	sshll.u32 s1, $0xD;
	s1 =	sshrl.u32 s1, $0x2  }
0xc0: {  	s3 =	sand.u32 $0x4000, s31;
	s1 =	sadd.s32 s1, s30  }
0xc1: {  	s0 =	sor.u32 s3, s0;
	s1 =	sshll.u32 s1, $0x11  }
0xc2: {  	s0 =	sor.u32 s1, s0  }
0xc3: {  	s0 =	sadd.s32 $0x8F2B, s0  }
0xc4: {  	[sflag:s0] =	ssyncadd.remote.s32 $0x1  }
0xc5: {  	_ =	sfence.sel $0xFFFF  }
0xc6: {  	[dreg:$0x0] =	wrdreg $0xFFFFFFFF;
	(pc) =	sbr.abs _section_cstart, $3  }
0xc7: {  	[dreg:$0x1] =	wrdreg $0xFFFFFFFF  }
0xc8: {  	_ =	task.clear_ibuf [dreg:s7], $0x2FFFF;
	_ =	strace $0x9FFFFFFF  }
0xc9: {  	(tm) =	ssettm $0x7FFFFFFF  }
tec
execute0_lowered:
.L_overlay_start_1:
0x0: {  	(tag) =	ssettag $0x1  }
0x1: {  	s1 =	rddreg [dreg:$0x0]  }
0x2: {  	s0 =	rddreg [dreg:$0x1]  }
0x3: {  	s2 =	rddreg [dreg:$0x2]  }
0x4: {  	s3 =	srdreg.scid;
	s4 =	simm.s32 $0x0;
	s15 =	stileid.u32  }
0x5: {  	s29 =	simm.s32 $0x80;
	s30 =	simm.s32 $0x100;
	s9 =	smul.u32 $0x280, s15  }
0x6: {  	s31 =	simm.s32 $0x180;
	s3 =	sand.u32 $0x1, s3;
	s18 =	smul.u32 $0x50000, s15  }
0x7: {  	[smem:$0x7FF] =	sst s4;
	s6 =	sadd.s32 $0x17C00, s0;
	s17 =	smul.u32 $0x2710, s15  }
0x8: {  	s5 =	sshll.u32 s3, $0x4;
	_ =	strace $0x8000004D;
	s14 =	smul.u32 $0x28A0, s3  }
0x9: {  	s8 =	ssub.s32 $0x2, s3;
	s3 =	smul.u32 $0x27100, s3;
	s5 =	sor.u32 s15, s5  }
0xa: {  	s10 =	sshrl.u32 s8, $0x1;
	s22 =	sadd.s32 $0x80, s9;
	s11 =	sadd.s32 $0x100, s9  }
0xb: {  	s13 =	sadd.s32 $0x180, s9;
	s26 =	sadd.s32 $0x200, s9;
	s7 =	smul.u32 $0x2710, s5  }
0xc: {  	s5 =	sadd.s32 $0x4200, s0;
	s0 =	sadd.s32 $0x18400, s0;
	s8 =	ssub.s32 s8, s10  }
0xd: {  	s23 =	sshll.u32 s22, $0x7;
	s12 =	sshll.u32 s11, $0x7;
	s25 =	sshll.u32 s13, $0x7  }
0xe: {  	s9 =	sadd.s32 s9, s14;
	s28 =	sshll.u32 s26, $0x7;
	s10 =	sadd.s32 s14, s22  }
0xf: {  	s13 =	sadd.s32 s14, s13;
	s3 =	sadd.s32 s17, s3;
	s24 =	sadd.s32 s12, s2  }
0x10: {  	s9 =	sshll.u32 s9, $0x4;
	s12 =	sadd.s32 s28, s2;
	[dreg:$0xa] =	wrdreg s24  }
0x11: {  	s10 =	sshll.u32 s10, $0x4;
	s7 =	sshrl.u32 s7, $0x3;
	[dreg:$0xc] =	wrdreg s12  }
0x12: {  	s9 =	sadd.s32 s0, s9;
	s12 =	sadd.s32 s14, s11;
	s11 =	simm.s32 $0x4300  }
0x13: {  	s16 =	sadd.s32 s5, s7;
	[dreg:$0xd] =	wrdreg s9;
	s9 =	sadd.s32 s0, s10  }
0x14: {  	s7 =	sshrl.u32 s18, $0x2;
	s18 =	sshll.u32 s13, $0x4;
	[dreg:$0xe] =	wrdreg s9  }
0x15: {  	s10 =	simm.s32 $0x2;
	s19 =	sadd.s32 $0x9C40, s16;
	[dreg:$0x4] =	wrdreg s16  }
0x16: {  	s13 =	simm.s32 $0x4;
	s20 =	sadd.s32 $0x10, s16;
	[dreg:$0x5] =	wrdreg s19  }
0x17: {  	s21 =	sadd.s32 $0x9C50, s16;
	s7 =	sadd.s32 s7, s2;
	[dreg:$0x6] =	wrdreg s20  }
0x18: {  	s9 =	sshll.u32 s12, $0x4;
	s28 =	sadd.s32 $0xA120, s16;
	[dreg:$0x7] =	wrdreg s21  }
0x19: {  	s12 =	simm.s32 $0x5;
	[dreg:$0x8] =	wrdreg s7;
	s7 =	sadd.s32 s23, s2  }
0x1a: {  	s9 =	sadd.s32 s0, s9;
	s19 =	smax.u32 s8, $0x1;
	[dreg:$0x15] =	wrdreg s28  }
0x1b: {  	s20 =	sadd.s32 $0x4E300, s3;
	s21 =	sadd.s32 $0x4E380, s3;
	[dreg:$0x9] =	wrdreg s7  }
0x1c: {  	s23 =	sadd.s32 $0x180, s3;
	s3 =	sadd.s32 $0x100, s3;
	[dreg:$0xf] =	wrdreg s9  }
0x1d: {  	s8 =	simm.s32 $0x7;
	s7 =	sadd.s32 s25, s2;
	[dreg:$0x12] =	wrdreg s19  }
0x1e: {  	s9 =	sadd.s32 s0, s18;
	s24 =	sshrl.u32 s21, $0x3;
	[dreg:$0x13] =	wrdreg s3  }
0x1f: {  	s25 =	sshrl.u32 s23, $0x3;
	s3 =	simm.s32 $0x300;
	[dreg:$0xb] =	wrdreg s7  }
0x20: {  	s18 =	simm.s32 $0x0;
	s7 =	sadd.s32 s14, s26;
	[dreg:$0x10] =	wrdreg s9  }
0x21: {  	s24 =	sadd.s32 s24, s5;
	s25 =	sadd.s32 s25, s5;
	s7 =	sshll.u32 s7, $0x4  }
0x22: {  	s26 =	sadd.s32 $0x4E0, s16;
	s9 =	simm.s32 $0x3;
	s0 =	sadd.s32 s0, s7  }
0x23: {  	s14 =	simm.s32 $0x6;
	[dreg:$0x11] =	wrdreg s0;
	s0 =	sshrl.u32 s20, $0x3  }
0x24: {  	[dreg:$0x14] =	wrdreg s26;
	s22 =	sadd.s32 s0, s5;
	s0 =	simm.s32 $0x1  }
.LBB2_1:
0x25: {  	s7 =	rddreg [dreg:$0x4]  }
0x26: {  	[tilespmem:s4], [sflag:$0x1] =	stream.linear.gather [hbm4b:s7+s4], $0x80, $0x38;
	[tilespmem:$0x1C300] =	vst v63  }
0x27: {  	s19 =	rddreg [dreg:$0x5]  }
0x28: {  	[tilespmem:s29], [sflag:$0x1] =	stream.linear.gather [hbm4b:s19+s4], $0x80, $0x38;
	[tilespmem:$0x1C300] =	vst v63  }
0x29: {  	s20 =	rddreg [dreg:$0x6]  }
0x2a: {  	[tilespmem:s30], [sflag:$0x2] =	stream.linear.gather [hbm4b:s20+s4], $0x80, $0x38;
	[tilespmem:$0x1C300] =	vst v63  }
0x2b: {  	s21 =	rddreg [dreg:$0x7]  }
0x2c: {  	[tilespmem:s31], [sflag:$0x2] =	stream.linear.gather [hbm4b:s21+s4], $0x80, $0x38;
	[tilespmem:$0x1C300] =	vst v63  }
0x2d: {  	_ =	swait.ge [sflag:s0], $0x80  }
0x2e: {  	[sflag:s0] =	ssyncset.done $0x0  }
0x2f: {  	[sflag:s0] =	ssyncadd.s32 $0xFFFFFF80  }
0x30: {  	s23 =	stileid.u32;
	_ =	swait.ge [sflag:s0], $0x80  }
0x31: {  	s7 =	sshll.u32 s23, $0x6;
	[sflag:s0] =	ssyncset.done $0x0;
	s26 =	rddreg [dreg:$0x8]  }
0x32: {  	s19 =	sor.u32 $0x1C07, s7;
	[sflag:s0] =	ssyncadd.s32 $0xFFFFFF80;
	s20 =	sshrl.u32 s26, $0x3  }
0x33: {  	[tilespmem:s3], [sflag:$0x3] =	stream.indirect.gather [hbm4b:s1+s29], $0x80, s4, s29, $0xb8;
	[tilespmem:$0x1C300] =	vst v63  }
0x34: {  	[spmem:s20], [sflag:s19] =	dma.local [hbm:s6], $0x800  }
0x35: {  	_ =	swait.ge [sflag:s8], $0x800  }
0x36: {  	[sflag:s8] =	ssyncset.done $0x0;
	s15 =	rddreg [dreg:$0x9]  }
0x37: {  	[sflag:s8] =	ssyncadd.s32 $0xFFFFF800;
	s21 =	sshrl.u32 s15, $0x3  }
0x38: {  	[spmem:s21], [sflag:s19] =	dma.local [hbm:s6], $0x800  }
0x39: {  	_ =	swait.ge [sflag:s8], $0x800  }
0x3a: {  	[sflag:s8] =	ssyncset.done $0x0;
	s16 =	rddreg [dreg:$0xa]  }
0x3b: {  	[sflag:s8] =	ssyncadd.s32 $0xFFFFF800;
	s7 =	sshrl.u32 s16, $0x3  }
0x3c: {  	[spmem:s7], [sflag:s19] =	dma.local [hbm:s6], $0x800  }
0x3d: {  	_ =	swait.ge [sflag:s8], $0x800  }
0x3e: {  	[sflag:s8] =	ssyncset.done $0x0;
	s15 =	rddreg [dreg:$0xb]  }
0x3f: {  	[sflag:s8] =	ssyncadd.s32 $0xFFFFF800;
	s26 =	sshrl.u32 s15, $0x3  }
0x40: {  	[spmem:s26], [sflag:s19] =	dma.local [hbm:s6], $0x800  }
0x41: {  	_ =	swait.ge [sflag:s8], $0x800  }
0x42: {  	[sflag:s8] =	ssyncset.done $0x0;
	s17 =	rddreg [dreg:$0xc]  }
0x43: {  	[sflag:s8] =	ssyncadd.s32 $0xFFFFF800;
	s28 =	sshrl.u32 s17, $0x3  }
0x44: {  	[spmem:s28], [sflag:s19] =	dma.local [hbm:s6], $0x800  }
0x45: {  	_ =	swait.ge [sflag:s8], $0x800  }
0x46: {  	[sflag:s8] =	ssyncset.done $0x0  }
0x47: {  	[sflag:s8] =	ssyncadd.s32 $0xFFFFF800  }
0x48: {  	[bflag:$0x0] =	sbarrier.arrive $0xFFFF  }
0x49: {  	_ =	swait.ge [sflag:s9], $0x4000  }
0x4a: {  	[sflag:s9] =	ssyncset.done $0x0  }
0x4b: {  	[sflag:s9] =	ssyncadd.s32 $0xFFFFC000  }
0x4c: {  	_ =	swait.ge [sflag:s10], $0x80  }
0x4d: {  	[sflag:s10] =	ssyncset.done $0x0  }
0x4e: {  	[sflag:s10] =	ssyncadd.s32 $0xFFFFFF80  }
0x4f: {  	_ =	swait.ge [sflag:s10], $0x80  }
0x50: {  	[sflag:s10] =	ssyncset.done $0x0  }
0x51: {  	[sflag:s10] =	ssyncadd.s32 $0xFFFFFF80  }
0x52: {  	[tilespmem:s11], [sflag:$0x4] =	stream.indirect.gather [hbm4b:s1+s29], $0x80, s30, s29, $0xb8;
	[tilespmem:$0x1C300] =	vst v63  }
0x53: {  	_ = 	snop  }
0x54: {  	[spmem:s2] =	stream.indirect.scatter.add.f32 [tilespmem:s3], [sflag:$0x5], $0x80, s29, s29, $0xb8;
	[tilespmem:$0x1C300] =	vst v63  }
0x55: {  	_ =	swait.ge [sflag:s12], $0x4000  }
0x56: {  	s16 =	rddreg [dreg:$0x13]  }
0x57: {  	[sflag:s12] =	ssyncset.done $0x0;
	s23 =	sshrl.u32 s16, $0x3  }
0x58: {  	[sflag:s12] =	ssyncadd.s32 $0xFFFFC000;
	s15 =	sadd.s32 s5, s23  }
0x59: {  	[tilespmem:s4], [sflag:$0x1] =	stream.linear.gather [hbm4b:s15+s4], $0x80, $0x38;
	[tilespmem:$0x1C300] =	vst v63  }
0x5a: {  	s17 =	sadd.s32 $0x0, s22  }
0x5b: {  	[tilespmem:s29], [sflag:$0x1] =	stream.linear.gather [hbm4b:s17+s4], $0x80, $0x38;
	[tilespmem:$0x1C300] =	vst v63  }
0x5c: {  	_ =	swait.ge [sflag:s13], $0x4000  }
0x5d: {  	[sflag:s13] =	ssyncset.done $0x0  }
0x5e: {  	[sflag:s13] =	ssyncadd.s32 $0xFFFFC000  }
0x5f: {  	_ =	swait.ge [sflag:s0], $0x80  }
0x60: {  	[sflag:s0] =	ssyncset.done $0x0  }
0x61: {  	[sflag:s0] =	ssyncadd.s32 $0xFFFFFF80  }
0x62: {  	_ =	swait.ge [sflag:s0], $0x80  }
0x63: {  	[sflag:s0] =	ssyncset.done $0x0  }
0x64: {  	[sflag:s0] =	ssyncadd.s32 $0xFFFFFF80  }
0x65: {  	[tilespmem:s3], [sflag:$0x3] =	stream.indirect.gather [hbm4b:s1+s29], $0x80, s4, s29, $0xb8;
	[tilespmem:$0x1C300] =	vst v63  }
0x66: {  	_ = 	snop  }
0x67: {  	[spmem:s2] =	stream.indirect.scatter.add.f32 [tilespmem:s11], [sflag:$0x6], $0x80, s31, s29, $0xb8;
	[tilespmem:$0x1C300] =	vst v63  }
0x68: {  	_ =	swait.ge [sflag:s14], $0x4000  }
0x69: {  	s16 =	sadd.s32 $0x100, s16;
	s23 =	sadd.s32 $0x0, s25;
	[sflag:s14] =	ssyncset.done $0x0  }
0x6a: {  	s15 =	simm.s32 $0x20;
	s17 =	sadd.s32 $0x0, s24;
	[sflag:s14] =	ssyncadd.s32 $0xFFFFC000  }
0x6b: {  	[tilespmem:s30], [sflag:$0x2] =	stream.linear.gather [hbm4b:s23+s4], $0x80, $0x38;
	[tilespmem:$0x1C300] =	vst v63  }
.LBB2_2:
0x6c: {  	[tilespmem:s31], [sflag:$0x2] =	stream.linear.gather [hbm4b:s17+s4], $0x80, $0x38;
	[tilespmem:$0x1C300] =	vst v63  }
0x6d: {  	s17 =	smov.u32 s15  }
0x6e: {  	p0 =	sne.s32 s15, $0x4A0;
	s15 =	sadd.s32 $0x20, s15;
	_ =	swait.ge [sflag:s9], $0x4000  }
0x6f: {  	[sflag:s9] =	ssyncset.done $0x0  }
0x70: {  	[sflag:s9] =	ssyncadd.s32 $0xFFFFC000  }
0x71: {  	_ =	swait.ge [sflag:s10], $0x80  }
0x72: {  	[sflag:s10] =	ssyncset.done $0x0  }
0x73: {  	[sflag:s10] =	ssyncadd.s32 $0xFFFFFF80  }
0x74: {  	_ =	swait.ge [sflag:s10], $0x80  }
0x75: {  	[sflag:s10] =	ssyncset.done $0x0  }
0x76: {  	[sflag:s10] =	ssyncadd.s32 $0xFFFFFF80  }
0x77: {  	[tilespmem:s11], [sflag:$0x4] =	stream.indirect.gather [hbm4b:s1+s29], $0x80, s30, s29, $0xb8;
	[tilespmem:$0x1C300] =	vst v63  }
0x78: {  	_ = 	snop  }
0x79: {  	[spmem:s2] =	stream.indirect.scatter.add.f32 [tilespmem:s3], [sflag:$0x5], $0x80, s29, s29, $0xb8;
	[tilespmem:$0x1C300] =	vst v63  }
0x7a: {  	_ =	swait.ge [sflag:s12], $0x4000  }
0x7b: {  	s23 =	sshrl.u32 s16, $0x3;
	[sflag:s12] =	ssyncset.done $0x0  }
0x7c: {  	s23 =	sadd.s32 s5, s23;
	[sflag:s12] =	ssyncadd.s32 $0xFFFFC000  }
0x7d: {  	[tilespmem:s4], [sflag:$0x1] =	stream.linear.gather [hbm4b:s23+s4], $0x80, $0x38;
	[tilespmem:$0x1C300] =	vst v63  }
0x7e: {  	s23 =	sadd.s32 s17, s22  }
0x7f: {  	[tilespmem:s29], [sflag:$0x1] =	stream.linear.gather [hbm4b:s23+s4], $0x80, $0x38;
	[tilespmem:$0x1C300] =	vst v63  }
0x80: {  	_ =	swait.ge [sflag:s13], $0x4000  }
0x81: {  	[sflag:s13] =	ssyncset.done $0x0  }
0x82: {  	[sflag:s13] =	ssyncadd.s32 $0xFFFFC000  }
0x83: {  	_ =	swait.ge [sflag:s0], $0x80  }
0x84: {  	[sflag:s0] =	ssyncset.done $0x0  }
0x85: {  	[sflag:s0] =	ssyncadd.s32 $0xFFFFFF80  }
0x86: {  	_ =	swait.ge [sflag:s0], $0x80  }
0x87: {  	[sflag:s0] =	ssyncset.done $0x0  }
0x88: {  	[sflag:s0] =	ssyncadd.s32 $0xFFFFFF80  }
0x89: {  	[tilespmem:s3], [sflag:$0x3] =	stream.indirect.gather [hbm4b:s1+s29], $0x80, s4, s29, $0xb8;
	[tilespmem:$0x1C300] =	vst v63  }
0x8a: {  	_ = 	snop  }
0x8b: {  	[spmem:s2] =	stream.indirect.scatter.add.f32 [tilespmem:s11], [sflag:$0x6], $0x80, s31, s29, $0xb8;
	[tilespmem:$0x1C300] =	vst v63  }
.Ltmp0:
0x8c: {  	_ =	swait.ge [sflag:s14], $0x4000;
	(pc) =	sbr.rel @p0 .LBB2_2-.Ltmp0, $4  }
0x8d: {  	[sflag:s14] =	ssyncset.done $0x0  }
0x8e: {  	s23 =	sadd.s32 s17, s25;
	[sflag:s14] =	ssyncadd.s32 $0xFFFFC000  }
0x8f: {  	[tilespmem:s30], [sflag:$0x2] =	stream.linear.gather [hbm4b:s23+s4], $0x80, $0x38;
	[tilespmem:$0x1C300] =	vst v63  }
0x90: {  	s16 =	sadd.s32 $0x100, s16;
	s17 =	sadd.s32 s17, s24  }
0x91: {  	[tilespmem:s31], [sflag:$0x2] =	stream.linear.gather [hbm4b:s17+s4], $0x80, $0x38;
	[tilespmem:$0x1C300] =	vst v63  }
0x92: {  	s15 =	rddreg [dreg:$0x14];
	s16 =	simm.s32 $0x200  }
0x93: {  	[tilespmem:s16], [sflag:$0x1] =	stream.linear.gather [hbm4b:s15+s4], $0x10, $0x38;
	[tilespmem:$0x1C300] =	vst v63  }
0x94: {  	s23 =	rddreg [dreg:$0x15];
	s17 =	simm.s32 $0x280  }
0x95: {  	[tilespmem:s17], [sflag:$0x1] =	stream.linear.gather [hbm4b:s23+s4], $0x10, $0x38;
	[tilespmem:$0x1C300] =	vst v63  }
0x96: {  	_ =	swait.ge [sflag:s9], $0x4000  }
0x97: {  	[sflag:s9] =	ssyncset.done $0x0  }
0x98: {  	[sflag:s9] =	ssyncadd.s32 $0xFFFFC000  }
0x99: {  	_ =	swait.ge [sflag:s10], $0x80  }
0x9a: {  	[sflag:s10] =	ssyncset.done $0x0  }
0x9b: {  	[sflag:s10] =	ssyncadd.s32 $0xFFFFFF80  }
0x9c: {  	_ =	swait.ge [sflag:s10], $0x80  }
0x9d: {  	[sflag:s10] =	ssyncset.done $0x0  }
0x9e: {  	[sflag:s10] =	ssyncadd.s32 $0xFFFFFF80  }
0x9f: {  	[tilespmem:s11], [sflag:$0x4] =	stream.indirect.gather [hbm4b:s1+s29], $0x80, s30, s29, $0xb8;
	[tilespmem:$0x1C300] =	vst v63  }
0xa0: {  	_ = 	snop  }
0xa1: {  	[spmem:s2] =	stream.indirect.scatter.add.f32 [tilespmem:s3], [sflag:$0x5], $0x80, s29, s29, $0xb8;
	[tilespmem:$0x1C300] =	vst v63  }
0xa2: {  	_ =	swait.ge [sflag:s12], $0x4000  }
0xa3: {  	[sflag:s12] =	ssyncset.done $0x0  }
0xa4: {  	[sflag:s12] =	ssyncadd.s32 $0xFFFFC000  }
0xa5: {  	_ =	swait.ge [sflag:s13], $0x4000  }
0xa6: {  	[sflag:s13] =	ssyncset.done $0x0  }
0xa7: {  	[sflag:s13] =	ssyncadd.s32 $0xFFFFC000  }
0xa8: {  	[spmem:s2] =	stream.indirect.scatter.add.f32 [tilespmem:s11], [sflag:$0x6], $0x80, s31, s29, $0xb8;
	[tilespmem:$0x1C300] =	vst v63  }
0xa9: {  	_ =	swait.ge [sflag:s14], $0x4000  }
0xaa: {  	[sflag:s14] =	ssyncset.done $0x0  }
0xab: {  	[sflag:s14] =	ssyncadd.s32 $0xFFFFC000  }
0xac: {  	_ =	swait.ge [sflag:s0], $0x10  }
0xad: {  	[sflag:s0] =	ssyncset.done $0x0  }
0xae: {  	[sflag:s0] =	ssyncadd.s32 $0xFFFFFFF0  }
0xaf: {  	_ =	swait.ge [sflag:s0], $0x10  }
0xb0: {  	[sflag:s0] =	ssyncset.done $0x0  }
0xb1: {  	s23 =	simm.s32 $0x10;
	[sflag:s0] =	ssyncadd.s32 $0xFFFFFFF0  }
0xb2: {  	[tilespmem:s3], [sflag:$0x3] =	stream.indirect.gather [hbm4b:s1+s23], $0x80, s16, s23, $0xb8;
	[tilespmem:$0x1C300] =	vst v63  }
0xb3: {  	_ =	swait.ge [sflag:s9], $0x800  }
0xb4: {  	[sflag:s9] =	ssyncset.done $0x0  }
0xb5: {  	[sflag:s9] =	ssyncadd.s32 $0xFFFFF800  }
0xb6: {  	[spmem:s2] =	stream.indirect.scatter.add.f32 [tilespmem:s3], [sflag:$0x5], $0x80, s17, s23, $0xb8;
	[tilespmem:$0x1C300] =	vst v63  }
0xb7: {  	_ =	swait.ge [sflag:s12], $0x800  }
0xb8: {  	[sflag:s12] =	ssyncset.done $0x0  }
0xb9: {  	[sflag:s12] =	ssyncadd.s32 $0xFFFFF800  }
0xba: {  	[bflag:$0x0] =	sbarrier.arrive $0xFFFF  }
0xbb: {  	s17 =	rddreg [dreg:$0xd]  }
0xbc: {  	[hbm:s17], [sflag:s19] =	dma.local [spmem:s20], $0x800  }
0xbd: {  	_ =	swait.ge [sflag:s8], $0x800  }
0xbe: {  	[sflag:s8] =	ssyncset.done $0x0  }
0xbf: {  	s20 =	rddreg [dreg:$0xe];
	[sflag:s8] =	ssyncadd.s32 $0xFFFFF800  }
0xc0: {  	[hbm:s20], [sflag:s19] =	dma.local [spmem:s21], $0x800  }
0xc1: {  	_ =	swait.ge [sflag:s8], $0x800  }
0xc2: {  	[sflag:s8] =	ssyncset.done $0x0  }
0xc3: {  	s21 =	rddreg [dreg:$0xf];
	[sflag:s8] =	ssyncadd.s32 $0xFFFFF800  }
0xc4: {  	[hbm:s21], [sflag:s19] =	dma.local [spmem:s7], $0x800  }
0xc5: {  	_ =	swait.ge [sflag:s8], $0x800  }
0xc6: {  	[sflag:s8] =	ssyncset.done $0x0  }
0xc7: {  	s23 =	rddreg [dreg:$0x10];
	[sflag:s8] =	ssyncadd.s32 $0xFFFFF800  }
0xc8: {  	[hbm:s23], [sflag:s19] =	dma.local [spmem:s26], $0x800  }
0xc9: {  	_ =	swait.ge [sflag:s8], $0x800  }
0xca: {  	[sflag:s8] =	ssyncset.done $0x0  }
0xcb: {  	s26 =	rddreg [dreg:$0x11];
	[sflag:s8] =	ssyncadd.s32 $0xFFFFF800  }
0xcc: {  	[hbm:s26], [sflag:s19] =	dma.local [spmem:s28], $0x800  }
0xcd: {  	_ =	swait.ge [sflag:s8], $0x800  }
0xce: {  	s18 =	sadd.s32 $0x1, s18;
	s28 =	rddreg [dreg:$0x12]  }
0xcf: {  	p0 =	sne.s32 s18, s28  }
.Ltmp1:
0xd0: {  	_ = 	snop;
	(pc) =	sbr.rel @p0 .LBB2_1-.Ltmp1, $3  }
0xd1: {  	_ =	sdelay $0x1  }
0xd2: {  	[sflag:s8] =	ssyncset.done $0x0  }
0xd3: {  	[sflag:s8] =	ssyncadd.s32 $0xFFFFF800  }
0xd4: {  	_ =	sfence.sel $0x180000  }
0xd5: {  	[bflag:$0x0] =	sbarrier.arrive $0xFFFF  }
0xd6: {  	_ =	strace $0x9000004D  }
0xd7: {  	s0 =	stileid.u32;
	[bflag:$0x2] =	sbarrier.arrive $0xFFFF  }
0xd8: {  	p0 =	sne.s32 s0, $0x0;
	s0 =	rddreg [dreg:$0x3]  }
0xd9: {  	s0 =	sadd.s32 @!p0 $0x100000, s0  }
0xda: {  	[sflag:s0] =	ssyncadd.tile.s32 @!p0 $0x1;
	_ =	shalt  }
.Lfunc_end2:
_tile_overlayer_lowered:
.L_overlay_start_2:
0xdb: {  	(tag) =	ssettag $0x2  }
0xdc: {  	s0 =	rddreg [dreg:$0x0];
	s2 =	stileid.u32  }
0xdd: {  	s1 =	rddreg [dreg:$0x1];
	p0 =	sne.s32 s2, $0x0  }
0xde: {  	s3 =	rddreg [dreg:$0x2];
	[bflag:$0x3] =	sbarrier.arrive $0xFFFF;
	s2 =	simm.s32 @!p0 $0x1C07  }
0xdf: {  	[timem:s3], [sflag:s2] =	dma.local @!p0 [hbm:s0], s1  }
0xe0: {  	s0 =	simm.s32 @!p0 $0x7  }
0xe1: {  	_ =	swait.ge @!p0 [sflag:s0], s1  }
0xe2: {  	s1 =	ssub.s32 @!p0 $0x0, s1;
	[sflag:s0] =	ssyncset.done @!p0 $0x0  }
0xe3: {  	[sflag:s0] =	ssyncadd.s32 @!p0 s1  }
0xe4: {  	[bflag:$0x3] =	sbarrier.arrive $0xFFFF  }
0xe5: {  	_ =	shalt  }

// kernel: kernel.21.cloned.1.call-start
scs
__scs_entry_jumppad:
0x0: {  	(pc) =	sbr.rel $0x88, $3  }
0x1: {  	(tag) =	ssettag $0x0;
	lr =	simm.s32 $0x1  }
0x2: {  	[smem:$0x3F97] =	sst lr;
	_ =	strace $0xD0000000  }
0x3: {  	_ = 	snop  }
0x4: {  	_ = 	snop  }
0x5: {  	_ = 	snop  }
0x6: {  	_ = 	snop  }
0x7: {  	_ = 	snop  }
__scs_overlays_trampoline_lowered:
0x8: {  	[smem:$0x3FA6] =	sst s0  }
0x9: {  	[smem:$0x3FA7] =	sst s1  }
0xa: {  	[smem:$0x3FA8] =	sst s2  }
0xb: {  	[smem:$0x3FA9] =	sst s3  }
0xc: {  	[smem:$0x3FAA] =	sst s4  }
0xd: {  	[smem:$0x3FAB] =	sst s5  }
0xe: {  	[smem:$0x3FAC] =	sst s6  }
0xf: {  	[smem:$0x3FAD] =	sst s7  }
0x10: {  	[smem:$0x3FAE] =	sst s8  }
0x11: {  	[smem:$0x3FAF] =	sst s9;
	s0 =	simm.s32 @!p0 $0x0  }
0x12: {  	s1 =	sld [smem:$0x3F95];
	s0 =	simm.s32 @p0 $0x1  }
0x13: {  	[smem:$0x3FB0] =	sst s0;
	s0 =	simm.s32 @!p1 $0x0  }
0x14: {  	s2 =	sld [smem:$0x3F94];
	s0 =	simm.s32 @p1 $0x1  }
0x15: {  	[smem:$0x3FB1] =	sst s0;
	s0 =	simm.s32 @!p2 $0x0  }
0x16: {  	s3 =	sld [smem:$0x3FDB];
	s0 =	simm.s32 @p2 $0x1  }
0x17: {  	s4 =	simm.s32 $0x1BF5;
	[smem:$0x3FB3] =	sst s0  }
0x18: {  	s0 =	sld [smem:$0x3F96];
	_ =	swait.ge [sflag:s4], $0x0  }
0x19: {  	s7 =	sld [smem:$0x3F97]  }
0x1a: {  	s8 =	sadd.s32 $0xFFFFE003, lr  }
0x1b: {  	s9 =	sadd.s32 $0xFFFFFEF7, lr;
	s5 =	simm.s32 $0xFFFFFFFF;
	p2 =	slt.u32 s8, $0xFFFFF086  }
0x1c: {  	p1 =	slt.u32 s9, $0xF7A;
	s5 =	simm.s32 @!p2 $0x0  }
0x1d: {  	s5 =	simm.s32 @p1 $0x1;
	p0 =	seq.s32 s7, s2  }
0x1e: {  	s7 =	smul.u32 @!p0 $0xF7A, s2;
	p2 =	seq.s32 @!p0 s5, $0x0  }
0x1f: {  	s9 =	smul.u32 $0xF7A, s1;
	s8 =	simm.s32 @!p0 $0x1BF5;
	p2 =	por !p2, p0  }
0x20: {  	[sflag:s8] =	ssyncset.s32 @!p0 $0xFFFFF086;
	s6 =	sadd.s32 @!p0 s3, s7;
	s7 =	simm.s32 @!p0 $0x108  }
0x21: {  	s3 =	sadd.s32 s3, s9;
	s6 =	sadd.s32 @!p0 $0x88, s6;
	s7 =	simm.s32 @p2 $0x1082  }
0x22: {  	[simem:s7], [sflag:s8] =	dma.local @!p0 [hbm:s6], $0xF7A  }
0x23: {  	s9 =	sor.u32 $0xD0000000, s2;
	s6 =	simm.s32 $0x108;
	_ =	swait.ge @!p0 [sflag:s8], $0x0  }
0x24: {  	s3 =	sadd.s32 $0x88, s3;
	s6 =	simm.s32 @!p1 $0x1082;
	[sflag:s4] =	ssyncset.s32 $0xFFFFF086  }
0x25: {  	[simem:s6], [sflag:s4] =	dma.local [hbm:s3], $0xF7A  }
0x26: {  	[smem:$0x3F97] =	sst s1;
	(tag) =	ssettag s2;
	_ =	strace s9  }
0x27: {  	s1 =	sld [smem:$0x3FA7]  }
0x28: {  	s2 =	sld [smem:$0x3FA8]  }
0x29: {  	s4 =	sld [smem:$0x3FAA]  }
0x2a: {  	p0 =	seq.s32 s5, $0x0;
	s5 =	sld [smem:$0x3FAB]  }
0x2b: {  	s6 =	sld [smem:$0x3FAC]  }
0x2c: {  	s7 =	sld [smem:$0x3FAD]  }
0x2d: {  	s3 =	simm.s32 $0x108;
	s8 =	sld [smem:$0x3FAE]  }
0x2e: {  	s3 =	simm.s32 @!p0 $0x1082;
	s9 =	sld [smem:$0x3FAF]  }
0x2f: {  	lr =	sadd.s32 s0, s3;
	s0 =	sld [smem:$0x3FA6]  }
0x30: {  	s3 =	sld [smem:$0x3FA9]  }
0x31: {  	[smem:$0x3FB2] =	sst s10  }
0x32: {  	s10 =	sld [smem:$0x3FB0];
	_ =	sdelay $0x3  }
0x33: {  	p0 =	seq.s32 s10, $0x1;
	s10 =	sld [smem:$0x3FB2];
	_ =	sdelay $0x3  }
0x34: {  	[smem:$0x3FB2] =	sst s10  }
0x35: {  	s10 =	sld [smem:$0x3FB1];
	_ =	sdelay $0x3  }
0x36: {  	p1 =	seq.s32 s10, $0x1;
	s10 =	sld [smem:$0x3FB2];
	_ =	sdelay $0x3  }
0x37: {  	[smem:$0x3FB2] =	sst s10  }
0x38: {  	s10 =	sld [smem:$0x3FB3]  }
0x39: {  	_ = 	snop;
	(pc) =	sbr.ind lr, $3  }
0x3a: {  	_ = 	snop  }
0x3b: {  	_ = 	snop  }
0x3c: {  	p2 =	seq.s32 s10, $0x1;
	s10 =	sld [smem:$0x3FB2]  }
0x3d: {  	_ =	shalt  }
0x3e: {  	_ =	shalt  }
0x3f: {  	_ =	shalt  }
0x40: {  	_ =	shalt  }
0x41: {  	_ =	shalt  }
0x42: {  	_ =	shalt  }
0x43: {  	_ =	shalt  }
0x44: {  	_ =	shalt  }
0x45: {  	_ =	shalt  }
0x46: {  	_ =	shalt  }
0x47: {  	_ =	shalt  }
0x48: {  	_ =	shalt  }
0x49: {  	_ =	shalt  }
0x4a: {  	_ =	shalt  }
0x4b: {  	_ =	shalt  }
0x4c: {  	_ =	shalt  }
0x4d: {  	_ =	shalt  }
0x4e: {  	_ =	shalt  }
0x4f: {  	_ =	shalt  }
0x50: {  	_ =	shalt  }
0x51: {  	_ =	shalt  }
0x52: {  	_ =	shalt  }
0x53: {  	_ =	shalt  }
0x54: {  	_ =	shalt  }
0x55: {  	_ =	shalt  }
0x56: {  	_ =	shalt  }
0x57: {  	_ =	shalt  }
0x58: {  	_ =	shalt  }
0x59: {  	_ =	shalt  }
0x5a: {  	_ =	shalt  }
0x5b: {  	_ =	shalt  }
0x5c: {  	_ =	shalt  }
0x5d: {  	_ =	shalt  }
0x5e: {  	_ =	shalt  }
0x5f: {  	_ =	shalt  }
0x60: {  	_ =	shalt  }
0x61: {  	_ =	shalt  }
0x62: {  	_ =	shalt  }
0x63: {  	_ =	shalt  }
0x64: {  	_ =	shalt  }
0x65: {  	_ =	shalt  }
0x66: {  	_ =	shalt  }
0x67: {  	_ =	shalt  }
0x68: {  	_ =	shalt  }
0x69: {  	_ =	shalt  }
0x6a: {  	_ =	shalt  }
0x6b: {  	_ =	shalt  }
0x6c: {  	_ =	shalt  }
0x6d: {  	_ =	shalt  }
0x6e: {  	_ =	shalt  }
0x6f: {  	_ =	shalt  }
0x70: {  	_ =	shalt  }
0x71: {  	_ =	shalt  }
0x72: {  	_ =	shalt  }
0x73: {  	_ =	shalt  }
0x74: {  	_ =	shalt  }
0x75: {  	_ =	shalt  }
0x76: {  	_ =	shalt  }
0x77: {  	_ =	shalt  }
0x78: {  	_ =	shalt  }
0x79: {  	_ =	shalt  }
0x7a: {  	_ =	shalt  }
0x7b: {  	_ =	shalt  }
0x7c: {  	_ =	shalt  }
0x7d: {  	_ =	shalt  }
0x7e: {  	_ =	shalt  }
0x7f: {  	_ =	shalt  }
0x80: {  	_ =	shalt  }
0x81: {  	_ =	shalt  }
0x82: {  	_ =	shalt  }
0x83: {  	_ =	shalt  }
0x84: {  	_ =	shalt  }
0x85: {  	_ =	shalt  }
0x86: {  	_ =	shalt  }
0x87: {  	_ =	shalt  }
.Lfunc_end0:
.L_simem_size_0:
called_computation.3_lowered:
.L_overlay_start_0:
0x88: {  	s2 =	sld [smem:$0x3FD9]  }
0x89: {  	s3 =	sld [smem:$0x3FFE];
	_ =	sdelay $0x1  }
0x8a: {  	s1 =	srdreg.scid  }
0x8b: {  	s0 =	sand.u32 $0x1, s1  }
0x8c: {  	s14 =	sshll.u32 s0, $0xA;
	s2 =	sadd.s32 s3, s2  }
0x8d: {  	s2 =	sadd.s32 s2, s14  }
0x8e: {  	[smem:$0x3FBE] =	sst s2  }
0x8f: {  	_ = 	snop  }
0x90: {  	s2 =	sld [smem:$0x3FD0];
	_ =	sdelay $0x2  }
0x91: {  	s15 =	simm.s32 $0xA;
	s4 =	simm.s32 $0x10  }
0x92: {  	[smem:s4], [sflag:s15] =	dma.local [hbm:s2], $0x1  }
0x93: {  	_ =	swait.eq [sflag:s15], $0x1  }
0x94: {  	[sflag:s15] =	ssyncset.done $0x0  }
0x95: {  	[sflag:s15] =	ssyncadd.s32 $0xFFFFFFFF  }
0x96: {  	s16 =	sld [smem:$0x10];
	(tm) =	ssettm $0x1  }
0x97: {  	s17 =	sld [smem:$0x3FFB];
	_ =	sdelay $0x3  }
0x98: {  	_ =	strace s17  }
0x99: {  	s3 =	sld [smem:$0x3FFC];
	_ =	sdelay $0x3  }
0x9a: {  	_ =	strace s3  }
0x9b: {  	s3 =	sld [smem:$0x3FFD];
	_ =	sdelay $0x3  }
0x9c: {  	_ =	strace s3  }
0x9d: {  	_ =	strace $0x8FFFFFFF  }
0x9e: {  	s18 =	sld [smem:$0x3FDB];
	_ =	sdelay $0x1  }
0x9f: {  	s19 =	simm.s32 $_scs_section_size  }
0xa0: {  	s5 =	simm.s32 $_size__tile_overlayer_lowered;
	s6 =	simm.s32 $_tile_overlayer_lowered  }
0xa1: {  	s22 =	simm.s32 $0x1BFF;
	s21 =	sshll.u32 s6, $0x1;
	s3 =	sadd.s32 s19, s18  }
0xa2: {  	s7 =	simm.s32 $0x0;
	s20 =	sshll.u32 s5, $0x1;
	s5 =	sadd.s32 s21, s3  }
0xa3: {  	[timem:s7], [sflag:s22] =	dma.local [hbm:s5], s20  }
0xa4: {  	_ =	swait.ge [sflag:s22], s20  }
0xa5: {  	s4 =	ssub.s32 $0x0, s20;
	[sflag:s22] =	ssyncset.done $0x0  }
0xa6: {  	[sflag:s22] =	ssyncadd.s32 s4;
	_ =	sdelay $0x1  }
0xa7: {  	s23 =	simm.s32 $0x1B8B  }
0xa8: {  	_ =	swait.ge [sflag:s23], $0x1  }
0xa9: {  	[sflag:s23] =	ssyncset.done $0x0  }
0xaa: {  	s25 =	simm.s32 $0x1B8E;
	s24 =	sld [smem:$0x3FFE];
	[sflag:s23] =	ssyncadd.s32 $0xFFFFFFFF  }
0xab: {  	s26 =	simm.s32 $execute0_lowered;
	[smem:$0x3FD2] =	sst s25  }
0xac: {  	s5 =	sshll.u32 s26, $0x1;
	_ =	strace $0x8000004F;
	[dreg:$0x1] =	wrdreg $0xFFFFFFFF  }
0xad: {  	s28 =	simm.s32 $_size_execute0_lowered;
	s3 =	sadd.s32 s3, s5;
	[dreg:$0x0] =	wrdreg $0x0  }
0xae: {  	s5 =	sshll.u32 s28, $0x1;
	[dreg:$0x2] =	wrdreg s3  }
0xaf: {  	[dreg:$0x3] =	wrdreg s5  }
0xb0: {  	[dreg:$0x4] =	wrdreg $0xC0  }
0xb1: {  	_ =	task [dreg:s7], $0x5FFFF  }
0xb2: {  	[dreg:$0x1] =	wrdreg $0xFFFFFFFF  }
0xb3: {  	[dreg:$0x0] =	wrdreg $0x60  }
0xb4: {  	[dreg:$0x2] =	wrdreg s16  }
0xb5: {  	[dreg:$0x3] =	wrdreg s24  }
0xb6: {  	[dreg:$0x4] =	wrdreg $0x83000  }
0xb7: {  	[dreg:$0x5] =	wrdreg $0x9  }
0xb8: {  	_ =	task.clear_ibuf [dreg:s7], $0x6FFFF;
	_ =	strace $0x9000004F  }
0xb9: {  	s29 =	simm.s32 $0x9;
	_ =	strace $0x80000051  }
0xba: {  	_ =	swait.ge [sflag:s29], $0x1  }
0xbb: {  	[sflag:s29] =	ssyncadd.s32 $0xFFFFFFFF  }
0xbc: {  	_ =	strace $0x90000051  }
0xbd: {  	_ =	sfence  }
0xbe: {  	s30 =	sld [smem:$0x0];
	_ =	sdelay $0x2  }
0xbf: {  	s31 =	sshll.u32 s1, $0xD;
	s1 =	sshrl.u32 s1, $0x2  }
0xc0: {  	s3 =	sand.u32 $0x4000, s31;
	s1 =	sadd.s32 s1, s30  }
0xc1: {  	s0 =	sor.u32 s3, s0;
	s1 =	sshll.u32 s1, $0x11  }
0xc2: {  	s0 =	sor.u32 s1, s0  }
0xc3: {  	s0 =	sadd.s32 $0x8F2B, s0  }
0xc4: {  	[sflag:s0] =	ssyncadd.remote.s32 $0x1  }
0xc5: {  	_ =	sfence.sel $0xFFFF  }
0xc6: {  	[dreg:$0x0] =	wrdreg $0xFFFFFFFF;
	(pc) =	sbr.abs _section_cstart, $3  }
0xc7: {  	[dreg:$0x1] =	wrdreg $0xFFFFFFFF  }
0xc8: {  	_ =	task.clear_ibuf [dreg:s7], $0x2FFFF;
	_ =	strace $0x9FFFFFFF  }
0xc9: {  	(tm) =	ssettm $0x7FFFFFFF  }
tec
execute0_lowered:
.L_overlay_start_1:
0x0: {  	(tag) =	ssettag $0x1  }
0x1: {  	s1 =	rddreg [dreg:$0x0]  }
0x2: {  	s0 =	rddreg [dreg:$0x1]  }
0x3: {  	s2 =	rddreg [dreg:$0x2]  }
0x4: {  	s3 =	srdreg.scid;
	s4 =	simm.s32 $0x0;
	s15 =	stileid.u32  }
0x5: {  	s29 =	simm.s32 $0x80;
	s30 =	simm.s32 $0x100;
	s9 =	smul.u32 $0x280, s15  }
0x6: {  	s31 =	simm.s32 $0x180;
	s3 =	sand.u32 $0x1, s3;
	s18 =	smul.u32 $0x50000, s15  }
0x7: {  	[smem:$0x7FF] =	sst s4;
	s6 =	sadd.s32 $0x17C00, s0;
	s17 =	smul.u32 $0x2710, s15  }
0x8: {  	s5 =	sshll.u32 s3, $0x4;
	_ =	strace $0x80000050;
	s14 =	smul.u32 $0x28A0, s3  }
0x9: {  	s8 =	ssub.s32 $0x2, s3;
	s3 =	smul.u32 $0x27100, s3;
	s5 =	sor.u32 s15, s5  }
0xa: {  	s10 =	sshrl.u32 s8, $0x1;
	s22 =	sadd.s32 $0x80, s9;
	s11 =	sadd.s32 $0x100, s9  }
0xb: {  	s13 =	sadd.s32 $0x180, s9;
	s26 =	sadd.s32 $0x200, s9;
	s7 =	smul.u32 $0x2710, s5  }
0xc: {  	s5 =	sadd.s32 $0x4200, s0;
	s0 =	sadd.s32 $0x18400, s0;
	s8 =	ssub.s32 s8, s10  }
0xd: {  	s23 =	sshll.u32 s22, $0x7;
	s12 =	sshll.u32 s11, $0x7;
	s25 =	sshll.u32 s13, $0x7  }
0xe: {  	s9 =	sadd.s32 s9, s14;
	s28 =	sshll.u32 s26, $0x7;
	s10 =	sadd.s32 s14, s22  }
0xf: {  	s13 =	sadd.s32 s14, s13;
	s3 =	sadd.s32 s17, s3;
	s24 =	sadd.s32 s12, s2  }
0x10: {  	s9 =	sshll.u32 s9, $0x4;
	s12 =	sadd.s32 s28, s2;
	[dreg:$0xa] =	wrdreg s24  }
0x11: {  	s10 =	sshll.u32 s10, $0x4;
	s7 =	sshrl.u32 s7, $0x3;
	[dreg:$0xc] =	wrdreg s12  }
0x12: {  	s9 =	sadd.s32 s0, s9;
	s12 =	sadd.s32 s14, s11;
	s11 =	simm.s32 $0x4300  }
0x13: {  	s16 =	sadd.s32 s5, s7;
	[dreg:$0xd] =	wrdreg s9;
	s9 =	sadd.s32 s0, s10  }
0x14: {  	s7 =	sshrl.u32 s18, $0x2;
	s18 =	sshll.u32 s13, $0x4;
	[dreg:$0xe] =	wrdreg s9  }
0x15: {  	s10 =	simm.s32 $0x2;
	s19 =	sadd.s32 $0x9C40, s16;
	[dreg:$0x4] =	wrdreg s16  }
0x16: {  	s13 =	simm.s32 $0x4;
	s20 =	sadd.s32 $0x10, s16;
	[dreg:$0x5] =	wrdreg s19  }
0x17: {  	s21 =	sadd.s32 $0x9C50, s16;
	s7 =	sadd.s32 s7, s2;
	[dreg:$0x6] =	wrdreg s20  }
0x18: {  	s9 =	sshll.u32 s12, $0x4;
	s28 =	sadd.s32 $0xA120, s16;
	[dreg:$0x7] =	wrdreg s21  }
0x19: {  	s12 =	simm.s32 $0x5;
	[dreg:$0x8] =	wrdreg s7;
	s7 =	sadd.s32 s23, s2  }
0x1a: {  	s9 =	sadd.s32 s0, s9;
	s19 =	smax.u32 s8, $0x1;
	[dreg:$0x15] =	wrdreg s28  }
0x1b: {  	s20 =	sadd.s32 $0x4E300, s3;
	s21 =	sadd.s32 $0x4E380, s3;
	[dreg:$0x9] =	wrdreg s7  }
0x1c: {  	s23 =	sadd.s32 $0x180, s3;
	s3 =	sadd.s32 $0x100, s3;
	[dreg:$0xf] =	wrdreg s9  }
0x1d: {  	s8 =	simm.s32 $0x7;
	s7 =	sadd.s32 s25, s2;
	[dreg:$0x12] =	wrdreg s19  }
0x1e: {  	s9 =	sadd.s32 s0, s18;
	s24 =	sshrl.u32 s21, $0x3;
	[dreg:$0x13] =	wrdreg s3  }
0x1f: {  	s25 =	sshrl.u32 s23, $0x3;
	s3 =	simm.s32 $0x300;
	[dreg:$0xb] =	wrdreg s7  }
0x20: {  	s18 =	simm.s32 $0x0;
	s7 =	sadd.s32 s14, s26;
	[dreg:$0x10] =	wrdreg s9  }
0x21: {  	s24 =	sadd.s32 s24, s5;
	s25 =	sadd.s32 s25, s5;
	s7 =	sshll.u32 s7, $0x4  }
0x22: {  	s26 =	sadd.s32 $0x4E0, s16;
	s9 =	simm.s32 $0x3;
	s0 =	sadd.s32 s0, s7  }
0x23: {  	s14 =	simm.s32 $0x6;
	[dreg:$0x11] =	wrdreg s0;
	s0 =	sshrl.u32 s20, $0x3  }
0x24: {  	[dreg:$0x14] =	wrdreg s26;
	s22 =	sadd.s32 s0, s5;
	s0 =	simm.s32 $0x1  }
.LBB2_1:
0x25: {  	s7 =	rddreg [dreg:$0x4]  }
0x26: {  	[tilespmem:s4], [sflag:$0x1] =	stream.linear.gather [hbm4b:s7+s4], $0x80, $0x38;
	[tilespmem:$0x1C300] =	vst v63  }
0x27: {  	s19 =	rddreg [dreg:$0x5]  }
0x28: {  	[tilespmem:s29], [sflag:$0x1] =	stream.linear.gather [hbm4b:s19+s4], $0x80, $0x38;
	[tilespmem:$0x1C300] =	vst v63  }
0x29: {  	s20 =	rddreg [dreg:$0x6]  }
0x2a: {  	[tilespmem:s30], [sflag:$0x2] =	stream.linear.gather [hbm4b:s20+s4], $0x80, $0x38;
	[tilespmem:$0x1C300] =	vst v63  }
0x2b: {  	s21 =	rddreg [dreg:$0x7]  }
0x2c: {  	[tilespmem:s31], [sflag:$0x2] =	stream.linear.gather [hbm4b:s21+s4], $0x80, $0x38;
	[tilespmem:$0x1C300] =	vst v63  }
0x2d: {  	_ =	swait.ge [sflag:s0], $0x80  }
0x2e: {  	[sflag:s0] =	ssyncset.done $0x0  }
0x2f: {  	[sflag:s0] =	ssyncadd.s32 $0xFFFFFF80  }
0x30: {  	s23 =	stileid.u32;
	_ =	swait.ge [sflag:s0], $0x80  }
0x31: {  	s7 =	sshll.u32 s23, $0x6;
	[sflag:s0] =	ssyncset.done $0x0;
	s26 =	rddreg [dreg:$0x8]  }
0x32: {  	s19 =	sor.u32 $0x1C07, s7;
	[sflag:s0] =	ssyncadd.s32 $0xFFFFFF80;
	s20 =	sshrl.u32 s26, $0x3  }
0x33: {  	[tilespmem:s3], [sflag:$0x3] =	stream.indirect.gather [hbm4b:s1+s29], $0x80, s4, s29, $0xb8;
	[tilespmem:$0x1C300] =	vst v63  }
0x34: {  	[spmem:s20], [sflag:s19] =	dma.local [hbm:s6], $0x800  }
0x35: {  	_ =	swait.ge [sflag:s8], $0x800  }
0x36: {  	[sflag:s8] =	ssyncset.done $0x0;
	s15 =	rddreg [dreg:$0x9]  }
0x37: {  	[sflag:s8] =	ssyncadd.s32 $0xFFFFF800;
	s21 =	sshrl.u32 s15, $0x3  }
0x38: {  	[spmem:s21], [sflag:s19] =	dma.local [hbm:s6], $0x800  }
0x39: {  	_ =	swait.ge [sflag:s8], $0x800  }
0x3a: {  	[sflag:s8] =	ssyncset.done $0x0;
	s16 =	rddreg [dreg:$0xa]  }
0x3b: {  	[sflag:s8] =	ssyncadd.s32 $0xFFFFF800;
	s7 =	sshrl.u32 s16, $0x3  }
0x3c: {  	[spmem:s7], [sflag:s19] =	dma.local [hbm:s6], $0x800  }
0x3d: {  	_ =	swait.ge [sflag:s8], $0x800  }
0x3e: {  	[sflag:s8] =	ssyncset.done $0x0;
	s15 =	rddreg [dreg:$0xb]  }
0x3f: {  	[sflag:s8] =	ssyncadd.s32 $0xFFFFF800;
	s26 =	sshrl.u32 s15, $0x3  }
0x40: {  	[spmem:s26], [sflag:s19] =	dma.local [hbm:s6], $0x800  }
0x41: {  	_ =	swait.ge [sflag:s8], $0x800  }
0x42: {  	[sflag:s8] =	ssyncset.done $0x0;
	s17 =	rddreg [dreg:$0xc]  }
0x43: {  	[sflag:s8] =	ssyncadd.s32 $0xFFFFF800;
	s28 =	sshrl.u32 s17, $0x3  }
0x44: {  	[spmem:s28], [sflag:s19] =	dma.local [hbm:s6], $0x800  }
0x45: {  	_ =	swait.ge [sflag:s8], $0x800  }
0x46: {  	[sflag:s8] =	ssyncset.done $0x0  }
0x47: {  	[sflag:s8] =	ssyncadd.s32 $0xFFFFF800  }
0x48: {  	[bflag:$0x0] =	sbarrier.arrive $0xFFFF  }
0x49: {  	_ =	swait.ge [sflag:s9], $0x4000  }
0x4a: {  	[sflag:s9] =	ssyncset.done $0x0  }
0x4b: {  	[sflag:s9] =	ssyncadd.s32 $0xFFFFC000  }
0x4c: {  	_ =	swait.ge [sflag:s10], $0x80  }
0x4d: {  	[sflag:s10] =	ssyncset.done $0x0  }
0x4e: {  	[sflag:s10] =	ssyncadd.s32 $0xFFFFFF80  }
0x4f: {  	_ =	swait.ge [sflag:s10], $0x80  }
0x50: {  	[sflag:s10] =	ssyncset.done $0x0  }
0x51: {  	[sflag:s10] =	ssyncadd.s32 $0xFFFFFF80  }
0x52: {  	[tilespmem:s11], [sflag:$0x4] =	stream.indirect.gather [hbm4b:s1+s29], $0x80, s30, s29, $0xb8;
	[tilespmem:$0x1C300] =	vst v63  }
0x53: {  	_ = 	snop  }
0x54: {  	[spmem:s2] =	stream.indirect.scatter.add.f32 [tilespmem:s3], [sflag:$0x5], $0x80, s29, s29, $0xb8;
	[tilespmem:$0x1C300] =	vst v63  }
0x55: {  	_ =	swait.ge [sflag:s12], $0x4000  }
0x56: {  	s16 =	rddreg [dreg:$0x13]  }
0x57: {  	[sflag:s12] =	ssyncset.done $0x0;
	s23 =	sshrl.u32 s16, $0x3  }
0x58: {  	[sflag:s12] =	ssyncadd.s32 $0xFFFFC000;
	s15 =	sadd.s32 s5, s23  }
0x59: {  	[tilespmem:s4], [sflag:$0x1] =	stream.linear.gather [hbm4b:s15+s4], $0x80, $0x38;
	[tilespmem:$0x1C300] =	vst v63  }
0x5a: {  	s17 =	sadd.s32 $0x0, s22  }
0x5b: {  	[tilespmem:s29], [sflag:$0x1] =	stream.linear.gather [hbm4b:s17+s4], $0x80, $0x38;
	[tilespmem:$0x1C300] =	vst v63  }
0x5c: {  	_ =	swait.ge [sflag:s13], $0x4000  }
0x5d: {  	[sflag:s13] =	ssyncset.done $0x0  }
0x5e: {  	[sflag:s13] =	ssyncadd.s32 $0xFFFFC000  }
0x5f: {  	_ =	swait.ge [sflag:s0], $0x80  }
0x60: {  	[sflag:s0] =	ssyncset.done $0x0  }
0x61: {  	[sflag:s0] =	ssyncadd.s32 $0xFFFFFF80  }
0x62: {  	_ =	swait.ge [sflag:s0], $0x80  }
0x63: {  	[sflag:s0] =	ssyncset.done $0x0  }
0x64: {  	[sflag:s0] =	ssyncadd.s32 $0xFFFFFF80  }
0x65: {  	[tilespmem:s3], [sflag:$0x3] =	stream.indirect.gather [hbm4b:s1+s29], $0x80, s4, s29, $0xb8;
	[tilespmem:$0x1C300] =	vst v63  }
0x66: {  	_ = 	snop  }
0x67: {  	[spmem:s2] =	stream.indirect.scatter.add.f32 [tilespmem:s11], [sflag:$0x6], $0x80, s31, s29, $0xb8;
	[tilespmem:$0x1C300] =	vst v63  }
0x68: {  	_ =	swait.ge [sflag:s14], $0x4000  }
0x69: {  	s16 =	sadd.s32 $0x100, s16;
	s23 =	sadd.s32 $0x0, s25;
	[sflag:s14] =	ssyncset.done $0x0  }
0x6a: {  	s15 =	simm.s32 $0x20;
	s17 =	sadd.s32 $0x0, s24;
	[sflag:s14] =	ssyncadd.s32 $0xFFFFC000  }
0x6b: {  	[tilespmem:s30], [sflag:$0x2] =	stream.linear.gather [hbm4b:s23+s4], $0x80, $0x38;
	[tilespmem:$0x1C300] =	vst v63  }
.LBB2_2:
0x6c: {  	[tilespmem:s31], [sflag:$0x2] =	stream.linear.gather [hbm4b:s17+s4], $0x80, $0x38;
	[tilespmem:$0x1C300] =	vst v63  }
0x6d: {  	s17 =	smov.u32 s15  }
0x6e: {  	p0 =	sne.s32 s15, $0x4A0;
	s15 =	sadd.s32 $0x20, s15;
	_ =	swait.ge [sflag:s9], $0x4000  }
0x6f: {  	[sflag:s9] =	ssyncset.done $0x0  }
0x70: {  	[sflag:s9] =	ssyncadd.s32 $0xFFFFC000  }
0x71: {  	_ =	swait.ge [sflag:s10], $0x80  }
0x72: {  	[sflag:s10] =	ssyncset.done $0x0  }
0x73: {  	[sflag:s10] =	ssyncadd.s32 $0xFFFFFF80  }
0x74: {  	_ =	swait.ge [sflag:s10], $0x80  }
0x75: {  	[sflag:s10] =	ssyncset.done $0x0  }
0x76: {  	[sflag:s10] =	ssyncadd.s32 $0xFFFFFF80  }
0x77: {  	[tilespmem:s11], [sflag:$0x4] =	stream.indirect.gather [hbm4b:s1+s29], $0x80, s30, s29, $0xb8;
	[tilespmem:$0x1C300] =	vst v63  }
0x78: {  	_ = 	snop  }
0x79: {  	[spmem:s2] =	stream.indirect.scatter.add.f32 [tilespmem:s3], [sflag:$0x5], $0x80, s29, s29, $0xb8;
	[tilespmem:$0x1C300] =	vst v63  }
0x7a: {  	_ =	swait.ge [sflag:s12], $0x4000  }
0x7b: {  	s23 =	sshrl.u32 s16, $0x3;
	[sflag:s12] =	ssyncset.done $0x0  }
0x7c: {  	s23 =	sadd.s32 s5, s23;
	[sflag:s12] =	ssyncadd.s32 $0xFFFFC000  }
0x7d: {  	[tilespmem:s4], [sflag:$0x1] =	stream.linear.gather [hbm4b:s23+s4], $0x80, $0x38;
	[tilespmem:$0x1C300] =	vst v63  }
0x7e: {  	s23 =	sadd.s32 s17, s22  }
0x7f: {  	[tilespmem:s29], [sflag:$0x1] =	stream.linear.gather [hbm4b:s23+s4], $0x80, $0x38;
	[tilespmem:$0x1C300] =	vst v63  }
0x80: {  	_ =	swait.ge [sflag:s13], $0x4000  }
0x81: {  	[sflag:s13] =	ssyncset.done $0x0  }
0x82: {  	[sflag:s13] =	ssyncadd.s32 $0xFFFFC000  }
0x83: {  	_ =	swait.ge [sflag:s0], $0x80  }
0x84: {  	[sflag:s0] =	ssyncset.done $0x0  }
0x85: {  	[sflag:s0] =	ssyncadd.s32 $0xFFFFFF80  }
0x86: {  	_ =	swait.ge [sflag:s0], $0x80  }
0x87: {  	[sflag:s0] =	ssyncset.done $0x0  }
0x88: {  	[sflag:s0] =	ssyncadd.s32 $0xFFFFFF80  }
0x89: {  	[tilespmem:s3], [sflag:$0x3] =	stream.indirect.gather [hbm4b:s1+s29], $0x80, s4, s29, $0xb8;
	[tilespmem:$0x1C300] =	vst v63  }
0x8a: {  	_ = 	snop  }
0x8b: {  	[spmem:s2] =	stream.indirect.scatter.add.f32 [tilespmem:s11], [sflag:$0x6], $0x80, s31, s29, $0xb8;
	[tilespmem:$0x1C300] =	vst v63  }
.Ltmp0:
0x8c: {  	_ =	swait.ge [sflag:s14], $0x4000;
	(pc) =	sbr.rel @p0 .LBB2_2-.Ltmp0, $4  }
0x8d: {  	[sflag:s14] =	ssyncset.done $0x0  }
0x8e: {  	s23 =	sadd.s32 s17, s25;
	[sflag:s14] =	ssyncadd.s32 $0xFFFFC000  }
0x8f: {  	[tilespmem:s30], [sflag:$0x2] =	stream.linear.gather [hbm4b:s23+s4], $0x80, $0x38;
	[tilespmem:$0x1C300] =	vst v63  }
0x90: {  	s16 =	sadd.s32 $0x100, s16;
	s17 =	sadd.s32 s17, s24  }
0x91: {  	[tilespmem:s31], [sflag:$0x2] =	stream.linear.gather [hbm4b:s17+s4], $0x80, $0x38;
	[tilespmem:$0x1C300] =	vst v63  }
0x92: {  	s15 =	rddreg [dreg:$0x14];
	s16 =	simm.s32 $0x200  }
0x93: {  	[tilespmem:s16], [sflag:$0x1] =	stream.linear.gather [hbm4b:s15+s4], $0x10, $0x38;
	[tilespmem:$0x1C300] =	vst v63  }
0x94: {  	s23 =	rddreg [dreg:$0x15];
	s17 =	simm.s32 $0x280  }
0x95: {  	[tilespmem:s17], [sflag:$0x1] =	stream.linear.gather [hbm4b:s23+s4], $0x10, $0x38;
	[tilespmem:$0x1C300] =	vst v63  }
0x96: {  	_ =	swait.ge [sflag:s9], $0x4000  }
0x97: {  	[sflag:s9] =	ssyncset.done $0x0  }
0x98: {  	[sflag:s9] =	ssyncadd.s32 $0xFFFFC000  }
0x99: {  	_ =	swait.ge [sflag:s10], $0x80  }
0x9a: {  	[sflag:s10] =	ssyncset.done $0x0  }
0x9b: {  	[sflag:s10] =	ssyncadd.s32 $0xFFFFFF80  }
0x9c: {  	_ =	swait.ge [sflag:s10], $0x80  }
0x9d: {  	[sflag:s10] =	ssyncset.done $0x0  }
0x9e: {  	[sflag:s10] =	ssyncadd.s32 $0xFFFFFF80  }
0x9f: {  	[tilespmem:s11], [sflag:$0x4] =	stream.indirect.gather [hbm4b:s1+s29], $0x80, s30, s29, $0xb8;
	[tilespmem:$0x1C300] =	vst v63  }
0xa0: {  	_ = 	snop  }
0xa1: {  	[spmem:s2] =	stream.indirect.scatter.add.f32 [tilespmem:s3], [sflag:$0x5], $0x80, s29, s29, $0xb8;
	[tilespmem:$0x1C300] =	vst v63  }
0xa2: {  	_ =	swait.ge [sflag:s12], $0x4000  }
0xa3: {  	[sflag:s12] =	ssyncset.done $0x0  }
0xa4: {  	[sflag:s12] =	ssyncadd.s32 $0xFFFFC000  }
0xa5: {  	_ =	swait.ge [sflag:s13], $0x4000  }
0xa6: {  	[sflag:s13] =	ssyncset.done $0x0  }
0xa7: {  	[sflag:s13] =	ssyncadd.s32 $0xFFFFC000  }
0xa8: {  	[spmem:s2] =	stream.indirect.scatter.add.f32 [tilespmem:s11], [sflag:$0x6], $0x80, s31, s29, $0xb8;
	[tilespmem:$0x1C300] =	vst v63  }
0xa9: {  	_ =	swait.ge [sflag:s14], $0x4000  }
0xaa: {  	[sflag:s14] =	ssyncset.done $0x0  }
0xab: {  	[sflag:s14] =	ssyncadd.s32 $0xFFFFC000  }
0xac: {  	_ =	swait.ge [sflag:s0], $0x10  }
0xad: {  	[sflag:s0] =	ssyncset.done $0x0  }
0xae: {  	[sflag:s0] =	ssyncadd.s32 $0xFFFFFFF0  }
0xaf: {  	_ =	swait.ge [sflag:s0], $0x10  }
0xb0: {  	[sflag:s0] =	ssyncset.done $0x0  }
0xb1: {  	s23 =	simm.s32 $0x10;
	[sflag:s0] =	ssyncadd.s32 $0xFFFFFFF0  }
0xb2: {  	[tilespmem:s3], [sflag:$0x3] =	stream.indirect.gather [hbm4b:s1+s23], $0x80, s16, s23, $0xb8;
	[tilespmem:$0x1C300] =	vst v63  }
0xb3: {  	_ =	swait.ge [sflag:s9], $0x800  }
0xb4: {  	[sflag:s9] =	ssyncset.done $0x0  }
0xb5: {  	[sflag:s9] =	ssyncadd.s32 $0xFFFFF800  }
0xb6: {  	[spmem:s2] =	stream.indirect.scatter.add.f32 [tilespmem:s3], [sflag:$0x5], $0x80, s17, s23, $0xb8;
	[tilespmem:$0x1C300] =	vst v63  }
0xb7: {  	_ =	swait.ge [sflag:s12], $0x800  }
0xb8: {  	[sflag:s12] =	ssyncset.done $0x0  }
0xb9: {  	[sflag:s12] =	ssyncadd.s32 $0xFFFFF800  }
0xba: {  	[bflag:$0x0] =	sbarrier.arrive $0xFFFF  }
0xbb: {  	s17 =	rddreg [dreg:$0xd]  }
0xbc: {  	[hbm:s17], [sflag:s19] =	dma.local [spmem:s20], $0x800  }
0xbd: {  	_ =	swait.ge [sflag:s8], $0x800  }
0xbe: {  	[sflag:s8] =	ssyncset.done $0x0  }
0xbf: {  	s20 =	rddreg [dreg:$0xe];
	[sflag:s8] =	ssyncadd.s32 $0xFFFFF800  }
0xc0: {  	[hbm:s20], [sflag:s19] =	dma.local [spmem:s21], $0x800  }
0xc1: {  	_ =	swait.ge [sflag:s8], $0x800  }
0xc2: {  	[sflag:s8] =	ssyncset.done $0x0  }
0xc3: {  	s21 =	rddreg [dreg:$0xf];
	[sflag:s8] =	ssyncadd.s32 $0xFFFFF800  }
0xc4: {  	[hbm:s21], [sflag:s19] =	dma.local [spmem:s7], $0x800  }
0xc5: {  	_ =	swait.ge [sflag:s8], $0x800  }
0xc6: {  	[sflag:s8] =	ssyncset.done $0x0  }
0xc7: {  	s23 =	rddreg [dreg:$0x10];
	[sflag:s8] =	ssyncadd.s32 $0xFFFFF800  }
0xc8: {  	[hbm:s23], [sflag:s19] =	dma.local [spmem:s26], $0x800  }
0xc9: {  	_ =	swait.ge [sflag:s8], $0x800  }
0xca: {  	[sflag:s8] =	ssyncset.done $0x0  }
0xcb: {  	s26 =	rddreg [dreg:$0x11];
	[sflag:s8] =	ssyncadd.s32 $0xFFFFF800  }
0xcc: {  	[hbm:s26], [sflag:s19] =	dma.local [spmem:s28], $0x800  }
0xcd: {  	_ =	swait.ge [sflag:s8], $0x800  }
0xce: {  	s18 =	sadd.s32 $0x1, s18;
	s28 =	rddreg [dreg:$0x12]  }
0xcf: {  	p0 =	sne.s32 s18, s28  }
.Ltmp1:
0xd0: {  	_ = 	snop;
	(pc) =	sbr.rel @p0 .LBB2_1-.Ltmp1, $3  }
0xd1: {  	_ =	sdelay $0x1  }
0xd2: {  	[sflag:s8] =	ssyncset.done $0x0  }
0xd3: {  	[sflag:s8] =	ssyncadd.s32 $0xFFFFF800  }
0xd4: {  	_ =	sfence.sel $0x180000  }
0xd5: {  	[bflag:$0x0] =	sbarrier.arrive $0xFFFF  }
0xd6: {  	_ =	strace $0x90000050  }
0xd7: {  	s0 =	stileid.u32;
	[bflag:$0x2] =	sbarrier.arrive $0xFFFF  }
0xd8: {  	p0 =	sne.s32 s0, $0x0;
	s0 =	rddreg [dreg:$0x3]  }
0xd9: {  	s0 =	sadd.s32 @!p0 $0x100000, s0  }
0xda: {  	[sflag:s0] =	ssyncadd.tile.s32 @!p0 $0x1;
	_ =	shalt  }
.Lfunc_end2:
_tile_overlayer_lowered:
.L_overlay_start_2:
0xdb: {  	(tag) =	ssettag $0x2  }
0xdc: {  	s0 =	rddreg [dreg:$0x0];
	s2 =	stileid.u32  }
0xdd: {  	s1 =	rddreg [dreg:$0x1];
	p0 =	sne.s32 s2, $0x0  }
0xde: {  	s3 =	rddreg [dreg:$0x2];
	[bflag:$0x3] =	sbarrier.arrive $0xFFFF;
	s2 =	simm.s32 @!p0 $0x1C07  }
0xdf: {  	[timem:s3], [sflag:s2] =	dma.local @!p0 [hbm:s0], s1  }
0xe0: {  	s0 =	simm.s32 @!p0 $0x7  }
0xe1: {  	_ =	swait.ge @!p0 [sflag:s0], s1  }
0xe2: {  	s1 =	ssub.s32 @!p0 $0x0, s1;
	[sflag:s0] =	ssyncset.done @!p0 $0x0  }
0xe3: {  	[sflag:s0] =	ssyncadd.s32 @!p0 s1  }
0xe4: {  	[bflag:$0x3] =	sbarrier.arrive $0xFFFF  }
0xe5: {  	_ =	shalt  }

// kernel: kernel.24.cloned.1.call-start
scs
__scs_entry_jumppad:
0x0: {  	(pc) =	sbr.rel $0x88, $3  }
0x1: {  	(tag) =	ssettag $0x0;
	lr =	simm.s32 $0x1  }
0x2: {  	[smem:$0x3F97] =	sst lr;
	_ =	strace $0xD0000000  }
0x3: {  	_ = 	snop  }
0x4: {  	_ = 	snop  }
0x5: {  	_ = 	snop  }
0x6: {  	_ = 	snop  }
0x7: {  	_ = 	snop  }
__scs_overlays_trampoline_lowered:
0x8: {  	[smem:$0x3FA6] =	sst s0  }
0x9: {  	[smem:$0x3FA7] =	sst s1  }
0xa: {  	[smem:$0x3FA8] =	sst s2  }
0xb: {  	[smem:$0x3FA9] =	sst s3  }
0xc: {  	[smem:$0x3FAA] =	sst s4  }
0xd: {  	[smem:$0x3FAB] =	sst s5  }
0xe: {  	[smem:$0x3FAC] =	sst s6  }
0xf: {  	[smem:$0x3FAD] =	sst s7  }
0x10: {  	[smem:$0x3FAE] =	sst s8  }
0x11: {  	[smem:$0x3FAF] =	sst s9;
	s0 =	simm.s32 @!p0 $0x0  }
0x12: {  	s1 =	sld [smem:$0x3F95];
	s0 =	simm.s32 @p0 $0x1  }
0x13: {  	[smem:$0x3FB0] =	sst s0;
	s0 =	simm.s32 @!p1 $0x0  }
0x14: {  	s2 =	sld [smem:$0x3F94];
	s0 =	simm.s32 @p1 $0x1  }
0x15: {  	[smem:$0x3FB1] =	sst s0;
	s0 =	simm.s32 @!p2 $0x0  }
0x16: {  	s3 =	sld [smem:$0x3FDB];
	s0 =	simm.s32 @p2 $0x1  }
0x17: {  	s4 =	simm.s32 $0x1BF5;
	[smem:$0x3FB3] =	sst s0  }
0x18: {  	s0 =	sld [smem:$0x3F96];
	_ =	swait.ge [sflag:s4], $0x0  }
0x19: {  	s7 =	sld [smem:$0x3F97]  }
0x1a: {  	s8 =	sadd.s32 $0xFFFFE003, lr  }
0x1b: {  	s9 =	sadd.s32 $0xFFFFFEF7, lr;
	s5 =	simm.s32 $0xFFFFFFFF;
	p2 =	slt.u32 s8, $0xFFFFF086  }
0x1c: {  	p1 =	slt.u32 s9, $0xF7A;
	s5 =	simm.s32 @!p2 $0x0  }
0x1d: {  	s5 =	simm.s32 @p1 $0x1;
	p0 =	seq.s32 s7, s2  }
0x1e: {  	s7 =	smul.u32 @!p0 $0xF7A, s2;
	p2 =	seq.s32 @!p0 s5, $0x0  }
0x1f: {  	s9 =	smul.u32 $0xF7A, s1;
	s8 =	simm.s32 @!p0 $0x1BF5;
	p2 =	por !p2, p0  }
0x20: {  	[sflag:s8] =	ssyncset.s32 @!p0 $0xFFFFF086;
	s6 =	sadd.s32 @!p0 s3, s7;
	s7 =	simm.s32 @!p0 $0x108  }
0x21: {  	s3 =	sadd.s32 s3, s9;
	s6 =	sadd.s32 @!p0 $0x88, s6;
	s7 =	simm.s32 @p2 $0x1082  }
0x22: {  	[simem:s7], [sflag:s8] =	dma.local @!p0 [hbm:s6], $0xF7A  }
0x23: {  	s9 =	sor.u32 $0xD0000000, s2;
	s6 =	simm.s32 $0x108;
	_ =	swait.ge @!p0 [sflag:s8], $0x0  }
0x24: {  	s3 =	sadd.s32 $0x88, s3;
	s6 =	simm.s32 @!p1 $0x1082;
	[sflag:s4] =	ssyncset.s32 $0xFFFFF086  }
0x25: {  	[simem:s6], [sflag:s4] =	dma.local [hbm:s3], $0xF7A  }
0x26: {  	[smem:$0x3F97] =	sst s1;
	(tag) =	ssettag s2;
	_ =	strace s9  }
0x27: {  	s1 =	sld [smem:$0x3FA7]  }
0x28: {  	s2 =	sld [smem:$0x3FA8]  }
0x29: {  	s4 =	sld [smem:$0x3FAA]  }
0x2a: {  	p0 =	seq.s32 s5, $0x0;
	s5 =	sld [smem:$0x3FAB]  }
0x2b: {  	s6 =	sld [smem:$0x3FAC]  }
0x2c: {  	s7 =	sld [smem:$0x3FAD]  }
0x2d: {  	s3 =	simm.s32 $0x108;
	s8 =	sld [smem:$0x3FAE]  }
0x2e: {  	s3 =	simm.s32 @!p0 $0x1082;
	s9 =	sld [smem:$0x3FAF]  }
0x2f: {  	lr =	sadd.s32 s0, s3;
	s0 =	sld [smem:$0x3FA6]  }
0x30: {  	s3 =	sld [smem:$0x3FA9]  }
0x31: {  	[smem:$0x3FB2] =	sst s10  }
0x32: {  	s10 =	sld [smem:$0x3FB0];
	_ =	sdelay $0x3  }
0x33: {  	p0 =	seq.s32 s10, $0x1;
	s10 =	sld [smem:$0x3FB2];
	_ =	sdelay $0x3  }
0x34: {  	[smem:$0x3FB2] =	sst s10  }
0x35: {  	s10 =	sld [smem:$0x3FB1];
	_ =	sdelay $0x3  }
0x36: {  	p1 =	seq.s32 s10, $0x1;
	s10 =	sld [smem:$0x3FB2];
	_ =	sdelay $0x3  }
0x37: {  	[smem:$0x3FB2] =	sst s10  }
0x38: {  	s10 =	sld [smem:$0x3FB3]  }
0x39: {  	_ = 	snop;
	(pc) =	sbr.ind lr, $3  }
0x3a: {  	_ = 	snop  }
0x3b: {  	_ = 	snop  }
0x3c: {  	p2 =	seq.s32 s10, $0x1;
	s10 =	sld [smem:$0x3FB2]  }
0x3d: {  	_ =	shalt  }
0x3e: {  	_ =	shalt  }
0x3f: {  	_ =	shalt  }
0x40: {  	_ =	shalt  }
0x41: {  	_ =	shalt  }
0x42: {  	_ =	shalt  }
0x43: {  	_ =	shalt  }
0x44: {  	_ =	shalt  }
0x45: {  	_ =	shalt  }
0x46: {  	_ =	shalt  }
0x47: {  	_ =	shalt  }
0x48: {  	_ =	shalt  }
0x49: {  	_ =	shalt  }
0x4a: {  	_ =	shalt  }
0x4b: {  	_ =	shalt  }
0x4c: {  	_ =	shalt  }
0x4d: {  	_ =	shalt  }
0x4e: {  	_ =	shalt  }
0x4f: {  	_ =	shalt  }
0x50: {  	_ =	shalt  }
0x51: {  	_ =	shalt  }
0x52: {  	_ =	shalt  }
0x53: {  	_ =	shalt  }
0x54: {  	_ =	shalt  }
0x55: {  	_ =	shalt  }
0x56: {  	_ =	shalt  }
0x57: {  	_ =	shalt  }
0x58: {  	_ =	shalt  }
0x59: {  	_ =	shalt  }
0x5a: {  	_ =	shalt  }
0x5b: {  	_ =	shalt  }
0x5c: {  	_ =	shalt  }
0x5d: {  	_ =	shalt  }
0x5e: {  	_ =	shalt  }
0x5f: {  	_ =	shalt  }
0x60: {  	_ =	shalt  }
0x61: {  	_ =	shalt  }
0x62: {  	_ =	shalt  }
0x63: {  	_ =	shalt  }
0x64: {  	_ =	shalt  }
0x65: {  	_ =	shalt  }
0x66: {  	_ =	shalt  }
0x67: {  	_ =	shalt  }
0x68: {  	_ =	shalt  }
0x69: {  	_ =	shalt  }
0x6a: {  	_ =	shalt  }
0x6b: {  	_ =	shalt  }
0x6c: {  	_ =	shalt  }
0x6d: {  	_ =	shalt  }
0x6e: {  	_ =	shalt  }
0x6f: {  	_ =	shalt  }
0x70: {  	_ =	shalt  }
0x71: {  	_ =	shalt  }
0x72: {  	_ =	shalt  }
0x73: {  	_ =	shalt  }
0x74: {  	_ =	shalt  }
0x75: {  	_ =	shalt  }
0x76: {  	_ =	shalt  }
0x77: {  	_ =	shalt  }
0x78: {  	_ =	shalt  }
0x79: {  	_ =	shalt  }
0x7a: {  	_ =	shalt  }
0x7b: {  	_ =	shalt  }
0x7c: {  	_ =	shalt  }
0x7d: {  	_ =	shalt  }
0x7e: {  	_ =	shalt  }
0x7f: {  	_ =	shalt  }
0x80: {  	_ =	shalt  }
0x81: {  	_ =	shalt  }
0x82: {  	_ =	shalt  }
0x83: {  	_ =	shalt  }
0x84: {  	_ =	shalt  }
0x85: {  	_ =	shalt  }
0x86: {  	_ =	shalt  }
0x87: {  	_ =	shalt  }
.Lfunc_end0:
.L_simem_size_0:
called_computation.4_lowered:
.L_overlay_start_0:
0x88: {  	s2 =	sld [smem:$0x3FD9]  }
0x89: {  	s3 =	sld [smem:$0x3FFE];
	_ =	sdelay $0x1  }
0x8a: {  	s1 =	srdreg.scid  }
0x8b: {  	s0 =	sand.u32 $0x1, s1  }
0x8c: {  	s14 =	sshll.u32 s0, $0xA;
	s2 =	sadd.s32 s3, s2  }
0x8d: {  	s2 =	sadd.s32 s2, s14  }
0x8e: {  	[smem:$0x3FBE] =	sst s2  }
0x8f: {  	_ = 	snop  }
0x90: {  	s2 =	sld [smem:$0x3FD0];
	_ =	sdelay $0x2  }
0x91: {  	s15 =	simm.s32 $0xA;
	s4 =	simm.s32 $0x10  }
0x92: {  	[smem:s4], [sflag:s15] =	dma.local [hbm:s2], $0x1  }
0x93: {  	_ =	swait.eq [sflag:s15], $0x1  }
0x94: {  	[sflag:s15] =	ssyncset.done $0x0  }
0x95: {  	[sflag:s15] =	ssyncadd.s32 $0xFFFFFFFF  }
0x96: {  	s16 =	sld [smem:$0x10];
	(tm) =	ssettm $0x1  }
0x97: {  	s17 =	sld [smem:$0x3FFB];
	_ =	sdelay $0x3  }
0x98: {  	_ =	strace s17  }
0x99: {  	s3 =	sld [smem:$0x3FFC];
	_ =	sdelay $0x3  }
0x9a: {  	_ =	strace s3  }
0x9b: {  	s3 =	sld [smem:$0x3FFD];
	_ =	sdelay $0x3  }
0x9c: {  	_ =	strace s3  }
0x9d: {  	_ =	strace $0x8FFFFFFF  }
0x9e: {  	s18 =	sld [smem:$0x3FDB];
	_ =	sdelay $0x1  }
0x9f: {  	s19 =	simm.s32 $_scs_section_size  }
0xa0: {  	s5 =	simm.s32 $_size__tile_overlayer_lowered;
	s6 =	simm.s32 $_tile_overlayer_lowered  }
0xa1: {  	s22 =	simm.s32 $0x1BFF;
	s21 =	sshll.u32 s6, $0x1;
	s3 =	sadd.s32 s19, s18  }
0xa2: {  	s7 =	simm.s32 $0x0;
	s20 =	sshll.u32 s5, $0x1;
	s5 =	sadd.s32 s21, s3  }
0xa3: {  	[timem:s7], [sflag:s22] =	dma.local [hbm:s5], s20  }
0xa4: {  	_ =	swait.ge [sflag:s22], s20  }
0xa5: {  	s4 =	ssub.s32 $0x0, s20;
	[sflag:s22] =	ssyncset.done $0x0  }
0xa6: {  	[sflag:s22] =	ssyncadd.s32 s4;
	_ =	sdelay $0x1  }
0xa7: {  	s23 =	simm.s32 $0x1B8B  }
0xa8: {  	_ =	swait.ge [sflag:s23], $0x1  }
0xa9: {  	[sflag:s23] =	ssyncset.done $0x0  }
0xaa: {  	s25 =	simm.s32 $0x1B8E;
	s24 =	sld [smem:$0x3FFE];
	[sflag:s23] =	ssyncadd.s32 $0xFFFFFFFF  }
0xab: {  	s26 =	simm.s32 $execute0_lowered;
	[smem:$0x3FD2] =	sst s25  }
0xac: {  	s5 =	sshll.u32 s26, $0x1;
	_ =	strace $0x80000052;
	[dreg:$0x1] =	wrdreg $0xFFFFFFFF  }
0xad: {  	s28 =	simm.s32 $_size_execute0_lowered;
	s3 =	sadd.s32 s3, s5;
	[dreg:$0x0] =	wrdreg $0x0  }
0xae: {  	s5 =	sshll.u32 s28, $0x1;
	[dreg:$0x2] =	wrdreg s3  }
0xaf: {  	[dreg:$0x3] =	wrdreg s5  }
0xb0: {  	[dreg:$0x4] =	wrdreg $0xC0  }
0xb1: {  	_ =	task [dreg:s7], $0x5FFFF  }
0xb2: {  	[dreg:$0x1] =	wrdreg $0xFFFFFFFF  }
0xb3: {  	[dreg:$0x0] =	wrdreg $0x60  }
0xb4: {  	[dreg:$0x2] =	wrdreg s16  }
0xb5: {  	[dreg:$0x3] =	wrdreg s24  }
0xb6: {  	[dreg:$0x4] =	wrdreg $0x83000  }
0xb7: {  	[dreg:$0x5] =	wrdreg $0x9  }
0xb8: {  	_ =	task.clear_ibuf [dreg:s7], $0x6FFFF;
	_ =	strace $0x90000052  }
0xb9: {  	s29 =	simm.s32 $0x9;
	_ =	strace $0x80000054  }
0xba: {  	_ =	swait.ge [sflag:s29], $0x1  }
0xbb: {  	[sflag:s29] =	ssyncadd.s32 $0xFFFFFFFF  }
0xbc: {  	_ =	strace $0x90000054  }
0xbd: {  	_ =	sfence  }
0xbe: {  	s30 =	sld [smem:$0x0];
	_ =	sdelay $0x2  }
0xbf: {  	s31 =	sshll.u32 s1, $0xD;
	s1 =	sshrl.u32 s1, $0x2  }
0xc0: {  	s3 =	sand.u32 $0x4000, s31;
	s1 =	sadd.s32 s1, s30  }
0xc1: {  	s0 =	sor.u32 s3, s0;
	s1 =	sshll.u32 s1, $0x11  }
0xc2: {  	s0 =	sor.u32 s1, s0  }
0xc3: {  	s0 =	sadd.s32 $0x8F2B, s0  }
0xc4: {  	[sflag:s0] =	ssyncadd.remote.s32 $0x1  }
0xc5: {  	_ =	sfence.sel $0xFFFF  }
0xc6: {  	[dreg:$0x0] =	wrdreg $0xFFFFFFFF;
	(pc) =	sbr.abs _section_cstart, $3  }
0xc7: {  	[dreg:$0x1] =	wrdreg $0xFFFFFFFF  }
0xc8: {  	_ =	task.clear_ibuf [dreg:s7], $0x2FFFF;
	_ =	strace $0x9FFFFFFF  }
0xc9: {  	(tm) =	ssettm $0x7FFFFFFF  }
tec
execute0_lowered:
.L_overlay_start_1:
0x0: {  	(tag) =	ssettag $0x1  }
0x1: {  	s1 =	rddreg [dreg:$0x0]  }
0x2: {  	s0 =	rddreg [dreg:$0x1]  }
0x3: {  	s2 =	rddreg [dreg:$0x2]  }
0x4: {  	s3 =	srdreg.scid;
	s4 =	simm.s32 $0x0;
	s15 =	stileid.u32  }
0x5: {  	s29 =	simm.s32 $0x80;
	s30 =	simm.s32 $0x100;
	s9 =	smul.u32 $0x280, s15  }
0x6: {  	s31 =	simm.s32 $0x180;
	s3 =	sand.u32 $0x1, s3;
	s18 =	smul.u32 $0x50000, s15  }
0x7: {  	[smem:$0x7FF] =	sst s4;
	s6 =	sadd.s32 $0x17C00, s0;
	s17 =	smul.u32 $0x2710, s15  }
0x8: {  	s5 =	sshll.u32 s3, $0x4;
	_ =	strace $0x80000053;
	s14 =	smul.u32 $0x28A0, s3  }
0x9: {  	s8 =	ssub.s32 $0x2, s3;
	s3 =	smul.u32 $0x27100, s3;
	s5 =	sor.u32 s15, s5  }
0xa: {  	s10 =	sshrl.u32 s8, $0x1;
	s22 =	sadd.s32 $0x80, s9;
	s11 =	sadd.s32 $0x100, s9  }
0xb: {  	s13 =	sadd.s32 $0x180, s9;
	s26 =	sadd.s32 $0x200, s9;
	s7 =	smul.u32 $0x2710, s5  }
0xc: {  	s5 =	sadd.s32 $0x4200, s0;
	s0 =	sadd.s32 $0x18400, s0;
	s8 =	ssub.s32 s8, s10  }
0xd: {  	s23 =	sshll.u32 s22, $0x7;
	s12 =	sshll.u32 s11, $0x7;
	s25 =	sshll.u32 s13, $0x7  }
0xe: {  	s9 =	sadd.s32 s9, s14;
	s28 =	sshll.u32 s26, $0x7;
	s10 =	sadd.s32 s14, s22  }
0xf: {  	s13 =	sadd.s32 s14, s13;
	s3 =	sadd.s32 s17, s3;
	s24 =	sadd.s32 s12, s2  }
0x10: {  	s9 =	sshll.u32 s9, $0x4;
	s12 =	sadd.s32 s28, s2;
	[dreg:$0xa] =	wrdreg s24  }
0x11: {  	s10 =	sshll.u32 s10, $0x4;
	s7 =	sshrl.u32 s7, $0x3;
	[dreg:$0xc] =	wrdreg s12  }
0x12: {  	s9 =	sadd.s32 s0, s9;
	s12 =	sadd.s32 s14, s11;
	s11 =	simm.s32 $0x4300  }
0x13: {  	s16 =	sadd.s32 s5, s7;
	[dreg:$0xd] =	wrdreg s9;
	s9 =	sadd.s32 s0, s10  }
0x14: {  	s7 =	sshrl.u32 s18, $0x2;
	s18 =	sshll.u32 s13, $0x4;
	[dreg:$0xe] =	wrdreg s9  }
0x15: {  	s10 =	simm.s32 $0x2;
	s19 =	sadd.s32 $0x9C40, s16;
	[dreg:$0x4] =	wrdreg s16  }
0x16: {  	s13 =	simm.s32 $0x4;
	s20 =	sadd.s32 $0x10, s16;
	[dreg:$0x5] =	wrdreg s19  }
0x17: {  	s21 =	sadd.s32 $0x9C50, s16;
	s7 =	sadd.s32 s7, s2;
	[dreg:$0x6] =	wrdreg s20  }
0x18: {  	s9 =	sshll.u32 s12, $0x4;
	s28 =	sadd.s32 $0xA120, s16;
	[dreg:$0x7] =	wrdreg s21  }
0x19: {  	s12 =	simm.s32 $0x5;
	[dreg:$0x8] =	wrdreg s7;
	s7 =	sadd.s32 s23, s2  }
0x1a: {  	s9 =	sadd.s32 s0, s9;
	s19 =	smax.u32 s8, $0x1;
	[dreg:$0x15] =	wrdreg s28  }
0x1b: {  	s20 =	sadd.s32 $0x4E300, s3;
	s21 =	sadd.s32 $0x4E380, s3;
	[dreg:$0x9] =	wrdreg s7  }
0x1c: {  	s23 =	sadd.s32 $0x180, s3;
	s3 =	sadd.s32 $0x100, s3;
	[dreg:$0xf] =	wrdreg s9  }
0x1d: {  	s8 =	simm.s32 $0x7;
	s7 =	sadd.s32 s25, s2;
	[dreg:$0x12] =	wrdreg s19  }
0x1e: {  	s9 =	sadd.s32 s0, s18;
	s24 =	sshrl.u32 s21, $0x3;
	[dreg:$0x13] =	wrdreg s3  }
0x1f: {  	s25 =	sshrl.u32 s23, $0x3;
	s3 =	simm.s32 $0x300;
	[dreg:$0xb] =	wrdreg s7  }
0x20: {  	s18 =	simm.s32 $0x0;
	s7 =	sadd.s32 s14, s26;
	[dreg:$0x10] =	wrdreg s9  }
0x21: {  	s24 =	sadd.s32 s24, s5;
	s25 =	sadd.s32 s25, s5;
	s7 =	sshll.u32 s7, $0x4  }
0x22: {  	s26 =	sadd.s32 $0x4E0, s16;
	s9 =	simm.s32 $0x3;
	s0 =	sadd.s32 s0, s7  }
0x23: {  	s14 =	simm.s32 $0x6;
	[dreg:$0x11] =	wrdreg s0;
	s0 =	sshrl.u32 s20, $0x3  }
0x24: {  	[dreg:$0x14] =	wrdreg s26;
	s22 =	sadd.s32 s0, s5;
	s0 =	simm.s32 $0x1  }
.LBB2_1:
0x25: {  	s7 =	rddreg [dreg:$0x4]  }
0x26: {  	[tilespmem:s4], [sflag:$0x1] =	stream.linear.gather [hbm4b:s7+s4], $0x80, $0x38;
	[tilespmem:$0x1C300] =	vst v63  }
0x27: {  	s19 =	rddreg [dreg:$0x5]  }
0x28: {  	[tilespmem:s29], [sflag:$0x1] =	stream.linear.gather [hbm4b:s19+s4], $0x80, $0x38;
	[tilespmem:$0x1C300] =	vst v63  }
0x29: {  	s20 =	rddreg [dreg:$0x6]  }
0x2a: {  	[tilespmem:s30], [sflag:$0x2] =	stream.linear.gather [hbm4b:s20+s4], $0x80, $0x38;
	[tilespmem:$0x1C300] =	vst v63  }
0x2b: {  	s21 =	rddreg [dreg:$0x7]  }
0x2c: {  	[tilespmem:s31], [sflag:$0x2] =	stream.linear.gather [hbm4b:s21+s4], $0x80, $0x38;
	[tilespmem:$0x1C300] =	vst v63  }
0x2d: {  	_ =	swait.ge [sflag:s0], $0x80  }
0x2e: {  	[sflag:s0] =	ssyncset.done $0x0  }
0x2f: {  	[sflag:s0] =	ssyncadd.s32 $0xFFFFFF80  }
0x30: {  	s23 =	stileid.u32;
	_ =	swait.ge [sflag:s0], $0x80  }
0x31: {  	s7 =	sshll.u32 s23, $0x6;
	[sflag:s0] =	ssyncset.done $0x0;
	s26 =	rddreg [dreg:$0x8]  }
0x32: {  	s19 =	sor.u32 $0x1C07, s7;
	[sflag:s0] =	ssyncadd.s32 $0xFFFFFF80;
	s20 =	sshrl.u32 s26, $0x3  }
0x33: {  	[tilespmem:s3], [sflag:$0x3] =	stream.indirect.gather [hbm4b:s1+s29], $0x80, s4, s29, $0xb8;
	[tilespmem:$0x1C300] =	vst v63  }
0x34: {  	[spmem:s20], [sflag:s19] =	dma.local [hbm:s6], $0x800  }
0x35: {  	_ =	swait.ge [sflag:s8], $0x800  }
0x36: {  	[sflag:s8] =	ssyncset.done $0x0;
	s15 =	rddreg [dreg:$0x9]  }
0x37: {  	[sflag:s8] =	ssyncadd.s32 $0xFFFFF800;
	s21 =	sshrl.u32 s15, $0x3  }
0x38: {  	[spmem:s21], [sflag:s19] =	dma.local [hbm:s6], $0x800  }
0x39: {  	_ =	swait.ge [sflag:s8], $0x800  }
0x3a: {  	[sflag:s8] =	ssyncset.done $0x0;
	s16 =	rddreg [dreg:$0xa]  }
0x3b: {  	[sflag:s8] =	ssyncadd.s32 $0xFFFFF800;
	s7 =	sshrl.u32 s16, $0x3  }
0x3c: {  	[spmem:s7], [sflag:s19] =	dma.local [hbm:s6], $0x800  }
0x3d: {  	_ =	swait.ge [sflag:s8], $0x800  }
0x3e: {  	[sflag:s8] =	ssyncset.done $0x0;
	s15 =	rddreg [dreg:$0xb]  }
0x3f: {  	[sflag:s8] =	ssyncadd.s32 $0xFFFFF800;
	s26 =	sshrl.u32 s15, $0x3  }
0x40: {  	[spmem:s26], [sflag:s19] =	dma.local [hbm:s6], $0x800  }
0x41: {  	_ =	swait.ge [sflag:s8], $0x800  }
0x42: {  	[sflag:s8] =	ssyncset.done $0x0;
	s17 =	rddreg [dreg:$0xc]  }
0x43: {  	[sflag:s8] =	ssyncadd.s32 $0xFFFFF800;
	s28 =	sshrl.u32 s17, $0x3  }
0x44: {  	[spmem:s28], [sflag:s19] =	dma.local [hbm:s6], $0x800  }
0x45: {  	_ =	swait.ge [sflag:s8], $0x800  }
0x46: {  	[sflag:s8] =	ssyncset.done $0x0  }
0x47: {  	[sflag:s8] =	ssyncadd.s32 $0xFFFFF800  }
0x48: {  	[bflag:$0x0] =	sbarrier.arrive $0xFFFF  }
0x49: {  	_ =	swait.ge [sflag:s9], $0x4000  }
0x4a: {  	[sflag:s9] =	ssyncset.done $0x0  }
0x4b: {  	[sflag:s9] =	ssyncadd.s32 $0xFFFFC000  }
0x4c: {  	_ =	swait.ge [sflag:s10], $0x80  }
0x4d: {  	[sflag:s10] =	ssyncset.done $0x0  }
0x4e: {  	[sflag:s10] =	ssyncadd.s32 $0xFFFFFF80  }
0x4f: {  	_ =	swait.ge [sflag:s10], $0x80  }
0x50: {  	[sflag:s10] =	ssyncset.done $0x0  }
0x51: {  	[sflag:s10] =	ssyncadd.s32 $0xFFFFFF80  }
0x52: {  	[tilespmem:s11], [sflag:$0x4] =	stream.indirect.gather [hbm4b:s1+s29], $0x80, s30, s29, $0xb8;
	[tilespmem:$0x1C300] =	vst v63  }
0x53: {  	_ = 	snop  }
0x54: {  	[spmem:s2] =	stream.indirect.scatter.add.f32 [tilespmem:s3], [sflag:$0x5], $0x80, s29, s29, $0xb8;
	[tilespmem:$0x1C300] =	vst v63  }
0x55: {  	_ =	swait.ge [sflag:s12], $0x4000  }
0x56: {  	s16 =	rddreg [dreg:$0x13]  }
0x57: {  	[sflag:s12] =	ssyncset.done $0x0;
	s23 =	sshrl.u32 s16, $0x3  }
0x58: {  	[sflag:s12] =	ssyncadd.s32 $0xFFFFC000;
	s15 =	sadd.s32 s5, s23  }
0x59: {  	[tilespmem:s4], [sflag:$0x1] =	stream.linear.gather [hbm4b:s15+s4], $0x80, $0x38;
	[tilespmem:$0x1C300] =	vst v63  }
0x5a: {  	s17 =	sadd.s32 $0x0, s22  }
0x5b: {  	[tilespmem:s29], [sflag:$0x1] =	stream.linear.gather [hbm4b:s17+s4], $0x80, $0x38;
	[tilespmem:$0x1C300] =	vst v63  }
0x5c: {  	_ =	swait.ge [sflag:s13], $0x4000  }
0x5d: {  	[sflag:s13] =	ssyncset.done $0x0  }
0x5e: {  	[sflag:s13] =	ssyncadd.s32 $0xFFFFC000  }
0x5f: {  	_ =	swait.ge [sflag:s0], $0x80  }
0x60: {  	[sflag:s0] =	ssyncset.done $0x0  }
0x61: {  	[sflag:s0] =	ssyncadd.s32 $0xFFFFFF80  }
0x62: {  	_ =	swait.ge [sflag:s0], $0x80  }
0x63: {  	[sflag:s0] =	ssyncset.done $0x0  }
0x64: {  	[sflag:s0] =	ssyncadd.s32 $0xFFFFFF80  }
0x65: {  	[tilespmem:s3], [sflag:$0x3] =	stream.indirect.gather [hbm4b:s1+s29], $0x80, s4, s29, $0xb8;
	[tilespmem:$0x1C300] =	vst v63  }
0x66: {  	_ = 	snop  }
0x67: {  	[spmem:s2] =	stream.indirect.scatter.add.f32 [tilespmem:s11], [sflag:$0x6], $0x80, s31, s29, $0xb8;
	[tilespmem:$0x1C300] =	vst v63  }
0x68: {  	_ =	swait.ge [sflag:s14], $0x4000  }
0x69: {  	s16 =	sadd.s32 $0x100, s16;
	s23 =	sadd.s32 $0x0, s25;
	[sflag:s14] =	ssyncset.done $0x0  }
0x6a: {  	s15 =	simm.s32 $0x20;
	s17 =	sadd.s32 $0x0, s24;
	[sflag:s14] =	ssyncadd.s32 $0xFFFFC000  }
0x6b: {  	[tilespmem:s30], [sflag:$0x2] =	stream.linear.gather [hbm4b:s23+s4], $0x80, $0x38;
	[tilespmem:$0x1C300] =	vst v63  }
.LBB2_2:
0x6c: {  	[tilespmem:s31], [sflag:$0x2] =	stream.linear.gather [hbm4b:s17+s4], $0x80, $0x38;
	[tilespmem:$0x1C300] =	vst v63  }
0x6d: {  	s17 =	smov.u32 s15  }
0x6e: {  	p0 =	sne.s32 s15, $0x4A0;
	s15 =	sadd.s32 $0x20, s15;
	_ =	swait.ge [sflag:s9], $0x4000  }
0x6f: {  	[sflag:s9] =	ssyncset.done $0x0  }
0x70: {  	[sflag:s9] =	ssyncadd.s32 $0xFFFFC000  }
0x71: {  	_ =	swait.ge [sflag:s10], $0x80  }
0x72: {  	[sflag:s10] =	ssyncset.done $0x0  }
0x73: {  	[sflag:s10] =	ssyncadd.s32 $0xFFFFFF80  }
0x74: {  	_ =	swait.ge [sflag:s10], $0x80  }
0x75: {  	[sflag:s10] =	ssyncset.done $0x0  }
0x76: {  	[sflag:s10] =	ssyncadd.s32 $0xFFFFFF80  }
0x77: {  	[tilespmem:s11], [sflag:$0x4] =	stream.indirect.gather [hbm4b:s1+s29], $0x80, s30, s29, $0xb8;
	[tilespmem:$0x1C300] =	vst v63  }
0x78: {  	_ = 	snop  }
0x79: {  	[spmem:s2] =	stream.indirect.scatter.add.f32 [tilespmem:s3], [sflag:$0x5], $0x80, s29, s29, $0xb8;
	[tilespmem:$0x1C300] =	vst v63  }
0x7a: {  	_ =	swait.ge [sflag:s12], $0x4000  }
0x7b: {  	s23 =	sshrl.u32 s16, $0x3;
	[sflag:s12] =	ssyncset.done $0x0  }
0x7c: {  	s23 =	sadd.s32 s5, s23;
	[sflag:s12] =	ssyncadd.s32 $0xFFFFC000  }
0x7d: {  	[tilespmem:s4], [sflag:$0x1] =	stream.linear.gather [hbm4b:s23+s4], $0x80, $0x38;
	[tilespmem:$0x1C300] =	vst v63  }
0x7e: {  	s23 =	sadd.s32 s17, s22  }
0x7f: {  	[tilespmem:s29], [sflag:$0x1] =	stream.linear.gather [hbm4b:s23+s4], $0x80, $0x38;
	[tilespmem:$0x1C300] =	vst v63  }
0x80: {  	_ =	swait.ge [sflag:s13], $0x4000  }
0x81: {  	[sflag:s13] =	ssyncset.done $0x0  }
0x82: {  	[sflag:s13] =	ssyncadd.s32 $0xFFFFC000  }
0x83: {  	_ =	swait.ge [sflag:s0], $0x80  }
0x84: {  	[sflag:s0] =	ssyncset.done $0x0  }
0x85: {  	[sflag:s0] =	ssyncadd.s32 $0xFFFFFF80  }
0x86: {  	_ =	swait.ge [sflag:s0], $0x80  }
0x87: {  	[sflag:s0] =	ssyncset.done $0x0  }
0x88: {  	[sflag:s0] =	ssyncadd.s32 $0xFFFFFF80  }
0x89: {  	[tilespmem:s3], [sflag:$0x3] =	stream.indirect.gather [hbm4b:s1+s29], $0x80, s4, s29, $0xb8;
	[tilespmem:$0x1C300] =	vst v63  }
0x8a: {  	_ = 	snop  }
0x8b: {  	[spmem:s2] =	stream.indirect.scatter.add.f32 [tilespmem:s11], [sflag:$0x6], $0x80, s31, s29, $0xb8;
	[tilespmem:$0x1C300] =	vst v63  }
.Ltmp0:
0x8c: {  	_ =	swait.ge [sflag:s14], $0x4000;
	(pc) =	sbr.rel @p0 .LBB2_2-.Ltmp0, $4  }
0x8d: {  	[sflag:s14] =	ssyncset.done $0x0  }
0x8e: {  	s23 =	sadd.s32 s17, s25;
	[sflag:s14] =	ssyncadd.s32 $0xFFFFC000  }
0x8f: {  	[tilespmem:s30], [sflag:$0x2] =	stream.linear.gather [hbm4b:s23+s4], $0x80, $0x38;
	[tilespmem:$0x1C300] =	vst v63  }
0x90: {  	s16 =	sadd.s32 $0x100, s16;
	s17 =	sadd.s32 s17, s24  }
0x91: {  	[tilespmem:s31], [sflag:$0x2] =	stream.linear.gather [hbm4b:s17+s4], $0x80, $0x38;
	[tilespmem:$0x1C300] =	vst v63  }
0x92: {  	s15 =	rddreg [dreg:$0x14];
	s16 =	simm.s32 $0x200  }
0x93: {  	[tilespmem:s16], [sflag:$0x1] =	stream.linear.gather [hbm4b:s15+s4], $0x10, $0x38;
	[tilespmem:$0x1C300] =	vst v63  }
0x94: {  	s23 =	rddreg [dreg:$0x15];
	s17 =	simm.s32 $0x280  }
0x95: {  	[tilespmem:s17], [sflag:$0x1] =	stream.linear.gather [hbm4b:s23+s4], $0x10, $0x38;
	[tilespmem:$0x1C300] =	vst v63  }
0x96: {  	_ =	swait.ge [sflag:s9], $0x4000  }
0x97: {  	[sflag:s9] =	ssyncset.done $0x0  }
0x98: {  	[sflag:s9] =	ssyncadd.s32 $0xFFFFC000  }
0x99: {  	_ =	swait.ge [sflag:s10], $0x80  }
0x9a: {  	[sflag:s10] =	ssyncset.done $0x0  }
0x9b: {  	[sflag:s10] =	ssyncadd.s32 $0xFFFFFF80  }
0x9c: {  	_ =	swait.ge [sflag:s10], $0x80  }
0x9d: {  	[sflag:s10] =	ssyncset.done $0x0  }
0x9e: {  	[sflag:s10] =	ssyncadd.s32 $0xFFFFFF80  }
0x9f: {  	[tilespmem:s11], [sflag:$0x4] =	stream.indirect.gather [hbm4b:s1+s29], $0x80, s30, s29, $0xb8;
	[tilespmem:$0x1C300] =	vst v63  }
0xa0: {  	_ = 	snop  }
0xa1: {  	[spmem:s2] =	stream.indirect.scatter.add.f32 [tilespmem:s3], [sflag:$0x5], $0x80, s29, s29, $0xb8;
	[tilespmem:$0x1C300] =	vst v63  }
0xa2: {  	_ =	swait.ge [sflag:s12], $0x4000  }
0xa3: {  	[sflag:s12] =	ssyncset.done $0x0  }
0xa4: {  	[sflag:s12] =	ssyncadd.s32 $0xFFFFC000  }
0xa5: {  	_ =	swait.ge [sflag:s13], $0x4000  }
0xa6: {  	[sflag:s13] =	ssyncset.done $0x0  }
0xa7: {  	[sflag:s13] =	ssyncadd.s32 $0xFFFFC000  }
0xa8: {  	[spmem:s2] =	stream.indirect.scatter.add.f32 [tilespmem:s11], [sflag:$0x6], $0x80, s31, s29, $0xb8;
	[tilespmem:$0x1C300] =	vst v63  }
0xa9: {  	_ =	swait.ge [sflag:s14], $0x4000  }
0xaa: {  	[sflag:s14] =	ssyncset.done $0x0  }
0xab: {  	[sflag:s14] =	ssyncadd.s32 $0xFFFFC000  }
0xac: {  	_ =	swait.ge [sflag:s0], $0x10  }
0xad: {  	[sflag:s0] =	ssyncset.done $0x0  }
0xae: {  	[sflag:s0] =	ssyncadd.s32 $0xFFFFFFF0  }
0xaf: {  	_ =	swait.ge [sflag:s0], $0x10  }
0xb0: {  	[sflag:s0] =	ssyncset.done $0x0  }
0xb1: {  	s23 =	simm.s32 $0x10;
	[sflag:s0] =	ssyncadd.s32 $0xFFFFFFF0  }
0xb2: {  	[tilespmem:s3], [sflag:$0x3] =	stream.indirect.gather [hbm4b:s1+s23], $0x80, s16, s23, $0xb8;
	[tilespmem:$0x1C300] =	vst v63  }
0xb3: {  	_ =	swait.ge [sflag:s9], $0x800  }
0xb4: {  	[sflag:s9] =	ssyncset.done $0x0  }
0xb5: {  	[sflag:s9] =	ssyncadd.s32 $0xFFFFF800  }
0xb6: {  	[spmem:s2] =	stream.indirect.scatter.add.f32 [tilespmem:s3], [sflag:$0x5], $0x80, s17, s23, $0xb8;
	[tilespmem:$0x1C300] =	vst v63  }
0xb7: {  	_ =	swait.ge [sflag:s12], $0x800  }
0xb8: {  	[sflag:s12] =	ssyncset.done $0x0  }
0xb9: {  	[sflag:s12] =	ssyncadd.s32 $0xFFFFF800  }
0xba: {  	[bflag:$0x0] =	sbarrier.arrive $0xFFFF  }
0xbb: {  	s17 =	rddreg [dreg:$0xd]  }
0xbc: {  	[hbm:s17], [sflag:s19] =	dma.local [spmem:s20], $0x800  }
0xbd: {  	_ =	swait.ge [sflag:s8], $0x800  }
0xbe: {  	[sflag:s8] =	ssyncset.done $0x0  }
0xbf: {  	s20 =	rddreg [dreg:$0xe];
	[sflag:s8] =	ssyncadd.s32 $0xFFFFF800  }
0xc0: {  	[hbm:s20], [sflag:s19] =	dma.local [spmem:s21], $0x800  }
0xc1: {  	_ =	swait.ge [sflag:s8], $0x800  }
0xc2: {  	[sflag:s8] =	ssyncset.done $0x0  }
0xc3: {  	s21 =	rddreg [dreg:$0xf];
	[sflag:s8] =	ssyncadd.s32 $0xFFFFF800  }
0xc4: {  	[hbm:s21], [sflag:s19] =	dma.local [spmem:s7], $0x800  }
0xc5: {  	_ =	swait.ge [sflag:s8], $0x800  }
0xc6: {  	[sflag:s8] =	ssyncset.done $0x0  }
0xc7: {  	s23 =	rddreg [dreg:$0x10];
	[sflag:s8] =	ssyncadd.s32 $0xFFFFF800  }
0xc8: {  	[hbm:s23], [sflag:s19] =	dma.local [spmem:s26], $0x800  }
0xc9: {  	_ =	swait.ge [sflag:s8], $0x800  }
0xca: {  	[sflag:s8] =	ssyncset.done $0x0  }
0xcb: {  	s26 =	rddreg [dreg:$0x11];
	[sflag:s8] =	ssyncadd.s32 $0xFFFFF800  }
0xcc: {  	[hbm:s26], [sflag:s19] =	dma.local [spmem:s28], $0x800  }
0xcd: {  	_ =	swait.ge [sflag:s8], $0x800  }
0xce: {  	s18 =	sadd.s32 $0x1, s18;
	s28 =	rddreg [dreg:$0x12]  }
0xcf: {  	p0 =	sne.s32 s18, s28  }
.Ltmp1:
0xd0: {  	_ = 	snop;
	(pc) =	sbr.rel @p0 .LBB2_1-.Ltmp1, $3  }
0xd1: {  	_ =	sdelay $0x1  }
0xd2: {  	[sflag:s8] =	ssyncset.done $0x0  }
0xd3: {  	[sflag:s8] =	ssyncadd.s32 $0xFFFFF800  }
0xd4: {  	_ =	sfence.sel $0x180000  }
0xd5: {  	[bflag:$0x0] =	sbarrier.arrive $0xFFFF  }
0xd6: {  	_ =	strace $0x90000053  }
0xd7: {  	s0 =	stileid.u32;
	[bflag:$0x2] =	sbarrier.arrive $0xFFFF  }
0xd8: {  	p0 =	sne.s32 s0, $0x0;
	s0 =	rddreg [dreg:$0x3]  }
0xd9: {  	s0 =	sadd.s32 @!p0 $0x100000, s0  }
0xda: {  	[sflag:s0] =	ssyncadd.tile.s32 @!p0 $0x1;
	_ =	shalt  }
.Lfunc_end2:
_tile_overlayer_lowered:
.L_overlay_start_2:
0xdb: {  	(tag) =	ssettag $0x2  }
0xdc: {  	s0 =	rddreg [dreg:$0x0];
	s2 =	stileid.u32  }
0xdd: {  	s1 =	rddreg [dreg:$0x1];
	p0 =	sne.s32 s2, $0x0  }
0xde: {  	s3 =	rddreg [dreg:$0x2];
	[bflag:$0x3] =	sbarrier.arrive $0xFFFF;
	s2 =	simm.s32 @!p0 $0x1C07  }
0xdf: {  	[timem:s3], [sflag:s2] =	dma.local @!p0 [hbm:s0], s1  }
0xe0: {  	s0 =	simm.s32 @!p0 $0x7  }
0xe1: {  	_ =	swait.ge @!p0 [sflag:s0], s1  }
0xe2: {  	s1 =	ssub.s32 @!p0 $0x0, s1;
	[sflag:s0] =	ssyncset.done @!p0 $0x0  }
0xe3: {  	[sflag:s0] =	ssyncadd.s32 @!p0 s1  }
0xe4: {  	[bflag:$0x3] =	sbarrier.arrive $0xFFFF  }
0xe5: {  	_ =	shalt  }

</sc_bundles>
